<compile_context>
chip_gen: v7x
topology: tpu7x:2x2x1
jax: 0.10.2.dev20260603
libtpu: 0.0.44.dev20260713+nightly
codegen_flags: <defaults>
</compile_context>

<pallas_src>
import functools

import jax
import jax.numpy as jnp
from jax import lax
from jax.experimental import pallas as pl
from jax.experimental.pallas import tpu as pltpu
from jax.experimental.pallas import tpu_sc as plsc

N = 10000
E = 320000
D = 128
D_OUT = 40
DD = 128
NP = 10240
NC, NS = 2, 16
NW = NC * NS
K = 128
NBUF = 2
LAG = 1
NCH = 80
NH = 2
CH = NCH // NH
EP = NW * NCH * K
RPT = NP // NS
NB = 5
R = NP // NB

_MESH = plsc.VectorSubcoreMesh(core_axis_name="c", subcore_axis_name="s")


def _spmm_kernel(width, srcc, dstc, y, s_out, src_v, dst_v,
                 r0, r1, g0, g1, t0, t1, z_sh):
    del width
    rows = (r0, r1)
    gsem = (g0, g1)
    ssem = (t0, t1)
    cid = lax.axis_index("c")
    sid = lax.axis_index("s")
    wid = sid * NC + cid
    row0 = sid * RPT

    def gather(j, b):
        pltpu.async_copy(y.at[src_v.at[j]], rows[b], gsem[b])

    def gather_wait(b):
        pltpu.make_async_copy(y.at[pl.ds(0, K)], rows[b], gsem[b]).wait()

    def scatter(j, b):
        pltpu.async_copy(rows[b], z_sh.at[dst_v.at[j]], ssem[b], add=True)

    def scatter_wait(b):
        pltpu.make_async_copy(rows[b], z_sh.at[pl.ds(0, K)], ssem[b]).wait()

    pltpu.sync_copy(y.at[pl.ds(row0, RPT)], z_sh.at[pl.ds(row0, RPT)])
    plsc.subcore_barrier()

    for h in range(NH):
        pltpu.sync_copy(srcc.at[wid, pl.ds(h * CH, CH)], src_v)
        pltpu.sync_copy(dstc.at[wid, pl.ds(h * CH, CH)], dst_v)

        def body(g, carry):
            j0 = g * NBUF
            for off in range(NBUF):
                j = j0 + off
                bb = (off + NBUF - LAG) % NBUF

                @pl.when(jnp.logical_and(j >= NBUF, j < CH + NBUF))
                def _():
                    scatter_wait(off)

                @pl.when(j < CH)
                def _():
                    gather(j, off)

                jj = j - LAG

                @pl.when(jnp.logical_and(jj >= 0, jj < CH))
                def _():
                    gather_wait(bb)
                    scatter(jj, bb)

            return carry

        nslot = (CH + NBUF + NBUF - 1) // NBUF
        lax.fori_loop(0, nslot, body, 0)

    plsc.subcore_barrier()
    pltpu.sync_copy(z_sh.at[pl.ds(row0, RPT)],
                    s_out.at[cid, pl.ds(row0, RPT)])


def _make_spmm(width):
    return functools.partial(
        pl.kernel,
        out_type=jax.ShapeDtypeStruct((NC, NP, width), jnp.float32),
        mesh=_MESH,
        scratch_types=(
            [pltpu.VMEM((CH, K), jnp.int32), pltpu.VMEM((CH, K), jnp.int32)]
            + [pltpu.VMEM((K, width), jnp.float32) for _ in range(NBUF)]
            + [pltpu.SemaphoreType.DMA for _ in range(2 * NBUF)]
            + [pltpu.VMEM_SHARED((NP, width), jnp.float32)]
        ),
    )(functools.partial(_spmm_kernel, width))


def _deg_kernel(dstc, ones, deg_out, dst_v, r0, r1, g0, t0, t1, z_sh):
    rows = (r0, r1)
    ssem = (t0, t1)
    cid = lax.axis_index("c")
    sid = lax.axis_index("s")
    wid = sid * NC + cid
    row0 = sid * RPT

    def scatter(j, b):
        pltpu.async_copy(rows[b], z_sh.at[dst_v.at[j]], ssem[b], add=True)

    def scatter_wait(b):
        pltpu.make_async_copy(rows[b], z_sh.at[pl.ds(0, K)], ssem[b]).wait()

    pltpu.sync_copy(ones.at[pl.ds(0, K)], rows[0])
    pltpu.sync_copy(ones.at[pl.ds(0, K)], rows[1])
    pltpu.sync_copy(ones.at[pl.ds(row0, RPT)], z_sh.at[pl.ds(row0, RPT)])
    plsc.subcore_barrier()

    for h in range(NH):
        pltpu.sync_copy(dstc.at[wid, pl.ds(h * CH, CH)], dst_v)

        def body(g, carry):
            j0 = g * NBUF
            for off in range(NBUF):
                j = j0 + off

                @pl.when(jnp.logical_and(j >= NBUF, j < CH + NBUF))
                def _():
                    scatter_wait(off)

                @pl.when(j < CH)
                def _():
                    scatter(j, off)

            return carry

        lax.fori_loop(0, (CH + NBUF + NBUF - 1) // NBUF, body, 0)

    plsc.subcore_barrier()
    pltpu.sync_copy(z_sh.at[pl.ds(row0, RPT)],
                    deg_out.at[cid, pl.ds(row0, RPT)])


def _make_deg():
    return functools.partial(
        pl.kernel,
        out_type=jax.ShapeDtypeStruct((NC, NP, D), jnp.float32),
        mesh=_MESH,
        scratch_types=(
            [pltpu.VMEM((CH, K), jnp.int32)]
            + [pltpu.VMEM((K, D), jnp.float32) for _ in range(NBUF)]
            + [pltpu.SemaphoreType.DMA for _ in range(1 + NBUF)]
            + [pltpu.VMEM_SHARED((NP, D), jnp.float32)]
        ),
    )(_deg_kernel)


def _tc_pre_body(deg_ref, x_ref, w_ref, dinv_ref, y0_ref):
    dsum = deg_ref[0, :, 0:1] + deg_ref[1, :, 0:1]
    dv = lax.rsqrt(dsum - 1.0)
    dinv_ref[...] = jnp.broadcast_to(dv, (R, D))
    u = jnp.dot(x_ref[...], w_ref[...], preferred_element_type=jnp.float32)
    y0_ref[...] = u * dv


def _tc_pre(degs, x_p, w_enc):
    return pl.pallas_call(
        _tc_pre_body,
        grid=(NB,),
        in_specs=[
            pl.BlockSpec((NC, R, D), lambda i: (0, i, 0)),
            pl.BlockSpec((R, D), lambda i: (i, 0)),
            pl.BlockSpec((D, D), lambda i: (0, 0)),
        ],
        out_specs=[
            pl.BlockSpec((R, D), lambda i: (i, 0)),
            pl.BlockSpec((R, D), lambda i: (i, 0)),
        ],
        out_shape=[
            jax.ShapeDtypeStruct((NP, D), jnp.float32),
            jax.ShapeDtypeStruct((NP, D), jnp.float32),
        ],
    )(degs, x_p, w_enc)


def _tc_stage(s, y, dinv, b, h_prev, w_next, *, smooth, use_relu, width,
              width_next):
    have_h = h_prev is not None
    have_w = w_next is not None

    def body(*refs):
        i = 0
        s_ref = refs[i]; i += 1
        y_ref = refs[i]; i += 1
        dinv_ref = refs[i]; i += 1
        b_ref = refs[i]; i += 1
        h_ref = refs[i] if have_h else None
        i += have_h
        w_ref = refs[i] if have_w else None
        i += have_w
        out_refs = refs[i:]
        dv = dinv_ref[...]
        z = s_ref[0] + s_ref[1] - y_ref[...]
        c = z * dv[:, :width] + b_ref[...]
        a = jnp.maximum(c, 0.0) if use_relu else c
        h = smooth * h_ref[...] + (1.0 - smooth) * a if have_h else a
        out_refs[0][...] = h
        if have_w:
            u = jnp.dot(h, w_ref[...], preferred_element_type=jnp.float32)
            out_refs[1][...] = u * dv[:, :width_next]

    in_specs = [
        pl.BlockSpec((NC, R, width), lambda i: (0, i, 0)),
        pl.BlockSpec((R, width), lambda i: (i, 0)),
        pl.BlockSpec((R, D), lambda i: (i, 0)),
        pl.BlockSpec((1, width), lambda i: (0, 0)),
    ]
    args = [s, y, dinv, b]
    if have_h:
        in_specs.append(pl.BlockSpec((R, width), lambda i: (i, 0)))
        args.append(h_prev)
    if have_w:
        in_specs.append(pl.BlockSpec((width, width_next), lambda i: (0, 0)))
        args.append(w_next)
    out_specs = [pl.BlockSpec((R, width), lambda i: (i, 0))]
    out_shape = [jax.ShapeDtypeStruct((NP, width), jnp.float32)]
    if have_w:
        out_specs.append(pl.BlockSpec((R, width_next), lambda i: (i, 0)))
        out_shape.append(jax.ShapeDtypeStruct((NP, width_next), jnp.float32))
    res = pl.pallas_call(
        body, grid=(NB,), in_specs=in_specs, out_specs=out_specs,
        out_shape=out_shape,
    )(*args)
    return res if have_w else (res[0], None)


def kernel(x, edge_index, W_enc, b_enc, W_gc, b_gc, W_dec, b_dec):
    schedule = (0.5, 0.5, 0.5, 0.5)
    src = edge_index[0].astype(jnp.int32)
    dst = edge_index[1].astype(jnp.int32)
    pad = N + jnp.arange(EP - E, dtype=jnp.int32) % (NP - N)
    srcc = jnp.concatenate([src, pad]).reshape(NW, NCH, K)
    dstc = jnp.concatenate([dst, pad]).reshape(NW, NCH, K)
    x_p = jnp.pad(x, ((0, NP - N), (0, 0)))
    w_dec_p = jnp.pad(W_dec, ((0, 0), (0, DD - D_OUT)))
    b_dec_p = jnp.pad(b_dec, (0, DD - D_OUT)).reshape(1, DD)
    b_enc2 = b_enc.reshape(1, D)
    b_gc2 = b_gc.reshape(1, D)
    ones_np = jnp.ones((NP, D), jnp.float32)

    spmm = _make_spmm(D)
    spmm_dec = spmm

    degs = _make_deg()(dstc, ones_np)
    dinv, y = _tc_pre(degs, x_p, W_enc)

    s = spmm(srcc, dstc, y)
    h, y = _tc_stage(s, y, dinv, b_enc2, None, W_gc,
                     smooth=0.0, use_relu=True, width=D, width_next=D)
    for it, sf in enumerate(schedule):
        last = it == len(schedule) - 1
        w_next = w_dec_p if last else W_gc
        wn = DD if last else D
        s = spmm(srcc, dstc, y)
        h, y = _tc_stage(s, y, dinv, b_gc2, h, w_next,
                         smooth=sf, use_relu=True, width=D, width_next=wn)
    s = spmm_dec(srcc, dstc, y)
    out, _ = _tc_stage(s, y, dinv, b_dec_p, None, None,
                       smooth=0.0, use_relu=False, width=DD, width_next=DD)
    return out[:N, :D_OUT]

# --- scband reference (transcript-rebuilt; emitter-appended) ---
"""Pipeline reference for scband-iterative-gcn-variant-4269197492791 (READ-ONLY COPY).

The authoritative reference and input builder live on the scoring server;
editing this copy changes nothing except your own understanding.
"""

import jax, jax.numpy as jnp
import numpy as np


def gcn_conv(x, edge_index, W, b):
    # PyG-style GCNConv: add self-loops, symmetric normalization, linear, scatter-add, bias.
    n = x.shape[0]
    loop = jnp.arange(n, dtype=edge_index.dtype)
    src = jnp.concatenate([edge_index[0], loop])
    dst = jnp.concatenate([edge_index[1], loop])
    ones = jnp.ones(src.shape[0], dtype=x.dtype)
    deg = jnp.zeros((n,), dtype=x.dtype).at[dst].add(ones)
    dinv = jnp.where(deg > 0, jax.lax.rsqrt(jnp.maximum(deg, 1e-12)), 0.0)
    norm = dinv[src] * dinv[dst]
    h = x @ W
    msg = h[src] * norm[:, None]
    out = jnp.zeros((n, W.shape[1]), dtype=x.dtype).at[dst].add(msg)
    return out + b


def setup_inputs(seed: int = 0) -> dict:
    key = jax.random.key(seed)
    ks = jax.random.split(key, 8)
    n, d_in, d_h, d_out, e = 10000, 128, 128, 40, 320000
    x = jax.random.normal(ks[0], (n, d_in), dtype=jnp.float32)
    edge_index = jax.random.randint(ks[1], (2, e), 0, n, dtype=jnp.int32)
    W_enc = jax.random.normal(ks[2], (d_in, d_h), dtype=jnp.float32) / np.sqrt(d_in)
    b_enc = jnp.zeros((d_h,), dtype=jnp.float32)
    W_gc = jax.random.normal(ks[3], (d_h, d_h), dtype=jnp.float32) / np.sqrt(d_h)
    b_gc = jnp.zeros((d_h,), dtype=jnp.float32)
    W_dec = jax.random.normal(ks[4], (d_h, d_out), dtype=jnp.float32) / np.sqrt(d_h)
    b_dec = jnp.zeros((d_out,), dtype=jnp.float32)
    return {"x": x, "edge_index": edge_index, "W_enc": W_enc, "b_enc": b_enc,
            "W_gc": W_gc, "b_gc": b_gc, "W_dec": W_dec, "b_dec": b_dec}


def reference(x, edge_index, W_enc, b_enc, W_gc, b_gc, W_dec, b_dec):
    # Eval mode: dropout is identity, schedule = eval_schedule = train_schedule.
    schedule = (0.5, 0.5, 0.5, 0.5)
    h = jax.nn.relu(gcn_conv(x, edge_index, W_enc, b_enc))
    for smooth_fac in schedule:
        old_h = h
        new_h = jax.nn.relu(gcn_conv(h, edge_index, W_gc, b_gc))
        h = smooth_fac * old_h + (1.0 - smooth_fac) * new_h
    out = gcn_conv(h, edge_index, W_dec, b_dec)
    return out

if __name__ == "__main__":
    import jax
    _d = setup_inputs()
    print(jax.jit(kernel)(*tuple(_d.values())))

</pallas_src>

<mosaic_0001>
#map = affine_map<(d0, d1) -> (0, 0, 0)>
#map1 = affine_map<(d0, d1) -> (0, 0)>
module attributes {stable_mosaic.version = 14 : i64} {
  func.func @_deg_kernel(%arg0: i32, %arg1: i32, %arg2: memref<32x80x128xi32, #tpu.memory_space<hbm>>, %arg3: memref<10240x128xf32, #tpu.memory_space<hbm>>, %arg4: memref<2x10240x128xf32, #tpu.memory_space<hbm>>, %arg5: memref<40x128xi32, #tpu.memory_space<vmem>>, %arg6: memref<128x128xf32, #tpu.memory_space<vmem>>, %arg7: memref<128x128xf32, #tpu.memory_space<vmem>>, %arg8: memref<!tpu.dma_semaphore, #tpu.memory_space<semaphore_mem>>, %arg9: memref<!tpu.dma_semaphore, #tpu.memory_space<semaphore_mem>>, %arg10: memref<!tpu.dma_semaphore, #tpu.memory_space<semaphore_mem>>, %arg11: memref<10240x128xf32, #tpu.memory_space<vmem_shared>>) attributes {dimension_semantics = [#tpu.dimension_semantics<core_parallel>, #tpu.dimension_semantics<subcore_parallel>], iteration_bounds = array<i64: 2, 16>, scalar_prefetch = 0 : i64, scratch_operands = 7 : i64, tpu.core_type = #tpu.core_type<sc_vector_subcore>, window_params = [{transform_indices = #map}, {transform_indices = #map1}, {transform_indices = #map}]} {
    %mul3A = arith.constant 2 : i32
    %mul3A_0 = arith.muli %arg1, %mul3A : i32
    %add3A = arith.addi %mul3A_0, %arg0 : i32
    %mul3A_1 = arith.constant 640 : i32
    %mul3A_2 = arith.muli %arg1, %mul3A_1 : i32
    "tpu.region"() ({
      %run_scoped3A = tpu.sem_alloc : memref<!tpu.dma_semaphore, #tpu.memory_space<semaphore_mem>>
      %dma_start3A = arith.constant 0 : i32
      %dma_start3A_15 = arith.constant 0 : i32
      %dma_start3A_16 = tpu.memref_slice %arg3[%dma_start3A, %dma_start3A_15] : memref<10240x128xf32, #tpu.memory_space<hbm>> -> memref<128x128xf32, #tpu.memory_space<hbm>>
      %dma_start3A_17 = arith.constant 0 : i32
      %dma_start3A_18 = arith.constant 0 : i32
      %dma_start3A_19 = tpu.memref_slice %arg3[%dma_start3A_17, %dma_start3A_18] : memref<10240x128xf32, #tpu.memory_space<hbm>> -> memref<128x128xf32, #tpu.memory_space<hbm>>
      tpu.enqueue_dma source(%dma_start3A_19 : memref<128x128xf32, #tpu.memory_space<hbm>>) target(%arg6 : memref<128x128xf32, #tpu.memory_space<vmem>>) target_semaphore(%run_scoped3A : memref<!tpu.dma_semaphore, #tpu.memory_space<semaphore_mem>>)
      %dma_wait3A = arith.constant 0 : i32
      %dma_wait3A_20 = arith.constant 0 : i32
      %dma_wait3A_21 = tpu.memref_slice %arg3[%dma_wait3A, %dma_wait3A_20] : memref<10240x128xf32, #tpu.memory_space<hbm>> -> memref<128x128xf32, #tpu.memory_space<hbm>>
      %dma_wait3A_22 = arith.constant 0 : i32
      %dma_wait3A_23 = arith.constant 0 : i32
      %dma_wait3A_24 = tpu.memref_slice %arg3[%dma_wait3A_22, %dma_wait3A_23] : memref<10240x128xf32, #tpu.memory_space<hbm>> -> memref<128x128xf32, #tpu.memory_space<hbm>>
      tpu.wait_dma2 semaphore(%run_scoped3A : memref<!tpu.dma_semaphore, #tpu.memory_space<semaphore_mem>>) src(%dma_wait3A_24 : memref<128x128xf32, #tpu.memory_space<hbm>>) dst(%arg6 : memref<128x128xf32, #tpu.memory_space<vmem>>)
      tpu.yield
    }) : () -> ()
    "tpu.region"() ({
      %run_scoped3A = tpu.sem_alloc : memref<!tpu.dma_semaphore, #tpu.memory_space<semaphore_mem>>
      %dma_start3A = arith.constant 0 : i32
      %dma_start3A_15 = arith.constant 0 : i32
      %dma_start3A_16 = tpu.memref_slice %arg3[%dma_start3A, %dma_start3A_15] : memref<10240x128xf32, #tpu.memory_space<hbm>> -> memref<128x128xf32, #tpu.memory_space<hbm>>
      %dma_start3A_17 = arith.constant 0 : i32
      %dma_start3A_18 = arith.constant 0 : i32
      %dma_start3A_19 = tpu.memref_slice %arg3[%dma_start3A_17, %dma_start3A_18] : memref<10240x128xf32, #tpu.memory_space<hbm>> -> memref<128x128xf32, #tpu.memory_space<hbm>>
      tpu.enqueue_dma source(%dma_start3A_19 : memref<128x128xf32, #tpu.memory_space<hbm>>) target(%arg7 : memref<128x128xf32, #tpu.memory_space<vmem>>) target_semaphore(%run_scoped3A : memref<!tpu.dma_semaphore, #tpu.memory_space<semaphore_mem>>)
      %dma_wait3A = arith.constant 0 : i32
      %dma_wait3A_20 = arith.constant 0 : i32
      %dma_wait3A_21 = tpu.memref_slice %arg3[%dma_wait3A, %dma_wait3A_20] : memref<10240x128xf32, #tpu.memory_space<hbm>> -> memref<128x128xf32, #tpu.memory_space<hbm>>
      %dma_wait3A_22 = arith.constant 0 : i32
      %dma_wait3A_23 = arith.constant 0 : i32
      %dma_wait3A_24 = tpu.memref_slice %arg3[%dma_wait3A_22, %dma_wait3A_23] : memref<10240x128xf32, #tpu.memory_space<hbm>> -> memref<128x128xf32, #tpu.memory_space<hbm>>
      tpu.wait_dma2 semaphore(%run_scoped3A : memref<!tpu.dma_semaphore, #tpu.memory_space<semaphore_mem>>) src(%dma_wait3A_24 : memref<128x128xf32, #tpu.memory_space<hbm>>) dst(%arg7 : memref<128x128xf32, #tpu.memory_space<vmem>>)
      tpu.yield
    }) : () -> ()
    "tpu.region"() ({
      %run_scoped3A = tpu.sem_alloc : memref<!tpu.dma_semaphore, #tpu.memory_space<semaphore_mem>>
      %dma_start3A = arith.constant 0 : i32
      %dma_start3A_15 = tpu.memref_slice %arg11[%mul3A_2, %dma_start3A] : memref<10240x128xf32, #tpu.memory_space<vmem_shared>> -> memref<640x128xf32, #tpu.memory_space<vmem_shared>>
      %dma_start3A_16 = arith.constant 0 : i32
      %dma_start3A_17 = tpu.memref_slice %arg3[%mul3A_2, %dma_start3A_16] : memref<10240x128xf32, #tpu.memory_space<hbm>> -> memref<640x128xf32, #tpu.memory_space<hbm>>
      tpu.enqueue_dma source(%dma_start3A_17 : memref<640x128xf32, #tpu.memory_space<hbm>>) target(%dma_start3A_15 : memref<640x128xf32, #tpu.memory_space<vmem_shared>>) target_semaphore(%run_scoped3A : memref<!tpu.dma_semaphore, #tpu.memory_space<semaphore_mem>>)
      %dma_wait3A = arith.constant 0 : i32
      %dma_wait3A_18 = tpu.memref_slice %arg11[%mul3A_2, %dma_wait3A] : memref<10240x128xf32, #tpu.memory_space<vmem_shared>> -> memref<640x128xf32, #tpu.memory_space<vmem_shared>>
      %dma_wait3A_19 = arith.constant 0 : i32
      %dma_wait3A_20 = tpu.memref_slice %arg3[%mul3A_2, %dma_wait3A_19] : memref<10240x128xf32, #tpu.memory_space<hbm>> -> memref<640x128xf32, #tpu.memory_space<hbm>>
      tpu.wait_dma2 semaphore(%run_scoped3A : memref<!tpu.dma_semaphore, #tpu.memory_space<semaphore_mem>>) src(%dma_wait3A_20 : memref<640x128xf32, #tpu.memory_space<hbm>>) dst(%dma_wait3A_18 : memref<640x128xf32, #tpu.memory_space<vmem_shared>>)
      tpu.yield
    }) : () -> ()
    %barrier3A = arith.constant 0 : index
    tpu.barrier barrier_id(%barrier3A)
    "tpu.region"() ({
      %run_scoped3A = tpu.sem_alloc : memref<!tpu.dma_semaphore, #tpu.memory_space<semaphore_mem>>
      %dma_start3A = arith.constant 0 : i32
      %dma_start3A_15 = arith.constant 0 : i32
      %dma_start3A_16 = tpu.memref_slice %arg2[%add3A, %dma_start3A, %dma_start3A_15] : memref<32x80x128xi32, #tpu.memory_space<hbm>> -> memref<1x40x128xi32, #tpu.memory_space<hbm>>
      %dma_start3A_17 = tpu.memref_squeeze %dma_start3A_16 : memref<1x40x128xi32, #tpu.memory_space<hbm>> -> memref<40x128xi32, #tpu.memory_space<hbm>>
      %dma_start3A_18 = arith.constant 0 : i32
      %dma_start3A_19 = arith.constant 0 : i32
      %dma_start3A_20 = tpu.memref_slice %arg2[%add3A, %dma_start3A_18, %dma_start3A_19] : memref<32x80x128xi32, #tpu.memory_space<hbm>> -> memref<1x40x128xi32, #tpu.memory_space<hbm>>
      %dma_start3A_21 = tpu.memref_squeeze %dma_start3A_20 : memref<1x40x128xi32, #tpu.memory_space<hbm>> -> memref<40x128xi32, #tpu.memory_space<hbm>>
      tpu.enqueue_dma source(%dma_start3A_21 : memref<40x128xi32, #tpu.memory_space<hbm>>) target(%arg5 : memref<40x128xi32, #tpu.memory_space<vmem>>) target_semaphore(%run_scoped3A : memref<!tpu.dma_semaphore, #tpu.memory_space<semaphore_mem>>)
      %dma_wait3A = arith.constant 0 : i32
      %dma_wait3A_22 = arith.constant 0 : i32
      %dma_wait3A_23 = tpu.memref_slice %arg2[%add3A, %dma_wait3A, %dma_wait3A_22] : memref<32x80x128xi32, #tpu.memory_space<hbm>> -> memref<1x40x128xi32, #tpu.memory_space<hbm>>
      %dma_wait3A_24 = tpu.memref_squeeze %dma_wait3A_23 : memref<1x40x128xi32, #tpu.memory_space<hbm>> -> memref<40x128xi32, #tpu.memory_space<hbm>>
      %dma_wait3A_25 = arith.constant 0 : i32
      %dma_wait3A_26 = arith.constant 0 : i32
      %dma_wait3A_27 = tpu.memref_slice %arg2[%add3A, %dma_wait3A_25, %dma_wait3A_26] : memref<32x80x128xi32, #tpu.memory_space<hbm>> -> memref<1x40x128xi32, #tpu.memory_space<hbm>>
      %dma_wait3A_28 = tpu.memref_squeeze %dma_wait3A_27 : memref<1x40x128xi32, #tpu.memory_space<hbm>> -> memref<40x128xi32, #tpu.memory_space<hbm>>
      tpu.wait_dma2 semaphore(%run_scoped3A : memref<!tpu.dma_semaphore, #tpu.memory_space<semaphore_mem>>) src(%dma_wait3A_28 : memref<40x128xi32, #tpu.memory_space<hbm>>) dst(%arg5 : memref<40x128xi32, #tpu.memory_space<vmem>>)
      tpu.yield
    }) : () -> ()
    %scan3A = arith.constant 0 : i32
    %scan3A_3 = arith.constant 0 : i32
    %scan3A_4 = arith.constant 21 : i32
    %scan3A_5 = arith.addi %scan3A_3, %scan3A_4 : i32
    %scan3A_6 = arith.constant 1 : i32
    scf.for %scan3A_15 = %scan3A_3 to %scan3A_5 step %scan3A_6  : i32 {
      %mul3A_16 = arith.constant 2 : i32
      %mul3A_17 = arith.muli %scan3A_15, %mul3A_16 : i32
      %add3A_18 = arith.constant 0 : i32
      %add3A_19 = arith.addi %mul3A_17, %add3A_18 : i32
      %ge3A = arith.constant 2 : i32
      %ge3A_20 = arith.cmpi sge, %add3A_19, %ge3A : i32
      %lt3A = arith.constant 42 : i32
      %lt3A_21 = arith.cmpi slt, %add3A_19, %lt3A : i32
      %and3A = arith.andi %ge3A_20, %lt3A_21 : i1
      %convert_element_type3A = arith.extui %and3A : i1 to i32
      %cond3A = arith.constant 0 : i32
      %cond3A_22 = arith.cmpi ne, %convert_element_type3A, %cond3A : i32
      scf.if %cond3A_22 {
        %dma_wait3A = arith.constant 0 : i32
        %dma_wait3A_43 = arith.constant 0 : i32
        %dma_wait3A_44 = tpu.memref_slice %arg11[%dma_wait3A, %dma_wait3A_43] : memref<10240x128xf32, #tpu.memory_space<vmem_shared>> -> memref<128x128xf32, #tpu.memory_space<vmem_shared>>
        %dma_wait3A_45 = arith.constant 0 : i32
        %dma_wait3A_46 = arith.constant 0 : i32
        %dma_wait3A_47 = tpu.memref_slice %arg11[%dma_wait3A_45, %dma_wait3A_46] : memref<10240x128xf32, #tpu.memory_space<vmem_shared>> -> memref<128x128xf32, #tpu.memory_space<vmem_shared>>
        tpu.wait_dma2 semaphore(%arg9 : memref<!tpu.dma_semaphore, #tpu.memory_space<semaphore_mem>>) src(%arg6 : memref<128x128xf32, #tpu.memory_space<vmem>>) dst(%dma_wait3A_47 : memref<128x128xf32, #tpu.memory_space<vmem_shared>>)
      } else {
      }
      %lt3A_23 = arith.constant 40 : i32
      %lt3A_24 = arith.cmpi slt, %add3A_19, %lt3A_23 : i32
      %convert_element_type3A_25 = arith.extui %lt3A_24 : i1 to i32
      %cond3A_26 = arith.constant 0 : i32
      %cond3A_27 = arith.cmpi ne, %convert_element_type3A_25, %cond3A_26 : i32
      scf.if %cond3A_27 {
        %dma_start3A = arith.constant 0 : i32
        %dma_start3A_43 = tpu.memref_slice %arg5[%add3A_19, %dma_start3A] : memref<40x128xi32, #tpu.memory_space<vmem>> -> memref<1x128xi32, #tpu.memory_space<vmem>>
        %dma_start3A_44 = tpu.memref_squeeze %dma_start3A_43 : memref<1x128xi32, #tpu.memory_space<vmem>> -> memref<128xi32, #tpu.memory_space<vmem>>
        %dma_start3A_45 = arith.constant 0 : i32
        %dma_start3A_46 = arith.constant 0 : i32
        %dma_start3A_47 = tpu.memref_slice %arg11[%dma_start3A_45, %dma_start3A_46] : memref<10240x128xf32, #tpu.memory_space<vmem_shared>> -> memref<10240x128xf32, #tpu.memory_space<vmem_shared>>
        tpu.enqueue_indirect_dma source(%arg6 : memref<128x128xf32, #tpu.memory_space<vmem>>) target(%dma_start3A_47 : memref<10240x128xf32, #tpu.memory_space<vmem_shared>>) offsets(%dma_start3A_44 : memref<128xi32, #tpu.memory_space<vmem>>) semaphore(%arg9 : memref<!tpu.dma_semaphore, #tpu.memory_space<semaphore_mem>>) {add = true}
      } else {
      }
      %add3A_28 = arith.constant 1 : i32
      %add3A_29 = arith.addi %mul3A_17, %add3A_28 : i32
      %ge3A_30 = arith.constant 2 : i32
      %ge3A_31 = arith.cmpi sge, %add3A_29, %ge3A_30 : i32
      %lt3A_32 = arith.constant 42 : i32
      %lt3A_33 = arith.cmpi slt, %add3A_29, %lt3A_32 : i32
      %and3A_34 = arith.andi %ge3A_31, %lt3A_33 : i1
      %convert_element_type3A_35 = arith.extui %and3A_34 : i1 to i32
      %cond3A_36 = arith.constant 0 : i32
      %cond3A_37 = arith.cmpi ne, %convert_element_type3A_35, %cond3A_36 : i32
      scf.if %cond3A_37 {
        %dma_wait3A = arith.constant 0 : i32
        %dma_wait3A_43 = arith.constant 0 : i32
        %dma_wait3A_44 = tpu.memref_slice %arg11[%dma_wait3A, %dma_wait3A_43] : memref<10240x128xf32, #tpu.memory_space<vmem_shared>> -> memref<128x128xf32, #tpu.memory_space<vmem_shared>>
        %dma_wait3A_45 = arith.constant 0 : i32
        %dma_wait3A_46 = arith.constant 0 : i32
        %dma_wait3A_47 = tpu.memref_slice %arg11[%dma_wait3A_45, %dma_wait3A_46] : memref<10240x128xf32, #tpu.memory_space<vmem_shared>> -> memref<128x128xf32, #tpu.memory_space<vmem_shared>>
        tpu.wait_dma2 semaphore(%arg10 : memref<!tpu.dma_semaphore, #tpu.memory_space<semaphore_mem>>) src(%arg7 : memref<128x128xf32, #tpu.memory_space<vmem>>) dst(%dma_wait3A_47 : memref<128x128xf32, #tpu.memory_space<vmem_shared>>)
      } else {
      }
      %lt3A_38 = arith.constant 40 : i32
      %lt3A_39 = arith.cmpi slt, %add3A_29, %lt3A_38 : i32
      %convert_element_type3A_40 = arith.extui %lt3A_39 : i1 to i32
      %cond3A_41 = arith.constant 0 : i32
      %cond3A_42 = arith.cmpi ne, %convert_element_type3A_40, %cond3A_41 : i32
      scf.if %cond3A_42 {
        %dma_start3A = arith.constant 0 : i32
        %dma_start3A_43 = tpu.memref_slice %arg5[%add3A_29, %dma_start3A] : memref<40x128xi32, #tpu.memory_space<vmem>> -> memref<1x128xi32, #tpu.memory_space<vmem>>
        %dma_start3A_44 = tpu.memref_squeeze %dma_start3A_43 : memref<1x128xi32, #tpu.memory_space<vmem>> -> memref<128xi32, #tpu.memory_space<vmem>>
        %dma_start3A_45 = arith.constant 0 : i32
        %dma_start3A_46 = arith.constant 0 : i32
        %dma_start3A_47 = tpu.memref_slice %arg11[%dma_start3A_45, %dma_start3A_46] : memref<10240x128xf32, #tpu.memory_space<vmem_shared>> -> memref<10240x128xf32, #tpu.memory_space<vmem_shared>>
        tpu.enqueue_indirect_dma source(%arg7 : memref<128x128xf32, #tpu.memory_space<vmem>>) target(%dma_start3A_47 : memref<10240x128xf32, #tpu.memory_space<vmem_shared>>) offsets(%dma_start3A_44 : memref<128xi32, #tpu.memory_space<vmem>>) semaphore(%arg10 : memref<!tpu.dma_semaphore, #tpu.memory_space<semaphore_mem>>) {add = true}
      } else {
      }
    }
    %scan3A_7 = arith.constant 21 : i32
    "tpu.region"() ({
      %run_scoped3A = tpu.sem_alloc : memref<!tpu.dma_semaphore, #tpu.memory_space<semaphore_mem>>
      %dma_start3A = arith.constant 40 : i32
      %dma_start3A_15 = arith.constant 0 : i32
      %dma_start3A_16 = tpu.memref_slice %arg2[%add3A, %dma_start3A, %dma_start3A_15] : memref<32x80x128xi32, #tpu.memory_space<hbm>> -> memref<1x40x128xi32, #tpu.memory_space<hbm>>
      %dma_start3A_17 = tpu.memref_squeeze %dma_start3A_16 : memref<1x40x128xi32, #tpu.memory_space<hbm>> -> memref<40x128xi32, #tpu.memory_space<hbm>>
      %dma_start3A_18 = arith.constant 40 : i32
      %dma_start3A_19 = arith.constant 0 : i32
      %dma_start3A_20 = tpu.memref_slice %arg2[%add3A, %dma_start3A_18, %dma_start3A_19] : memref<32x80x128xi32, #tpu.memory_space<hbm>> -> memref<1x40x128xi32, #tpu.memory_space<hbm>>
      %dma_start3A_21 = tpu.memref_squeeze %dma_start3A_20 : memref<1x40x128xi32, #tpu.memory_space<hbm>> -> memref<40x128xi32, #tpu.memory_space<hbm>>
      tpu.enqueue_dma source(%dma_start3A_21 : memref<40x128xi32, #tpu.memory_space<hbm>>) target(%arg5 : memref<40x128xi32, #tpu.memory_space<vmem>>) target_semaphore(%run_scoped3A : memref<!tpu.dma_semaphore, #tpu.memory_space<semaphore_mem>>)
      %dma_wait3A = arith.constant 40 : i32
      %dma_wait3A_22 = arith.constant 0 : i32
      %dma_wait3A_23 = tpu.memref_slice %arg2[%add3A, %dma_wait3A, %dma_wait3A_22] : memref<32x80x128xi32, #tpu.memory_space<hbm>> -> memref<1x40x128xi32, #tpu.memory_space<hbm>>
      %dma_wait3A_24 = tpu.memref_squeeze %dma_wait3A_23 : memref<1x40x128xi32, #tpu.memory_space<hbm>> -> memref<40x128xi32, #tpu.memory_space<hbm>>
      %dma_wait3A_25 = arith.constant 40 : i32
      %dma_wait3A_26 = arith.constant 0 : i32
      %dma_wait3A_27 = tpu.memref_slice %arg2[%add3A, %dma_wait3A_25, %dma_wait3A_26] : memref<32x80x128xi32, #tpu.memory_space<hbm>> -> memref<1x40x128xi32, #tpu.memory_space<hbm>>
      %dma_wait3A_28 = tpu.memref_squeeze %dma_wait3A_27 : memref<1x40x128xi32, #tpu.memory_space<hbm>> -> memref<40x128xi32, #tpu.memory_space<hbm>>
      tpu.wait_dma2 semaphore(%run_scoped3A : memref<!tpu.dma_semaphore, #tpu.memory_space<semaphore_mem>>) src(%dma_wait3A_28 : memref<40x128xi32, #tpu.memory_space<hbm>>) dst(%arg5 : memref<40x128xi32, #tpu.memory_space<vmem>>)
      tpu.yield
    }) : () -> ()
    %scan3A_8 = arith.constant 0 : i32
    %scan3A_9 = arith.constant 0 : i32
    %scan3A_10 = arith.constant 21 : i32
    %scan3A_11 = arith.addi %scan3A_9, %scan3A_10 : i32
    %scan3A_12 = arith.constant 1 : i32
    scf.for %scan3A_15 = %scan3A_9 to %scan3A_11 step %scan3A_12  : i32 {
      %mul3A_16 = arith.constant 2 : i32
      %mul3A_17 = arith.muli %scan3A_15, %mul3A_16 : i32
      %add3A_18 = arith.constant 0 : i32
      %add3A_19 = arith.addi %mul3A_17, %add3A_18 : i32
      %ge3A = arith.constant 2 : i32
      %ge3A_20 = arith.cmpi sge, %add3A_19, %ge3A : i32
      %lt3A = arith.constant 42 : i32
      %lt3A_21 = arith.cmpi slt, %add3A_19, %lt3A : i32
      %and3A = arith.andi %ge3A_20, %lt3A_21 : i1
      %convert_element_type3A = arith.extui %and3A : i1 to i32
      %cond3A = arith.constant 0 : i32
      %cond3A_22 = arith.cmpi ne, %convert_element_type3A, %cond3A : i32
      scf.if %cond3A_22 {
        %dma_wait3A = arith.constant 0 : i32
        %dma_wait3A_43 = arith.constant 0 : i32
        %dma_wait3A_44 = tpu.memref_slice %arg11[%dma_wait3A, %dma_wait3A_43] : memref<10240x128xf32, #tpu.memory_space<vmem_shared>> -> memref<128x128xf32, #tpu.memory_space<vmem_shared>>
        %dma_wait3A_45 = arith.constant 0 : i32
        %dma_wait3A_46 = arith.constant 0 : i32
        %dma_wait3A_47 = tpu.memref_slice %arg11[%dma_wait3A_45, %dma_wait3A_46] : memref<10240x128xf32, #tpu.memory_space<vmem_shared>> -> memref<128x128xf32, #tpu.memory_space<vmem_shared>>
        tpu.wait_dma2 semaphore(%arg9 : memref<!tpu.dma_semaphore, #tpu.memory_space<semaphore_mem>>) src(%arg6 : memref<128x128xf32, #tpu.memory_space<vmem>>) dst(%dma_wait3A_47 : memref<128x128xf32, #tpu.memory_space<vmem_shared>>)
      } else {
      }
      %lt3A_23 = arith.constant 40 : i32
      %lt3A_24 = arith.cmpi slt, %add3A_19, %lt3A_23 : i32
      %convert_element_type3A_25 = arith.extui %lt3A_24 : i1 to i32
      %cond3A_26 = arith.constant 0 : i32
      %cond3A_27 = arith.cmpi ne, %convert_element_type3A_25, %cond3A_26 : i32
      scf.if %cond3A_27 {
        %dma_start3A = arith.constant 0 : i32
        %dma_start3A_43 = tpu.memref_slice %arg5[%add3A_19, %dma_start3A] : memref<40x128xi32, #tpu.memory_space<vmem>> -> memref<1x128xi32, #tpu.memory_space<vmem>>
        %dma_start3A_44 = tpu.memref_squeeze %dma_start3A_43 : memref<1x128xi32, #tpu.memory_space<vmem>> -> memref<128xi32, #tpu.memory_space<vmem>>
        %dma_start3A_45 = arith.constant 0 : i32
        %dma_start3A_46 = arith.constant 0 : i32
        %dma_start3A_47 = tpu.memref_slice %arg11[%dma_start3A_45, %dma_start3A_46] : memref<10240x128xf32, #tpu.memory_space<vmem_shared>> -> memref<10240x128xf32, #tpu.memory_space<vmem_shared>>
        tpu.enqueue_indirect_dma source(%arg6 : memref<128x128xf32, #tpu.memory_space<vmem>>) target(%dma_start3A_47 : memref<10240x128xf32, #tpu.memory_space<vmem_shared>>) offsets(%dma_start3A_44 : memref<128xi32, #tpu.memory_space<vmem>>) semaphore(%arg9 : memref<!tpu.dma_semaphore, #tpu.memory_space<semaphore_mem>>) {add = true}
      } else {
      }
      %add3A_28 = arith.constant 1 : i32
      %add3A_29 = arith.addi %mul3A_17, %add3A_28 : i32
      %ge3A_30 = arith.constant 2 : i32
      %ge3A_31 = arith.cmpi sge, %add3A_29, %ge3A_30 : i32
      %lt3A_32 = arith.constant 42 : i32
      %lt3A_33 = arith.cmpi slt, %add3A_29, %lt3A_32 : i32
      %and3A_34 = arith.andi %ge3A_31, %lt3A_33 : i1
      %convert_element_type3A_35 = arith.extui %and3A_34 : i1 to i32
      %cond3A_36 = arith.constant 0 : i32
      %cond3A_37 = arith.cmpi ne, %convert_element_type3A_35, %cond3A_36 : i32
      scf.if %cond3A_37 {
        %dma_wait3A = arith.constant 0 : i32
        %dma_wait3A_43 = arith.constant 0 : i32
        %dma_wait3A_44 = tpu.memref_slice %arg11[%dma_wait3A, %dma_wait3A_43] : memref<10240x128xf32, #tpu.memory_space<vmem_shared>> -> memref<128x128xf32, #tpu.memory_space<vmem_shared>>
        %dma_wait3A_45 = arith.constant 0 : i32
        %dma_wait3A_46 = arith.constant 0 : i32
        %dma_wait3A_47 = tpu.memref_slice %arg11[%dma_wait3A_45, %dma_wait3A_46] : memref<10240x128xf32, #tpu.memory_space<vmem_shared>> -> memref<128x128xf32, #tpu.memory_space<vmem_shared>>
        tpu.wait_dma2 semaphore(%arg10 : memref<!tpu.dma_semaphore, #tpu.memory_space<semaphore_mem>>) src(%arg7 : memref<128x128xf32, #tpu.memory_space<vmem>>) dst(%dma_wait3A_47 : memref<128x128xf32, #tpu.memory_space<vmem_shared>>)
      } else {
      }
      %lt3A_38 = arith.constant 40 : i32
      %lt3A_39 = arith.cmpi slt, %add3A_29, %lt3A_38 : i32
      %convert_element_type3A_40 = arith.extui %lt3A_39 : i1 to i32
      %cond3A_41 = arith.constant 0 : i32
      %cond3A_42 = arith.cmpi ne, %convert_element_type3A_40, %cond3A_41 : i32
      scf.if %cond3A_42 {
        %dma_start3A = arith.constant 0 : i32
        %dma_start3A_43 = tpu.memref_slice %arg5[%add3A_29, %dma_start3A] : memref<40x128xi32, #tpu.memory_space<vmem>> -> memref<1x128xi32, #tpu.memory_space<vmem>>
        %dma_start3A_44 = tpu.memref_squeeze %dma_start3A_43 : memref<1x128xi32, #tpu.memory_space<vmem>> -> memref<128xi32, #tpu.memory_space<vmem>>
        %dma_start3A_45 = arith.constant 0 : i32
        %dma_start3A_46 = arith.constant 0 : i32
        %dma_start3A_47 = tpu.memref_slice %arg11[%dma_start3A_45, %dma_start3A_46] : memref<10240x128xf32, #tpu.memory_space<vmem_shared>> -> memref<10240x128xf32, #tpu.memory_space<vmem_shared>>
        tpu.enqueue_indirect_dma source(%arg7 : memref<128x128xf32, #tpu.memory_space<vmem>>) target(%dma_start3A_47 : memref<10240x128xf32, #tpu.memory_space<vmem_shared>>) offsets(%dma_start3A_44 : memref<128xi32, #tpu.memory_space<vmem>>) semaphore(%arg10 : memref<!tpu.dma_semaphore, #tpu.memory_space<semaphore_mem>>) {add = true}
      } else {
      }
    }
    %scan3A_13 = arith.constant 21 : i32
    %barrier3A_14 = arith.constant 0 : index
    tpu.barrier barrier_id(%barrier3A_14)
    "tpu.region"() ({
      %run_scoped3A = tpu.sem_alloc : memref<!tpu.dma_semaphore, #tpu.memory_space<semaphore_mem>>
      %dma_start3A = arith.constant 0 : i32
      %dma_start3A_15 = tpu.memref_slice %arg4[%arg0, %mul3A_2, %dma_start3A] : memref<2x10240x128xf32, #tpu.memory_space<hbm>> -> memref<1x640x128xf32, #tpu.memory_space<hbm>>
      %dma_start3A_16 = tpu.memref_squeeze %dma_start3A_15 : memref<1x640x128xf32, #tpu.memory_space<hbm>> -> memref<640x128xf32, #tpu.memory_space<hbm>>
      %dma_start3A_17 = arith.constant 0 : i32
      %dma_start3A_18 = tpu.memref_slice %arg11[%mul3A_2, %dma_start3A_17] : memref<10240x128xf32, #tpu.memory_space<vmem_shared>> -> memref<640x128xf32, #tpu.memory_space<vmem_shared>>
      tpu.enqueue_dma source(%dma_start3A_18 : memref<640x128xf32, #tpu.memory_space<vmem_shared>>) target(%dma_start3A_16 : memref<640x128xf32, #tpu.memory_space<hbm>>) target_semaphore(%run_scoped3A : memref<!tpu.dma_semaphore, #tpu.memory_space<semaphore_mem>>)
      %dma_wait3A = arith.constant 0 : i32
      %dma_wait3A_19 = tpu.memref_slice %arg4[%arg0, %mul3A_2, %dma_wait3A] : memref<2x10240x128xf32, #tpu.memory_space<hbm>> -> memref<1x640x128xf32, #tpu.memory_space<hbm>>
      %dma_wait3A_20 = tpu.memref_squeeze %dma_wait3A_19 : memref<1x640x128xf32, #tpu.memory_space<hbm>> -> memref<640x128xf32, #tpu.memory_space<hbm>>
      %dma_wait3A_21 = arith.constant 0 : i32
      %dma_wait3A_22 = tpu.memref_slice %arg11[%mul3A_2, %dma_wait3A_21] : memref<10240x128xf32, #tpu.memory_space<vmem_shared>> -> memref<640x128xf32, #tpu.memory_space<vmem_shared>>
      tpu.wait_dma2 semaphore(%run_scoped3A : memref<!tpu.dma_semaphore, #tpu.memory_space<semaphore_mem>>) src(%dma_wait3A_22 : memref<640x128xf32, #tpu.memory_space<vmem_shared>>) dst(%dma_wait3A_20 : memref<640x128xf32, #tpu.memory_space<hbm>>)
      tpu.yield
    }) : () -> ()
    return
  }
}

#map = affine_map<(d0, d1) -> (0, 0, 0)>
#map1 = affine_map<(d0, d1) -> (0, 0)>
module attributes {stable_mosaic.version = 14 : i64} {
  func.func @_spmm_kernel(%arg0: i32, %arg1: i32, %arg2: memref<32x80x128xi32, #tpu.memory_space<hbm>>, %arg3: memref<32x80x128xi32, #tpu.memory_space<hbm>>, %arg4: memref<10240x128xf32, #tpu.memory_space<hbm>>, %arg5: memref<2x10240x128xf32, #tpu.memory_space<hbm>>, %arg6: memref<40x128xi32, #tpu.memory_space<vmem>>, %arg7: memref<40x128xi32, #tpu.memory_space<vmem>>, %arg8: memref<128x128xf32, #tpu.memory_space<vmem>>, %arg9: memref<128x128xf32, #tpu.memory_space<vmem>>, %arg10: memref<!tpu.dma_semaphore, #tpu.memory_space<semaphore_mem>>, %arg11: memref<!tpu.dma_semaphore, #tpu.memory_space<semaphore_mem>>, %arg12: memref<!tpu.dma_semaphore, #tpu.memory_space<semaphore_mem>>, %arg13: memref<!tpu.dma_semaphore, #tpu.memory_space<semaphore_mem>>, %arg14: memref<10240x128xf32, #tpu.memory_space<vmem_shared>>) attributes {dimension_semantics = [#tpu.dimension_semantics<core_parallel>, #tpu.dimension_semantics<subcore_parallel>], iteration_bounds = array<i64: 2, 16>, scalar_prefetch = 0 : i64, scratch_operands = 9 : i64, tpu.core_type = #tpu.core_type<sc_vector_subcore>, window_params = [{transform_indices = #map}, {transform_indices = #map}, {transform_indices = #map1}, {transform_indices = #map}]} {
    %mul3A = arith.constant 2 : i32
    %mul3A_0 = arith.muli %arg1, %mul3A : i32
    %add3A = arith.addi %mul3A_0, %arg0 : i32
    %mul3A_1 = arith.constant 640 : i32
    %mul3A_2 = arith.muli %arg1, %mul3A_1 : i32
    "tpu.region"() ({
      %run_scoped3A = tpu.sem_alloc : memref<!tpu.dma_semaphore, #tpu.memory_space<semaphore_mem>>
      %dma_start3A = arith.constant 0 : i32
      %dma_start3A_15 = tpu.memref_slice %arg14[%mul3A_2, %dma_start3A] : memref<10240x128xf32, #tpu.memory_space<vmem_shared>> -> memref<640x128xf32, #tpu.memory_space<vmem_shared>>
      %dma_start3A_16 = arith.constant 0 : i32
      %dma_start3A_17 = tpu.memref_slice %arg4[%mul3A_2, %dma_start3A_16] : memref<10240x128xf32, #tpu.memory_space<hbm>> -> memref<640x128xf32, #tpu.memory_space<hbm>>
      tpu.enqueue_dma source(%dma_start3A_17 : memref<640x128xf32, #tpu.memory_space<hbm>>) target(%dma_start3A_15 : memref<640x128xf32, #tpu.memory_space<vmem_shared>>) target_semaphore(%run_scoped3A : memref<!tpu.dma_semaphore, #tpu.memory_space<semaphore_mem>>)
      %dma_wait3A = arith.constant 0 : i32
      %dma_wait3A_18 = tpu.memref_slice %arg14[%mul3A_2, %dma_wait3A] : memref<10240x128xf32, #tpu.memory_space<vmem_shared>> -> memref<640x128xf32, #tpu.memory_space<vmem_shared>>
      %dma_wait3A_19 = arith.constant 0 : i32
      %dma_wait3A_20 = tpu.memref_slice %arg4[%mul3A_2, %dma_wait3A_19] : memref<10240x128xf32, #tpu.memory_space<hbm>> -> memref<640x128xf32, #tpu.memory_space<hbm>>
      tpu.wait_dma2 semaphore(%run_scoped3A : memref<!tpu.dma_semaphore, #tpu.memory_space<semaphore_mem>>) src(%dma_wait3A_20 : memref<640x128xf32, #tpu.memory_space<hbm>>) dst(%dma_wait3A_18 : memref<640x128xf32, #tpu.memory_space<vmem_shared>>)
      tpu.yield
    }) : () -> ()
    %barrier3A = arith.constant 0 : index
    tpu.barrier barrier_id(%barrier3A)
    "tpu.region"() ({
      %run_scoped3A = tpu.sem_alloc : memref<!tpu.dma_semaphore, #tpu.memory_space<semaphore_mem>>
      %dma_start3A = arith.constant 0 : i32
      %dma_start3A_15 = arith.constant 0 : i32
      %dma_start3A_16 = tpu.memref_slice %arg2[%add3A, %dma_start3A, %dma_start3A_15] : memref<32x80x128xi32, #tpu.memory_space<hbm>> -> memref<1x40x128xi32, #tpu.memory_space<hbm>>
      %dma_start3A_17 = tpu.memref_squeeze %dma_start3A_16 : memref<1x40x128xi32, #tpu.memory_space<hbm>> -> memref<40x128xi32, #tpu.memory_space<hbm>>
      %dma_start3A_18 = arith.constant 0 : i32
      %dma_start3A_19 = arith.constant 0 : i32
      %dma_start3A_20 = tpu.memref_slice %arg2[%add3A, %dma_start3A_18, %dma_start3A_19] : memref<32x80x128xi32, #tpu.memory_space<hbm>> -> memref<1x40x128xi32, #tpu.memory_space<hbm>>
      %dma_start3A_21 = tpu.memref_squeeze %dma_start3A_20 : memref<1x40x128xi32, #tpu.memory_space<hbm>> -> memref<40x128xi32, #tpu.memory_space<hbm>>
      tpu.enqueue_dma source(%dma_start3A_21 : memref<40x128xi32, #tpu.memory_space<hbm>>) target(%arg6 : memref<40x128xi32, #tpu.memory_space<vmem>>) target_semaphore(%run_scoped3A : memref<!tpu.dma_semaphore, #tpu.memory_space<semaphore_mem>>)
      %dma_wait3A = arith.constant 0 : i32
      %dma_wait3A_22 = arith.constant 0 : i32
      %dma_wait3A_23 = tpu.memref_slice %arg2[%add3A, %dma_wait3A, %dma_wait3A_22] : memref<32x80x128xi32, #tpu.memory_space<hbm>> -> memref<1x40x128xi32, #tpu.memory_space<hbm>>
      %dma_wait3A_24 = tpu.memref_squeeze %dma_wait3A_23 : memref<1x40x128xi32, #tpu.memory_space<hbm>> -> memref<40x128xi32, #tpu.memory_space<hbm>>
      %dma_wait3A_25 = arith.constant 0 : i32
      %dma_wait3A_26 = arith.constant 0 : i32
      %dma_wait3A_27 = tpu.memref_slice %arg2[%add3A, %dma_wait3A_25, %dma_wait3A_26] : memref<32x80x128xi32, #tpu.memory_space<hbm>> -> memref<1x40x128xi32, #tpu.memory_space<hbm>>
      %dma_wait3A_28 = tpu.memref_squeeze %dma_wait3A_27 : memref<1x40x128xi32, #tpu.memory_space<hbm>> -> memref<40x128xi32, #tpu.memory_space<hbm>>
      tpu.wait_dma2 semaphore(%run_scoped3A : memref<!tpu.dma_semaphore, #tpu.memory_space<semaphore_mem>>) src(%dma_wait3A_28 : memref<40x128xi32, #tpu.memory_space<hbm>>) dst(%arg6 : memref<40x128xi32, #tpu.memory_space<vmem>>)
      tpu.yield
    }) : () -> ()
    "tpu.region"() ({
      %run_scoped3A = tpu.sem_alloc : memref<!tpu.dma_semaphore, #tpu.memory_space<semaphore_mem>>
      %dma_start3A = arith.constant 0 : i32
      %dma_start3A_15 = arith.constant 0 : i32
      %dma_start3A_16 = tpu.memref_slice %arg3[%add3A, %dma_start3A, %dma_start3A_15] : memref<32x80x128xi32, #tpu.memory_space<hbm>> -> memref<1x40x128xi32, #tpu.memory_space<hbm>>
      %dma_start3A_17 = tpu.memref_squeeze %dma_start3A_16 : memref<1x40x128xi32, #tpu.memory_space<hbm>> -> memref<40x128xi32, #tpu.memory_space<hbm>>
      %dma_start3A_18 = arith.constant 0 : i32
      %dma_start3A_19 = arith.constant 0 : i32
      %dma_start3A_20 = tpu.memref_slice %arg3[%add3A, %dma_start3A_18, %dma_start3A_19] : memref<32x80x128xi32, #tpu.memory_space<hbm>> -> memref<1x40x128xi32, #tpu.memory_space<hbm>>
      %dma_start3A_21 = tpu.memref_squeeze %dma_start3A_20 : memref<1x40x128xi32, #tpu.memory_space<hbm>> -> memref<40x128xi32, #tpu.memory_space<hbm>>
      tpu.enqueue_dma source(%dma_start3A_21 : memref<40x128xi32, #tpu.memory_space<hbm>>) target(%arg7 : memref<40x128xi32, #tpu.memory_space<vmem>>) target_semaphore(%run_scoped3A : memref<!tpu.dma_semaphore, #tpu.memory_space<semaphore_mem>>)
      %dma_wait3A = arith.constant 0 : i32
      %dma_wait3A_22 = arith.constant 0 : i32
      %dma_wait3A_23 = tpu.memref_slice %arg3[%add3A, %dma_wait3A, %dma_wait3A_22] : memref<32x80x128xi32, #tpu.memory_space<hbm>> -> memref<1x40x128xi32, #tpu.memory_space<hbm>>
      %dma_wait3A_24 = tpu.memref_squeeze %dma_wait3A_23 : memref<1x40x128xi32, #tpu.memory_space<hbm>> -> memref<40x128xi32, #tpu.memory_space<hbm>>
      %dma_wait3A_25 = arith.constant 0 : i32
      %dma_wait3A_26 = arith.constant 0 : i32
      %dma_wait3A_27 = tpu.memref_slice %arg3[%add3A, %dma_wait3A_25, %dma_wait3A_26] : memref<32x80x128xi32, #tpu.memory_space<hbm>> -> memref<1x40x128xi32, #tpu.memory_space<hbm>>
      %dma_wait3A_28 = tpu.memref_squeeze %dma_wait3A_27 : memref<1x40x128xi32, #tpu.memory_space<hbm>> -> memref<40x128xi32, #tpu.memory_space<hbm>>
      tpu.wait_dma2 semaphore(%run_scoped3A : memref<!tpu.dma_semaphore, #tpu.memory_space<semaphore_mem>>) src(%dma_wait3A_28 : memref<40x128xi32, #tpu.memory_space<hbm>>) dst(%arg7 : memref<40x128xi32, #tpu.memory_space<vmem>>)
      tpu.yield
    }) : () -> ()
    %scan3A = arith.constant 0 : i32
    %scan3A_3 = arith.constant 0 : i32
    %scan3A_4 = arith.constant 21 : i32
    %scan3A_5 = arith.addi %scan3A_3, %scan3A_4 : i32
    %scan3A_6 = arith.constant 1 : i32
    scf.for %scan3A_15 = %scan3A_3 to %scan3A_5 step %scan3A_6  : i32 {
      %mul3A_16 = arith.constant 2 : i32
      %mul3A_17 = arith.muli %scan3A_15, %mul3A_16 : i32
      %add3A_18 = arith.constant 0 : i32
      %add3A_19 = arith.addi %mul3A_17, %add3A_18 : i32
      %ge3A = arith.constant 2 : i32
      %ge3A_20 = arith.cmpi sge, %add3A_19, %ge3A : i32
      %lt3A = arith.constant 42 : i32
      %lt3A_21 = arith.cmpi slt, %add3A_19, %lt3A : i32
      %and3A = arith.andi %ge3A_20, %lt3A_21 : i1
      %convert_element_type3A = arith.extui %and3A : i1 to i32
      %cond3A = arith.constant 0 : i32
      %cond3A_22 = arith.cmpi ne, %convert_element_type3A, %cond3A : i32
      scf.if %cond3A_22 {
        %dma_wait3A = arith.constant 0 : i32
        %dma_wait3A_62 = arith.constant 0 : i32
        %dma_wait3A_63 = tpu.memref_slice %arg14[%dma_wait3A, %dma_wait3A_62] : memref<10240x128xf32, #tpu.memory_space<vmem_shared>> -> memref<128x128xf32, #tpu.memory_space<vmem_shared>>
        %dma_wait3A_64 = arith.constant 0 : i32
        %dma_wait3A_65 = arith.constant 0 : i32
        %dma_wait3A_66 = tpu.memref_slice %arg14[%dma_wait3A_64, %dma_wait3A_65] : memref<10240x128xf32, #tpu.memory_space<vmem_shared>> -> memref<128x128xf32, #tpu.memory_space<vmem_shared>>
        tpu.wait_dma2 semaphore(%arg12 : memref<!tpu.dma_semaphore, #tpu.memory_space<semaphore_mem>>) src(%arg8 : memref<128x128xf32, #tpu.memory_space<vmem>>) dst(%dma_wait3A_66 : memref<128x128xf32, #tpu.memory_space<vmem_shared>>)
      } else {
      }
      %lt3A_23 = arith.constant 40 : i32
      %lt3A_24 = arith.cmpi slt, %add3A_19, %lt3A_23 : i32
      %convert_element_type3A_25 = arith.extui %lt3A_24 : i1 to i32
      %cond3A_26 = arith.constant 0 : i32
      %cond3A_27 = arith.cmpi ne, %convert_element_type3A_25, %cond3A_26 : i32
      scf.if %cond3A_27 {
        %dma_start3A = arith.constant 0 : i32
        %dma_start3A_62 = tpu.memref_slice %arg6[%add3A_19, %dma_start3A] : memref<40x128xi32, #tpu.memory_space<vmem>> -> memref<1x128xi32, #tpu.memory_space<vmem>>
        %dma_start3A_63 = tpu.memref_squeeze %dma_start3A_62 : memref<1x128xi32, #tpu.memory_space<vmem>> -> memref<128xi32, #tpu.memory_space<vmem>>
        %dma_start3A_64 = arith.constant 0 : i32
        %dma_start3A_65 = arith.constant 0 : i32
        %dma_start3A_66 = tpu.memref_slice %arg4[%dma_start3A_64, %dma_start3A_65] : memref<10240x128xf32, #tpu.memory_space<hbm>> -> memref<10240x128xf32, #tpu.memory_space<hbm>>
        tpu.enqueue_indirect_dma source(%dma_start3A_66 : memref<10240x128xf32, #tpu.memory_space<hbm>>) target(%arg8 : memref<128x128xf32, #tpu.memory_space<vmem>>) offsets(%dma_start3A_63 : memref<128xi32, #tpu.memory_space<vmem>>) semaphore(%arg10 : memref<!tpu.dma_semaphore, #tpu.memory_space<semaphore_mem>>)
      } else {
      }
      %sub3A = arith.constant 1 : i32
      %sub3A_28 = arith.subi %add3A_19, %sub3A : i32
      %ge3A_29 = arith.constant 0 : i32
      %ge3A_30 = arith.cmpi sge, %sub3A_28, %ge3A_29 : i32
      %lt3A_31 = arith.constant 40 : i32
      %lt3A_32 = arith.cmpi slt, %sub3A_28, %lt3A_31 : i32
      %and3A_33 = arith.andi %ge3A_30, %lt3A_32 : i1
      %convert_element_type3A_34 = arith.extui %and3A_33 : i1 to i32
      %cond3A_35 = arith.constant 0 : i32
      %cond3A_36 = arith.cmpi ne, %convert_element_type3A_34, %cond3A_35 : i32
      scf.if %cond3A_36 {
        %dma_wait3A = arith.constant 0 : i32
        %dma_wait3A_62 = arith.constant 0 : i32
        %dma_wait3A_63 = tpu.memref_slice %arg4[%dma_wait3A, %dma_wait3A_62] : memref<10240x128xf32, #tpu.memory_space<hbm>> -> memref<128x128xf32, #tpu.memory_space<hbm>>
        %dma_wait3A_64 = arith.constant 0 : i32
        %dma_wait3A_65 = arith.constant 0 : i32
        %dma_wait3A_66 = tpu.memref_slice %arg4[%dma_wait3A_64, %dma_wait3A_65] : memref<10240x128xf32, #tpu.memory_space<hbm>> -> memref<128x128xf32, #tpu.memory_space<hbm>>
        tpu.wait_dma2 semaphore(%arg11 : memref<!tpu.dma_semaphore, #tpu.memory_space<semaphore_mem>>) src(%dma_wait3A_66 : memref<128x128xf32, #tpu.memory_space<hbm>>) dst(%arg9 : memref<128x128xf32, #tpu.memory_space<vmem>>)
        %dma_start3A = arith.constant 0 : i32
        %dma_start3A_67 = tpu.memref_slice %arg7[%sub3A_28, %dma_start3A] : memref<40x128xi32, #tpu.memory_space<vmem>> -> memref<1x128xi32, #tpu.memory_space<vmem>>
        %dma_start3A_68 = tpu.memref_squeeze %dma_start3A_67 : memref<1x128xi32, #tpu.memory_space<vmem>> -> memref<128xi32, #tpu.memory_space<vmem>>
        %dma_start3A_69 = arith.constant 0 : i32
        %dma_start3A_70 = arith.constant 0 : i32
        %dma_start3A_71 = tpu.memref_slice %arg14[%dma_start3A_69, %dma_start3A_70] : memref<10240x128xf32, #tpu.memory_space<vmem_shared>> -> memref<10240x128xf32, #tpu.memory_space<vmem_shared>>
        tpu.enqueue_indirect_dma source(%arg9 : memref<128x128xf32, #tpu.memory_space<vmem>>) target(%dma_start3A_71 : memref<10240x128xf32, #tpu.memory_space<vmem_shared>>) offsets(%dma_start3A_68 : memref<128xi32, #tpu.memory_space<vmem>>) semaphore(%arg13 : memref<!tpu.dma_semaphore, #tpu.memory_space<semaphore_mem>>) {add = true}
      } else {
      }
      %add3A_37 = arith.constant 1 : i32
      %add3A_38 = arith.addi %mul3A_17, %add3A_37 : i32
      %ge3A_39 = arith.constant 2 : i32
      %ge3A_40 = arith.cmpi sge, %add3A_38, %ge3A_39 : i32
      %lt3A_41 = arith.constant 42 : i32
      %lt3A_42 = arith.cmpi slt, %add3A_38, %lt3A_41 : i32
      %and3A_43 = arith.andi %ge3A_40, %lt3A_42 : i1
      %convert_element_type3A_44 = arith.extui %and3A_43 : i1 to i32
      %cond3A_45 = arith.constant 0 : i32
      %cond3A_46 = arith.cmpi ne, %convert_element_type3A_44, %cond3A_45 : i32
      scf.if %cond3A_46 {
        %dma_wait3A = arith.constant 0 : i32
        %dma_wait3A_62 = arith.constant 0 : i32
        %dma_wait3A_63 = tpu.memref_slice %arg14[%dma_wait3A, %dma_wait3A_62] : memref<10240x128xf32, #tpu.memory_space<vmem_shared>> -> memref<128x128xf32, #tpu.memory_space<vmem_shared>>
        %dma_wait3A_64 = arith.constant 0 : i32
        %dma_wait3A_65 = arith.constant 0 : i32
        %dma_wait3A_66 = tpu.memref_slice %arg14[%dma_wait3A_64, %dma_wait3A_65] : memref<10240x128xf32, #tpu.memory_space<vmem_shared>> -> memref<128x128xf32, #tpu.memory_space<vmem_shared>>
        tpu.wait_dma2 semaphore(%arg13 : memref<!tpu.dma_semaphore, #tpu.memory_space<semaphore_mem>>) src(%arg9 : memref<128x128xf32, #tpu.memory_space<vmem>>) dst(%dma_wait3A_66 : memref<128x128xf32, #tpu.memory_space<vmem_shared>>)
      } else {
      }
      %lt3A_47 = arith.constant 40 : i32
      %lt3A_48 = arith.cmpi slt, %add3A_38, %lt3A_47 : i32
      %convert_element_type3A_49 = arith.extui %lt3A_48 : i1 to i32
      %cond3A_50 = arith.constant 0 : i32
      %cond3A_51 = arith.cmpi ne, %convert_element_type3A_49, %cond3A_50 : i32
      scf.if %cond3A_51 {
        %dma_start3A = arith.constant 0 : i32
        %dma_start3A_62 = tpu.memref_slice %arg6[%add3A_38, %dma_start3A] : memref<40x128xi32, #tpu.memory_space<vmem>> -> memref<1x128xi32, #tpu.memory_space<vmem>>
        %dma_start3A_63 = tpu.memref_squeeze %dma_start3A_62 : memref<1x128xi32, #tpu.memory_space<vmem>> -> memref<128xi32, #tpu.memory_space<vmem>>
        %dma_start3A_64 = arith.constant 0 : i32
        %dma_start3A_65 = arith.constant 0 : i32
        %dma_start3A_66 = tpu.memref_slice %arg4[%dma_start3A_64, %dma_start3A_65] : memref<10240x128xf32, #tpu.memory_space<hbm>> -> memref<10240x128xf32, #tpu.memory_space<hbm>>
        tpu.enqueue_indirect_dma source(%dma_start3A_66 : memref<10240x128xf32, #tpu.memory_space<hbm>>) target(%arg9 : memref<128x128xf32, #tpu.memory_space<vmem>>) offsets(%dma_start3A_63 : memref<128xi32, #tpu.memory_space<vmem>>) semaphore(%arg11 : memref<!tpu.dma_semaphore, #tpu.memory_space<semaphore_mem>>)
      } else {
      }
      %sub3A_52 = arith.constant 1 : i32
      %sub3A_53 = arith.subi %add3A_38, %sub3A_52 : i32
      %ge3A_54 = arith.constant 0 : i32
      %ge3A_55 = arith.cmpi sge, %sub3A_53, %ge3A_54 : i32
      %lt3A_56 = arith.constant 40 : i32
      %lt3A_57 = arith.cmpi slt, %sub3A_53, %lt3A_56 : i32
      %and3A_58 = arith.andi %ge3A_55, %lt3A_57 : i1
      %convert_element_type3A_59 = arith.extui %and3A_58 : i1 to i32
      %cond3A_60 = arith.constant 0 : i32
      %cond3A_61 = arith.cmpi ne, %convert_element_type3A_59, %cond3A_60 : i32
      scf.if %cond3A_61 {
        %dma_wait3A = arith.constant 0 : i32
        %dma_wait3A_62 = arith.constant 0 : i32
        %dma_wait3A_63 = tpu.memref_slice %arg4[%dma_wait3A, %dma_wait3A_62] : memref<10240x128xf32, #tpu.memory_space<hbm>> -> memref<128x128xf32, #tpu.memory_space<hbm>>
        %dma_wait3A_64 = arith.constant 0 : i32
        %dma_wait3A_65 = arith.constant 0 : i32
        %dma_wait3A_66 = tpu.memref_slice %arg4[%dma_wait3A_64, %dma_wait3A_65] : memref<10240x128xf32, #tpu.memory_space<hbm>> -> memref<128x128xf32, #tpu.memory_space<hbm>>
        tpu.wait_dma2 semaphore(%arg10 : memref<!tpu.dma_semaphore, #tpu.memory_space<semaphore_mem>>) src(%dma_wait3A_66 : memref<128x128xf32, #tpu.memory_space<hbm>>) dst(%arg8 : memref<128x128xf32, #tpu.memory_space<vmem>>)
        %dma_start3A = arith.constant 0 : i32
        %dma_start3A_67 = tpu.memref_slice %arg7[%sub3A_53, %dma_start3A] : memref<40x128xi32, #tpu.memory_space<vmem>> -> memref<1x128xi32, #tpu.memory_space<vmem>>
        %dma_start3A_68 = tpu.memref_squeeze %dma_start3A_67 : memref<1x128xi32, #tpu.memory_space<vmem>> -> memref<128xi32, #tpu.memory_space<vmem>>
        %dma_start3A_69 = arith.constant 0 : i32
        %dma_start3A_70 = arith.constant 0 : i32
        %dma_start3A_71 = tpu.memref_slice %arg14[%dma_start3A_69, %dma_start3A_70] : memref<10240x128xf32, #tpu.memory_space<vmem_shared>> -> memref<10240x128xf32, #tpu.memory_space<vmem_shared>>
        tpu.enqueue_indirect_dma source(%arg8 : memref<128x128xf32, #tpu.memory_space<vmem>>) target(%dma_start3A_71 : memref<10240x128xf32, #tpu.memory_space<vmem_shared>>) offsets(%dma_start3A_68 : memref<128xi32, #tpu.memory_space<vmem>>) semaphore(%arg12 : memref<!tpu.dma_semaphore, #tpu.memory_space<semaphore_mem>>) {add = true}
      } else {
      }
    }
    %scan3A_7 = arith.constant 21 : i32
    "tpu.region"() ({
      %run_scoped3A = tpu.sem_alloc : memref<!tpu.dma_semaphore, #tpu.memory_space<semaphore_mem>>
      %dma_start3A = arith.constant 40 : i32
      %dma_start3A_15 = arith.constant 0 : i32
      %dma_start3A_16 = tpu.memref_slice %arg2[%add3A, %dma_start3A, %dma_start3A_15] : memref<32x80x128xi32, #tpu.memory_space<hbm>> -> memref<1x40x128xi32, #tpu.memory_space<hbm>>
      %dma_start3A_17 = tpu.memref_squeeze %dma_start3A_16 : memref<1x40x128xi32, #tpu.memory_space<hbm>> -> memref<40x128xi32, #tpu.memory_space<hbm>>
      %dma_start3A_18 = arith.constant 40 : i32
      %dma_start3A_19 = arith.constant 0 : i32
      %dma_start3A_20 = tpu.memref_slice %arg2[%add3A, %dma_start3A_18, %dma_start3A_19] : memref<32x80x128xi32, #tpu.memory_space<hbm>> -> memref<1x40x128xi32, #tpu.memory_space<hbm>>
      %dma_start3A_21 = tpu.memref_squeeze %dma_start3A_20 : memref<1x40x128xi32, #tpu.memory_space<hbm>> -> memref<40x128xi32, #tpu.memory_space<hbm>>
      tpu.enqueue_dma source(%dma_start3A_21 : memref<40x128xi32, #tpu.memory_space<hbm>>) target(%arg6 : memref<40x128xi32, #tpu.memory_space<vmem>>) target_semaphore(%run_scoped3A : memref<!tpu.dma_semaphore, #tpu.memory_space<semaphore_mem>>)
      %dma_wait3A = arith.constant 40 : i32
      %dma_wait3A_22 = arith.constant 0 : i32
      %dma_wait3A_23 = tpu.memref_slice %arg2[%add3A, %dma_wait3A, %dma_wait3A_22] : memref<32x80x128xi32, #tpu.memory_space<hbm>> -> memref<1x40x128xi32, #tpu.memory_space<hbm>>
      %dma_wait3A_24 = tpu.memref_squeeze %dma_wait3A_23 : memref<1x40x128xi32, #tpu.memory_space<hbm>> -> memref<40x128xi32, #tpu.memory_space<hbm>>
      %dma_wait3A_25 = arith.constant 40 : i32
      %dma_wait3A_26 = arith.constant 0 : i32
      %dma_wait3A_27 = tpu.memref_slice %arg2[%add3A, %dma_wait3A_25, %dma_wait3A_26] : memref<32x80x128xi32, #tpu.memory_space<hbm>> -> memref<1x40x128xi32, #tpu.memory_space<hbm>>
      %dma_wait3A_28 = tpu.memref_squeeze %dma_wait3A_27 : memref<1x40x128xi32, #tpu.memory_space<hbm>> -> memref<40x128xi32, #tpu.memory_space<hbm>>
      tpu.wait_dma2 semaphore(%run_scoped3A : memref<!tpu.dma_semaphore, #tpu.memory_space<semaphore_mem>>) src(%dma_wait3A_28 : memref<40x128xi32, #tpu.memory_space<hbm>>) dst(%arg6 : memref<40x128xi32, #tpu.memory_space<vmem>>)
      tpu.yield
    }) : () -> ()
    "tpu.region"() ({
      %run_scoped3A = tpu.sem_alloc : memref<!tpu.dma_semaphore, #tpu.memory_space<semaphore_mem>>
      %dma_start3A = arith.constant 40 : i32
      %dma_start3A_15 = arith.constant 0 : i32
      %dma_start3A_16 = tpu.memref_slice %arg3[%add3A, %dma_start3A, %dma_start3A_15] : memref<32x80x128xi32, #tpu.memory_space<hbm>> -> memref<1x40x128xi32, #tpu.memory_space<hbm>>
      %dma_start3A_17 = tpu.memref_squeeze %dma_start3A_16 : memref<1x40x128xi32, #tpu.memory_space<hbm>> -> memref<40x128xi32, #tpu.memory_space<hbm>>
      %dma_start3A_18 = arith.constant 40 : i32
      %dma_start3A_19 = arith.constant 0 : i32
      %dma_start3A_20 = tpu.memref_slice %arg3[%add3A, %dma_start3A_18, %dma_start3A_19] : memref<32x80x128xi32, #tpu.memory_space<hbm>> -> memref<1x40x128xi32, #tpu.memory_space<hbm>>
      %dma_start3A_21 = tpu.memref_squeeze %dma_start3A_20 : memref<1x40x128xi32, #tpu.memory_space<hbm>> -> memref<40x128xi32, #tpu.memory_space<hbm>>
      tpu.enqueue_dma source(%dma_start3A_21 : memref<40x128xi32, #tpu.memory_space<hbm>>) target(%arg7 : memref<40x128xi32, #tpu.memory_space<vmem>>) target_semaphore(%run_scoped3A : memref<!tpu.dma_semaphore, #tpu.memory_space<semaphore_mem>>)
      %dma_wait3A = arith.constant 40 : i32
      %dma_wait3A_22 = arith.constant 0 : i32
      %dma_wait3A_23 = tpu.memref_slice %arg3[%add3A, %dma_wait3A, %dma_wait3A_22] : memref<32x80x128xi32, #tpu.memory_space<hbm>> -> memref<1x40x128xi32, #tpu.memory_space<hbm>>
      %dma_wait3A_24 = tpu.memref_squeeze %dma_wait3A_23 : memref<1x40x128xi32, #tpu.memory_space<hbm>> -> memref<40x128xi32, #tpu.memory_space<hbm>>
      %dma_wait3A_25 = arith.constant 40 : i32
      %dma_wait3A_26 = arith.constant 0 : i32
      %dma_wait3A_27 = tpu.memref_slice %arg3[%add3A, %dma_wait3A_25, %dma_wait3A_26] : memref<32x80x128xi32, #tpu.memory_space<hbm>> -> memref<1x40x128xi32, #tpu.memory_space<hbm>>
      %dma_wait3A_28 = tpu.memref_squeeze %dma_wait3A_27 : memref<1x40x128xi32, #tpu.memory_space<hbm>> -> memref<40x128xi32, #tpu.memory_space<hbm>>
      tpu.wait_dma2 semaphore(%run_scoped3A : memref<!tpu.dma_semaphore, #tpu.memory_space<semaphore_mem>>) src(%dma_wait3A_28 : memref<40x128xi32, #tpu.memory_space<hbm>>) dst(%arg7 : memref<40x128xi32, #tpu.memory_space<vmem>>)
      tpu.yield
    }) : () -> ()
    %scan3A_8 = arith.constant 0 : i32
    %scan3A_9 = arith.constant 0 : i32
    %scan3A_10 = arith.constant 21 : i32
    %scan3A_11 = arith.addi %scan3A_9, %scan3A_10 : i32
    %scan3A_12 = arith.constant 1 : i32
    scf.for %scan3A_15 = %scan3A_9 to %scan3A_11 step %scan3A_12  : i32 {
      %mul3A_16 = arith.constant 2 : i32
      %mul3A_17 = arith.muli %scan3A_15, %mul3A_16 : i32
      %add3A_18 = arith.constant 0 : i32
      %add3A_19 = arith.addi %mul3A_17, %add3A_18 : i32
      %ge3A = arith.constant 2 : i32
      %ge3A_20 = arith.cmpi sge, %add3A_19, %ge3A : i32
      %lt3A = arith.constant 42 : i32
      %lt3A_21 = arith.cmpi slt, %add3A_19, %lt3A : i32
      %and3A = arith.andi %ge3A_20, %lt3A_21 : i1
      %convert_element_type3A = arith.extui %and3A : i1 to i32
      %cond3A = arith.constant 0 : i32
      %cond3A_22 = arith.cmpi ne, %convert_element_type3A, %cond3A : i32
      scf.if %cond3A_22 {
        %dma_wait3A = arith.constant 0 : i32
        %dma_wait3A_62 = arith.constant 0 : i32
        %dma_wait3A_63 = tpu.memref_slice %arg14[%dma_wait3A, %dma_wait3A_62] : memref<10240x128xf32, #tpu.memory_space<vmem_shared>> -> memref<128x128xf32, #tpu.memory_space<vmem_shared>>
        %dma_wait3A_64 = arith.constant 0 : i32
        %dma_wait3A_65 = arith.constant 0 : i32
        %dma_wait3A_66 = tpu.memref_slice %arg14[%dma_wait3A_64, %dma_wait3A_65] : memref<10240x128xf32, #tpu.memory_space<vmem_shared>> -> memref<128x128xf32, #tpu.memory_space<vmem_shared>>
        tpu.wait_dma2 semaphore(%arg12 : memref<!tpu.dma_semaphore, #tpu.memory_space<semaphore_mem>>) src(%arg8 : memref<128x128xf32, #tpu.memory_space<vmem>>) dst(%dma_wait3A_66 : memref<128x128xf32, #tpu.memory_space<vmem_shared>>)
      } else {
      }
      %lt3A_23 = arith.constant 40 : i32
      %lt3A_24 = arith.cmpi slt, %add3A_19, %lt3A_23 : i32
      %convert_element_type3A_25 = arith.extui %lt3A_24 : i1 to i32
      %cond3A_26 = arith.constant 0 : i32
      %cond3A_27 = arith.cmpi ne, %convert_element_type3A_25, %cond3A_26 : i32
      scf.if %cond3A_27 {
        %dma_start3A = arith.constant 0 : i32
        %dma_start3A_62 = tpu.memref_slice %arg6[%add3A_19, %dma_start3A] : memref<40x128xi32, #tpu.memory_space<vmem>> -> memref<1x128xi32, #tpu.memory_space<vmem>>
        %dma_start3A_63 = tpu.memref_squeeze %dma_start3A_62 : memref<1x128xi32, #tpu.memory_space<vmem>> -> memref<128xi32, #tpu.memory_space<vmem>>
        %dma_start3A_64 = arith.constant 0 : i32
        %dma_start3A_65 = arith.constant 0 : i32
        %dma_start3A_66 = tpu.memref_slice %arg4[%dma_start3A_64, %dma_start3A_65] : memref<10240x128xf32, #tpu.memory_space<hbm>> -> memref<10240x128xf32, #tpu.memory_space<hbm>>
        tpu.enqueue_indirect_dma source(%dma_start3A_66 : memref<10240x128xf32, #tpu.memory_space<hbm>>) target(%arg8 : memref<128x128xf32, #tpu.memory_space<vmem>>) offsets(%dma_start3A_63 : memref<128xi32, #tpu.memory_space<vmem>>) semaphore(%arg10 : memref<!tpu.dma_semaphore, #tpu.memory_space<semaphore_mem>>)
      } else {
      }
      %sub3A = arith.constant 1 : i32
      %sub3A_28 = arith.subi %add3A_19, %sub3A : i32
      %ge3A_29 = arith.constant 0 : i32
      %ge3A_30 = arith.cmpi sge, %sub3A_28, %ge3A_29 : i32
      %lt3A_31 = arith.constant 40 : i32
      %lt3A_32 = arith.cmpi slt, %sub3A_28, %lt3A_31 : i32
      %and3A_33 = arith.andi %ge3A_30, %lt3A_32 : i1
      %convert_element_type3A_34 = arith.extui %and3A_33 : i1 to i32
      %cond3A_35 = arith.constant 0 : i32
      %cond3A_36 = arith.cmpi ne, %convert_element_type3A_34, %cond3A_35 : i32
      scf.if %cond3A_36 {
        %dma_wait3A = arith.constant 0 : i32
        %dma_wait3A_62 = arith.constant 0 : i32
        %dma_wait3A_63 = tpu.memref_slice %arg4[%dma_wait3A, %dma_wait3A_62] : memref<10240x128xf32, #tpu.memory_space<hbm>> -> memref<128x128xf32, #tpu.memory_space<hbm>>
        %dma_wait3A_64 = arith.constant 0 : i32
        %dma_wait3A_65 = arith.constant 0 : i32
        %dma_wait3A_66 = tpu.memref_slice %arg4[%dma_wait3A_64, %dma_wait3A_65] : memref<10240x128xf32, #tpu.memory_space<hbm>> -> memref<128x128xf32, #tpu.memory_space<hbm>>
        tpu.wait_dma2 semaphore(%arg11 : memref<!tpu.dma_semaphore, #tpu.memory_space<semaphore_mem>>) src(%dma_wait3A_66 : memref<128x128xf32, #tpu.memory_space<hbm>>) dst(%arg9 : memref<128x128xf32, #tpu.memory_space<vmem>>)
        %dma_start3A = arith.constant 0 : i32
        %dma_start3A_67 = tpu.memref_slice %arg7[%sub3A_28, %dma_start3A] : memref<40x128xi32, #tpu.memory_space<vmem>> -> memref<1x128xi32, #tpu.memory_space<vmem>>
        %dma_start3A_68 = tpu.memref_squeeze %dma_start3A_67 : memref<1x128xi32, #tpu.memory_space<vmem>> -> memref<128xi32, #tpu.memory_space<vmem>>
        %dma_start3A_69 = arith.constant 0 : i32
        %dma_start3A_70 = arith.constant 0 : i32
        %dma_start3A_71 = tpu.memref_slice %arg14[%dma_start3A_69, %dma_start3A_70] : memref<10240x128xf32, #tpu.memory_space<vmem_shared>> -> memref<10240x128xf32, #tpu.memory_space<vmem_shared>>
        tpu.enqueue_indirect_dma source(%arg9 : memref<128x128xf32, #tpu.memory_space<vmem>>) target(%dma_start3A_71 : memref<10240x128xf32, #tpu.memory_space<vmem_shared>>) offsets(%dma_start3A_68 : memref<128xi32, #tpu.memory_space<vmem>>) semaphore(%arg13 : memref<!tpu.dma_semaphore, #tpu.memory_space<semaphore_mem>>) {add = true}
      } else {
      }
      %add3A_37 = arith.constant 1 : i32
      %add3A_38 = arith.addi %mul3A_17, %add3A_37 : i32
      %ge3A_39 = arith.constant 2 : i32
      %ge3A_40 = arith.cmpi sge, %add3A_38, %ge3A_39 : i32
      %lt3A_41 = arith.constant 42 : i32
      %lt3A_42 = arith.cmpi slt, %add3A_38, %lt3A_41 : i32
      %and3A_43 = arith.andi %ge3A_40, %lt3A_42 : i1
      %convert_element_type3A_44 = arith.extui %and3A_43 : i1 to i32
      %cond3A_45 = arith.constant 0 : i32
      %cond3A_46 = arith.cmpi ne, %convert_element_type3A_44, %cond3A_45 : i32
      scf.if %cond3A_46 {
        %dma_wait3A = arith.constant 0 : i32
        %dma_wait3A_62 = arith.constant 0 : i32
        %dma_wait3A_63 = tpu.memref_slice %arg14[%dma_wait3A, %dma_wait3A_62] : memref<10240x128xf32, #tpu.memory_space<vmem_shared>> -> memref<128x128xf32, #tpu.memory_space<vmem_shared>>
        %dma_wait3A_64 = arith.constant 0 : i32
        %dma_wait3A_65 = arith.constant 0 : i32
        %dma_wait3A_66 = tpu.memref_slice %arg14[%dma_wait3A_64, %dma_wait3A_65] : memref<10240x128xf32, #tpu.memory_space<vmem_shared>> -> memref<128x128xf32, #tpu.memory_space<vmem_shared>>
        tpu.wait_dma2 semaphore(%arg13 : memref<!tpu.dma_semaphore, #tpu.memory_space<semaphore_mem>>) src(%arg9 : memref<128x128xf32, #tpu.memory_space<vmem>>) dst(%dma_wait3A_66 : memref<128x128xf32, #tpu.memory_space<vmem_shared>>)
      } else {
      }
      %lt3A_47 = arith.constant 40 : i32
      %lt3A_48 = arith.cmpi slt, %add3A_38, %lt3A_47 : i32
      %convert_element_type3A_49 = arith.extui %lt3A_48 : i1 to i32
      %cond3A_50 = arith.constant 0 : i32
      %cond3A_51 = arith.cmpi ne, %convert_element_type3A_49, %cond3A_50 : i32
      scf.if %cond3A_51 {
        %dma_start3A = arith.constant 0 : i32
        %dma_start3A_62 = tpu.memref_slice %arg6[%add3A_38, %dma_start3A] : memref<40x128xi32, #tpu.memory_space<vmem>> -> memref<1x128xi32, #tpu.memory_space<vmem>>
        %dma_start3A_63 = tpu.memref_squeeze %dma_start3A_62 : memref<1x128xi32, #tpu.memory_space<vmem>> -> memref<128xi32, #tpu.memory_space<vmem>>
        %dma_start3A_64 = arith.constant 0 : i32
        %dma_start3A_65 = arith.constant 0 : i32
        %dma_start3A_66 = tpu.memref_slice %arg4[%dma_start3A_64, %dma_start3A_65] : memref<10240x128xf32, #tpu.memory_space<hbm>> -> memref<10240x128xf32, #tpu.memory_space<hbm>>
        tpu.enqueue_indirect_dma source(%dma_start3A_66 : memref<10240x128xf32, #tpu.memory_space<hbm>>) target(%arg9 : memref<128x128xf32, #tpu.memory_space<vmem>>) offsets(%dma_start3A_63 : memref<128xi32, #tpu.memory_space<vmem>>) semaphore(%arg11 : memref<!tpu.dma_semaphore, #tpu.memory_space<semaphore_mem>>)
      } else {
      }
      %sub3A_52 = arith.constant 1 : i32
      %sub3A_53 = arith.subi %add3A_38, %sub3A_52 : i32
      %ge3A_54 = arith.constant 0 : i32
      %ge3A_55 = arith.cmpi sge, %sub3A_53, %ge3A_54 : i32
      %lt3A_56 = arith.constant 40 : i32
      %lt3A_57 = arith.cmpi slt, %sub3A_53, %lt3A_56 : i32
      %and3A_58 = arith.andi %ge3A_55, %lt3A_57 : i1
      %convert_element_type3A_59 = arith.extui %and3A_58 : i1 to i32
      %cond3A_60 = arith.constant 0 : i32
      %cond3A_61 = arith.cmpi ne, %convert_element_type3A_59, %cond3A_60 : i32
      scf.if %cond3A_61 {
        %dma_wait3A = arith.constant 0 : i32
        %dma_wait3A_62 = arith.constant 0 : i32
        %dma_wait3A_63 = tpu.memref_slice %arg4[%dma_wait3A, %dma_wait3A_62] : memref<10240x128xf32, #tpu.memory_space<hbm>> -> memref<128x128xf32, #tpu.memory_space<hbm>>
        %dma_wait3A_64 = arith.constant 0 : i32
        %dma_wait3A_65 = arith.constant 0 : i32
        %dma_wait3A_66 = tpu.memref_slice %arg4[%dma_wait3A_64, %dma_wait3A_65] : memref<10240x128xf32, #tpu.memory_space<hbm>> -> memref<128x128xf32, #tpu.memory_space<hbm>>
        tpu.wait_dma2 semaphore(%arg10 : memref<!tpu.dma_semaphore, #tpu.memory_space<semaphore_mem>>) src(%dma_wait3A_66 : memref<128x128xf32, #tpu.memory_space<hbm>>) dst(%arg8 : memref<128x128xf32, #tpu.memory_space<vmem>>)
        %dma_start3A = arith.constant 0 : i32
        %dma_start3A_67 = tpu.memref_slice %arg7[%sub3A_53, %dma_start3A] : memref<40x128xi32, #tpu.memory_space<vmem>> -> memref<1x128xi32, #tpu.memory_space<vmem>>
        %dma_start3A_68 = tpu.memref_squeeze %dma_start3A_67 : memref<1x128xi32, #tpu.memory_space<vmem>> -> memref<128xi32, #tpu.memory_space<vmem>>
        %dma_start3A_69 = arith.constant 0 : i32
        %dma_start3A_70 = arith.constant 0 : i32
        %dma_start3A_71 = tpu.memref_slice %arg14[%dma_start3A_69, %dma_start3A_70] : memref<10240x128xf32, #tpu.memory_space<vmem_shared>> -> memref<10240x128xf32, #tpu.memory_space<vmem_shared>>
        tpu.enqueue_indirect_dma source(%arg8 : memref<128x128xf32, #tpu.memory_space<vmem>>) target(%dma_start3A_71 : memref<10240x128xf32, #tpu.memory_space<vmem_shared>>) offsets(%dma_start3A_68 : memref<128xi32, #tpu.memory_space<vmem>>) semaphore(%arg12 : memref<!tpu.dma_semaphore, #tpu.memory_space<semaphore_mem>>) {add = true}
      } else {
      }
    }
    %scan3A_13 = arith.constant 21 : i32
    %barrier3A_14 = arith.constant 0 : index
    tpu.barrier barrier_id(%barrier3A_14)
    "tpu.region"() ({
      %run_scoped3A = tpu.sem_alloc : memref<!tpu.dma_semaphore, #tpu.memory_space<semaphore_mem>>
      %dma_start3A = arith.constant 0 : i32
      %dma_start3A_15 = tpu.memref_slice %arg5[%arg0, %mul3A_2, %dma_start3A] : memref<2x10240x128xf32, #tpu.memory_space<hbm>> -> memref<1x640x128xf32, #tpu.memory_space<hbm>>
      %dma_start3A_16 = tpu.memref_squeeze %dma_start3A_15 : memref<1x640x128xf32, #tpu.memory_space<hbm>> -> memref<640x128xf32, #tpu.memory_space<hbm>>
      %dma_start3A_17 = arith.constant 0 : i32
      %dma_start3A_18 = tpu.memref_slice %arg14[%mul3A_2, %dma_start3A_17] : memref<10240x128xf32, #tpu.memory_space<vmem_shared>> -> memref<640x128xf32, #tpu.memory_space<vmem_shared>>
      tpu.enqueue_dma source(%dma_start3A_18 : memref<640x128xf32, #tpu.memory_space<vmem_shared>>) target(%dma_start3A_16 : memref<640x128xf32, #tpu.memory_space<hbm>>) target_semaphore(%run_scoped3A : memref<!tpu.dma_semaphore, #tpu.memory_space<semaphore_mem>>)
      %dma_wait3A = arith.constant 0 : i32
      %dma_wait3A_19 = tpu.memref_slice %arg5[%arg0, %mul3A_2, %dma_wait3A] : memref<2x10240x128xf32, #tpu.memory_space<hbm>> -> memref<1x640x128xf32, #tpu.memory_space<hbm>>
      %dma_wait3A_20 = tpu.memref_squeeze %dma_wait3A_19 : memref<1x640x128xf32, #tpu.memory_space<hbm>> -> memref<640x128xf32, #tpu.memory_space<hbm>>
      %dma_wait3A_21 = arith.constant 0 : i32
      %dma_wait3A_22 = tpu.memref_slice %arg14[%mul3A_2, %dma_wait3A_21] : memref<10240x128xf32, #tpu.memory_space<vmem_shared>> -> memref<640x128xf32, #tpu.memory_space<vmem_shared>>
      tpu.wait_dma2 semaphore(%run_scoped3A : memref<!tpu.dma_semaphore, #tpu.memory_space<semaphore_mem>>) src(%dma_wait3A_22 : memref<640x128xf32, #tpu.memory_space<vmem_shared>>) dst(%dma_wait3A_20 : memref<640x128xf32, #tpu.memory_space<hbm>>)
      tpu.yield
    }) : () -> ()
    return
  }
}

#map = affine_map<(d0, d1) -> (0, 0, 0)>
#map1 = affine_map<(d0, d1) -> (0, 0)>
module attributes {stable_mosaic.version = 14 : i64} {
  func.func @_spmm_kernel(%arg0: i32, %arg1: i32, %arg2: memref<32x80x128xi32, #tpu.memory_space<hbm>>, %arg3: memref<32x80x128xi32, #tpu.memory_space<hbm>>, %arg4: memref<10240x128xf32, #tpu.memory_space<hbm>>, %arg5: memref<2x10240x128xf32, #tpu.memory_space<hbm>>, %arg6: memref<40x128xi32, #tpu.memory_space<vmem>>, %arg7: memref<40x128xi32, #tpu.memory_space<vmem>>, %arg8: memref<128x128xf32, #tpu.memory_space<vmem>>, %arg9: memref<128x128xf32, #tpu.memory_space<vmem>>, %arg10: memref<!tpu.dma_semaphore, #tpu.memory_space<semaphore_mem>>, %arg11: memref<!tpu.dma_semaphore, #tpu.memory_space<semaphore_mem>>, %arg12: memref<!tpu.dma_semaphore, #tpu.memory_space<semaphore_mem>>, %arg13: memref<!tpu.dma_semaphore, #tpu.memory_space<semaphore_mem>>, %arg14: memref<10240x128xf32, #tpu.memory_space<vmem_shared>>) attributes {dimension_semantics = [#tpu.dimension_semantics<core_parallel>, #tpu.dimension_semantics<subcore_parallel>], iteration_bounds = array<i64: 2, 16>, scalar_prefetch = 0 : i64, scratch_operands = 9 : i64, tpu.core_type = #tpu.core_type<sc_vector_subcore>, window_params = [{transform_indices = #map}, {transform_indices = #map}, {transform_indices = #map1}, {transform_indices = #map}]} {
    %mul3A = arith.constant 2 : i32
    %mul3A_0 = arith.muli %arg1, %mul3A : i32
    %add3A = arith.addi %mul3A_0, %arg0 : i32
    %mul3A_1 = arith.constant 640 : i32
    %mul3A_2 = arith.muli %arg1, %mul3A_1 : i32
    "tpu.region"() ({
      %run_scoped3A = tpu.sem_alloc : memref<!tpu.dma_semaphore, #tpu.memory_space<semaphore_mem>>
      %dma_start3A = arith.constant 0 : i32
      %dma_start3A_15 = tpu.memref_slice %arg14[%mul3A_2, %dma_start3A] : memref<10240x128xf32, #tpu.memory_space<vmem_shared>> -> memref<640x128xf32, #tpu.memory_space<vmem_shared>>
      %dma_start3A_16 = arith.constant 0 : i32
      %dma_start3A_17 = tpu.memref_slice %arg4[%mul3A_2, %dma_start3A_16] : memref<10240x128xf32, #tpu.memory_space<hbm>> -> memref<640x128xf32, #tpu.memory_space<hbm>>
      tpu.enqueue_dma source(%dma_start3A_17 : memref<640x128xf32, #tpu.memory_space<hbm>>) target(%dma_start3A_15 : memref<640x128xf32, #tpu.memory_space<vmem_shared>>) target_semaphore(%run_scoped3A : memref<!tpu.dma_semaphore, #tpu.memory_space<semaphore_mem>>)
      %dma_wait3A = arith.constant 0 : i32
      %dma_wait3A_18 = tpu.memref_slice %arg14[%mul3A_2, %dma_wait3A] : memref<10240x128xf32, #tpu.memory_space<vmem_shared>> -> memref<640x128xf32, #tpu.memory_space<vmem_shared>>
      %dma_wait3A_19 = arith.constant 0 : i32
      %dma_wait3A_20 = tpu.memref_slice %arg4[%mul3A_2, %dma_wait3A_19] : memref<10240x128xf32, #tpu.memory_space<hbm>> -> memref<640x128xf32, #tpu.memory_space<hbm>>
      tpu.wait_dma2 semaphore(%run_scoped3A : memref<!tpu.dma_semaphore, #tpu.memory_space<semaphore_mem>>) src(%dma_wait3A_20 : memref<640x128xf32, #tpu.memory_space<hbm>>) dst(%dma_wait3A_18 : memref<640x128xf32, #tpu.memory_space<vmem_shared>>)
      tpu.yield
    }) : () -> ()
    %barrier3A = arith.constant 0 : index
    tpu.barrier barrier_id(%barrier3A)
    "tpu.region"() ({
      %run_scoped3A = tpu.sem_alloc : memref<!tpu.dma_semaphore, #tpu.memory_space<semaphore_mem>>
      %dma_start3A = arith.constant 0 : i32
      %dma_start3A_15 = arith.constant 0 : i32
      %dma_start3A_16 = tpu.memref_slice %arg2[%add3A, %dma_start3A, %dma_start3A_15] : memref<32x80x128xi32, #tpu.memory_space<hbm>> -> memref<1x40x128xi32, #tpu.memory_space<hbm>>
      %dma_start3A_17 = tpu.memref_squeeze %dma_start3A_16 : memref<1x40x128xi32, #tpu.memory_space<hbm>> -> memref<40x128xi32, #tpu.memory_space<hbm>>
      %dma_start3A_18 = arith.constant 0 : i32
      %dma_start3A_19 = arith.constant 0 : i32
      %dma_start3A_20 = tpu.memref_slice %arg2[%add3A, %dma_start3A_18, %dma_start3A_19] : memref<32x80x128xi32, #tpu.memory_space<hbm>> -> memref<1x40x128xi32, #tpu.memory_space<hbm>>
      %dma_start3A_21 = tpu.memref_squeeze %dma_start3A_20 : memref<1x40x128xi32, #tpu.memory_space<hbm>> -> memref<40x128xi32, #tpu.memory_space<hbm>>
      tpu.enqueue_dma source(%dma_start3A_21 : memref<40x128xi32, #tpu.memory_space<hbm>>) target(%arg6 : memref<40x128xi32, #tpu.memory_space<vmem>>) target_semaphore(%run_scoped3A : memref<!tpu.dma_semaphore, #tpu.memory_space<semaphore_mem>>)
      %dma_wait3A = arith.constant 0 : i32
      %dma_wait3A_22 = arith.constant 0 : i32
      %dma_wait3A_23 = tpu.memref_slice %arg2[%add3A, %dma_wait3A, %dma_wait3A_22] : memref<32x80x128xi32, #tpu.memory_space<hbm>> -> memref<1x40x128xi32, #tpu.memory_space<hbm>>
      %dma_wait3A_24 = tpu.memref_squeeze %dma_wait3A_23 : memref<1x40x128xi32, #tpu.memory_space<hbm>> -> memref<40x128xi32, #tpu.memory_space<hbm>>
      %dma_wait3A_25 = arith.constant 0 : i32
      %dma_wait3A_26 = arith.constant 0 : i32
      %dma_wait3A_27 = tpu.memref_slice %arg2[%add3A, %dma_wait3A_25, %dma_wait3A_26] : memref<32x80x128xi32, #tpu.memory_space<hbm>> -> memref<1x40x128xi32, #tpu.memory_space<hbm>>
      %dma_wait3A_28 = tpu.memref_squeeze %dma_wait3A_27 : memref<1x40x128xi32, #tpu.memory_space<hbm>> -> memref<40x128xi32, #tpu.memory_space<hbm>>
      tpu.wait_dma2 semaphore(%run_scoped3A : memref<!tpu.dma_semaphore, #tpu.memory_space<semaphore_mem>>) src(%dma_wait3A_28 : memref<40x128xi32, #tpu.memory_space<hbm>>) dst(%arg6 : memref<40x128xi32, #tpu.memory_space<vmem>>)
      tpu.yield
    }) : () -> ()
    "tpu.region"() ({
      %run_scoped3A = tpu.sem_alloc : memref<!tpu.dma_semaphore, #tpu.memory_space<semaphore_mem>>
      %dma_start3A = arith.constant 0 : i32
      %dma_start3A_15 = arith.constant 0 : i32
      %dma_start3A_16 = tpu.memref_slice %arg3[%add3A, %dma_start3A, %dma_start3A_15] : memref<32x80x128xi32, #tpu.memory_space<hbm>> -> memref<1x40x128xi32, #tpu.memory_space<hbm>>
      %dma_start3A_17 = tpu.memref_squeeze %dma_start3A_16 : memref<1x40x128xi32, #tpu.memory_space<hbm>> -> memref<40x128xi32, #tpu.memory_space<hbm>>
      %dma_start3A_18 = arith.constant 0 : i32
      %dma_start3A_19 = arith.constant 0 : i32
      %dma_start3A_20 = tpu.memref_slice %arg3[%add3A, %dma_start3A_18, %dma_start3A_19] : memref<32x80x128xi32, #tpu.memory_space<hbm>> -> memref<1x40x128xi32, #tpu.memory_space<hbm>>
      %dma_start3A_21 = tpu.memref_squeeze %dma_start3A_20 : memref<1x40x128xi32, #tpu.memory_space<hbm>> -> memref<40x128xi32, #tpu.memory_space<hbm>>
      tpu.enqueue_dma source(%dma_start3A_21 : memref<40x128xi32, #tpu.memory_space<hbm>>) target(%arg7 : memref<40x128xi32, #tpu.memory_space<vmem>>) target_semaphore(%run_scoped3A : memref<!tpu.dma_semaphore, #tpu.memory_space<semaphore_mem>>)
      %dma_wait3A = arith.constant 0 : i32
      %dma_wait3A_22 = arith.constant 0 : i32
      %dma_wait3A_23 = tpu.memref_slice %arg3[%add3A, %dma_wait3A, %dma_wait3A_22] : memref<32x80x128xi32, #tpu.memory_space<hbm>> -> memref<1x40x128xi32, #tpu.memory_space<hbm>>
      %dma_wait3A_24 = tpu.memref_squeeze %dma_wait3A_23 : memref<1x40x128xi32, #tpu.memory_space<hbm>> -> memref<40x128xi32, #tpu.memory_space<hbm>>
      %dma_wait3A_25 = arith.constant 0 : i32
      %dma_wait3A_26 = arith.constant 0 : i32
      %dma_wait3A_27 = tpu.memref_slice %arg3[%add3A, %dma_wait3A_25, %dma_wait3A_26] : memref<32x80x128xi32, #tpu.memory_space<hbm>> -> memref<1x40x128xi32, #tpu.memory_space<hbm>>
      %dma_wait3A_28 = tpu.memref_squeeze %dma_wait3A_27 : memref<1x40x128xi32, #tpu.memory_space<hbm>> -> memref<40x128xi32, #tpu.memory_space<hbm>>
      tpu.wait_dma2 semaphore(%run_scoped3A : memref<!tpu.dma_semaphore, #tpu.memory_space<semaphore_mem>>) src(%dma_wait3A_28 : memref<40x128xi32, #tpu.memory_space<hbm>>) dst(%arg7 : memref<40x128xi32, #tpu.memory_space<vmem>>)
      tpu.yield
    }) : () -> ()
    %scan3A = arith.constant 0 : i32
    %scan3A_3 = arith.constant 0 : i32
    %scan3A_4 = arith.constant 21 : i32
    %scan3A_5 = arith.addi %scan3A_3, %scan3A_4 : i32
    %scan3A_6 = arith.constant 1 : i32
    scf.for %scan3A_15 = %scan3A_3 to %scan3A_5 step %scan3A_6  : i32 {
      %mul3A_16 = arith.constant 2 : i32
      %mul3A_17 = arith.muli %scan3A_15, %mul3A_16 : i32
      %add3A_18 = arith.constant 0 : i32
      %add3A_19 = arith.addi %mul3A_17, %add3A_18 : i32
      %ge3A = arith.constant 2 : i32
      %ge3A_20 = arith.cmpi sge, %add3A_19, %ge3A : i32
      %lt3A = arith.constant 42 : i32
      %lt3A_21 = arith.cmpi slt, %add3A_19, %lt3A : i32
      %and3A = arith.andi %ge3A_20, %lt3A_21 : i1
      %convert_element_type3A = arith.extui %and3A : i1 to i32
      %cond3A = arith.constant 0 : i32
      %cond3A_22 = arith.cmpi ne, %convert_element_type3A, %cond3A : i32
      scf.if %cond3A_22 {
        %dma_wait3A = arith.constant 0 : i32
        %dma_wait3A_62 = arith.constant 0 : i32
        %dma_wait3A_63 = tpu.memref_slice %arg14[%dma_wait3A, %dma_wait3A_62] : memref<10240x128xf32, #tpu.memory_space<vmem_shared>> -> memref<128x128xf32, #tpu.memory_space<vmem_shared>>
        %dma_wait3A_64 = arith.constant 0 : i32
        %dma_wait3A_65 = arith.constant 0 : i32
        %dma_wait3A_66 = tpu.memref_slice %arg14[%dma_wait3A_64, %dma_wait3A_65] : memref<10240x128xf32, #tpu.memory_space<vmem_shared>> -> memref<128x128xf32, #tpu.memory_space<vmem_shared>>
        tpu.wait_dma2 semaphore(%arg12 : memref<!tpu.dma_semaphore, #tpu.memory_space<semaphore_mem>>) src(%arg8 : memref<128x128xf32, #tpu.memory_space<vmem>>) dst(%dma_wait3A_66 : memref<128x128xf32, #tpu.memory_space<vmem_shared>>)
      } else {
      }
      %lt3A_23 = arith.constant 40 : i32
      %lt3A_24 = arith.cmpi slt, %add3A_19, %lt3A_23 : i32
      %convert_element_type3A_25 = arith.extui %lt3A_24 : i1 to i32
      %cond3A_26 = arith.constant 0 : i32
      %cond3A_27 = arith.cmpi ne, %convert_element_type3A_25, %cond3A_26 : i32
      scf.if %cond3A_27 {
        %dma_start3A = arith.constant 0 : i32
        %dma_start3A_62 = tpu.memref_slice %arg6[%add3A_19, %dma_start3A] : memref<40x128xi32, #tpu.memory_space<vmem>> -> memref<1x128xi32, #tpu.memory_space<vmem>>
        %dma_start3A_63 = tpu.memref_squeeze %dma_start3A_62 : memref<1x128xi32, #tpu.memory_space<vmem>> -> memref<128xi32, #tpu.memory_space<vmem>>
        %dma_start3A_64 = arith.constant 0 : i32
        %dma_start3A_65 = arith.constant 0 : i32
        %dma_start3A_66 = tpu.memref_slice %arg4[%dma_start3A_64, %dma_start3A_65] : memref<10240x128xf32, #tpu.memory_space<hbm>> -> memref<10240x128xf32, #tpu.memory_space<hbm>>
        tpu.enqueue_indirect_dma source(%dma_start3A_66 : memref<10240x128xf32, #tpu.memory_space<hbm>>) target(%arg8 : memref<128x128xf32, #tpu.memory_space<vmem>>) offsets(%dma_start3A_63 : memref<128xi32, #tpu.memory_space<vmem>>) semaphore(%arg10 : memref<!tpu.dma_semaphore, #tpu.memory_space<semaphore_mem>>)
      } else {
      }
      %sub3A = arith.constant 1 : i32
      %sub3A_28 = arith.subi %add3A_19, %sub3A : i32
      %ge3A_29 = arith.constant 0 : i32
      %ge3A_30 = arith.cmpi sge, %sub3A_28, %ge3A_29 : i32
      %lt3A_31 = arith.constant 40 : i32
      %lt3A_32 = arith.cmpi slt, %sub3A_28, %lt3A_31 : i32
      %and3A_33 = arith.andi %ge3A_30, %lt3A_32 : i1
      %convert_element_type3A_34 = arith.extui %and3A_33 : i1 to i32
      %cond3A_35 = arith.constant 0 : i32
      %cond3A_36 = arith.cmpi ne, %convert_element_type3A_34, %cond3A_35 : i32
      scf.if %cond3A_36 {
        %dma_wait3A = arith.constant 0 : i32
        %dma_wait3A_62 = arith.constant 0 : i32
        %dma_wait3A_63 = tpu.memref_slice %arg4[%dma_wait3A, %dma_wait3A_62] : memref<10240x128xf32, #tpu.memory_space<hbm>> -> memref<128x128xf32, #tpu.memory_space<hbm>>
        %dma_wait3A_64 = arith.constant 0 : i32
        %dma_wait3A_65 = arith.constant 0 : i32
        %dma_wait3A_66 = tpu.memref_slice %arg4[%dma_wait3A_64, %dma_wait3A_65] : memref<10240x128xf32, #tpu.memory_space<hbm>> -> memref<128x128xf32, #tpu.memory_space<hbm>>
        tpu.wait_dma2 semaphore(%arg11 : memref<!tpu.dma_semaphore, #tpu.memory_space<semaphore_mem>>) src(%dma_wait3A_66 : memref<128x128xf32, #tpu.memory_space<hbm>>) dst(%arg9 : memref<128x128xf32, #tpu.memory_space<vmem>>)
        %dma_start3A = arith.constant 0 : i32
        %dma_start3A_67 = tpu.memref_slice %arg7[%sub3A_28, %dma_start3A] : memref<40x128xi32, #tpu.memory_space<vmem>> -> memref<1x128xi32, #tpu.memory_space<vmem>>
        %dma_start3A_68 = tpu.memref_squeeze %dma_start3A_67 : memref<1x128xi32, #tpu.memory_space<vmem>> -> memref<128xi32, #tpu.memory_space<vmem>>
        %dma_start3A_69 = arith.constant 0 : i32
        %dma_start3A_70 = arith.constant 0 : i32
        %dma_start3A_71 = tpu.memref_slice %arg14[%dma_start3A_69, %dma_start3A_70] : memref<10240x128xf32, #tpu.memory_space<vmem_shared>> -> memref<10240x128xf32, #tpu.memory_space<vmem_shared>>
        tpu.enqueue_indirect_dma source(%arg9 : memref<128x128xf32, #tpu.memory_space<vmem>>) target(%dma_start3A_71 : memref<10240x128xf32, #tpu.memory_space<vmem_shared>>) offsets(%dma_start3A_68 : memref<128xi32, #tpu.memory_space<vmem>>) semaphore(%arg13 : memref<!tpu.dma_semaphore, #tpu.memory_space<semaphore_mem>>) {add = true}
      } else {
      }
      %add3A_37 = arith.constant 1 : i32
      %add3A_38 = arith.addi %mul3A_17, %add3A_37 : i32
      %ge3A_39 = arith.constant 2 : i32
      %ge3A_40 = arith.cmpi sge, %add3A_38, %ge3A_39 : i32
      %lt3A_41 = arith.constant 42 : i32
      %lt3A_42 = arith.cmpi slt, %add3A_38, %lt3A_41 : i32
      %and3A_43 = arith.andi %ge3A_40, %lt3A_42 : i1
      %convert_element_type3A_44 = arith.extui %and3A_43 : i1 to i32
      %cond3A_45 = arith.constant 0 : i32
      %cond3A_46 = arith.cmpi ne, %convert_element_type3A_44, %cond3A_45 : i32
      scf.if %cond3A_46 {
        %dma_wait3A = arith.constant 0 : i32
        %dma_wait3A_62 = arith.constant 0 : i32
        %dma_wait3A_63 = tpu.memref_slice %arg14[%dma_wait3A, %dma_wait3A_62] : memref<10240x128xf32, #tpu.memory_space<vmem_shared>> -> memref<128x128xf32, #tpu.memory_space<vmem_shared>>
        %dma_wait3A_64 = arith.constant 0 : i32
        %dma_wait3A_65 = arith.constant 0 : i32
        %dma_wait3A_66 = tpu.memref_slice %arg14[%dma_wait3A_64, %dma_wait3A_65] : memref<10240x128xf32, #tpu.memory_space<vmem_shared>> -> memref<128x128xf32, #tpu.memory_space<vmem_shared>>
        tpu.wait_dma2 semaphore(%arg13 : memref<!tpu.dma_semaphore, #tpu.memory_space<semaphore_mem>>) src(%arg9 : memref<128x128xf32, #tpu.memory_space<vmem>>) dst(%dma_wait3A_66 : memref<128x128xf32, #tpu.memory_space<vmem_shared>>)
      } else {
      }
      %lt3A_47 = arith.constant 40 : i32
      %lt3A_48 = arith.cmpi slt, %add3A_38, %lt3A_47 : i32
      %convert_element_type3A_49 = arith.extui %lt3A_48 : i1 to i32
      %cond3A_50 = arith.constant 0 : i32
      %cond3A_51 = arith.cmpi ne, %convert_element_type3A_49, %cond3A_50 : i32
      scf.if %cond3A_51 {
        %dma_start3A = arith.constant 0 : i32
        %dma_start3A_62 = tpu.memref_slice %arg6[%add3A_38, %dma_start3A] : memref<40x128xi32, #tpu.memory_space<vmem>> -> memref<1x128xi32, #tpu.memory_space<vmem>>
        %dma_start3A_63 = tpu.memref_squeeze %dma_start3A_62 : memref<1x128xi32, #tpu.memory_space<vmem>> -> memref<128xi32, #tpu.memory_space<vmem>>
        %dma_start3A_64 = arith.constant 0 : i32
        %dma_start3A_65 = arith.constant 0 : i32
        %dma_start3A_66 = tpu.memref_slice %arg4[%dma_start3A_64, %dma_start3A_65] : memref<10240x128xf32, #tpu.memory_space<hbm>> -> memref<10240x128xf32, #tpu.memory_space<hbm>>
        tpu.enqueue_indirect_dma source(%dma_start3A_66 : memref<10240x128xf32, #tpu.memory_space<hbm>>) target(%arg9 : memref<128x128xf32, #tpu.memory_space<vmem>>) offsets(%dma_start3A_63 : memref<128xi32, #tpu.memory_space<vmem>>) semaphore(%arg11 : memref<!tpu.dma_semaphore, #tpu.memory_space<semaphore_mem>>)
      } else {
      }
      %sub3A_52 = arith.constant 1 : i32
      %sub3A_53 = arith.subi %add3A_38, %sub3A_52 : i32
      %ge3A_54 = arith.constant 0 : i32
      %ge3A_55 = arith.cmpi sge, %sub3A_53, %ge3A_54 : i32
      %lt3A_56 = arith.constant 40 : i32
      %lt3A_57 = arith.cmpi slt, %sub3A_53, %lt3A_56 : i32
      %and3A_58 = arith.andi %ge3A_55, %lt3A_57 : i1
      %convert_element_type3A_59 = arith.extui %and3A_58 : i1 to i32
      %cond3A_60 = arith.constant 0 : i32
      %cond3A_61 = arith.cmpi ne, %convert_element_type3A_59, %cond3A_60 : i32
      scf.if %cond3A_61 {
        %dma_wait3A = arith.constant 0 : i32
        %dma_wait3A_62 = arith.constant 0 : i32
        %dma_wait3A_63 = tpu.memref_slice %arg4[%dma_wait3A, %dma_wait3A_62] : memref<10240x128xf32, #tpu.memory_space<hbm>> -> memref<128x128xf32, #tpu.memory_space<hbm>>
        %dma_wait3A_64 = arith.constant 0 : i32
        %dma_wait3A_65 = arith.constant 0 : i32
        %dma_wait3A_66 = tpu.memref_slice %arg4[%dma_wait3A_64, %dma_wait3A_65] : memref<10240x128xf32, #tpu.memory_space<hbm>> -> memref<128x128xf32, #tpu.memory_space<hbm>>
        tpu.wait_dma2 semaphore(%arg10 : memref<!tpu.dma_semaphore, #tpu.memory_space<semaphore_mem>>) src(%dma_wait3A_66 : memref<128x128xf32, #tpu.memory_space<hbm>>) dst(%arg8 : memref<128x128xf32, #tpu.memory_space<vmem>>)
        %dma_start3A = arith.constant 0 : i32
        %dma_start3A_67 = tpu.memref_slice %arg7[%sub3A_53, %dma_start3A] : memref<40x128xi32, #tpu.memory_space<vmem>> -> memref<1x128xi32, #tpu.memory_space<vmem>>
        %dma_start3A_68 = tpu.memref_squeeze %dma_start3A_67 : memref<1x128xi32, #tpu.memory_space<vmem>> -> memref<128xi32, #tpu.memory_space<vmem>>
        %dma_start3A_69 = arith.constant 0 : i32
        %dma_start3A_70 = arith.constant 0 : i32
        %dma_start3A_71 = tpu.memref_slice %arg14[%dma_start3A_69, %dma_start3A_70] : memref<10240x128xf32, #tpu.memory_space<vmem_shared>> -> memref<10240x128xf32, #tpu.memory_space<vmem_shared>>
        tpu.enqueue_indirect_dma source(%arg8 : memref<128x128xf32, #tpu.memory_space<vmem>>) target(%dma_start3A_71 : memref<10240x128xf32, #tpu.memory_space<vmem_shared>>) offsets(%dma_start3A_68 : memref<128xi32, #tpu.memory_space<vmem>>) semaphore(%arg12 : memref<!tpu.dma_semaphore, #tpu.memory_space<semaphore_mem>>) {add = true}
      } else {
      }
    }
    %scan3A_7 = arith.constant 21 : i32
    "tpu.region"() ({
      %run_scoped3A = tpu.sem_alloc : memref<!tpu.dma_semaphore, #tpu.memory_space<semaphore_mem>>
      %dma_start3A = arith.constant 40 : i32
      %dma_start3A_15 = arith.constant 0 : i32
      %dma_start3A_16 = tpu.memref_slice %arg2[%add3A, %dma_start3A, %dma_start3A_15] : memref<32x80x128xi32, #tpu.memory_space<hbm>> -> memref<1x40x128xi32, #tpu.memory_space<hbm>>
      %dma_start3A_17 = tpu.memref_squeeze %dma_start3A_16 : memref<1x40x128xi32, #tpu.memory_space<hbm>> -> memref<40x128xi32, #tpu.memory_space<hbm>>
      %dma_start3A_18 = arith.constant 40 : i32
      %dma_start3A_19 = arith.constant 0 : i32
      %dma_start3A_20 = tpu.memref_slice %arg2[%add3A, %dma_start3A_18, %dma_start3A_19] : memref<32x80x128xi32, #tpu.memory_space<hbm>> -> memref<1x40x128xi32, #tpu.memory_space<hbm>>
      %dma_start3A_21 = tpu.memref_squeeze %dma_start3A_20 : memref<1x40x128xi32, #tpu.memory_space<hbm>> -> memref<40x128xi32, #tpu.memory_space<hbm>>
      tpu.enqueue_dma source(%dma_start3A_21 : memref<40x128xi32, #tpu.memory_space<hbm>>) target(%arg6 : memref<40x128xi32, #tpu.memory_space<vmem>>) target_semaphore(%run_scoped3A : memref<!tpu.dma_semaphore, #tpu.memory_space<semaphore_mem>>)
      %dma_wait3A = arith.constant 40 : i32
      %dma_wait3A_22 = arith.constant 0 : i32
      %dma_wait3A_23 = tpu.memref_slice %arg2[%add3A, %dma_wait3A, %dma_wait3A_22] : memref<32x80x128xi32, #tpu.memory_space<hbm>> -> memref<1x40x128xi32, #tpu.memory_space<hbm>>
      %dma_wait3A_24 = tpu.memref_squeeze %dma_wait3A_23 : memref<1x40x128xi32, #tpu.memory_space<hbm>> -> memref<40x128xi32, #tpu.memory_space<hbm>>
      %dma_wait3A_25 = arith.constant 40 : i32
      %dma_wait3A_26 = arith.constant 0 : i32
      %dma_wait3A_27 = tpu.memref_slice %arg2[%add3A, %dma_wait3A_25, %dma_wait3A_26] : memref<32x80x128xi32, #tpu.memory_space<hbm>> -> memref<1x40x128xi32, #tpu.memory_space<hbm>>
      %dma_wait3A_28 = tpu.memref_squeeze %dma_wait3A_27 : memref<1x40x128xi32, #tpu.memory_space<hbm>> -> memref<40x128xi32, #tpu.memory_space<hbm>>
      tpu.wait_dma2 semaphore(%run_scoped3A : memref<!tpu.dma_semaphore, #tpu.memory_space<semaphore_mem>>) src(%dma_wait3A_28 : memref<40x128xi32, #tpu.memory_space<hbm>>) dst(%arg6 : memref<40x128xi32, #tpu.memory_space<vmem>>)
      tpu.yield
    }) : () -> ()
    "tpu.region"() ({
      %run_scoped3A = tpu.sem_alloc : memref<!tpu.dma_semaphore, #tpu.memory_space<semaphore_mem>>
      %dma_start3A = arith.constant 40 : i32
      %dma_start3A_15 = arith.constant 0 : i32
      %dma_start3A_16 = tpu.memref_slice %arg3[%add3A, %dma_start3A, %dma_start3A_15] : memref<32x80x128xi32, #tpu.memory_space<hbm>> -> memref<1x40x128xi32, #tpu.memory_space<hbm>>
      %dma_start3A_17 = tpu.memref_squeeze %dma_start3A_16 : memref<1x40x128xi32, #tpu.memory_space<hbm>> -> memref<40x128xi32, #tpu.memory_space<hbm>>
      %dma_start3A_18 = arith.constant 40 : i32
      %dma_start3A_19 = arith.constant 0 : i32
      %dma_start3A_20 = tpu.memref_slice %arg3[%add3A, %dma_start3A_18, %dma_start3A_19] : memref<32x80x128xi32, #tpu.memory_space<hbm>> -> memref<1x40x128xi32, #tpu.memory_space<hbm>>
      %dma_start3A_21 = tpu.memref_squeeze %dma_start3A_20 : memref<1x40x128xi32, #tpu.memory_space<hbm>> -> memref<40x128xi32, #tpu.memory_space<hbm>>
      tpu.enqueue_dma source(%dma_start3A_21 : memref<40x128xi32, #tpu.memory_space<hbm>>) target(%arg7 : memref<40x128xi32, #tpu.memory_space<vmem>>) target_semaphore(%run_scoped3A : memref<!tpu.dma_semaphore, #tpu.memory_space<semaphore_mem>>)
      %dma_wait3A = arith.constant 40 : i32
      %dma_wait3A_22 = arith.constant 0 : i32
      %dma_wait3A_23 = tpu.memref_slice %arg3[%add3A, %dma_wait3A, %dma_wait3A_22] : memref<32x80x128xi32, #tpu.memory_space<hbm>> -> memref<1x40x128xi32, #tpu.memory_space<hbm>>
      %dma_wait3A_24 = tpu.memref_squeeze %dma_wait3A_23 : memref<1x40x128xi32, #tpu.memory_space<hbm>> -> memref<40x128xi32, #tpu.memory_space<hbm>>
      %dma_wait3A_25 = arith.constant 40 : i32
      %dma_wait3A_26 = arith.constant 0 : i32
      %dma_wait3A_27 = tpu.memref_slice %arg3[%add3A, %dma_wait3A_25, %dma_wait3A_26] : memref<32x80x128xi32, #tpu.memory_space<hbm>> -> memref<1x40x128xi32, #tpu.memory_space<hbm>>
      %dma_wait3A_28 = tpu.memref_squeeze %dma_wait3A_27 : memref<1x40x128xi32, #tpu.memory_space<hbm>> -> memref<40x128xi32, #tpu.memory_space<hbm>>
      tpu.wait_dma2 semaphore(%run_scoped3A : memref<!tpu.dma_semaphore, #tpu.memory_space<semaphore_mem>>) src(%dma_wait3A_28 : memref<40x128xi32, #tpu.memory_space<hbm>>) dst(%arg7 : memref<40x128xi32, #tpu.memory_space<vmem>>)
      tpu.yield
    }) : () -> ()
    %scan3A_8 = arith.constant 0 : i32
    %scan3A_9 = arith.constant 0 : i32
    %scan3A_10 = arith.constant 21 : i32
    %scan3A_11 = arith.addi %scan3A_9, %scan3A_10 : i32
    %scan3A_12 = arith.constant 1 : i32
    scf.for %scan3A_15 = %scan3A_9 to %scan3A_11 step %scan3A_12  : i32 {
      %mul3A_16 = arith.constant 2 : i32
      %mul3A_17 = arith.muli %scan3A_15, %mul3A_16 : i32
      %add3A_18 = arith.constant 0 : i32
      %add3A_19 = arith.addi %mul3A_17, %add3A_18 : i32
      %ge3A = arith.constant 2 : i32
      %ge3A_20 = arith.cmpi sge, %add3A_19, %ge3A : i32
      %lt3A = arith.constant 42 : i32
      %lt3A_21 = arith.cmpi slt, %add3A_19, %lt3A : i32
      %and3A = arith.andi %ge3A_20, %lt3A_21 : i1
      %convert_element_type3A = arith.extui %and3A : i1 to i32
      %cond3A = arith.constant 0 : i32
      %cond3A_22 = arith.cmpi ne, %convert_element_type3A, %cond3A : i32
      scf.if %cond3A_22 {
        %dma_wait3A = arith.constant 0 : i32
        %dma_wait3A_62 = arith.constant 0 : i32
        %dma_wait3A_63 = tpu.memref_slice %arg14[%dma_wait3A, %dma_wait3A_62] : memref<10240x128xf32, #tpu.memory_space<vmem_shared>> -> memref<128x128xf32, #tpu.memory_space<vmem_shared>>
        %dma_wait3A_64 = arith.constant 0 : i32
        %dma_wait3A_65 = arith.constant 0 : i32
        %dma_wait3A_66 = tpu.memref_slice %arg14[%dma_wait3A_64, %dma_wait3A_65] : memref<10240x128xf32, #tpu.memory_space<vmem_shared>> -> memref<128x128xf32, #tpu.memory_space<vmem_shared>>
        tpu.wait_dma2 semaphore(%arg12 : memref<!tpu.dma_semaphore, #tpu.memory_space<semaphore_mem>>) src(%arg8 : memref<128x128xf32, #tpu.memory_space<vmem>>) dst(%dma_wait3A_66 : memref<128x128xf32, #tpu.memory_space<vmem_shared>>)
      } else {
      }
      %lt3A_23 = arith.constant 40 : i32
      %lt3A_24 = arith.cmpi slt, %add3A_19, %lt3A_23 : i32
      %convert_element_type3A_25 = arith.extui %lt3A_24 : i1 to i32
      %cond3A_26 = arith.constant 0 : i32
      %cond3A_27 = arith.cmpi ne, %convert_element_type3A_25, %cond3A_26 : i32
      scf.if %cond3A_27 {
        %dma_start3A = arith.constant 0 : i32
        %dma_start3A_62 = tpu.memref_slice %arg6[%add3A_19, %dma_start3A] : memref<40x128xi32, #tpu.memory_space<vmem>> -> memref<1x128xi32, #tpu.memory_space<vmem>>
        %dma_start3A_63 = tpu.memref_squeeze %dma_start3A_62 : memref<1x128xi32, #tpu.memory_space<vmem>> -> memref<128xi32, #tpu.memory_space<vmem>>
        %dma_start3A_64 = arith.constant 0 : i32
        %dma_start3A_65 = arith.constant 0 : i32
        %dma_start3A_66 = tpu.memref_slice %arg4[%dma_start3A_64, %dma_start3A_65] : memref<10240x128xf32, #tpu.memory_space<hbm>> -> memref<10240x128xf32, #tpu.memory_space<hbm>>
        tpu.enqueue_indirect_dma source(%dma_start3A_66 : memref<10240x128xf32, #tpu.memory_space<hbm>>) target(%arg8 : memref<128x128xf32, #tpu.memory_space<vmem>>) offsets(%dma_start3A_63 : memref<128xi32, #tpu.memory_space<vmem>>) semaphore(%arg10 : memref<!tpu.dma_semaphore, #tpu.memory_space<semaphore_mem>>)
      } else {
      }
      %sub3A = arith.constant 1 : i32
      %sub3A_28 = arith.subi %add3A_19, %sub3A : i32
      %ge3A_29 = arith.constant 0 : i32
      %ge3A_30 = arith.cmpi sge, %sub3A_28, %ge3A_29 : i32
      %lt3A_31 = arith.constant 40 : i32
      %lt3A_32 = arith.cmpi slt, %sub3A_28, %lt3A_31 : i32
      %and3A_33 = arith.andi %ge3A_30, %lt3A_32 : i1
      %convert_element_type3A_34 = arith.extui %and3A_33 : i1 to i32
      %cond3A_35 = arith.constant 0 : i32
      %cond3A_36 = arith.cmpi ne, %convert_element_type3A_34, %cond3A_35 : i32
      scf.if %cond3A_36 {
        %dma_wait3A = arith.constant 0 : i32
        %dma_wait3A_62 = arith.constant 0 : i32
        %dma_wait3A_63 = tpu.memref_slice %arg4[%dma_wait3A, %dma_wait3A_62] : memref<10240x128xf32, #tpu.memory_space<hbm>> -> memref<128x128xf32, #tpu.memory_space<hbm>>
        %dma_wait3A_64 = arith.constant 0 : i32
        %dma_wait3A_65 = arith.constant 0 : i32
        %dma_wait3A_66 = tpu.memref_slice %arg4[%dma_wait3A_64, %dma_wait3A_65] : memref<10240x128xf32, #tpu.memory_space<hbm>> -> memref<128x128xf32, #tpu.memory_space<hbm>>
        tpu.wait_dma2 semaphore(%arg11 : memref<!tpu.dma_semaphore, #tpu.memory_space<semaphore_mem>>) src(%dma_wait3A_66 : memref<128x128xf32, #tpu.memory_space<hbm>>) dst(%arg9 : memref<128x128xf32, #tpu.memory_space<vmem>>)
        %dma_start3A = arith.constant 0 : i32
        %dma_start3A_67 = tpu.memref_slice %arg7[%sub3A_28, %dma_start3A] : memref<40x128xi32, #tpu.memory_space<vmem>> -> memref<1x128xi32, #tpu.memory_space<vmem>>
        %dma_start3A_68 = tpu.memref_squeeze %dma_start3A_67 : memref<1x128xi32, #tpu.memory_space<vmem>> -> memref<128xi32, #tpu.memory_space<vmem>>
        %dma_start3A_69 = arith.constant 0 : i32
        %dma_start3A_70 = arith.constant 0 : i32
        %dma_start3A_71 = tpu.memref_slice %arg14[%dma_start3A_69, %dma_start3A_70] : memref<10240x128xf32, #tpu.memory_space<vmem_shared>> -> memref<10240x128xf32, #tpu.memory_space<vmem_shared>>
        tpu.enqueue_indirect_dma source(%arg9 : memref<128x128xf32, #tpu.memory_space<vmem>>) target(%dma_start3A_71 : memref<10240x128xf32, #tpu.memory_space<vmem_shared>>) offsets(%dma_start3A_68 : memref<128xi32, #tpu.memory_space<vmem>>) semaphore(%arg13 : memref<!tpu.dma_semaphore, #tpu.memory_space<semaphore_mem>>) {add = true}
      } else {
      }
      %add3A_37 = arith.constant 1 : i32
      %add3A_38 = arith.addi %mul3A_17, %add3A_37 : i32
      %ge3A_39 = arith.constant 2 : i32
      %ge3A_40 = arith.cmpi sge, %add3A_38, %ge3A_39 : i32
      %lt3A_41 = arith.constant 42 : i32
      %lt3A_42 = arith.cmpi slt, %add3A_38, %lt3A_41 : i32
      %and3A_43 = arith.andi %ge3A_40, %lt3A_42 : i1
      %convert_element_type3A_44 = arith.extui %and3A_43 : i1 to i32
      %cond3A_45 = arith.constant 0 : i32
      %cond3A_46 = arith.cmpi ne, %convert_element_type3A_44, %cond3A_45 : i32
      scf.if %cond3A_46 {
        %dma_wait3A = arith.constant 0 : i32
        %dma_wait3A_62 = arith.constant 0 : i32
        %dma_wait3A_63 = tpu.memref_slice %arg14[%dma_wait3A, %dma_wait3A_62] : memref<10240x128xf32, #tpu.memory_space<vmem_shared>> -> memref<128x128xf32, #tpu.memory_space<vmem_shared>>
        %dma_wait3A_64 = arith.constant 0 : i32
        %dma_wait3A_65 = arith.constant 0 : i32
        %dma_wait3A_66 = tpu.memref_slice %arg14[%dma_wait3A_64, %dma_wait3A_65] : memref<10240x128xf32, #tpu.memory_space<vmem_shared>> -> memref<128x128xf32, #tpu.memory_space<vmem_shared>>
        tpu.wait_dma2 semaphore(%arg13 : memref<!tpu.dma_semaphore, #tpu.memory_space<semaphore_mem>>) src(%arg9 : memref<128x128xf32, #tpu.memory_space<vmem>>) dst(%dma_wait3A_66 : memref<128x128xf32, #tpu.memory_space<vmem_shared>>)
      } else {
      }
      %lt3A_47 = arith.constant 40 : i32
      %lt3A_48 = arith.cmpi slt, %add3A_38, %lt3A_47 : i32
      %convert_element_type3A_49 = arith.extui %lt3A_48 : i1 to i32
      %cond3A_50 = arith.constant 0 : i32
      %cond3A_51 = arith.cmpi ne, %convert_element_type3A_49, %cond3A_50 : i32
      scf.if %cond3A_51 {
        %dma_start3A = arith.constant 0 : i32
        %dma_start3A_62 = tpu.memref_slice %arg6[%add3A_38, %dma_start3A] : memref<40x128xi32, #tpu.memory_space<vmem>> -> memref<1x128xi32, #tpu.memory_space<vmem>>
        %dma_start3A_63 = tpu.memref_squeeze %dma_start3A_62 : memref<1x128xi32, #tpu.memory_space<vmem>> -> memref<128xi32, #tpu.memory_space<vmem>>
        %dma_start3A_64 = arith.constant 0 : i32
        %dma_start3A_65 = arith.constant 0 : i32
        %dma_start3A_66 = tpu.memref_slice %arg4[%dma_start3A_64, %dma_start3A_65] : memref<10240x128xf32, #tpu.memory_space<hbm>> -> memref<10240x128xf32, #tpu.memory_space<hbm>>
        tpu.enqueue_indirect_dma source(%dma_start3A_66 : memref<10240x128xf32, #tpu.memory_space<hbm>>) target(%arg9 : memref<128x128xf32, #tpu.memory_space<vmem>>) offsets(%dma_start3A_63 : memref<128xi32, #tpu.memory_space<vmem>>) semaphore(%arg11 : memref<!tpu.dma_semaphore, #tpu.memory_space<semaphore_mem>>)
      } else {
      }
      %sub3A_52 = arith.constant 1 : i32
      %sub3A_53 = arith.subi %add3A_38, %sub3A_52 : i32
      %ge3A_54 = arith.constant 0 : i32
      %ge3A_55 = arith.cmpi sge, %sub3A_53, %ge3A_54 : i32
      %lt3A_56 = arith.constant 40 : i32
      %lt3A_57 = arith.cmpi slt, %sub3A_53, %lt3A_56 : i32
      %and3A_58 = arith.andi %ge3A_55, %lt3A_57 : i1
      %convert_element_type3A_59 = arith.extui %and3A_58 : i1 to i32
      %cond3A_60 = arith.constant 0 : i32
      %cond3A_61 = arith.cmpi ne, %convert_element_type3A_59, %cond3A_60 : i32
      scf.if %cond3A_61 {
        %dma_wait3A = arith.constant 0 : i32
        %dma_wait3A_62 = arith.constant 0 : i32
        %dma_wait3A_63 = tpu.memref_slice %arg4[%dma_wait3A, %dma_wait3A_62] : memref<10240x128xf32, #tpu.memory_space<hbm>> -> memref<128x128xf32, #tpu.memory_space<hbm>>
        %dma_wait3A_64 = arith.constant 0 : i32
        %dma_wait3A_65 = arith.constant 0 : i32
        %dma_wait3A_66 = tpu.memref_slice %arg4[%dma_wait3A_64, %dma_wait3A_65] : memref<10240x128xf32, #tpu.memory_space<hbm>> -> memref<128x128xf32, #tpu.memory_space<hbm>>
        tpu.wait_dma2 semaphore(%arg10 : memref<!tpu.dma_semaphore, #tpu.memory_space<semaphore_mem>>) src(%dma_wait3A_66 : memref<128x128xf32, #tpu.memory_space<hbm>>) dst(%arg8 : memref<128x128xf32, #tpu.memory_space<vmem>>)
        %dma_start3A = arith.constant 0 : i32
        %dma_start3A_67 = tpu.memref_slice %arg7[%sub3A_53, %dma_start3A] : memref<40x128xi32, #tpu.memory_space<vmem>> -> memref<1x128xi32, #tpu.memory_space<vmem>>
        %dma_start3A_68 = tpu.memref_squeeze %dma_start3A_67 : memref<1x128xi32, #tpu.memory_space<vmem>> -> memref<128xi32, #tpu.memory_space<vmem>>
        %dma_start3A_69 = arith.constant 0 : i32
        %dma_start3A_70 = arith.constant 0 : i32
        %dma_start3A_71 = tpu.memref_slice %arg14[%dma_start3A_69, %dma_start3A_70] : memref<10240x128xf32, #tpu.memory_space<vmem_shared>> -> memref<10240x128xf32, #tpu.memory_space<vmem_shared>>
        tpu.enqueue_indirect_dma source(%arg8 : memref<128x128xf32, #tpu.memory_space<vmem>>) target(%dma_start3A_71 : memref<10240x128xf32, #tpu.memory_space<vmem_shared>>) offsets(%dma_start3A_68 : memref<128xi32, #tpu.memory_space<vmem>>) semaphore(%arg12 : memref<!tpu.dma_semaphore, #tpu.memory_space<semaphore_mem>>) {add = true}
      } else {
      }
    }
    %scan3A_13 = arith.constant 21 : i32
    %barrier3A_14 = arith.constant 0 : index
    tpu.barrier barrier_id(%barrier3A_14)
    "tpu.region"() ({
      %run_scoped3A = tpu.sem_alloc : memref<!tpu.dma_semaphore, #tpu.memory_space<semaphore_mem>>
      %dma_start3A = arith.constant 0 : i32
      %dma_start3A_15 = tpu.memref_slice %arg5[%arg0, %mul3A_2, %dma_start3A] : memref<2x10240x128xf32, #tpu.memory_space<hbm>> -> memref<1x640x128xf32, #tpu.memory_space<hbm>>
      %dma_start3A_16 = tpu.memref_squeeze %dma_start3A_15 : memref<1x640x128xf32, #tpu.memory_space<hbm>> -> memref<640x128xf32, #tpu.memory_space<hbm>>
      %dma_start3A_17 = arith.constant 0 : i32
      %dma_start3A_18 = tpu.memref_slice %arg14[%mul3A_2, %dma_start3A_17] : memref<10240x128xf32, #tpu.memory_space<vmem_shared>> -> memref<640x128xf32, #tpu.memory_space<vmem_shared>>
      tpu.enqueue_dma source(%dma_start3A_18 : memref<640x128xf32, #tpu.memory_space<vmem_shared>>) target(%dma_start3A_16 : memref<640x128xf32, #tpu.memory_space<hbm>>) target_semaphore(%run_scoped3A : memref<!tpu.dma_semaphore, #tpu.memory_space<semaphore_mem>>)
      %dma_wait3A = arith.constant 0 : i32
      %dma_wait3A_19 = tpu.memref_slice %arg5[%arg0, %mul3A_2, %dma_wait3A] : memref<2x10240x128xf32, #tpu.memory_space<hbm>> -> memref<1x640x128xf32, #tpu.memory_space<hbm>>
      %dma_wait3A_20 = tpu.memref_squeeze %dma_wait3A_19 : memref<1x640x128xf32, #tpu.memory_space<hbm>> -> memref<640x128xf32, #tpu.memory_space<hbm>>
      %dma_wait3A_21 = arith.constant 0 : i32
      %dma_wait3A_22 = tpu.memref_slice %arg14[%mul3A_2, %dma_wait3A_21] : memref<10240x128xf32, #tpu.memory_space<vmem_shared>> -> memref<640x128xf32, #tpu.memory_space<vmem_shared>>
      tpu.wait_dma2 semaphore(%run_scoped3A : memref<!tpu.dma_semaphore, #tpu.memory_space<semaphore_mem>>) src(%dma_wait3A_22 : memref<640x128xf32, #tpu.memory_space<vmem_shared>>) dst(%dma_wait3A_20 : memref<640x128xf32, #tpu.memory_space<hbm>>)
      tpu.yield
    }) : () -> ()
    return
  }
}

#map = affine_map<(d0, d1) -> (0, 0, 0)>
#map1 = affine_map<(d0, d1) -> (0, 0)>
module attributes {stable_mosaic.version = 14 : i64} {
  func.func @_spmm_kernel(%arg0: i32, %arg1: i32, %arg2: memref<32x80x128xi32, #tpu.memory_space<hbm>>, %arg3: memref<32x80x128xi32, #tpu.memory_space<hbm>>, %arg4: memref<10240x128xf32, #tpu.memory_space<hbm>>, %arg5: memref<2x10240x128xf32, #tpu.memory_space<hbm>>, %arg6: memref<40x128xi32, #tpu.memory_space<vmem>>, %arg7: memref<40x128xi32, #tpu.memory_space<vmem>>, %arg8: memref<128x128xf32, #tpu.memory_space<vmem>>, %arg9: memref<128x128xf32, #tpu.memory_space<vmem>>, %arg10: memref<!tpu.dma_semaphore, #tpu.memory_space<semaphore_mem>>, %arg11: memref<!tpu.dma_semaphore, #tpu.memory_space<semaphore_mem>>, %arg12: memref<!tpu.dma_semaphore, #tpu.memory_space<semaphore_mem>>, %arg13: memref<!tpu.dma_semaphore, #tpu.memory_space<semaphore_mem>>, %arg14: memref<10240x128xf32, #tpu.memory_space<vmem_shared>>) attributes {dimension_semantics = [#tpu.dimension_semantics<core_parallel>, #tpu.dimension_semantics<subcore_parallel>], iteration_bounds = array<i64: 2, 16>, scalar_prefetch = 0 : i64, scratch_operands = 9 : i64, tpu.core_type = #tpu.core_type<sc_vector_subcore>, window_params = [{transform_indices = #map}, {transform_indices = #map}, {transform_indices = #map1}, {transform_indices = #map}]} {
    %mul3A = arith.constant 2 : i32
    %mul3A_0 = arith.muli %arg1, %mul3A : i32
    %add3A = arith.addi %mul3A_0, %arg0 : i32
    %mul3A_1 = arith.constant 640 : i32
    %mul3A_2 = arith.muli %arg1, %mul3A_1 : i32
    "tpu.region"() ({
      %run_scoped3A = tpu.sem_alloc : memref<!tpu.dma_semaphore, #tpu.memory_space<semaphore_mem>>
      %dma_start3A = arith.constant 0 : i32
      %dma_start3A_15 = tpu.memref_slice %arg14[%mul3A_2, %dma_start3A] : memref<10240x128xf32, #tpu.memory_space<vmem_shared>> -> memref<640x128xf32, #tpu.memory_space<vmem_shared>>
      %dma_start3A_16 = arith.constant 0 : i32
      %dma_start3A_17 = tpu.memref_slice %arg4[%mul3A_2, %dma_start3A_16] : memref<10240x128xf32, #tpu.memory_space<hbm>> -> memref<640x128xf32, #tpu.memory_space<hbm>>
      tpu.enqueue_dma source(%dma_start3A_17 : memref<640x128xf32, #tpu.memory_space<hbm>>) target(%dma_start3A_15 : memref<640x128xf32, #tpu.memory_space<vmem_shared>>) target_semaphore(%run_scoped3A : memref<!tpu.dma_semaphore, #tpu.memory_space<semaphore_mem>>)
      %dma_wait3A = arith.constant 0 : i32
      %dma_wait3A_18 = tpu.memref_slice %arg14[%mul3A_2, %dma_wait3A] : memref<10240x128xf32, #tpu.memory_space<vmem_shared>> -> memref<640x128xf32, #tpu.memory_space<vmem_shared>>
      %dma_wait3A_19 = arith.constant 0 : i32
      %dma_wait3A_20 = tpu.memref_slice %arg4[%mul3A_2, %dma_wait3A_19] : memref<10240x128xf32, #tpu.memory_space<hbm>> -> memref<640x128xf32, #tpu.memory_space<hbm>>
      tpu.wait_dma2 semaphore(%run_scoped3A : memref<!tpu.dma_semaphore, #tpu.memory_space<semaphore_mem>>) src(%dma_wait3A_20 : memref<640x128xf32, #tpu.memory_space<hbm>>) dst(%dma_wait3A_18 : memref<640x128xf32, #tpu.memory_space<vmem_shared>>)
      tpu.yield
    }) : () -> ()
    %barrier3A = arith.constant 0 : index
    tpu.barrier barrier_id(%barrier3A)
    "tpu.region"() ({
      %run_scoped3A = tpu.sem_alloc : memref<!tpu.dma_semaphore, #tpu.memory_space<semaphore_mem>>
      %dma_start3A = arith.constant 0 : i32
      %dma_start3A_15 = arith.constant 0 : i32
      %dma_start3A_16 = tpu.memref_slice %arg2[%add3A, %dma_start3A, %dma_start3A_15] : memref<32x80x128xi32, #tpu.memory_space<hbm>> -> memref<1x40x128xi32, #tpu.memory_space<hbm>>
      %dma_start3A_17 = tpu.memref_squeeze %dma_start3A_16 : memref<1x40x128xi32, #tpu.memory_space<hbm>> -> memref<40x128xi32, #tpu.memory_space<hbm>>
      %dma_start3A_18 = arith.constant 0 : i32
      %dma_start3A_19 = arith.constant 0 : i32
      %dma_start3A_20 = tpu.memref_slice %arg2[%add3A, %dma_start3A_18, %dma_start3A_19] : memref<32x80x128xi32, #tpu.memory_space<hbm>> -> memref<1x40x128xi32, #tpu.memory_space<hbm>>
      %dma_start3A_21 = tpu.memref_squeeze %dma_start3A_20 : memref<1x40x128xi32, #tpu.memory_space<hbm>> -> memref<40x128xi32, #tpu.memory_space<hbm>>
      tpu.enqueue_dma source(%dma_start3A_21 : memref<40x128xi32, #tpu.memory_space<hbm>>) target(%arg6 : memref<40x128xi32, #tpu.memory_space<vmem>>) target_semaphore(%run_scoped3A : memref<!tpu.dma_semaphore, #tpu.memory_space<semaphore_mem>>)
      %dma_wait3A = arith.constant 0 : i32
      %dma_wait3A_22 = arith.constant 0 : i32
      %dma_wait3A_23 = tpu.memref_slice %arg2[%add3A, %dma_wait3A, %dma_wait3A_22] : memref<32x80x128xi32, #tpu.memory_space<hbm>> -> memref<1x40x128xi32, #tpu.memory_space<hbm>>
      %dma_wait3A_24 = tpu.memref_squeeze %dma_wait3A_23 : memref<1x40x128xi32, #tpu.memory_space<hbm>> -> memref<40x128xi32, #tpu.memory_space<hbm>>
      %dma_wait3A_25 = arith.constant 0 : i32
      %dma_wait3A_26 = arith.constant 0 : i32
      %dma_wait3A_27 = tpu.memref_slice %arg2[%add3A, %dma_wait3A_25, %dma_wait3A_26] : memref<32x80x128xi32, #tpu.memory_space<hbm>> -> memref<1x40x128xi32, #tpu.memory_space<hbm>>
      %dma_wait3A_28 = tpu.memref_squeeze %dma_wait3A_27 : memref<1x40x128xi32, #tpu.memory_space<hbm>> -> memref<40x128xi32, #tpu.memory_space<hbm>>
      tpu.wait_dma2 semaphore(%run_scoped3A : memref<!tpu.dma_semaphore, #tpu.memory_space<semaphore_mem>>) src(%dma_wait3A_28 : memref<40x128xi32, #tpu.memory_space<hbm>>) dst(%arg6 : memref<40x128xi32, #tpu.memory_space<vmem>>)
      tpu.yield
    }) : () -> ()
    "tpu.region"() ({
      %run_scoped3A = tpu.sem_alloc : memref<!tpu.dma_semaphore, #tpu.memory_space<semaphore_mem>>
      %dma_start3A = arith.constant 0 : i32
      %dma_start3A_15 = arith.constant 0 : i32
      %dma_start3A_16 = tpu.memref_slice %arg3[%add3A, %dma_start3A, %dma_start3A_15] : memref<32x80x128xi32, #tpu.memory_space<hbm>> -> memref<1x40x128xi32, #tpu.memory_space<hbm>>
      %dma_start3A_17 = tpu.memref_squeeze %dma_start3A_16 : memref<1x40x128xi32, #tpu.memory_space<hbm>> -> memref<40x128xi32, #tpu.memory_space<hbm>>
      %dma_start3A_18 = arith.constant 0 : i32
      %dma_start3A_19 = arith.constant 0 : i32
      %dma_start3A_20 = tpu.memref_slice %arg3[%add3A, %dma_start3A_18, %dma_start3A_19] : memref<32x80x128xi32, #tpu.memory_space<hbm>> -> memref<1x40x128xi32, #tpu.memory_space<hbm>>
      %dma_start3A_21 = tpu.memref_squeeze %dma_start3A_20 : memref<1x40x128xi32, #tpu.memory_space<hbm>> -> memref<40x128xi32, #tpu.memory_space<hbm>>
      tpu.enqueue_dma source(%dma_start3A_21 : memref<40x128xi32, #tpu.memory_space<hbm>>) target(%arg7 : memref<40x128xi32, #tpu.memory_space<vmem>>) target_semaphore(%run_scoped3A : memref<!tpu.dma_semaphore, #tpu.memory_space<semaphore_mem>>)
      %dma_wait3A = arith.constant 0 : i32
      %dma_wait3A_22 = arith.constant 0 : i32
      %dma_wait3A_23 = tpu.memref_slice %arg3[%add3A, %dma_wait3A, %dma_wait3A_22] : memref<32x80x128xi32, #tpu.memory_space<hbm>> -> memref<1x40x128xi32, #tpu.memory_space<hbm>>
      %dma_wait3A_24 = tpu.memref_squeeze %dma_wait3A_23 : memref<1x40x128xi32, #tpu.memory_space<hbm>> -> memref<40x128xi32, #tpu.memory_space<hbm>>
      %dma_wait3A_25 = arith.constant 0 : i32
      %dma_wait3A_26 = arith.constant 0 : i32
      %dma_wait3A_27 = tpu.memref_slice %arg3[%add3A, %dma_wait3A_25, %dma_wait3A_26] : memref<32x80x128xi32, #tpu.memory_space<hbm>> -> memref<1x40x128xi32, #tpu.memory_space<hbm>>
      %dma_wait3A_28 = tpu.memref_squeeze %dma_wait3A_27 : memref<1x40x128xi32, #tpu.memory_space<hbm>> -> memref<40x128xi32, #tpu.memory_space<hbm>>
      tpu.wait_dma2 semaphore(%run_scoped3A : memref<!tpu.dma_semaphore, #tpu.memory_space<semaphore_mem>>) src(%dma_wait3A_28 : memref<40x128xi32, #tpu.memory_space<hbm>>) dst(%arg7 : memref<40x128xi32, #tpu.memory_space<vmem>>)
      tpu.yield
    }) : () -> ()
    %scan3A = arith.constant 0 : i32
    %scan3A_3 = arith.constant 0 : i32
    %scan3A_4 = arith.constant 21 : i32
    %scan3A_5 = arith.addi %scan3A_3, %scan3A_4 : i32
    %scan3A_6 = arith.constant 1 : i32
    scf.for %scan3A_15 = %scan3A_3 to %scan3A_5 step %scan3A_6  : i32 {
      %mul3A_16 = arith.constant 2 : i32
      %mul3A_17 = arith.muli %scan3A_15, %mul3A_16 : i32
      %add3A_18 = arith.constant 0 : i32
      %add3A_19 = arith.addi %mul3A_17, %add3A_18 : i32
      %ge3A = arith.constant 2 : i32
      %ge3A_20 = arith.cmpi sge, %add3A_19, %ge3A : i32
      %lt3A = arith.constant 42 : i32
      %lt3A_21 = arith.cmpi slt, %add3A_19, %lt3A : i32
      %and3A = arith.andi %ge3A_20, %lt3A_21 : i1
      %convert_element_type3A = arith.extui %and3A : i1 to i32
      %cond3A = arith.constant 0 : i32
      %cond3A_22 = arith.cmpi ne, %convert_element_type3A, %cond3A : i32
      scf.if %cond3A_22 {
        %dma_wait3A = arith.constant 0 : i32
        %dma_wait3A_62 = arith.constant 0 : i32
        %dma_wait3A_63 = tpu.memref_slice %arg14[%dma_wait3A, %dma_wait3A_62] : memref<10240x128xf32, #tpu.memory_space<vmem_shared>> -> memref<128x128xf32, #tpu.memory_space<vmem_shared>>
        %dma_wait3A_64 = arith.constant 0 : i32
        %dma_wait3A_65 = arith.constant 0 : i32
        %dma_wait3A_66 = tpu.memref_slice %arg14[%dma_wait3A_64, %dma_wait3A_65] : memref<10240x128xf32, #tpu.memory_space<vmem_shared>> -> memref<128x128xf32, #tpu.memory_space<vmem_shared>>
        tpu.wait_dma2 semaphore(%arg12 : memref<!tpu.dma_semaphore, #tpu.memory_space<semaphore_mem>>) src(%arg8 : memref<128x128xf32, #tpu.memory_space<vmem>>) dst(%dma_wait3A_66 : memref<128x128xf32, #tpu.memory_space<vmem_shared>>)
      } else {
      }
      %lt3A_23 = arith.constant 40 : i32
      %lt3A_24 = arith.cmpi slt, %add3A_19, %lt3A_23 : i32
      %convert_element_type3A_25 = arith.extui %lt3A_24 : i1 to i32
      %cond3A_26 = arith.constant 0 : i32
      %cond3A_27 = arith.cmpi ne, %convert_element_type3A_25, %cond3A_26 : i32
      scf.if %cond3A_27 {
        %dma_start3A = arith.constant 0 : i32
        %dma_start3A_62 = tpu.memref_slice %arg6[%add3A_19, %dma_start3A] : memref<40x128xi32, #tpu.memory_space<vmem>> -> memref<1x128xi32, #tpu.memory_space<vmem>>
        %dma_start3A_63 = tpu.memref_squeeze %dma_start3A_62 : memref<1x128xi32, #tpu.memory_space<vmem>> -> memref<128xi32, #tpu.memory_space<vmem>>
        %dma_start3A_64 = arith.constant 0 : i32
        %dma_start3A_65 = arith.constant 0 : i32
        %dma_start3A_66 = tpu.memref_slice %arg4[%dma_start3A_64, %dma_start3A_65] : memref<10240x128xf32, #tpu.memory_space<hbm>> -> memref<10240x128xf32, #tpu.memory_space<hbm>>
        tpu.enqueue_indirect_dma source(%dma_start3A_66 : memref<10240x128xf32, #tpu.memory_space<hbm>>) target(%arg8 : memref<128x128xf32, #tpu.memory_space<vmem>>) offsets(%dma_start3A_63 : memref<128xi32, #tpu.memory_space<vmem>>) semaphore(%arg10 : memref<!tpu.dma_semaphore, #tpu.memory_space<semaphore_mem>>)
      } else {
      }
      %sub3A = arith.constant 1 : i32
      %sub3A_28 = arith.subi %add3A_19, %sub3A : i32
      %ge3A_29 = arith.constant 0 : i32
      %ge3A_30 = arith.cmpi sge, %sub3A_28, %ge3A_29 : i32
      %lt3A_31 = arith.constant 40 : i32
      %lt3A_32 = arith.cmpi slt, %sub3A_28, %lt3A_31 : i32
      %and3A_33 = arith.andi %ge3A_30, %lt3A_32 : i1
      %convert_element_type3A_34 = arith.extui %and3A_33 : i1 to i32
      %cond3A_35 = arith.constant 0 : i32
      %cond3A_36 = arith.cmpi ne, %convert_element_type3A_34, %cond3A_35 : i32
      scf.if %cond3A_36 {
        %dma_wait3A = arith.constant 0 : i32
        %dma_wait3A_62 = arith.constant 0 : i32
        %dma_wait3A_63 = tpu.memref_slice %arg4[%dma_wait3A, %dma_wait3A_62] : memref<10240x128xf32, #tpu.memory_space<hbm>> -> memref<128x128xf32, #tpu.memory_space<hbm>>
        %dma_wait3A_64 = arith.constant 0 : i32
        %dma_wait3A_65 = arith.constant 0 : i32
        %dma_wait3A_66 = tpu.memref_slice %arg4[%dma_wait3A_64, %dma_wait3A_65] : memref<10240x128xf32, #tpu.memory_space<hbm>> -> memref<128x128xf32, #tpu.memory_space<hbm>>
        tpu.wait_dma2 semaphore(%arg11 : memref<!tpu.dma_semaphore, #tpu.memory_space<semaphore_mem>>) src(%dma_wait3A_66 : memref<128x128xf32, #tpu.memory_space<hbm>>) dst(%arg9 : memref<128x128xf32, #tpu.memory_space<vmem>>)
        %dma_start3A = arith.constant 0 : i32
        %dma_start3A_67 = tpu.memref_slice %arg7[%sub3A_28, %dma_start3A] : memref<40x128xi32, #tpu.memory_space<vmem>> -> memref<1x128xi32, #tpu.memory_space<vmem>>
        %dma_start3A_68 = tpu.memref_squeeze %dma_start3A_67 : memref<1x128xi32, #tpu.memory_space<vmem>> -> memref<128xi32, #tpu.memory_space<vmem>>
        %dma_start3A_69 = arith.constant 0 : i32
        %dma_start3A_70 = arith.constant 0 : i32
        %dma_start3A_71 = tpu.memref_slice %arg14[%dma_start3A_69, %dma_start3A_70] : memref<10240x128xf32, #tpu.memory_space<vmem_shared>> -> memref<10240x128xf32, #tpu.memory_space<vmem_shared>>
        tpu.enqueue_indirect_dma source(%arg9 : memref<128x128xf32, #tpu.memory_space<vmem>>) target(%dma_start3A_71 : memref<10240x128xf32, #tpu.memory_space<vmem_shared>>) offsets(%dma_start3A_68 : memref<128xi32, #tpu.memory_space<vmem>>) semaphore(%arg13 : memref<!tpu.dma_semaphore, #tpu.memory_space<semaphore_mem>>) {add = true}
      } else {
      }
      %add3A_37 = arith.constant 1 : i32
      %add3A_38 = arith.addi %mul3A_17, %add3A_37 : i32
      %ge3A_39 = arith.constant 2 : i32
      %ge3A_40 = arith.cmpi sge, %add3A_38, %ge3A_39 : i32
      %lt3A_41 = arith.constant 42 : i32
      %lt3A_42 = arith.cmpi slt, %add3A_38, %lt3A_41 : i32
      %and3A_43 = arith.andi %ge3A_40, %lt3A_42 : i1
      %convert_element_type3A_44 = arith.extui %and3A_43 : i1 to i32
      %cond3A_45 = arith.constant 0 : i32
      %cond3A_46 = arith.cmpi ne, %convert_element_type3A_44, %cond3A_45 : i32
      scf.if %cond3A_46 {
        %dma_wait3A = arith.constant 0 : i32
        %dma_wait3A_62 = arith.constant 0 : i32
        %dma_wait3A_63 = tpu.memref_slice %arg14[%dma_wait3A, %dma_wait3A_62] : memref<10240x128xf32, #tpu.memory_space<vmem_shared>> -> memref<128x128xf32, #tpu.memory_space<vmem_shared>>
        %dma_wait3A_64 = arith.constant 0 : i32
        %dma_wait3A_65 = arith.constant 0 : i32
        %dma_wait3A_66 = tpu.memref_slice %arg14[%dma_wait3A_64, %dma_wait3A_65] : memref<10240x128xf32, #tpu.memory_space<vmem_shared>> -> memref<128x128xf32, #tpu.memory_space<vmem_shared>>
        tpu.wait_dma2 semaphore(%arg13 : memref<!tpu.dma_semaphore, #tpu.memory_space<semaphore_mem>>) src(%arg9 : memref<128x128xf32, #tpu.memory_space<vmem>>) dst(%dma_wait3A_66 : memref<128x128xf32, #tpu.memory_space<vmem_shared>>)
      } else {
      }
      %lt3A_47 = arith.constant 40 : i32
      %lt3A_48 = arith.cmpi slt, %add3A_38, %lt3A_47 : i32
      %convert_element_type3A_49 = arith.extui %lt3A_48 : i1 to i32
      %cond3A_50 = arith.constant 0 : i32
      %cond3A_51 = arith.cmpi ne, %convert_element_type3A_49, %cond3A_50 : i32
      scf.if %cond3A_51 {
        %dma_start3A = arith.constant 0 : i32
        %dma_start3A_62 = tpu.memref_slice %arg6[%add3A_38, %dma_start3A] : memref<40x128xi32, #tpu.memory_space<vmem>> -> memref<1x128xi32, #tpu.memory_space<vmem>>
        %dma_start3A_63 = tpu.memref_squeeze %dma_start3A_62 : memref<1x128xi32, #tpu.memory_space<vmem>> -> memref<128xi32, #tpu.memory_space<vmem>>
        %dma_start3A_64 = arith.constant 0 : i32
        %dma_start3A_65 = arith.constant 0 : i32
        %dma_start3A_66 = tpu.memref_slice %arg4[%dma_start3A_64, %dma_start3A_65] : memref<10240x128xf32, #tpu.memory_space<hbm>> -> memref<10240x128xf32, #tpu.memory_space<hbm>>
        tpu.enqueue_indirect_dma source(%dma_start3A_66 : memref<10240x128xf32, #tpu.memory_space<hbm>>) target(%arg9 : memref<128x128xf32, #tpu.memory_space<vmem>>) offsets(%dma_start3A_63 : memref<128xi32, #tpu.memory_space<vmem>>) semaphore(%arg11 : memref<!tpu.dma_semaphore, #tpu.memory_space<semaphore_mem>>)
      } else {
      }
      %sub3A_52 = arith.constant 1 : i32
      %sub3A_53 = arith.subi %add3A_38, %sub3A_52 : i32
      %ge3A_54 = arith.constant 0 : i32
      %ge3A_55 = arith.cmpi sge, %sub3A_53, %ge3A_54 : i32
      %lt3A_56 = arith.constant 40 : i32
      %lt3A_57 = arith.cmpi slt, %sub3A_53, %lt3A_56 : i32
      %and3A_58 = arith.andi %ge3A_55, %lt3A_57 : i1
      %convert_element_type3A_59 = arith.extui %and3A_58 : i1 to i32
      %cond3A_60 = arith.constant 0 : i32
      %cond3A_61 = arith.cmpi ne, %convert_element_type3A_59, %cond3A_60 : i32
      scf.if %cond3A_61 {
        %dma_wait3A = arith.constant 0 : i32
        %dma_wait3A_62 = arith.constant 0 : i32
        %dma_wait3A_63 = tpu.memref_slice %arg4[%dma_wait3A, %dma_wait3A_62] : memref<10240x128xf32, #tpu.memory_space<hbm>> -> memref<128x128xf32, #tpu.memory_space<hbm>>
        %dma_wait3A_64 = arith.constant 0 : i32
        %dma_wait3A_65 = arith.constant 0 : i32
        %dma_wait3A_66 = tpu.memref_slice %arg4[%dma_wait3A_64, %dma_wait3A_65] : memref<10240x128xf32, #tpu.memory_space<hbm>> -> memref<128x128xf32, #tpu.memory_space<hbm>>
        tpu.wait_dma2 semaphore(%arg10 : memref<!tpu.dma_semaphore, #tpu.memory_space<semaphore_mem>>) src(%dma_wait3A_66 : memref<128x128xf32, #tpu.memory_space<hbm>>) dst(%arg8 : memref<128x128xf32, #tpu.memory_space<vmem>>)
        %dma_start3A = arith.constant 0 : i32
        %dma_start3A_67 = tpu.memref_slice %arg7[%sub3A_53, %dma_start3A] : memref<40x128xi32, #tpu.memory_space<vmem>> -> memref<1x128xi32, #tpu.memory_space<vmem>>
        %dma_start3A_68 = tpu.memref_squeeze %dma_start3A_67 : memref<1x128xi32, #tpu.memory_space<vmem>> -> memref<128xi32, #tpu.memory_space<vmem>>
        %dma_start3A_69 = arith.constant 0 : i32
        %dma_start3A_70 = arith.constant 0 : i32
        %dma_start3A_71 = tpu.memref_slice %arg14[%dma_start3A_69, %dma_start3A_70] : memref<10240x128xf32, #tpu.memory_space<vmem_shared>> -> memref<10240x128xf32, #tpu.memory_space<vmem_shared>>
        tpu.enqueue_indirect_dma source(%arg8 : memref<128x128xf32, #tpu.memory_space<vmem>>) target(%dma_start3A_71 : memref<10240x128xf32, #tpu.memory_space<vmem_shared>>) offsets(%dma_start3A_68 : memref<128xi32, #tpu.memory_space<vmem>>) semaphore(%arg12 : memref<!tpu.dma_semaphore, #tpu.memory_space<semaphore_mem>>) {add = true}
      } else {
      }
    }
    %scan3A_7 = arith.constant 21 : i32
    "tpu.region"() ({
      %run_scoped3A = tpu.sem_alloc : memref<!tpu.dma_semaphore, #tpu.memory_space<semaphore_mem>>
      %dma_start3A = arith.constant 40 : i32
      %dma_start3A_15 = arith.constant 0 : i32
      %dma_start3A_16 = tpu.memref_slice %arg2[%add3A, %dma_start3A, %dma_start3A_15] : memref<32x80x128xi32, #tpu.memory_space<hbm>> -> memref<1x40x128xi32, #tpu.memory_space<hbm>>
      %dma_start3A_17 = tpu.memref_squeeze %dma_start3A_16 : memref<1x40x128xi32, #tpu.memory_space<hbm>> -> memref<40x128xi32, #tpu.memory_space<hbm>>
      %dma_start3A_18 = arith.constant 40 : i32
      %dma_start3A_19 = arith.constant 0 : i32
      %dma_start3A_20 = tpu.memref_slice %arg2[%add3A, %dma_start3A_18, %dma_start3A_19] : memref<32x80x128xi32, #tpu.memory_space<hbm>> -> memref<1x40x128xi32, #tpu.memory_space<hbm>>
      %dma_start3A_21 = tpu.memref_squeeze %dma_start3A_20 : memref<1x40x128xi32, #tpu.memory_space<hbm>> -> memref<40x128xi32, #tpu.memory_space<hbm>>
      tpu.enqueue_dma source(%dma_start3A_21 : memref<40x128xi32, #tpu.memory_space<hbm>>) target(%arg6 : memref<40x128xi32, #tpu.memory_space<vmem>>) target_semaphore(%run_scoped3A : memref<!tpu.dma_semaphore, #tpu.memory_space<semaphore_mem>>)
      %dma_wait3A = arith.constant 40 : i32
      %dma_wait3A_22 = arith.constant 0 : i32
      %dma_wait3A_23 = tpu.memref_slice %arg2[%add3A, %dma_wait3A, %dma_wait3A_22] : memref<32x80x128xi32, #tpu.memory_space<hbm>> -> memref<1x40x128xi32, #tpu.memory_space<hbm>>
      %dma_wait3A_24 = tpu.memref_squeeze %dma_wait3A_23 : memref<1x40x128xi32, #tpu.memory_space<hbm>> -> memref<40x128xi32, #tpu.memory_space<hbm>>
      %dma_wait3A_25 = arith.constant 40 : i32
      %dma_wait3A_26 = arith.constant 0 : i32
      %dma_wait3A_27 = tpu.memref_slice %arg2[%add3A, %dma_wait3A_25, %dma_wait3A_26] : memref<32x80x128xi32, #tpu.memory_space<hbm>> -> memref<1x40x128xi32, #tpu.memory_space<hbm>>
      %dma_wait3A_28 = tpu.memref_squeeze %dma_wait3A_27 : memref<1x40x128xi32, #tpu.memory_space<hbm>> -> memref<40x128xi32, #tpu.memory_space<hbm>>
      tpu.wait_dma2 semaphore(%run_scoped3A : memref<!tpu.dma_semaphore, #tpu.memory_space<semaphore_mem>>) src(%dma_wait3A_28 : memref<40x128xi32, #tpu.memory_space<hbm>>) dst(%arg6 : memref<40x128xi32, #tpu.memory_space<vmem>>)
      tpu.yield
    }) : () -> ()
    "tpu.region"() ({
      %run_scoped3A = tpu.sem_alloc : memref<!tpu.dma_semaphore, #tpu.memory_space<semaphore_mem>>
      %dma_start3A = arith.constant 40 : i32
      %dma_start3A_15 = arith.constant 0 : i32
      %dma_start3A_16 = tpu.memref_slice %arg3[%add3A, %dma_start3A, %dma_start3A_15] : memref<32x80x128xi32, #tpu.memory_space<hbm>> -> memref<1x40x128xi32, #tpu.memory_space<hbm>>
      %dma_start3A_17 = tpu.memref_squeeze %dma_start3A_16 : memref<1x40x128xi32, #tpu.memory_space<hbm>> -> memref<40x128xi32, #tpu.memory_space<hbm>>
      %dma_start3A_18 = arith.constant 40 : i32
      %dma_start3A_19 = arith.constant 0 : i32
      %dma_start3A_20 = tpu.memref_slice %arg3[%add3A, %dma_start3A_18, %dma_start3A_19] : memref<32x80x128xi32, #tpu.memory_space<hbm>> -> memref<1x40x128xi32, #tpu.memory_space<hbm>>
      %dma_start3A_21 = tpu.memref_squeeze %dma_start3A_20 : memref<1x40x128xi32, #tpu.memory_space<hbm>> -> memref<40x128xi32, #tpu.memory_space<hbm>>
      tpu.enqueue_dma source(%dma_start3A_21 : memref<40x128xi32, #tpu.memory_space<hbm>>) target(%arg7 : memref<40x128xi32, #tpu.memory_space<vmem>>) target_semaphore(%run_scoped3A : memref<!tpu.dma_semaphore, #tpu.memory_space<semaphore_mem>>)
      %dma_wait3A = arith.constant 40 : i32
      %dma_wait3A_22 = arith.constant 0 : i32
      %dma_wait3A_23 = tpu.memref_slice %arg3[%add3A, %dma_wait3A, %dma_wait3A_22] : memref<32x80x128xi32, #tpu.memory_space<hbm>> -> memref<1x40x128xi32, #tpu.memory_space<hbm>>
      %dma_wait3A_24 = tpu.memref_squeeze %dma_wait3A_23 : memref<1x40x128xi32, #tpu.memory_space<hbm>> -> memref<40x128xi32, #tpu.memory_space<hbm>>
      %dma_wait3A_25 = arith.constant 40 : i32
      %dma_wait3A_26 = arith.constant 0 : i32
      %dma_wait3A_27 = tpu.memref_slice %arg3[%add3A, %dma_wait3A_25, %dma_wait3A_26] : memref<32x80x128xi32, #tpu.memory_space<hbm>> -> memref<1x40x128xi32, #tpu.memory_space<hbm>>
      %dma_wait3A_28 = tpu.memref_squeeze %dma_wait3A_27 : memref<1x40x128xi32, #tpu.memory_space<hbm>> -> memref<40x128xi32, #tpu.memory_space<hbm>>
      tpu.wait_dma2 semaphore(%run_scoped3A : memref<!tpu.dma_semaphore, #tpu.memory_space<semaphore_mem>>) src(%dma_wait3A_28 : memref<40x128xi32, #tpu.memory_space<hbm>>) dst(%arg7 : memref<40x128xi32, #tpu.memory_space<vmem>>)
      tpu.yield
    }) : () -> ()
    %scan3A_8 = arith.constant 0 : i32
    %scan3A_9 = arith.constant 0 : i32
    %scan3A_10 = arith.constant 21 : i32
    %scan3A_11 = arith.addi %scan3A_9, %scan3A_10 : i32
    %scan3A_12 = arith.constant 1 : i32
    scf.for %scan3A_15 = %scan3A_9 to %scan3A_11 step %scan3A_12  : i32 {
      %mul3A_16 = arith.constant 2 : i32
      %mul3A_17 = arith.muli %scan3A_15, %mul3A_16 : i32
      %add3A_18 = arith.constant 0 : i32
      %add3A_19 = arith.addi %mul3A_17, %add3A_18 : i32
      %ge3A = arith.constant 2 : i32
      %ge3A_20 = arith.cmpi sge, %add3A_19, %ge3A : i32
      %lt3A = arith.constant 42 : i32
      %lt3A_21 = arith.cmpi slt, %add3A_19, %lt3A : i32
      %and3A = arith.andi %ge3A_20, %lt3A_21 : i1
      %convert_element_type3A = arith.extui %and3A : i1 to i32
      %cond3A = arith.constant 0 : i32
      %cond3A_22 = arith.cmpi ne, %convert_element_type3A, %cond3A : i32
      scf.if %cond3A_22 {
        %dma_wait3A = arith.constant 0 : i32
        %dma_wait3A_62 = arith.constant 0 : i32
        %dma_wait3A_63 = tpu.memref_slice %arg14[%dma_wait3A, %dma_wait3A_62] : memref<10240x128xf32, #tpu.memory_space<vmem_shared>> -> memref<128x128xf32, #tpu.memory_space<vmem_shared>>
        %dma_wait3A_64 = arith.constant 0 : i32
        %dma_wait3A_65 = arith.constant 0 : i32
        %dma_wait3A_66 = tpu.memref_slice %arg14[%dma_wait3A_64, %dma_wait3A_65] : memref<10240x128xf32, #tpu.memory_space<vmem_shared>> -> memref<128x128xf32, #tpu.memory_space<vmem_shared>>
        tpu.wait_dma2 semaphore(%arg12 : memref<!tpu.dma_semaphore, #tpu.memory_space<semaphore_mem>>) src(%arg8 : memref<128x128xf32, #tpu.memory_space<vmem>>) dst(%dma_wait3A_66 : memref<128x128xf32, #tpu.memory_space<vmem_shared>>)
      } else {
      }
      %lt3A_23 = arith.constant 40 : i32
      %lt3A_24 = arith.cmpi slt, %add3A_19, %lt3A_23 : i32
      %convert_element_type3A_25 = arith.extui %lt3A_24 : i1 to i32
      %cond3A_26 = arith.constant 0 : i32
      %cond3A_27 = arith.cmpi ne, %convert_element_type3A_25, %cond3A_26 : i32
      scf.if %cond3A_27 {
        %dma_start3A = arith.constant 0 : i32
        %dma_start3A_62 = tpu.memref_slice %arg6[%add3A_19, %dma_start3A] : memref<40x128xi32, #tpu.memory_space<vmem>> -> memref<1x128xi32, #tpu.memory_space<vmem>>
        %dma_start3A_63 = tpu.memref_squeeze %dma_start3A_62 : memref<1x128xi32, #tpu.memory_space<vmem>> -> memref<128xi32, #tpu.memory_space<vmem>>
        %dma_start3A_64 = arith.constant 0 : i32
        %dma_start3A_65 = arith.constant 0 : i32
        %dma_start3A_66 = tpu.memref_slice %arg4[%dma_start3A_64, %dma_start3A_65] : memref<10240x128xf32, #tpu.memory_space<hbm>> -> memref<10240x128xf32, #tpu.memory_space<hbm>>
        tpu.enqueue_indirect_dma source(%dma_start3A_66 : memref<10240x128xf32, #tpu.memory_space<hbm>>) target(%arg8 : memref<128x128xf32, #tpu.memory_space<vmem>>) offsets(%dma_start3A_63 : memref<128xi32, #tpu.memory_space<vmem>>) semaphore(%arg10 : memref<!tpu.dma_semaphore, #tpu.memory_space<semaphore_mem>>)
      } else {
      }
      %sub3A = arith.constant 1 : i32
      %sub3A_28 = arith.subi %add3A_19, %sub3A : i32
      %ge3A_29 = arith.constant 0 : i32
      %ge3A_30 = arith.cmpi sge, %sub3A_28, %ge3A_29 : i32
      %lt3A_31 = arith.constant 40 : i32
      %lt3A_32 = arith.cmpi slt, %sub3A_28, %lt3A_31 : i32
      %and3A_33 = arith.andi %ge3A_30, %lt3A_32 : i1
      %convert_element_type3A_34 = arith.extui %and3A_33 : i1 to i32
      %cond3A_35 = arith.constant 0 : i32
      %cond3A_36 = arith.cmpi ne, %convert_element_type3A_34, %cond3A_35 : i32
      scf.if %cond3A_36 {
        %dma_wait3A = arith.constant 0 : i32
        %dma_wait3A_62 = arith.constant 0 : i32
        %dma_wait3A_63 = tpu.memref_slice %arg4[%dma_wait3A, %dma_wait3A_62] : memref<10240x128xf32, #tpu.memory_space<hbm>> -> memref<128x128xf32, #tpu.memory_space<hbm>>
        %dma_wait3A_64 = arith.constant 0 : i32
        %dma_wait3A_65 = arith.constant 0 : i32
        %dma_wait3A_66 = tpu.memref_slice %arg4[%dma_wait3A_64, %dma_wait3A_65] : memref<10240x128xf32, #tpu.memory_space<hbm>> -> memref<128x128xf32, #tpu.memory_space<hbm>>
        tpu.wait_dma2 semaphore(%arg11 : memref<!tpu.dma_semaphore, #tpu.memory_space<semaphore_mem>>) src(%dma_wait3A_66 : memref<128x128xf32, #tpu.memory_space<hbm>>) dst(%arg9 : memref<128x128xf32, #tpu.memory_space<vmem>>)
        %dma_start3A = arith.constant 0 : i32
        %dma_start3A_67 = tpu.memref_slice %arg7[%sub3A_28, %dma_start3A] : memref<40x128xi32, #tpu.memory_space<vmem>> -> memref<1x128xi32, #tpu.memory_space<vmem>>
        %dma_start3A_68 = tpu.memref_squeeze %dma_start3A_67 : memref<1x128xi32, #tpu.memory_space<vmem>> -> memref<128xi32, #tpu.memory_space<vmem>>
        %dma_start3A_69 = arith.constant 0 : i32
        %dma_start3A_70 = arith.constant 0 : i32
        %dma_start3A_71 = tpu.memref_slice %arg14[%dma_start3A_69, %dma_start3A_70] : memref<10240x128xf32, #tpu.memory_space<vmem_shared>> -> memref<10240x128xf32, #tpu.memory_space<vmem_shared>>
        tpu.enqueue_indirect_dma source(%arg9 : memref<128x128xf32, #tpu.memory_space<vmem>>) target(%dma_start3A_71 : memref<10240x128xf32, #tpu.memory_space<vmem_shared>>) offsets(%dma_start3A_68 : memref<128xi32, #tpu.memory_space<vmem>>) semaphore(%arg13 : memref<!tpu.dma_semaphore, #tpu.memory_space<semaphore_mem>>) {add = true}
      } else {
      }
      %add3A_37 = arith.constant 1 : i32
      %add3A_38 = arith.addi %mul3A_17, %add3A_37 : i32
      %ge3A_39 = arith.constant 2 : i32
      %ge3A_40 = arith.cmpi sge, %add3A_38, %ge3A_39 : i32
      %lt3A_41 = arith.constant 42 : i32
      %lt3A_42 = arith.cmpi slt, %add3A_38, %lt3A_41 : i32
      %and3A_43 = arith.andi %ge3A_40, %lt3A_42 : i1
      %convert_element_type3A_44 = arith.extui %and3A_43 : i1 to i32
      %cond3A_45 = arith.constant 0 : i32
      %cond3A_46 = arith.cmpi ne, %convert_element_type3A_44, %cond3A_45 : i32
      scf.if %cond3A_46 {
        %dma_wait3A = arith.constant 0 : i32
        %dma_wait3A_62 = arith.constant 0 : i32
        %dma_wait3A_63 = tpu.memref_slice %arg14[%dma_wait3A, %dma_wait3A_62] : memref<10240x128xf32, #tpu.memory_space<vmem_shared>> -> memref<128x128xf32, #tpu.memory_space<vmem_shared>>
        %dma_wait3A_64 = arith.constant 0 : i32
        %dma_wait3A_65 = arith.constant 0 : i32
        %dma_wait3A_66 = tpu.memref_slice %arg14[%dma_wait3A_64, %dma_wait3A_65] : memref<10240x128xf32, #tpu.memory_space<vmem_shared>> -> memref<128x128xf32, #tpu.memory_space<vmem_shared>>
        tpu.wait_dma2 semaphore(%arg13 : memref<!tpu.dma_semaphore, #tpu.memory_space<semaphore_mem>>) src(%arg9 : memref<128x128xf32, #tpu.memory_space<vmem>>) dst(%dma_wait3A_66 : memref<128x128xf32, #tpu.memory_space<vmem_shared>>)
      } else {
      }
      %lt3A_47 = arith.constant 40 : i32
      %lt3A_48 = arith.cmpi slt, %add3A_38, %lt3A_47 : i32
      %convert_element_type3A_49 = arith.extui %lt3A_48 : i1 to i32
      %cond3A_50 = arith.constant 0 : i32
      %cond3A_51 = arith.cmpi ne, %convert_element_type3A_49, %cond3A_50 : i32
      scf.if %cond3A_51 {
        %dma_start3A = arith.constant 0 : i32
        %dma_start3A_62 = tpu.memref_slice %arg6[%add3A_38, %dma_start3A] : memref<40x128xi32, #tpu.memory_space<vmem>> -> memref<1x128xi32, #tpu.memory_space<vmem>>
        %dma_start3A_63 = tpu.memref_squeeze %dma_start3A_62 : memref<1x128xi32, #tpu.memory_space<vmem>> -> memref<128xi32, #tpu.memory_space<vmem>>
        %dma_start3A_64 = arith.constant 0 : i32
        %dma_start3A_65 = arith.constant 0 : i32
        %dma_start3A_66 = tpu.memref_slice %arg4[%dma_start3A_64, %dma_start3A_65] : memref<10240x128xf32, #tpu.memory_space<hbm>> -> memref<10240x128xf32, #tpu.memory_space<hbm>>
        tpu.enqueue_indirect_dma source(%dma_start3A_66 : memref<10240x128xf32, #tpu.memory_space<hbm>>) target(%arg9 : memref<128x128xf32, #tpu.memory_space<vmem>>) offsets(%dma_start3A_63 : memref<128xi32, #tpu.memory_space<vmem>>) semaphore(%arg11 : memref<!tpu.dma_semaphore, #tpu.memory_space<semaphore_mem>>)
      } else {
      }
      %sub3A_52 = arith.constant 1 : i32
      %sub3A_53 = arith.subi %add3A_38, %sub3A_52 : i32
      %ge3A_54 = arith.constant 0 : i32
      %ge3A_55 = arith.cmpi sge, %sub3A_53, %ge3A_54 : i32
      %lt3A_56 = arith.constant 40 : i32
      %lt3A_57 = arith.cmpi slt, %sub3A_53, %lt3A_56 : i32
      %and3A_58 = arith.andi %ge3A_55, %lt3A_57 : i1
      %convert_element_type3A_59 = arith.extui %and3A_58 : i1 to i32
      %cond3A_60 = arith.constant 0 : i32
      %cond3A_61 = arith.cmpi ne, %convert_element_type3A_59, %cond3A_60 : i32
      scf.if %cond3A_61 {
        %dma_wait3A = arith.constant 0 : i32
        %dma_wait3A_62 = arith.constant 0 : i32
        %dma_wait3A_63 = tpu.memref_slice %arg4[%dma_wait3A, %dma_wait3A_62] : memref<10240x128xf32, #tpu.memory_space<hbm>> -> memref<128x128xf32, #tpu.memory_space<hbm>>
        %dma_wait3A_64 = arith.constant 0 : i32
        %dma_wait3A_65 = arith.constant 0 : i32
        %dma_wait3A_66 = tpu.memref_slice %arg4[%dma_wait3A_64, %dma_wait3A_65] : memref<10240x128xf32, #tpu.memory_space<hbm>> -> memref<128x128xf32, #tpu.memory_space<hbm>>
        tpu.wait_dma2 semaphore(%arg10 : memref<!tpu.dma_semaphore, #tpu.memory_space<semaphore_mem>>) src(%dma_wait3A_66 : memref<128x128xf32, #tpu.memory_space<hbm>>) dst(%arg8 : memref<128x128xf32, #tpu.memory_space<vmem>>)
        %dma_start3A = arith.constant 0 : i32
        %dma_start3A_67 = tpu.memref_slice %arg7[%sub3A_53, %dma_start3A] : memref<40x128xi32, #tpu.memory_space<vmem>> -> memref<1x128xi32, #tpu.memory_space<vmem>>
        %dma_start3A_68 = tpu.memref_squeeze %dma_start3A_67 : memref<1x128xi32, #tpu.memory_space<vmem>> -> memref<128xi32, #tpu.memory_space<vmem>>
        %dma_start3A_69 = arith.constant 0 : i32
        %dma_start3A_70 = arith.constant 0 : i32
        %dma_start3A_71 = tpu.memref_slice %arg14[%dma_start3A_69, %dma_start3A_70] : memref<10240x128xf32, #tpu.memory_space<vmem_shared>> -> memref<10240x128xf32, #tpu.memory_space<vmem_shared>>
        tpu.enqueue_indirect_dma source(%arg8 : memref<128x128xf32, #tpu.memory_space<vmem>>) target(%dma_start3A_71 : memref<10240x128xf32, #tpu.memory_space<vmem_shared>>) offsets(%dma_start3A_68 : memref<128xi32, #tpu.memory_space<vmem>>) semaphore(%arg12 : memref<!tpu.dma_semaphore, #tpu.memory_space<semaphore_mem>>) {add = true}
      } else {
      }
    }
    %scan3A_13 = arith.constant 21 : i32
    %barrier3A_14 = arith.constant 0 : index
    tpu.barrier barrier_id(%barrier3A_14)
    "tpu.region"() ({
      %run_scoped3A = tpu.sem_alloc : memref<!tpu.dma_semaphore, #tpu.memory_space<semaphore_mem>>
      %dma_start3A = arith.constant 0 : i32
      %dma_start3A_15 = tpu.memref_slice %arg5[%arg0, %mul3A_2, %dma_start3A] : memref<2x10240x128xf32, #tpu.memory_space<hbm>> -> memref<1x640x128xf32, #tpu.memory_space<hbm>>
      %dma_start3A_16 = tpu.memref_squeeze %dma_start3A_15 : memref<1x640x128xf32, #tpu.memory_space<hbm>> -> memref<640x128xf32, #tpu.memory_space<hbm>>
      %dma_start3A_17 = arith.constant 0 : i32
      %dma_start3A_18 = tpu.memref_slice %arg14[%mul3A_2, %dma_start3A_17] : memref<10240x128xf32, #tpu.memory_space<vmem_shared>> -> memref<640x128xf32, #tpu.memory_space<vmem_shared>>
      tpu.enqueue_dma source(%dma_start3A_18 : memref<640x128xf32, #tpu.memory_space<vmem_shared>>) target(%dma_start3A_16 : memref<640x128xf32, #tpu.memory_space<hbm>>) target_semaphore(%run_scoped3A : memref<!tpu.dma_semaphore, #tpu.memory_space<semaphore_mem>>)
      %dma_wait3A = arith.constant 0 : i32
      %dma_wait3A_19 = tpu.memref_slice %arg5[%arg0, %mul3A_2, %dma_wait3A] : memref<2x10240x128xf32, #tpu.memory_space<hbm>> -> memref<1x640x128xf32, #tpu.memory_space<hbm>>
      %dma_wait3A_20 = tpu.memref_squeeze %dma_wait3A_19 : memref<1x640x128xf32, #tpu.memory_space<hbm>> -> memref<640x128xf32, #tpu.memory_space<hbm>>
      %dma_wait3A_21 = arith.constant 0 : i32
      %dma_wait3A_22 = tpu.memref_slice %arg14[%mul3A_2, %dma_wait3A_21] : memref<10240x128xf32, #tpu.memory_space<vmem_shared>> -> memref<640x128xf32, #tpu.memory_space<vmem_shared>>
      tpu.wait_dma2 semaphore(%run_scoped3A : memref<!tpu.dma_semaphore, #tpu.memory_space<semaphore_mem>>) src(%dma_wait3A_22 : memref<640x128xf32, #tpu.memory_space<vmem_shared>>) dst(%dma_wait3A_20 : memref<640x128xf32, #tpu.memory_space<hbm>>)
      tpu.yield
    }) : () -> ()
    return
  }
}

#map = affine_map<(d0, d1) -> (0, 0, 0)>
#map1 = affine_map<(d0, d1) -> (0, 0)>
module attributes {stable_mosaic.version = 14 : i64} {
  func.func @_spmm_kernel(%arg0: i32, %arg1: i32, %arg2: memref<32x80x128xi32, #tpu.memory_space<hbm>>, %arg3: memref<32x80x128xi32, #tpu.memory_space<hbm>>, %arg4: memref<10240x128xf32, #tpu.memory_space<hbm>>, %arg5: memref<2x10240x128xf32, #tpu.memory_space<hbm>>, %arg6: memref<40x128xi32, #tpu.memory_space<vmem>>, %arg7: memref<40x128xi32, #tpu.memory_space<vmem>>, %arg8: memref<128x128xf32, #tpu.memory_space<vmem>>, %arg9: memref<128x128xf32, #tpu.memory_space<vmem>>, %arg10: memref<!tpu.dma_semaphore, #tpu.memory_space<semaphore_mem>>, %arg11: memref<!tpu.dma_semaphore, #tpu.memory_space<semaphore_mem>>, %arg12: memref<!tpu.dma_semaphore, #tpu.memory_space<semaphore_mem>>, %arg13: memref<!tpu.dma_semaphore, #tpu.memory_space<semaphore_mem>>, %arg14: memref<10240x128xf32, #tpu.memory_space<vmem_shared>>) attributes {dimension_semantics = [#tpu.dimension_semantics<core_parallel>, #tpu.dimension_semantics<subcore_parallel>], iteration_bounds = array<i64: 2, 16>, scalar_prefetch = 0 : i64, scratch_operands = 9 : i64, tpu.core_type = #tpu.core_type<sc_vector_subcore>, window_params = [{transform_indices = #map}, {transform_indices = #map}, {transform_indices = #map1}, {transform_indices = #map}]} {
    %mul3A = arith.constant 2 : i32
    %mul3A_0 = arith.muli %arg1, %mul3A : i32
    %add3A = arith.addi %mul3A_0, %arg0 : i32
    %mul3A_1 = arith.constant 640 : i32
    %mul3A_2 = arith.muli %arg1, %mul3A_1 : i32
    "tpu.region"() ({
      %run_scoped3A = tpu.sem_alloc : memref<!tpu.dma_semaphore, #tpu.memory_space<semaphore_mem>>
      %dma_start3A = arith.constant 0 : i32
      %dma_start3A_15 = tpu.memref_slice %arg14[%mul3A_2, %dma_start3A] : memref<10240x128xf32, #tpu.memory_space<vmem_shared>> -> memref<640x128xf32, #tpu.memory_space<vmem_shared>>
      %dma_start3A_16 = arith.constant 0 : i32
      %dma_start3A_17 = tpu.memref_slice %arg4[%mul3A_2, %dma_start3A_16] : memref<10240x128xf32, #tpu.memory_space<hbm>> -> memref<640x128xf32, #tpu.memory_space<hbm>>
      tpu.enqueue_dma source(%dma_start3A_17 : memref<640x128xf32, #tpu.memory_space<hbm>>) target(%dma_start3A_15 : memref<640x128xf32, #tpu.memory_space<vmem_shared>>) target_semaphore(%run_scoped3A : memref<!tpu.dma_semaphore, #tpu.memory_space<semaphore_mem>>)
      %dma_wait3A = arith.constant 0 : i32
      %dma_wait3A_18 = tpu.memref_slice %arg14[%mul3A_2, %dma_wait3A] : memref<10240x128xf32, #tpu.memory_space<vmem_shared>> -> memref<640x128xf32, #tpu.memory_space<vmem_shared>>
      %dma_wait3A_19 = arith.constant 0 : i32
      %dma_wait3A_20 = tpu.memref_slice %arg4[%mul3A_2, %dma_wait3A_19] : memref<10240x128xf32, #tpu.memory_space<hbm>> -> memref<640x128xf32, #tpu.memory_space<hbm>>
      tpu.wait_dma2 semaphore(%run_scoped3A : memref<!tpu.dma_semaphore, #tpu.memory_space<semaphore_mem>>) src(%dma_wait3A_20 : memref<640x128xf32, #tpu.memory_space<hbm>>) dst(%dma_wait3A_18 : memref<640x128xf32, #tpu.memory_space<vmem_shared>>)
      tpu.yield
    }) : () -> ()
    %barrier3A = arith.constant 0 : index
    tpu.barrier barrier_id(%barrier3A)
    "tpu.region"() ({
      %run_scoped3A = tpu.sem_alloc : memref<!tpu.dma_semaphore, #tpu.memory_space<semaphore_mem>>
      %dma_start3A = arith.constant 0 : i32
      %dma_start3A_15 = arith.constant 0 : i32
      %dma_start3A_16 = tpu.memref_slice %arg2[%add3A, %dma_start3A, %dma_start3A_15] : memref<32x80x128xi32, #tpu.memory_space<hbm>> -> memref<1x40x128xi32, #tpu.memory_space<hbm>>
      %dma_start3A_17 = tpu.memref_squeeze %dma_start3A_16 : memref<1x40x128xi32, #tpu.memory_space<hbm>> -> memref<40x128xi32, #tpu.memory_space<hbm>>
      %dma_start3A_18 = arith.constant 0 : i32
      %dma_start3A_19 = arith.constant 0 : i32
      %dma_start3A_20 = tpu.memref_slice %arg2[%add3A, %dma_start3A_18, %dma_start3A_19] : memref<32x80x128xi32, #tpu.memory_space<hbm>> -> memref<1x40x128xi32, #tpu.memory_space<hbm>>
      %dma_start3A_21 = tpu.memref_squeeze %dma_start3A_20 : memref<1x40x128xi32, #tpu.memory_space<hbm>> -> memref<40x128xi32, #tpu.memory_space<hbm>>
      tpu.enqueue_dma source(%dma_start3A_21 : memref<40x128xi32, #tpu.memory_space<hbm>>) target(%arg6 : memref<40x128xi32, #tpu.memory_space<vmem>>) target_semaphore(%run_scoped3A : memref<!tpu.dma_semaphore, #tpu.memory_space<semaphore_mem>>)
      %dma_wait3A = arith.constant 0 : i32
      %dma_wait3A_22 = arith.constant 0 : i32
      %dma_wait3A_23 = tpu.memref_slice %arg2[%add3A, %dma_wait3A, %dma_wait3A_22] : memref<32x80x128xi32, #tpu.memory_space<hbm>> -> memref<1x40x128xi32, #tpu.memory_space<hbm>>
      %dma_wait3A_24 = tpu.memref_squeeze %dma_wait3A_23 : memref<1x40x128xi32, #tpu.memory_space<hbm>> -> memref<40x128xi32, #tpu.memory_space<hbm>>
      %dma_wait3A_25 = arith.constant 0 : i32
      %dma_wait3A_26 = arith.constant 0 : i32
      %dma_wait3A_27 = tpu.memref_slice %arg2[%add3A, %dma_wait3A_25, %dma_wait3A_26] : memref<32x80x128xi32, #tpu.memory_space<hbm>> -> memref<1x40x128xi32, #tpu.memory_space<hbm>>
      %dma_wait3A_28 = tpu.memref_squeeze %dma_wait3A_27 : memref<1x40x128xi32, #tpu.memory_space<hbm>> -> memref<40x128xi32, #tpu.memory_space<hbm>>
      tpu.wait_dma2 semaphore(%run_scoped3A : memref<!tpu.dma_semaphore, #tpu.memory_space<semaphore_mem>>) src(%dma_wait3A_28 : memref<40x128xi32, #tpu.memory_space<hbm>>) dst(%arg6 : memref<40x128xi32, #tpu.memory_space<vmem>>)
      tpu.yield
    }) : () -> ()
    "tpu.region"() ({
      %run_scoped3A = tpu.sem_alloc : memref<!tpu.dma_semaphore, #tpu.memory_space<semaphore_mem>>
      %dma_start3A = arith.constant 0 : i32
      %dma_start3A_15 = arith.constant 0 : i32
      %dma_start3A_16 = tpu.memref_slice %arg3[%add3A, %dma_start3A, %dma_start3A_15] : memref<32x80x128xi32, #tpu.memory_space<hbm>> -> memref<1x40x128xi32, #tpu.memory_space<hbm>>
      %dma_start3A_17 = tpu.memref_squeeze %dma_start3A_16 : memref<1x40x128xi32, #tpu.memory_space<hbm>> -> memref<40x128xi32, #tpu.memory_space<hbm>>
      %dma_start3A_18 = arith.constant 0 : i32
      %dma_start3A_19 = arith.constant 0 : i32
      %dma_start3A_20 = tpu.memref_slice %arg3[%add3A, %dma_start3A_18, %dma_start3A_19] : memref<32x80x128xi32, #tpu.memory_space<hbm>> -> memref<1x40x128xi32, #tpu.memory_space<hbm>>
      %dma_start3A_21 = tpu.memref_squeeze %dma_start3A_20 : memref<1x40x128xi32, #tpu.memory_space<hbm>> -> memref<40x128xi32, #tpu.memory_space<hbm>>
      tpu.enqueue_dma source(%dma_start3A_21 : memref<40x128xi32, #tpu.memory_space<hbm>>) target(%arg7 : memref<40x128xi32, #tpu.memory_space<vmem>>) target_semaphore(%run_scoped3A : memref<!tpu.dma_semaphore, #tpu.memory_space<semaphore_mem>>)
      %dma_wait3A = arith.constant 0 : i32
      %dma_wait3A_22 = arith.constant 0 : i32
      %dma_wait3A_23 = tpu.memref_slice %arg3[%add3A, %dma_wait3A, %dma_wait3A_22] : memref<32x80x128xi32, #tpu.memory_space<hbm>> -> memref<1x40x128xi32, #tpu.memory_space<hbm>>
      %dma_wait3A_24 = tpu.memref_squeeze %dma_wait3A_23 : memref<1x40x128xi32, #tpu.memory_space<hbm>> -> memref<40x128xi32, #tpu.memory_space<hbm>>
      %dma_wait3A_25 = arith.constant 0 : i32
      %dma_wait3A_26 = arith.constant 0 : i32
      %dma_wait3A_27 = tpu.memref_slice %arg3[%add3A, %dma_wait3A_25, %dma_wait3A_26] : memref<32x80x128xi32, #tpu.memory_space<hbm>> -> memref<1x40x128xi32, #tpu.memory_space<hbm>>
      %dma_wait3A_28 = tpu.memref_squeeze %dma_wait3A_27 : memref<1x40x128xi32, #tpu.memory_space<hbm>> -> memref<40x128xi32, #tpu.memory_space<hbm>>
      tpu.wait_dma2 semaphore(%run_scoped3A : memref<!tpu.dma_semaphore, #tpu.memory_space<semaphore_mem>>) src(%dma_wait3A_28 : memref<40x128xi32, #tpu.memory_space<hbm>>) dst(%arg7 : memref<40x128xi32, #tpu.memory_space<vmem>>)
      tpu.yield
    }) : () -> ()
    %scan3A = arith.constant 0 : i32
    %scan3A_3 = arith.constant 0 : i32
    %scan3A_4 = arith.constant 21 : i32
    %scan3A_5 = arith.addi %scan3A_3, %scan3A_4 : i32
    %scan3A_6 = arith.constant 1 : i32
    scf.for %scan3A_15 = %scan3A_3 to %scan3A_5 step %scan3A_6  : i32 {
      %mul3A_16 = arith.constant 2 : i32
      %mul3A_17 = arith.muli %scan3A_15, %mul3A_16 : i32
      %add3A_18 = arith.constant 0 : i32
      %add3A_19 = arith.addi %mul3A_17, %add3A_18 : i32
      %ge3A = arith.constant 2 : i32
      %ge3A_20 = arith.cmpi sge, %add3A_19, %ge3A : i32
      %lt3A = arith.constant 42 : i32
      %lt3A_21 = arith.cmpi slt, %add3A_19, %lt3A : i32
      %and3A = arith.andi %ge3A_20, %lt3A_21 : i1
      %convert_element_type3A = arith.extui %and3A : i1 to i32
      %cond3A = arith.constant 0 : i32
      %cond3A_22 = arith.cmpi ne, %convert_element_type3A, %cond3A : i32
      scf.if %cond3A_22 {
        %dma_wait3A = arith.constant 0 : i32
        %dma_wait3A_62 = arith.constant 0 : i32
        %dma_wait3A_63 = tpu.memref_slice %arg14[%dma_wait3A, %dma_wait3A_62] : memref<10240x128xf32, #tpu.memory_space<vmem_shared>> -> memref<128x128xf32, #tpu.memory_space<vmem_shared>>
        %dma_wait3A_64 = arith.constant 0 : i32
        %dma_wait3A_65 = arith.constant 0 : i32
        %dma_wait3A_66 = tpu.memref_slice %arg14[%dma_wait3A_64, %dma_wait3A_65] : memref<10240x128xf32, #tpu.memory_space<vmem_shared>> -> memref<128x128xf32, #tpu.memory_space<vmem_shared>>
        tpu.wait_dma2 semaphore(%arg12 : memref<!tpu.dma_semaphore, #tpu.memory_space<semaphore_mem>>) src(%arg8 : memref<128x128xf32, #tpu.memory_space<vmem>>) dst(%dma_wait3A_66 : memref<128x128xf32, #tpu.memory_space<vmem_shared>>)
      } else {
      }
      %lt3A_23 = arith.constant 40 : i32
      %lt3A_24 = arith.cmpi slt, %add3A_19, %lt3A_23 : i32
      %convert_element_type3A_25 = arith.extui %lt3A_24 : i1 to i32
      %cond3A_26 = arith.constant 0 : i32
      %cond3A_27 = arith.cmpi ne, %convert_element_type3A_25, %cond3A_26 : i32
      scf.if %cond3A_27 {
        %dma_start3A = arith.constant 0 : i32
        %dma_start3A_62 = tpu.memref_slice %arg6[%add3A_19, %dma_start3A] : memref<40x128xi32, #tpu.memory_space<vmem>> -> memref<1x128xi32, #tpu.memory_space<vmem>>
        %dma_start3A_63 = tpu.memref_squeeze %dma_start3A_62 : memref<1x128xi32, #tpu.memory_space<vmem>> -> memref<128xi32, #tpu.memory_space<vmem>>
        %dma_start3A_64 = arith.constant 0 : i32
        %dma_start3A_65 = arith.constant 0 : i32
        %dma_start3A_66 = tpu.memref_slice %arg4[%dma_start3A_64, %dma_start3A_65] : memref<10240x128xf32, #tpu.memory_space<hbm>> -> memref<10240x128xf32, #tpu.memory_space<hbm>>
        tpu.enqueue_indirect_dma source(%dma_start3A_66 : memref<10240x128xf32, #tpu.memory_space<hbm>>) target(%arg8 : memref<128x128xf32, #tpu.memory_space<vmem>>) offsets(%dma_start3A_63 : memref<128xi32, #tpu.memory_space<vmem>>) semaphore(%arg10 : memref<!tpu.dma_semaphore, #tpu.memory_space<semaphore_mem>>)
      } else {
      }
      %sub3A = arith.constant 1 : i32
      %sub3A_28 = arith.subi %add3A_19, %sub3A : i32
      %ge3A_29 = arith.constant 0 : i32
      %ge3A_30 = arith.cmpi sge, %sub3A_28, %ge3A_29 : i32
      %lt3A_31 = arith.constant 40 : i32
      %lt3A_32 = arith.cmpi slt, %sub3A_28, %lt3A_31 : i32
      %and3A_33 = arith.andi %ge3A_30, %lt3A_32 : i1
      %convert_element_type3A_34 = arith.extui %and3A_33 : i1 to i32
      %cond3A_35 = arith.constant 0 : i32
      %cond3A_36 = arith.cmpi ne, %convert_element_type3A_34, %cond3A_35 : i32
      scf.if %cond3A_36 {
        %dma_wait3A = arith.constant 0 : i32
        %dma_wait3A_62 = arith.constant 0 : i32
        %dma_wait3A_63 = tpu.memref_slice %arg4[%dma_wait3A, %dma_wait3A_62] : memref<10240x128xf32, #tpu.memory_space<hbm>> -> memref<128x128xf32, #tpu.memory_space<hbm>>
        %dma_wait3A_64 = arith.constant 0 : i32
        %dma_wait3A_65 = arith.constant 0 : i32
        %dma_wait3A_66 = tpu.memref_slice %arg4[%dma_wait3A_64, %dma_wait3A_65] : memref<10240x128xf32, #tpu.memory_space<hbm>> -> memref<128x128xf32, #tpu.memory_space<hbm>>
        tpu.wait_dma2 semaphore(%arg11 : memref<!tpu.dma_semaphore, #tpu.memory_space<semaphore_mem>>) src(%dma_wait3A_66 : memref<128x128xf32, #tpu.memory_space<hbm>>) dst(%arg9 : memref<128x128xf32, #tpu.memory_space<vmem>>)
        %dma_start3A = arith.constant 0 : i32
        %dma_start3A_67 = tpu.memref_slice %arg7[%sub3A_28, %dma_start3A] : memref<40x128xi32, #tpu.memory_space<vmem>> -> memref<1x128xi32, #tpu.memory_space<vmem>>
        %dma_start3A_68 = tpu.memref_squeeze %dma_start3A_67 : memref<1x128xi32, #tpu.memory_space<vmem>> -> memref<128xi32, #tpu.memory_space<vmem>>
        %dma_start3A_69 = arith.constant 0 : i32
        %dma_start3A_70 = arith.constant 0 : i32
        %dma_start3A_71 = tpu.memref_slice %arg14[%dma_start3A_69, %dma_start3A_70] : memref<10240x128xf32, #tpu.memory_space<vmem_shared>> -> memref<10240x128xf32, #tpu.memory_space<vmem_shared>>
        tpu.enqueue_indirect_dma source(%arg9 : memref<128x128xf32, #tpu.memory_space<vmem>>) target(%dma_start3A_71 : memref<10240x128xf32, #tpu.memory_space<vmem_shared>>) offsets(%dma_start3A_68 : memref<128xi32, #tpu.memory_space<vmem>>) semaphore(%arg13 : memref<!tpu.dma_semaphore, #tpu.memory_space<semaphore_mem>>) {add = true}
      } else {
      }
      %add3A_37 = arith.constant 1 : i32
      %add3A_38 = arith.addi %mul3A_17, %add3A_37 : i32
      %ge3A_39 = arith.constant 2 : i32
      %ge3A_40 = arith.cmpi sge, %add3A_38, %ge3A_39 : i32
      %lt3A_41 = arith.constant 42 : i32
      %lt3A_42 = arith.cmpi slt, %add3A_38, %lt3A_41 : i32
      %and3A_43 = arith.andi %ge3A_40, %lt3A_42 : i1
      %convert_element_type3A_44 = arith.extui %and3A_43 : i1 to i32
      %cond3A_45 = arith.constant 0 : i32
      %cond3A_46 = arith.cmpi ne, %convert_element_type3A_44, %cond3A_45 : i32
      scf.if %cond3A_46 {
        %dma_wait3A = arith.constant 0 : i32
        %dma_wait3A_62 = arith.constant 0 : i32
        %dma_wait3A_63 = tpu.memref_slice %arg14[%dma_wait3A, %dma_wait3A_62] : memref<10240x128xf32, #tpu.memory_space<vmem_shared>> -> memref<128x128xf32, #tpu.memory_space<vmem_shared>>
        %dma_wait3A_64 = arith.constant 0 : i32
        %dma_wait3A_65 = arith.constant 0 : i32
        %dma_wait3A_66 = tpu.memref_slice %arg14[%dma_wait3A_64, %dma_wait3A_65] : memref<10240x128xf32, #tpu.memory_space<vmem_shared>> -> memref<128x128xf32, #tpu.memory_space<vmem_shared>>
        tpu.wait_dma2 semaphore(%arg13 : memref<!tpu.dma_semaphore, #tpu.memory_space<semaphore_mem>>) src(%arg9 : memref<128x128xf32, #tpu.memory_space<vmem>>) dst(%dma_wait3A_66 : memref<128x128xf32, #tpu.memory_space<vmem_shared>>)
      } else {
      }
      %lt3A_47 = arith.constant 40 : i32
      %lt3A_48 = arith.cmpi slt, %add3A_38, %lt3A_47 : i32
      %convert_element_type3A_49 = arith.extui %lt3A_48 : i1 to i32
      %cond3A_50 = arith.constant 0 : i32
      %cond3A_51 = arith.cmpi ne, %convert_element_type3A_49, %cond3A_50 : i32
      scf.if %cond3A_51 {
        %dma_start3A = arith.constant 0 : i32
        %dma_start3A_62 = tpu.memref_slice %arg6[%add3A_38, %dma_start3A] : memref<40x128xi32, #tpu.memory_space<vmem>> -> memref<1x128xi32, #tpu.memory_space<vmem>>
        %dma_start3A_63 = tpu.memref_squeeze %dma_start3A_62 : memref<1x128xi32, #tpu.memory_space<vmem>> -> memref<128xi32, #tpu.memory_space<vmem>>
        %dma_start3A_64 = arith.constant 0 : i32
        %dma_start3A_65 = arith.constant 0 : i32
        %dma_start3A_66 = tpu.memref_slice %arg4[%dma_start3A_64, %dma_start3A_65] : memref<10240x128xf32, #tpu.memory_space<hbm>> -> memref<10240x128xf32, #tpu.memory_space<hbm>>
        tpu.enqueue_indirect_dma source(%dma_start3A_66 : memref<10240x128xf32, #tpu.memory_space<hbm>>) target(%arg9 : memref<128x128xf32, #tpu.memory_space<vmem>>) offsets(%dma_start3A_63 : memref<128xi32, #tpu.memory_space<vmem>>) semaphore(%arg11 : memref<!tpu.dma_semaphore, #tpu.memory_space<semaphore_mem>>)
      } else {
      }
      %sub3A_52 = arith.constant 1 : i32
      %sub3A_53 = arith.subi %add3A_38, %sub3A_52 : i32
      %ge3A_54 = arith.constant 0 : i32
      %ge3A_55 = arith.cmpi sge, %sub3A_53, %ge3A_54 : i32
      %lt3A_56 = arith.constant 40 : i32
      %lt3A_57 = arith.cmpi slt, %sub3A_53, %lt3A_56 : i32
      %and3A_58 = arith.andi %ge3A_55, %lt3A_57 : i1
      %convert_element_type3A_59 = arith.extui %and3A_58 : i1 to i32
      %cond3A_60 = arith.constant 0 : i32
      %cond3A_61 = arith.cmpi ne, %convert_element_type3A_59, %cond3A_60 : i32
      scf.if %cond3A_61 {
        %dma_wait3A = arith.constant 0 : i32
        %dma_wait3A_62 = arith.constant 0 : i32
        %dma_wait3A_63 = tpu.memref_slice %arg4[%dma_wait3A, %dma_wait3A_62] : memref<10240x128xf32, #tpu.memory_space<hbm>> -> memref<128x128xf32, #tpu.memory_space<hbm>>
        %dma_wait3A_64 = arith.constant 0 : i32
        %dma_wait3A_65 = arith.constant 0 : i32
        %dma_wait3A_66 = tpu.memref_slice %arg4[%dma_wait3A_64, %dma_wait3A_65] : memref<10240x128xf32, #tpu.memory_space<hbm>> -> memref<128x128xf32, #tpu.memory_space<hbm>>
        tpu.wait_dma2 semaphore(%arg10 : memref<!tpu.dma_semaphore, #tpu.memory_space<semaphore_mem>>) src(%dma_wait3A_66 : memref<128x128xf32, #tpu.memory_space<hbm>>) dst(%arg8 : memref<128x128xf32, #tpu.memory_space<vmem>>)
        %dma_start3A = arith.constant 0 : i32
        %dma_start3A_67 = tpu.memref_slice %arg7[%sub3A_53, %dma_start3A] : memref<40x128xi32, #tpu.memory_space<vmem>> -> memref<1x128xi32, #tpu.memory_space<vmem>>
        %dma_start3A_68 = tpu.memref_squeeze %dma_start3A_67 : memref<1x128xi32, #tpu.memory_space<vmem>> -> memref<128xi32, #tpu.memory_space<vmem>>
        %dma_start3A_69 = arith.constant 0 : i32
        %dma_start3A_70 = arith.constant 0 : i32
        %dma_start3A_71 = tpu.memref_slice %arg14[%dma_start3A_69, %dma_start3A_70] : memref<10240x128xf32, #tpu.memory_space<vmem_shared>> -> memref<10240x128xf32, #tpu.memory_space<vmem_shared>>
        tpu.enqueue_indirect_dma source(%arg8 : memref<128x128xf32, #tpu.memory_space<vmem>>) target(%dma_start3A_71 : memref<10240x128xf32, #tpu.memory_space<vmem_shared>>) offsets(%dma_start3A_68 : memref<128xi32, #tpu.memory_space<vmem>>) semaphore(%arg12 : memref<!tpu.dma_semaphore, #tpu.memory_space<semaphore_mem>>) {add = true}
      } else {
      }
    }
    %scan3A_7 = arith.constant 21 : i32
    "tpu.region"() ({
      %run_scoped3A = tpu.sem_alloc : memref<!tpu.dma_semaphore, #tpu.memory_space<semaphore_mem>>
      %dma_start3A = arith.constant 40 : i32
      %dma_start3A_15 = arith.constant 0 : i32
      %dma_start3A_16 = tpu.memref_slice %arg2[%add3A, %dma_start3A, %dma_start3A_15] : memref<32x80x128xi32, #tpu.memory_space<hbm>> -> memref<1x40x128xi32, #tpu.memory_space<hbm>>
      %dma_start3A_17 = tpu.memref_squeeze %dma_start3A_16 : memref<1x40x128xi32, #tpu.memory_space<hbm>> -> memref<40x128xi32, #tpu.memory_space<hbm>>
      %dma_start3A_18 = arith.constant 40 : i32
      %dma_start3A_19 = arith.constant 0 : i32
      %dma_start3A_20 = tpu.memref_slice %arg2[%add3A, %dma_start3A_18, %dma_start3A_19] : memref<32x80x128xi32, #tpu.memory_space<hbm>> -> memref<1x40x128xi32, #tpu.memory_space<hbm>>
      %dma_start3A_21 = tpu.memref_squeeze %dma_start3A_20 : memref<1x40x128xi32, #tpu.memory_space<hbm>> -> memref<40x128xi32, #tpu.memory_space<hbm>>
      tpu.enqueue_dma source(%dma_start3A_21 : memref<40x128xi32, #tpu.memory_space<hbm>>) target(%arg6 : memref<40x128xi32, #tpu.memory_space<vmem>>) target_semaphore(%run_scoped3A : memref<!tpu.dma_semaphore, #tpu.memory_space<semaphore_mem>>)
      %dma_wait3A = arith.constant 40 : i32
      %dma_wait3A_22 = arith.constant 0 : i32
      %dma_wait3A_23 = tpu.memref_slice %arg2[%add3A, %dma_wait3A, %dma_wait3A_22] : memref<32x80x128xi32, #tpu.memory_space<hbm>> -> memref<1x40x128xi32, #tpu.memory_space<hbm>>
      %dma_wait3A_24 = tpu.memref_squeeze %dma_wait3A_23 : memref<1x40x128xi32, #tpu.memory_space<hbm>> -> memref<40x128xi32, #tpu.memory_space<hbm>>
      %dma_wait3A_25 = arith.constant 40 : i32
      %dma_wait3A_26 = arith.constant 0 : i32
      %dma_wait3A_27 = tpu.memref_slice %arg2[%add3A, %dma_wait3A_25, %dma_wait3A_26] : memref<32x80x128xi32, #tpu.memory_space<hbm>> -> memref<1x40x128xi32, #tpu.memory_space<hbm>>
      %dma_wait3A_28 = tpu.memref_squeeze %dma_wait3A_27 : memref<1x40x128xi32, #tpu.memory_space<hbm>> -> memref<40x128xi32, #tpu.memory_space<hbm>>
      tpu.wait_dma2 semaphore(%run_scoped3A : memref<!tpu.dma_semaphore, #tpu.memory_space<semaphore_mem>>) src(%dma_wait3A_28 : memref<40x128xi32, #tpu.memory_space<hbm>>) dst(%arg6 : memref<40x128xi32, #tpu.memory_space<vmem>>)
      tpu.yield
    }) : () -> ()
    "tpu.region"() ({
      %run_scoped3A = tpu.sem_alloc : memref<!tpu.dma_semaphore, #tpu.memory_space<semaphore_mem>>
      %dma_start3A = arith.constant 40 : i32
      %dma_start3A_15 = arith.constant 0 : i32
      %dma_start3A_16 = tpu.memref_slice %arg3[%add3A, %dma_start3A, %dma_start3A_15] : memref<32x80x128xi32, #tpu.memory_space<hbm>> -> memref<1x40x128xi32, #tpu.memory_space<hbm>>
      %dma_start3A_17 = tpu.memref_squeeze %dma_start3A_16 : memref<1x40x128xi32, #tpu.memory_space<hbm>> -> memref<40x128xi32, #tpu.memory_space<hbm>>
      %dma_start3A_18 = arith.constant 40 : i32
      %dma_start3A_19 = arith.constant 0 : i32
      %dma_start3A_20 = tpu.memref_slice %arg3[%add3A, %dma_start3A_18, %dma_start3A_19] : memref<32x80x128xi32, #tpu.memory_space<hbm>> -> memref<1x40x128xi32, #tpu.memory_space<hbm>>
      %dma_start3A_21 = tpu.memref_squeeze %dma_start3A_20 : memref<1x40x128xi32, #tpu.memory_space<hbm>> -> memref<40x128xi32, #tpu.memory_space<hbm>>
      tpu.enqueue_dma source(%dma_start3A_21 : memref<40x128xi32, #tpu.memory_space<hbm>>) target(%arg7 : memref<40x128xi32, #tpu.memory_space<vmem>>) target_semaphore(%run_scoped3A : memref<!tpu.dma_semaphore, #tpu.memory_space<semaphore_mem>>)
      %dma_wait3A = arith.constant 40 : i32
      %dma_wait3A_22 = arith.constant 0 : i32
      %dma_wait3A_23 = tpu.memref_slice %arg3[%add3A, %dma_wait3A, %dma_wait3A_22] : memref<32x80x128xi32, #tpu.memory_space<hbm>> -> memref<1x40x128xi32, #tpu.memory_space<hbm>>
      %dma_wait3A_24 = tpu.memref_squeeze %dma_wait3A_23 : memref<1x40x128xi32, #tpu.memory_space<hbm>> -> memref<40x128xi32, #tpu.memory_space<hbm>>
      %dma_wait3A_25 = arith.constant 40 : i32
      %dma_wait3A_26 = arith.constant 0 : i32
      %dma_wait3A_27 = tpu.memref_slice %arg3[%add3A, %dma_wait3A_25, %dma_wait3A_26] : memref<32x80x128xi32, #tpu.memory_space<hbm>> -> memref<1x40x128xi32, #tpu.memory_space<hbm>>
      %dma_wait3A_28 = tpu.memref_squeeze %dma_wait3A_27 : memref<1x40x128xi32, #tpu.memory_space<hbm>> -> memref<40x128xi32, #tpu.memory_space<hbm>>
      tpu.wait_dma2 semaphore(%run_scoped3A : memref<!tpu.dma_semaphore, #tpu.memory_space<semaphore_mem>>) src(%dma_wait3A_28 : memref<40x128xi32, #tpu.memory_space<hbm>>) dst(%arg7 : memref<40x128xi32, #tpu.memory_space<vmem>>)
      tpu.yield
    }) : () -> ()
    %scan3A_8 = arith.constant 0 : i32
    %scan3A_9 = arith.constant 0 : i32
    %scan3A_10 = arith.constant 21 : i32
    %scan3A_11 = arith.addi %scan3A_9, %scan3A_10 : i32
    %scan3A_12 = arith.constant 1 : i32
    scf.for %scan3A_15 = %scan3A_9 to %scan3A_11 step %scan3A_12  : i32 {
      %mul3A_16 = arith.constant 2 : i32
      %mul3A_17 = arith.muli %scan3A_15, %mul3A_16 : i32
      %add3A_18 = arith.constant 0 : i32
      %add3A_19 = arith.addi %mul3A_17, %add3A_18 : i32
      %ge3A = arith.constant 2 : i32
      %ge3A_20 = arith.cmpi sge, %add3A_19, %ge3A : i32
      %lt3A = arith.constant 42 : i32
      %lt3A_21 = arith.cmpi slt, %add3A_19, %lt3A : i32
      %and3A = arith.andi %ge3A_20, %lt3A_21 : i1
      %convert_element_type3A = arith.extui %and3A : i1 to i32
      %cond3A = arith.constant 0 : i32
      %cond3A_22 = arith.cmpi ne, %convert_element_type3A, %cond3A : i32
      scf.if %cond3A_22 {
        %dma_wait3A = arith.constant 0 : i32
        %dma_wait3A_62 = arith.constant 0 : i32
        %dma_wait3A_63 = tpu.memref_slice %arg14[%dma_wait3A, %dma_wait3A_62] : memref<10240x128xf32, #tpu.memory_space<vmem_shared>> -> memref<128x128xf32, #tpu.memory_space<vmem_shared>>
        %dma_wait3A_64 = arith.constant 0 : i32
        %dma_wait3A_65 = arith.constant 0 : i32
        %dma_wait3A_66 = tpu.memref_slice %arg14[%dma_wait3A_64, %dma_wait3A_65] : memref<10240x128xf32, #tpu.memory_space<vmem_shared>> -> memref<128x128xf32, #tpu.memory_space<vmem_shared>>
        tpu.wait_dma2 semaphore(%arg12 : memref<!tpu.dma_semaphore, #tpu.memory_space<semaphore_mem>>) src(%arg8 : memref<128x128xf32, #tpu.memory_space<vmem>>) dst(%dma_wait3A_66 : memref<128x128xf32, #tpu.memory_space<vmem_shared>>)
      } else {
      }
      %lt3A_23 = arith.constant 40 : i32
      %lt3A_24 = arith.cmpi slt, %add3A_19, %lt3A_23 : i32
      %convert_element_type3A_25 = arith.extui %lt3A_24 : i1 to i32
      %cond3A_26 = arith.constant 0 : i32
      %cond3A_27 = arith.cmpi ne, %convert_element_type3A_25, %cond3A_26 : i32
      scf.if %cond3A_27 {
        %dma_start3A = arith.constant 0 : i32
        %dma_start3A_62 = tpu.memref_slice %arg6[%add3A_19, %dma_start3A] : memref<40x128xi32, #tpu.memory_space<vmem>> -> memref<1x128xi32, #tpu.memory_space<vmem>>
        %dma_start3A_63 = tpu.memref_squeeze %dma_start3A_62 : memref<1x128xi32, #tpu.memory_space<vmem>> -> memref<128xi32, #tpu.memory_space<vmem>>
        %dma_start3A_64 = arith.constant 0 : i32
        %dma_start3A_65 = arith.constant 0 : i32
        %dma_start3A_66 = tpu.memref_slice %arg4[%dma_start3A_64, %dma_start3A_65] : memref<10240x128xf32, #tpu.memory_space<hbm>> -> memref<10240x128xf32, #tpu.memory_space<hbm>>
        tpu.enqueue_indirect_dma source(%dma_start3A_66 : memref<10240x128xf32, #tpu.memory_space<hbm>>) target(%arg8 : memref<128x128xf32, #tpu.memory_space<vmem>>) offsets(%dma_start3A_63 : memref<128xi32, #tpu.memory_space<vmem>>) semaphore(%arg10 : memref<!tpu.dma_semaphore, #tpu.memory_space<semaphore_mem>>)
      } else {
      }
      %sub3A = arith.constant 1 : i32
      %sub3A_28 = arith.subi %add3A_19, %sub3A : i32
      %ge3A_29 = arith.constant 0 : i32
      %ge3A_30 = arith.cmpi sge, %sub3A_28, %ge3A_29 : i32
      %lt3A_31 = arith.constant 40 : i32
      %lt3A_32 = arith.cmpi slt, %sub3A_28, %lt3A_31 : i32
      %and3A_33 = arith.andi %ge3A_30, %lt3A_32 : i1
      %convert_element_type3A_34 = arith.extui %and3A_33 : i1 to i32
      %cond3A_35 = arith.constant 0 : i32
      %cond3A_36 = arith.cmpi ne, %convert_element_type3A_34, %cond3A_35 : i32
      scf.if %cond3A_36 {
        %dma_wait3A = arith.constant 0 : i32
        %dma_wait3A_62 = arith.constant 0 : i32
        %dma_wait3A_63 = tpu.memref_slice %arg4[%dma_wait3A, %dma_wait3A_62] : memref<10240x128xf32, #tpu.memory_space<hbm>> -> memref<128x128xf32, #tpu.memory_space<hbm>>
        %dma_wait3A_64 = arith.constant 0 : i32
        %dma_wait3A_65 = arith.constant 0 : i32
        %dma_wait3A_66 = tpu.memref_slice %arg4[%dma_wait3A_64, %dma_wait3A_65] : memref<10240x128xf32, #tpu.memory_space<hbm>> -> memref<128x128xf32, #tpu.memory_space<hbm>>
        tpu.wait_dma2 semaphore(%arg11 : memref<!tpu.dma_semaphore, #tpu.memory_space<semaphore_mem>>) src(%dma_wait3A_66 : memref<128x128xf32, #tpu.memory_space<hbm>>) dst(%arg9 : memref<128x128xf32, #tpu.memory_space<vmem>>)
        %dma_start3A = arith.constant 0 : i32
        %dma_start3A_67 = tpu.memref_slice %arg7[%sub3A_28, %dma_start3A] : memref<40x128xi32, #tpu.memory_space<vmem>> -> memref<1x128xi32, #tpu.memory_space<vmem>>
        %dma_start3A_68 = tpu.memref_squeeze %dma_start3A_67 : memref<1x128xi32, #tpu.memory_space<vmem>> -> memref<128xi32, #tpu.memory_space<vmem>>
        %dma_start3A_69 = arith.constant 0 : i32
        %dma_start3A_70 = arith.constant 0 : i32
        %dma_start3A_71 = tpu.memref_slice %arg14[%dma_start3A_69, %dma_start3A_70] : memref<10240x128xf32, #tpu.memory_space<vmem_shared>> -> memref<10240x128xf32, #tpu.memory_space<vmem_shared>>
        tpu.enqueue_indirect_dma source(%arg9 : memref<128x128xf32, #tpu.memory_space<vmem>>) target(%dma_start3A_71 : memref<10240x128xf32, #tpu.memory_space<vmem_shared>>) offsets(%dma_start3A_68 : memref<128xi32, #tpu.memory_space<vmem>>) semaphore(%arg13 : memref<!tpu.dma_semaphore, #tpu.memory_space<semaphore_mem>>) {add = true}
      } else {
      }
      %add3A_37 = arith.constant 1 : i32
      %add3A_38 = arith.addi %mul3A_17, %add3A_37 : i32
      %ge3A_39 = arith.constant 2 : i32
      %ge3A_40 = arith.cmpi sge, %add3A_38, %ge3A_39 : i32
      %lt3A_41 = arith.constant 42 : i32
      %lt3A_42 = arith.cmpi slt, %add3A_38, %lt3A_41 : i32
      %and3A_43 = arith.andi %ge3A_40, %lt3A_42 : i1
      %convert_element_type3A_44 = arith.extui %and3A_43 : i1 to i32
      %cond3A_45 = arith.constant 0 : i32
      %cond3A_46 = arith.cmpi ne, %convert_element_type3A_44, %cond3A_45 : i32
      scf.if %cond3A_46 {
        %dma_wait3A = arith.constant 0 : i32
        %dma_wait3A_62 = arith.constant 0 : i32
        %dma_wait3A_63 = tpu.memref_slice %arg14[%dma_wait3A, %dma_wait3A_62] : memref<10240x128xf32, #tpu.memory_space<vmem_shared>> -> memref<128x128xf32, #tpu.memory_space<vmem_shared>>
        %dma_wait3A_64 = arith.constant 0 : i32
        %dma_wait3A_65 = arith.constant 0 : i32
        %dma_wait3A_66 = tpu.memref_slice %arg14[%dma_wait3A_64, %dma_wait3A_65] : memref<10240x128xf32, #tpu.memory_space<vmem_shared>> -> memref<128x128xf32, #tpu.memory_space<vmem_shared>>
        tpu.wait_dma2 semaphore(%arg13 : memref<!tpu.dma_semaphore, #tpu.memory_space<semaphore_mem>>) src(%arg9 : memref<128x128xf32, #tpu.memory_space<vmem>>) dst(%dma_wait3A_66 : memref<128x128xf32, #tpu.memory_space<vmem_shared>>)
      } else {
      }
      %lt3A_47 = arith.constant 40 : i32
      %lt3A_48 = arith.cmpi slt, %add3A_38, %lt3A_47 : i32
      %convert_element_type3A_49 = arith.extui %lt3A_48 : i1 to i32
      %cond3A_50 = arith.constant 0 : i32
      %cond3A_51 = arith.cmpi ne, %convert_element_type3A_49, %cond3A_50 : i32
      scf.if %cond3A_51 {
        %dma_start3A = arith.constant 0 : i32
        %dma_start3A_62 = tpu.memref_slice %arg6[%add3A_38, %dma_start3A] : memref<40x128xi32, #tpu.memory_space<vmem>> -> memref<1x128xi32, #tpu.memory_space<vmem>>
        %dma_start3A_63 = tpu.memref_squeeze %dma_start3A_62 : memref<1x128xi32, #tpu.memory_space<vmem>> -> memref<128xi32, #tpu.memory_space<vmem>>
        %dma_start3A_64 = arith.constant 0 : i32
        %dma_start3A_65 = arith.constant 0 : i32
        %dma_start3A_66 = tpu.memref_slice %arg4[%dma_start3A_64, %dma_start3A_65] : memref<10240x128xf32, #tpu.memory_space<hbm>> -> memref<10240x128xf32, #tpu.memory_space<hbm>>
        tpu.enqueue_indirect_dma source(%dma_start3A_66 : memref<10240x128xf32, #tpu.memory_space<hbm>>) target(%arg9 : memref<128x128xf32, #tpu.memory_space<vmem>>) offsets(%dma_start3A_63 : memref<128xi32, #tpu.memory_space<vmem>>) semaphore(%arg11 : memref<!tpu.dma_semaphore, #tpu.memory_space<semaphore_mem>>)
      } else {
      }
      %sub3A_52 = arith.constant 1 : i32
      %sub3A_53 = arith.subi %add3A_38, %sub3A_52 : i32
      %ge3A_54 = arith.constant 0 : i32
      %ge3A_55 = arith.cmpi sge, %sub3A_53, %ge3A_54 : i32
      %lt3A_56 = arith.constant 40 : i32
      %lt3A_57 = arith.cmpi slt, %sub3A_53, %lt3A_56 : i32
      %and3A_58 = arith.andi %ge3A_55, %lt3A_57 : i1
      %convert_element_type3A_59 = arith.extui %and3A_58 : i1 to i32
      %cond3A_60 = arith.constant 0 : i32
      %cond3A_61 = arith.cmpi ne, %convert_element_type3A_59, %cond3A_60 : i32
      scf.if %cond3A_61 {
        %dma_wait3A = arith.constant 0 : i32
        %dma_wait3A_62 = arith.constant 0 : i32
        %dma_wait3A_63 = tpu.memref_slice %arg4[%dma_wait3A, %dma_wait3A_62] : memref<10240x128xf32, #tpu.memory_space<hbm>> -> memref<128x128xf32, #tpu.memory_space<hbm>>
        %dma_wait3A_64 = arith.constant 0 : i32
        %dma_wait3A_65 = arith.constant 0 : i32
        %dma_wait3A_66 = tpu.memref_slice %arg4[%dma_wait3A_64, %dma_wait3A_65] : memref<10240x128xf32, #tpu.memory_space<hbm>> -> memref<128x128xf32, #tpu.memory_space<hbm>>
        tpu.wait_dma2 semaphore(%arg10 : memref<!tpu.dma_semaphore, #tpu.memory_space<semaphore_mem>>) src(%dma_wait3A_66 : memref<128x128xf32, #tpu.memory_space<hbm>>) dst(%arg8 : memref<128x128xf32, #tpu.memory_space<vmem>>)
        %dma_start3A = arith.constant 0 : i32
        %dma_start3A_67 = tpu.memref_slice %arg7[%sub3A_53, %dma_start3A] : memref<40x128xi32, #tpu.memory_space<vmem>> -> memref<1x128xi32, #tpu.memory_space<vmem>>
        %dma_start3A_68 = tpu.memref_squeeze %dma_start3A_67 : memref<1x128xi32, #tpu.memory_space<vmem>> -> memref<128xi32, #tpu.memory_space<vmem>>
        %dma_start3A_69 = arith.constant 0 : i32
        %dma_start3A_70 = arith.constant 0 : i32
        %dma_start3A_71 = tpu.memref_slice %arg14[%dma_start3A_69, %dma_start3A_70] : memref<10240x128xf32, #tpu.memory_space<vmem_shared>> -> memref<10240x128xf32, #tpu.memory_space<vmem_shared>>
        tpu.enqueue_indirect_dma source(%arg8 : memref<128x128xf32, #tpu.memory_space<vmem>>) target(%dma_start3A_71 : memref<10240x128xf32, #tpu.memory_space<vmem_shared>>) offsets(%dma_start3A_68 : memref<128xi32, #tpu.memory_space<vmem>>) semaphore(%arg12 : memref<!tpu.dma_semaphore, #tpu.memory_space<semaphore_mem>>) {add = true}
      } else {
      }
    }
    %scan3A_13 = arith.constant 21 : i32
    %barrier3A_14 = arith.constant 0 : index
    tpu.barrier barrier_id(%barrier3A_14)
    "tpu.region"() ({
      %run_scoped3A = tpu.sem_alloc : memref<!tpu.dma_semaphore, #tpu.memory_space<semaphore_mem>>
      %dma_start3A = arith.constant 0 : i32
      %dma_start3A_15 = tpu.memref_slice %arg5[%arg0, %mul3A_2, %dma_start3A] : memref<2x10240x128xf32, #tpu.memory_space<hbm>> -> memref<1x640x128xf32, #tpu.memory_space<hbm>>
      %dma_start3A_16 = tpu.memref_squeeze %dma_start3A_15 : memref<1x640x128xf32, #tpu.memory_space<hbm>> -> memref<640x128xf32, #tpu.memory_space<hbm>>
      %dma_start3A_17 = arith.constant 0 : i32
      %dma_start3A_18 = tpu.memref_slice %arg14[%mul3A_2, %dma_start3A_17] : memref<10240x128xf32, #tpu.memory_space<vmem_shared>> -> memref<640x128xf32, #tpu.memory_space<vmem_shared>>
      tpu.enqueue_dma source(%dma_start3A_18 : memref<640x128xf32, #tpu.memory_space<vmem_shared>>) target(%dma_start3A_16 : memref<640x128xf32, #tpu.memory_space<hbm>>) target_semaphore(%run_scoped3A : memref<!tpu.dma_semaphore, #tpu.memory_space<semaphore_mem>>)
      %dma_wait3A = arith.constant 0 : i32
      %dma_wait3A_19 = tpu.memref_slice %arg5[%arg0, %mul3A_2, %dma_wait3A] : memref<2x10240x128xf32, #tpu.memory_space<hbm>> -> memref<1x640x128xf32, #tpu.memory_space<hbm>>
      %dma_wait3A_20 = tpu.memref_squeeze %dma_wait3A_19 : memref<1x640x128xf32, #tpu.memory_space<hbm>> -> memref<640x128xf32, #tpu.memory_space<hbm>>
      %dma_wait3A_21 = arith.constant 0 : i32
      %dma_wait3A_22 = tpu.memref_slice %arg14[%mul3A_2, %dma_wait3A_21] : memref<10240x128xf32, #tpu.memory_space<vmem_shared>> -> memref<640x128xf32, #tpu.memory_space<vmem_shared>>
      tpu.wait_dma2 semaphore(%run_scoped3A : memref<!tpu.dma_semaphore, #tpu.memory_space<semaphore_mem>>) src(%dma_wait3A_22 : memref<640x128xf32, #tpu.memory_space<vmem_shared>>) dst(%dma_wait3A_20 : memref<640x128xf32, #tpu.memory_space<hbm>>)
      tpu.yield
    }) : () -> ()
    return
  }
}

#map = affine_map<(d0, d1) -> (0, 0, 0)>
#map1 = affine_map<(d0, d1) -> (0, 0)>
module attributes {stable_mosaic.version = 14 : i64} {
  func.func @_spmm_kernel(%arg0: i32, %arg1: i32, %arg2: memref<32x80x128xi32, #tpu.memory_space<hbm>>, %arg3: memref<32x80x128xi32, #tpu.memory_space<hbm>>, %arg4: memref<10240x128xf32, #tpu.memory_space<hbm>>, %arg5: memref<2x10240x128xf32, #tpu.memory_space<hbm>>, %arg6: memref<40x128xi32, #tpu.memory_space<vmem>>, %arg7: memref<40x128xi32, #tpu.memory_space<vmem>>, %arg8: memref<128x128xf32, #tpu.memory_space<vmem>>, %arg9: memref<128x128xf32, #tpu.memory_space<vmem>>, %arg10: memref<!tpu.dma_semaphore, #tpu.memory_space<semaphore_mem>>, %arg11: memref<!tpu.dma_semaphore, #tpu.memory_space<semaphore_mem>>, %arg12: memref<!tpu.dma_semaphore, #tpu.memory_space<semaphore_mem>>, %arg13: memref<!tpu.dma_semaphore, #tpu.memory_space<semaphore_mem>>, %arg14: memref<10240x128xf32, #tpu.memory_space<vmem_shared>>) attributes {dimension_semantics = [#tpu.dimension_semantics<core_parallel>, #tpu.dimension_semantics<subcore_parallel>], iteration_bounds = array<i64: 2, 16>, scalar_prefetch = 0 : i64, scratch_operands = 9 : i64, tpu.core_type = #tpu.core_type<sc_vector_subcore>, window_params = [{transform_indices = #map}, {transform_indices = #map}, {transform_indices = #map1}, {transform_indices = #map}]} {
    %mul3A = arith.constant 2 : i32
    %mul3A_0 = arith.muli %arg1, %mul3A : i32
    %add3A = arith.addi %mul3A_0, %arg0 : i32
    %mul3A_1 = arith.constant 640 : i32
    %mul3A_2 = arith.muli %arg1, %mul3A_1 : i32
    "tpu.region"() ({
      %run_scoped3A = tpu.sem_alloc : memref<!tpu.dma_semaphore, #tpu.memory_space<semaphore_mem>>
      %dma_start3A = arith.constant 0 : i32
      %dma_start3A_15 = tpu.memref_slice %arg14[%mul3A_2, %dma_start3A] : memref<10240x128xf32, #tpu.memory_space<vmem_shared>> -> memref<640x128xf32, #tpu.memory_space<vmem_shared>>
      %dma_start3A_16 = arith.constant 0 : i32
      %dma_start3A_17 = tpu.memref_slice %arg4[%mul3A_2, %dma_start3A_16] : memref<10240x128xf32, #tpu.memory_space<hbm>> -> memref<640x128xf32, #tpu.memory_space<hbm>>
      tpu.enqueue_dma source(%dma_start3A_17 : memref<640x128xf32, #tpu.memory_space<hbm>>) target(%dma_start3A_15 : memref<640x128xf32, #tpu.memory_space<vmem_shared>>) target_semaphore(%run_scoped3A : memref<!tpu.dma_semaphore, #tpu.memory_space<semaphore_mem>>)
      %dma_wait3A = arith.constant 0 : i32
      %dma_wait3A_18 = tpu.memref_slice %arg14[%mul3A_2, %dma_wait3A] : memref<10240x128xf32, #tpu.memory_space<vmem_shared>> -> memref<640x128xf32, #tpu.memory_space<vmem_shared>>
      %dma_wait3A_19 = arith.constant 0 : i32
      %dma_wait3A_20 = tpu.memref_slice %arg4[%mul3A_2, %dma_wait3A_19] : memref<10240x128xf32, #tpu.memory_space<hbm>> -> memref<640x128xf32, #tpu.memory_space<hbm>>
      tpu.wait_dma2 semaphore(%run_scoped3A : memref<!tpu.dma_semaphore, #tpu.memory_space<semaphore_mem>>) src(%dma_wait3A_20 : memref<640x128xf32, #tpu.memory_space<hbm>>) dst(%dma_wait3A_18 : memref<640x128xf32, #tpu.memory_space<vmem_shared>>)
      tpu.yield
    }) : () -> ()
    %barrier3A = arith.constant 0 : index
    tpu.barrier barrier_id(%barrier3A)
    "tpu.region"() ({
      %run_scoped3A = tpu.sem_alloc : memref<!tpu.dma_semaphore, #tpu.memory_space<semaphore_mem>>
      %dma_start3A = arith.constant 0 : i32
      %dma_start3A_15 = arith.constant 0 : i32
      %dma_start3A_16 = tpu.memref_slice %arg2[%add3A, %dma_start3A, %dma_start3A_15] : memref<32x80x128xi32, #tpu.memory_space<hbm>> -> memref<1x40x128xi32, #tpu.memory_space<hbm>>
      %dma_start3A_17 = tpu.memref_squeeze %dma_start3A_16 : memref<1x40x128xi32, #tpu.memory_space<hbm>> -> memref<40x128xi32, #tpu.memory_space<hbm>>
      %dma_start3A_18 = arith.constant 0 : i32
      %dma_start3A_19 = arith.constant 0 : i32
      %dma_start3A_20 = tpu.memref_slice %arg2[%add3A, %dma_start3A_18, %dma_start3A_19] : memref<32x80x128xi32, #tpu.memory_space<hbm>> -> memref<1x40x128xi32, #tpu.memory_space<hbm>>
      %dma_start3A_21 = tpu.memref_squeeze %dma_start3A_20 : memref<1x40x128xi32, #tpu.memory_space<hbm>> -> memref<40x128xi32, #tpu.memory_space<hbm>>
      tpu.enqueue_dma source(%dma_start3A_21 : memref<40x128xi32, #tpu.memory_space<hbm>>) target(%arg6 : memref<40x128xi32, #tpu.memory_space<vmem>>) target_semaphore(%run_scoped3A : memref<!tpu.dma_semaphore, #tpu.memory_space<semaphore_mem>>)
      %dma_wait3A = arith.constant 0 : i32
      %dma_wait3A_22 = arith.constant 0 : i32
      %dma_wait3A_23 = tpu.memref_slice %arg2[%add3A, %dma_wait3A, %dma_wait3A_22] : memref<32x80x128xi32, #tpu.memory_space<hbm>> -> memref<1x40x128xi32, #tpu.memory_space<hbm>>
      %dma_wait3A_24 = tpu.memref_squeeze %dma_wait3A_23 : memref<1x40x128xi32, #tpu.memory_space<hbm>> -> memref<40x128xi32, #tpu.memory_space<hbm>>
      %dma_wait3A_25 = arith.constant 0 : i32
      %dma_wait3A_26 = arith.constant 0 : i32
      %dma_wait3A_27 = tpu.memref_slice %arg2[%add3A, %dma_wait3A_25, %dma_wait3A_26] : memref<32x80x128xi32, #tpu.memory_space<hbm>> -> memref<1x40x128xi32, #tpu.memory_space<hbm>>
      %dma_wait3A_28 = tpu.memref_squeeze %dma_wait3A_27 : memref<1x40x128xi32, #tpu.memory_space<hbm>> -> memref<40x128xi32, #tpu.memory_space<hbm>>
      tpu.wait_dma2 semaphore(%run_scoped3A : memref<!tpu.dma_semaphore, #tpu.memory_space<semaphore_mem>>) src(%dma_wait3A_28 : memref<40x128xi32, #tpu.memory_space<hbm>>) dst(%arg6 : memref<40x128xi32, #tpu.memory_space<vmem>>)
      tpu.yield
    }) : () -> ()
    "tpu.region"() ({
      %run_scoped3A = tpu.sem_alloc : memref<!tpu.dma_semaphore, #tpu.memory_space<semaphore_mem>>
      %dma_start3A = arith.constant 0 : i32
      %dma_start3A_15 = arith.constant 0 : i32
      %dma_start3A_16 = tpu.memref_slice %arg3[%add3A, %dma_start3A, %dma_start3A_15] : memref<32x80x128xi32, #tpu.memory_space<hbm>> -> memref<1x40x128xi32, #tpu.memory_space<hbm>>
      %dma_start3A_17 = tpu.memref_squeeze %dma_start3A_16 : memref<1x40x128xi32, #tpu.memory_space<hbm>> -> memref<40x128xi32, #tpu.memory_space<hbm>>
      %dma_start3A_18 = arith.constant 0 : i32
      %dma_start3A_19 = arith.constant 0 : i32
      %dma_start3A_20 = tpu.memref_slice %arg3[%add3A, %dma_start3A_18, %dma_start3A_19] : memref<32x80x128xi32, #tpu.memory_space<hbm>> -> memref<1x40x128xi32, #tpu.memory_space<hbm>>
      %dma_start3A_21 = tpu.memref_squeeze %dma_start3A_20 : memref<1x40x128xi32, #tpu.memory_space<hbm>> -> memref<40x128xi32, #tpu.memory_space<hbm>>
      tpu.enqueue_dma source(%dma_start3A_21 : memref<40x128xi32, #tpu.memory_space<hbm>>) target(%arg7 : memref<40x128xi32, #tpu.memory_space<vmem>>) target_semaphore(%run_scoped3A : memref<!tpu.dma_semaphore, #tpu.memory_space<semaphore_mem>>)
      %dma_wait3A = arith.constant 0 : i32
      %dma_wait3A_22 = arith.constant 0 : i32
      %dma_wait3A_23 = tpu.memref_slice %arg3[%add3A, %dma_wait3A, %dma_wait3A_22] : memref<32x80x128xi32, #tpu.memory_space<hbm>> -> memref<1x40x128xi32, #tpu.memory_space<hbm>>
      %dma_wait3A_24 = tpu.memref_squeeze %dma_wait3A_23 : memref<1x40x128xi32, #tpu.memory_space<hbm>> -> memref<40x128xi32, #tpu.memory_space<hbm>>
      %dma_wait3A_25 = arith.constant 0 : i32
      %dma_wait3A_26 = arith.constant 0 : i32
      %dma_wait3A_27 = tpu.memref_slice %arg3[%add3A, %dma_wait3A_25, %dma_wait3A_26] : memref<32x80x128xi32, #tpu.memory_space<hbm>> -> memref<1x40x128xi32, #tpu.memory_space<hbm>>
      %dma_wait3A_28 = tpu.memref_squeeze %dma_wait3A_27 : memref<1x40x128xi32, #tpu.memory_space<hbm>> -> memref<40x128xi32, #tpu.memory_space<hbm>>
      tpu.wait_dma2 semaphore(%run_scoped3A : memref<!tpu.dma_semaphore, #tpu.memory_space<semaphore_mem>>) src(%dma_wait3A_28 : memref<40x128xi32, #tpu.memory_space<hbm>>) dst(%arg7 : memref<40x128xi32, #tpu.memory_space<vmem>>)
      tpu.yield
    }) : () -> ()
    %scan3A = arith.constant 0 : i32
    %scan3A_3 = arith.constant 0 : i32
    %scan3A_4 = arith.constant 21 : i32
    %scan3A_5 = arith.addi %scan3A_3, %scan3A_4 : i32
    %scan3A_6 = arith.constant 1 : i32
    scf.for %scan3A_15 = %scan3A_3 to %scan3A_5 step %scan3A_6  : i32 {
      %mul3A_16 = arith.constant 2 : i32
      %mul3A_17 = arith.muli %scan3A_15, %mul3A_16 : i32
      %add3A_18 = arith.constant 0 : i32
      %add3A_19 = arith.addi %mul3A_17, %add3A_18 : i32
      %ge3A = arith.constant 2 : i32
      %ge3A_20 = arith.cmpi sge, %add3A_19, %ge3A : i32
      %lt3A = arith.constant 42 : i32
      %lt3A_21 = arith.cmpi slt, %add3A_19, %lt3A : i32
      %and3A = arith.andi %ge3A_20, %lt3A_21 : i1
      %convert_element_type3A = arith.extui %and3A : i1 to i32
      %cond3A = arith.constant 0 : i32
      %cond3A_22 = arith.cmpi ne, %convert_element_type3A, %cond3A : i32
      scf.if %cond3A_22 {
        %dma_wait3A = arith.constant 0 : i32
        %dma_wait3A_62 = arith.constant 0 : i32
        %dma_wait3A_63 = tpu.memref_slice %arg14[%dma_wait3A, %dma_wait3A_62] : memref<10240x128xf32, #tpu.memory_space<vmem_shared>> -> memref<128x128xf32, #tpu.memory_space<vmem_shared>>
        %dma_wait3A_64 = arith.constant 0 : i32
        %dma_wait3A_65 = arith.constant 0 : i32
        %dma_wait3A_66 = tpu.memref_slice %arg14[%dma_wait3A_64, %dma_wait3A_65] : memref<10240x128xf32, #tpu.memory_space<vmem_shared>> -> memref<128x128xf32, #tpu.memory_space<vmem_shared>>
        tpu.wait_dma2 semaphore(%arg12 : memref<!tpu.dma_semaphore, #tpu.memory_space<semaphore_mem>>) src(%arg8 : memref<128x128xf32, #tpu.memory_space<vmem>>) dst(%dma_wait3A_66 : memref<128x128xf32, #tpu.memory_space<vmem_shared>>)
      } else {
      }
      %lt3A_23 = arith.constant 40 : i32
      %lt3A_24 = arith.cmpi slt, %add3A_19, %lt3A_23 : i32
      %convert_element_type3A_25 = arith.extui %lt3A_24 : i1 to i32
      %cond3A_26 = arith.constant 0 : i32
      %cond3A_27 = arith.cmpi ne, %convert_element_type3A_25, %cond3A_26 : i32
      scf.if %cond3A_27 {
        %dma_start3A = arith.constant 0 : i32
        %dma_start3A_62 = tpu.memref_slice %arg6[%add3A_19, %dma_start3A] : memref<40x128xi32, #tpu.memory_space<vmem>> -> memref<1x128xi32, #tpu.memory_space<vmem>>
        %dma_start3A_63 = tpu.memref_squeeze %dma_start3A_62 : memref<1x128xi32, #tpu.memory_space<vmem>> -> memref<128xi32, #tpu.memory_space<vmem>>
        %dma_start3A_64 = arith.constant 0 : i32
        %dma_start3A_65 = arith.constant 0 : i32
        %dma_start3A_66 = tpu.memref_slice %arg4[%dma_start3A_64, %dma_start3A_65] : memref<10240x128xf32, #tpu.memory_space<hbm>> -> memref<10240x128xf32, #tpu.memory_space<hbm>>
        tpu.enqueue_indirect_dma source(%dma_start3A_66 : memref<10240x128xf32, #tpu.memory_space<hbm>>) target(%arg8 : memref<128x128xf32, #tpu.memory_space<vmem>>) offsets(%dma_start3A_63 : memref<128xi32, #tpu.memory_space<vmem>>) semaphore(%arg10 : memref<!tpu.dma_semaphore, #tpu.memory_space<semaphore_mem>>)
      } else {
      }
      %sub3A = arith.constant 1 : i32
      %sub3A_28 = arith.subi %add3A_19, %sub3A : i32
      %ge3A_29 = arith.constant 0 : i32
      %ge3A_30 = arith.cmpi sge, %sub3A_28, %ge3A_29 : i32
      %lt3A_31 = arith.constant 40 : i32
      %lt3A_32 = arith.cmpi slt, %sub3A_28, %lt3A_31 : i32
      %and3A_33 = arith.andi %ge3A_30, %lt3A_32 : i1
      %convert_element_type3A_34 = arith.extui %and3A_33 : i1 to i32
      %cond3A_35 = arith.constant 0 : i32
      %cond3A_36 = arith.cmpi ne, %convert_element_type3A_34, %cond3A_35 : i32
      scf.if %cond3A_36 {
        %dma_wait3A = arith.constant 0 : i32
        %dma_wait3A_62 = arith.constant 0 : i32
        %dma_wait3A_63 = tpu.memref_slice %arg4[%dma_wait3A, %dma_wait3A_62] : memref<10240x128xf32, #tpu.memory_space<hbm>> -> memref<128x128xf32, #tpu.memory_space<hbm>>
        %dma_wait3A_64 = arith.constant 0 : i32
        %dma_wait3A_65 = arith.constant 0 : i32
        %dma_wait3A_66 = tpu.memref_slice %arg4[%dma_wait3A_64, %dma_wait3A_65] : memref<10240x128xf32, #tpu.memory_space<hbm>> -> memref<128x128xf32, #tpu.memory_space<hbm>>
        tpu.wait_dma2 semaphore(%arg11 : memref<!tpu.dma_semaphore, #tpu.memory_space<semaphore_mem>>) src(%dma_wait3A_66 : memref<128x128xf32, #tpu.memory_space<hbm>>) dst(%arg9 : memref<128x128xf32, #tpu.memory_space<vmem>>)
        %dma_start3A = arith.constant 0 : i32
        %dma_start3A_67 = tpu.memref_slice %arg7[%sub3A_28, %dma_start3A] : memref<40x128xi32, #tpu.memory_space<vmem>> -> memref<1x128xi32, #tpu.memory_space<vmem>>
        %dma_start3A_68 = tpu.memref_squeeze %dma_start3A_67 : memref<1x128xi32, #tpu.memory_space<vmem>> -> memref<128xi32, #tpu.memory_space<vmem>>
        %dma_start3A_69 = arith.constant 0 : i32
        %dma_start3A_70 = arith.constant 0 : i32
        %dma_start3A_71 = tpu.memref_slice %arg14[%dma_start3A_69, %dma_start3A_70] : memref<10240x128xf32, #tpu.memory_space<vmem_shared>> -> memref<10240x128xf32, #tpu.memory_space<vmem_shared>>
        tpu.enqueue_indirect_dma source(%arg9 : memref<128x128xf32, #tpu.memory_space<vmem>>) target(%dma_start3A_71 : memref<10240x128xf32, #tpu.memory_space<vmem_shared>>) offsets(%dma_start3A_68 : memref<128xi32, #tpu.memory_space<vmem>>) semaphore(%arg13 : memref<!tpu.dma_semaphore, #tpu.memory_space<semaphore_mem>>) {add = true}
      } else {
      }
      %add3A_37 = arith.constant 1 : i32
      %add3A_38 = arith.addi %mul3A_17, %add3A_37 : i32
      %ge3A_39 = arith.constant 2 : i32
      %ge3A_40 = arith.cmpi sge, %add3A_38, %ge3A_39 : i32
      %lt3A_41 = arith.constant 42 : i32
      %lt3A_42 = arith.cmpi slt, %add3A_38, %lt3A_41 : i32
      %and3A_43 = arith.andi %ge3A_40, %lt3A_42 : i1
      %convert_element_type3A_44 = arith.extui %and3A_43 : i1 to i32
      %cond3A_45 = arith.constant 0 : i32
      %cond3A_46 = arith.cmpi ne, %convert_element_type3A_44, %cond3A_45 : i32
      scf.if %cond3A_46 {
        %dma_wait3A = arith.constant 0 : i32
        %dma_wait3A_62 = arith.constant 0 : i32
        %dma_wait3A_63 = tpu.memref_slice %arg14[%dma_wait3A, %dma_wait3A_62] : memref<10240x128xf32, #tpu.memory_space<vmem_shared>> -> memref<128x128xf32, #tpu.memory_space<vmem_shared>>
        %dma_wait3A_64 = arith.constant 0 : i32
        %dma_wait3A_65 = arith.constant 0 : i32
        %dma_wait3A_66 = tpu.memref_slice %arg14[%dma_wait3A_64, %dma_wait3A_65] : memref<10240x128xf32, #tpu.memory_space<vmem_shared>> -> memref<128x128xf32, #tpu.memory_space<vmem_shared>>
        tpu.wait_dma2 semaphore(%arg13 : memref<!tpu.dma_semaphore, #tpu.memory_space<semaphore_mem>>) src(%arg9 : memref<128x128xf32, #tpu.memory_space<vmem>>) dst(%dma_wait3A_66 : memref<128x128xf32, #tpu.memory_space<vmem_shared>>)
      } else {
      }
      %lt3A_47 = arith.constant 40 : i32
      %lt3A_48 = arith.cmpi slt, %add3A_38, %lt3A_47 : i32
      %convert_element_type3A_49 = arith.extui %lt3A_48 : i1 to i32
      %cond3A_50 = arith.constant 0 : i32
      %cond3A_51 = arith.cmpi ne, %convert_element_type3A_49, %cond3A_50 : i32
      scf.if %cond3A_51 {
        %dma_start3A = arith.constant 0 : i32
        %dma_start3A_62 = tpu.memref_slice %arg6[%add3A_38, %dma_start3A] : memref<40x128xi32, #tpu.memory_space<vmem>> -> memref<1x128xi32, #tpu.memory_space<vmem>>
        %dma_start3A_63 = tpu.memref_squeeze %dma_start3A_62 : memref<1x128xi32, #tpu.memory_space<vmem>> -> memref<128xi32, #tpu.memory_space<vmem>>
        %dma_start3A_64 = arith.constant 0 : i32
        %dma_start3A_65 = arith.constant 0 : i32
        %dma_start3A_66 = tpu.memref_slice %arg4[%dma_start3A_64, %dma_start3A_65] : memref<10240x128xf32, #tpu.memory_space<hbm>> -> memref<10240x128xf32, #tpu.memory_space<hbm>>
        tpu.enqueue_indirect_dma source(%dma_start3A_66 : memref<10240x128xf32, #tpu.memory_space<hbm>>) target(%arg9 : memref<128x128xf32, #tpu.memory_space<vmem>>) offsets(%dma_start3A_63 : memref<128xi32, #tpu.memory_space<vmem>>) semaphore(%arg11 : memref<!tpu.dma_semaphore, #tpu.memory_space<semaphore_mem>>)
      } else {
      }
      %sub3A_52 = arith.constant 1 : i32
      %sub3A_53 = arith.subi %add3A_38, %sub3A_52 : i32
      %ge3A_54 = arith.constant 0 : i32
      %ge3A_55 = arith.cmpi sge, %sub3A_53, %ge3A_54 : i32
      %lt3A_56 = arith.constant 40 : i32
      %lt3A_57 = arith.cmpi slt, %sub3A_53, %lt3A_56 : i32
      %and3A_58 = arith.andi %ge3A_55, %lt3A_57 : i1
      %convert_element_type3A_59 = arith.extui %and3A_58 : i1 to i32
      %cond3A_60 = arith.constant 0 : i32
      %cond3A_61 = arith.cmpi ne, %convert_element_type3A_59, %cond3A_60 : i32
      scf.if %cond3A_61 {
        %dma_wait3A = arith.constant 0 : i32
        %dma_wait3A_62 = arith.constant 0 : i32
        %dma_wait3A_63 = tpu.memref_slice %arg4[%dma_wait3A, %dma_wait3A_62] : memref<10240x128xf32, #tpu.memory_space<hbm>> -> memref<128x128xf32, #tpu.memory_space<hbm>>
        %dma_wait3A_64 = arith.constant 0 : i32
        %dma_wait3A_65 = arith.constant 0 : i32
        %dma_wait3A_66 = tpu.memref_slice %arg4[%dma_wait3A_64, %dma_wait3A_65] : memref<10240x128xf32, #tpu.memory_space<hbm>> -> memref<128x128xf32, #tpu.memory_space<hbm>>
        tpu.wait_dma2 semaphore(%arg10 : memref<!tpu.dma_semaphore, #tpu.memory_space<semaphore_mem>>) src(%dma_wait3A_66 : memref<128x128xf32, #tpu.memory_space<hbm>>) dst(%arg8 : memref<128x128xf32, #tpu.memory_space<vmem>>)
        %dma_start3A = arith.constant 0 : i32
        %dma_start3A_67 = tpu.memref_slice %arg7[%sub3A_53, %dma_start3A] : memref<40x128xi32, #tpu.memory_space<vmem>> -> memref<1x128xi32, #tpu.memory_space<vmem>>
        %dma_start3A_68 = tpu.memref_squeeze %dma_start3A_67 : memref<1x128xi32, #tpu.memory_space<vmem>> -> memref<128xi32, #tpu.memory_space<vmem>>
        %dma_start3A_69 = arith.constant 0 : i32
        %dma_start3A_70 = arith.constant 0 : i32
        %dma_start3A_71 = tpu.memref_slice %arg14[%dma_start3A_69, %dma_start3A_70] : memref<10240x128xf32, #tpu.memory_space<vmem_shared>> -> memref<10240x128xf32, #tpu.memory_space<vmem_shared>>
        tpu.enqueue_indirect_dma source(%arg8 : memref<128x128xf32, #tpu.memory_space<vmem>>) target(%dma_start3A_71 : memref<10240x128xf32, #tpu.memory_space<vmem_shared>>) offsets(%dma_start3A_68 : memref<128xi32, #tpu.memory_space<vmem>>) semaphore(%arg12 : memref<!tpu.dma_semaphore, #tpu.memory_space<semaphore_mem>>) {add = true}
      } else {
      }
    }
    %scan3A_7 = arith.constant 21 : i32
    "tpu.region"() ({
      %run_scoped3A = tpu.sem_alloc : memref<!tpu.dma_semaphore, #tpu.memory_space<semaphore_mem>>
      %dma_start3A = arith.constant 40 : i32
      %dma_start3A_15 = arith.constant 0 : i32
      %dma_start3A_16 = tpu.memref_slice %arg2[%add3A, %dma_start3A, %dma_start3A_15] : memref<32x80x128xi32, #tpu.memory_space<hbm>> -> memref<1x40x128xi32, #tpu.memory_space<hbm>>
      %dma_start3A_17 = tpu.memref_squeeze %dma_start3A_16 : memref<1x40x128xi32, #tpu.memory_space<hbm>> -> memref<40x128xi32, #tpu.memory_space<hbm>>
      %dma_start3A_18 = arith.constant 40 : i32
      %dma_start3A_19 = arith.constant 0 : i32
      %dma_start3A_20 = tpu.memref_slice %arg2[%add3A, %dma_start3A_18, %dma_start3A_19] : memref<32x80x128xi32, #tpu.memory_space<hbm>> -> memref<1x40x128xi32, #tpu.memory_space<hbm>>
      %dma_start3A_21 = tpu.memref_squeeze %dma_start3A_20 : memref<1x40x128xi32, #tpu.memory_space<hbm>> -> memref<40x128xi32, #tpu.memory_space<hbm>>
      tpu.enqueue_dma source(%dma_start3A_21 : memref<40x128xi32, #tpu.memory_space<hbm>>) target(%arg6 : memref<40x128xi32, #tpu.memory_space<vmem>>) target_semaphore(%run_scoped3A : memref<!tpu.dma_semaphore, #tpu.memory_space<semaphore_mem>>)
      %dma_wait3A = arith.constant 40 : i32
      %dma_wait3A_22 = arith.constant 0 : i32
      %dma_wait3A_23 = tpu.memref_slice %arg2[%add3A, %dma_wait3A, %dma_wait3A_22] : memref<32x80x128xi32, #tpu.memory_space<hbm>> -> memref<1x40x128xi32, #tpu.memory_space<hbm>>
      %dma_wait3A_24 = tpu.memref_squeeze %dma_wait3A_23 : memref<1x40x128xi32, #tpu.memory_space<hbm>> -> memref<40x128xi32, #tpu.memory_space<hbm>>
      %dma_wait3A_25 = arith.constant 40 : i32
      %dma_wait3A_26 = arith.constant 0 : i32
      %dma_wait3A_27 = tpu.memref_slice %arg2[%add3A, %dma_wait3A_25, %dma_wait3A_26] : memref<32x80x128xi32, #tpu.memory_space<hbm>> -> memref<1x40x128xi32, #tpu.memory_space<hbm>>
      %dma_wait3A_28 = tpu.memref_squeeze %dma_wait3A_27 : memref<1x40x128xi32, #tpu.memory_space<hbm>> -> memref<40x128xi32, #tpu.memory_space<hbm>>
      tpu.wait_dma2 semaphore(%run_scoped3A : memref<!tpu.dma_semaphore, #tpu.memory_space<semaphore_mem>>) src(%dma_wait3A_28 : memref<40x128xi32, #tpu.memory_space<hbm>>) dst(%arg6 : memref<40x128xi32, #tpu.memory_space<vmem>>)
      tpu.yield
    }) : () -> ()
    "tpu.region"() ({
      %run_scoped3A = tpu.sem_alloc : memref<!tpu.dma_semaphore, #tpu.memory_space<semaphore_mem>>
      %dma_start3A = arith.constant 40 : i32
      %dma_start3A_15 = arith.constant 0 : i32
      %dma_start3A_16 = tpu.memref_slice %arg3[%add3A, %dma_start3A, %dma_start3A_15] : memref<32x80x128xi32, #tpu.memory_space<hbm>> -> memref<1x40x128xi32, #tpu.memory_space<hbm>>
      %dma_start3A_17 = tpu.memref_squeeze %dma_start3A_16 : memref<1x40x128xi32, #tpu.memory_space<hbm>> -> memref<40x128xi32, #tpu.memory_space<hbm>>
      %dma_start3A_18 = arith.constant 40 : i32
      %dma_start3A_19 = arith.constant 0 : i32
      %dma_start3A_20 = tpu.memref_slice %arg3[%add3A, %dma_start3A_18, %dma_start3A_19] : memref<32x80x128xi32, #tpu.memory_space<hbm>> -> memref<1x40x128xi32, #tpu.memory_space<hbm>>
      %dma_start3A_21 = tpu.memref_squeeze %dma_start3A_20 : memref<1x40x128xi32, #tpu.memory_space<hbm>> -> memref<40x128xi32, #tpu.memory_space<hbm>>
      tpu.enqueue_dma source(%dma_start3A_21 : memref<40x128xi32, #tpu.memory_space<hbm>>) target(%arg7 : memref<40x128xi32, #tpu.memory_space<vmem>>) target_semaphore(%run_scoped3A : memref<!tpu.dma_semaphore, #tpu.memory_space<semaphore_mem>>)
      %dma_wait3A = arith.constant 40 : i32
      %dma_wait3A_22 = arith.constant 0 : i32
      %dma_wait3A_23 = tpu.memref_slice %arg3[%add3A, %dma_wait3A, %dma_wait3A_22] : memref<32x80x128xi32, #tpu.memory_space<hbm>> -> memref<1x40x128xi32, #tpu.memory_space<hbm>>
      %dma_wait3A_24 = tpu.memref_squeeze %dma_wait3A_23 : memref<1x40x128xi32, #tpu.memory_space<hbm>> -> memref<40x128xi32, #tpu.memory_space<hbm>>
      %dma_wait3A_25 = arith.constant 40 : i32
      %dma_wait3A_26 = arith.constant 0 : i32
      %dma_wait3A_27 = tpu.memref_slice %arg3[%add3A, %dma_wait3A_25, %dma_wait3A_26] : memref<32x80x128xi32, #tpu.memory_space<hbm>> -> memref<1x40x128xi32, #tpu.memory_space<hbm>>
      %dma_wait3A_28 = tpu.memref_squeeze %dma_wait3A_27 : memref<1x40x128xi32, #tpu.memory_space<hbm>> -> memref<40x128xi32, #tpu.memory_space<hbm>>
      tpu.wait_dma2 semaphore(%run_scoped3A : memref<!tpu.dma_semaphore, #tpu.memory_space<semaphore_mem>>) src(%dma_wait3A_28 : memref<40x128xi32, #tpu.memory_space<hbm>>) dst(%arg7 : memref<40x128xi32, #tpu.memory_space<vmem>>)
      tpu.yield
    }) : () -> ()
    %scan3A_8 = arith.constant 0 : i32
    %scan3A_9 = arith.constant 0 : i32
    %scan3A_10 = arith.constant 21 : i32
    %scan3A_11 = arith.addi %scan3A_9, %scan3A_10 : i32
    %scan3A_12 = arith.constant 1 : i32
    scf.for %scan3A_15 = %scan3A_9 to %scan3A_11 step %scan3A_12  : i32 {
      %mul3A_16 = arith.constant 2 : i32
      %mul3A_17 = arith.muli %scan3A_15, %mul3A_16 : i32
      %add3A_18 = arith.constant 0 : i32
      %add3A_19 = arith.addi %mul3A_17, %add3A_18 : i32
      %ge3A = arith.constant 2 : i32
      %ge3A_20 = arith.cmpi sge, %add3A_19, %ge3A : i32
      %lt3A = arith.constant 42 : i32
      %lt3A_21 = arith.cmpi slt, %add3A_19, %lt3A : i32
      %and3A = arith.andi %ge3A_20, %lt3A_21 : i1
      %convert_element_type3A = arith.extui %and3A : i1 to i32
      %cond3A = arith.constant 0 : i32
      %cond3A_22 = arith.cmpi ne, %convert_element_type3A, %cond3A : i32
      scf.if %cond3A_22 {
        %dma_wait3A = arith.constant 0 : i32
        %dma_wait3A_62 = arith.constant 0 : i32
        %dma_wait3A_63 = tpu.memref_slice %arg14[%dma_wait3A, %dma_wait3A_62] : memref<10240x128xf32, #tpu.memory_space<vmem_shared>> -> memref<128x128xf32, #tpu.memory_space<vmem_shared>>
        %dma_wait3A_64 = arith.constant 0 : i32
        %dma_wait3A_65 = arith.constant 0 : i32
        %dma_wait3A_66 = tpu.memref_slice %arg14[%dma_wait3A_64, %dma_wait3A_65] : memref<10240x128xf32, #tpu.memory_space<vmem_shared>> -> memref<128x128xf32, #tpu.memory_space<vmem_shared>>
        tpu.wait_dma2 semaphore(%arg12 : memref<!tpu.dma_semaphore, #tpu.memory_space<semaphore_mem>>) src(%arg8 : memref<128x128xf32, #tpu.memory_space<vmem>>) dst(%dma_wait3A_66 : memref<128x128xf32, #tpu.memory_space<vmem_shared>>)
      } else {
      }
      %lt3A_23 = arith.constant 40 : i32
      %lt3A_24 = arith.cmpi slt, %add3A_19, %lt3A_23 : i32
      %convert_element_type3A_25 = arith.extui %lt3A_24 : i1 to i32
      %cond3A_26 = arith.constant 0 : i32
      %cond3A_27 = arith.cmpi ne, %convert_element_type3A_25, %cond3A_26 : i32
      scf.if %cond3A_27 {
        %dma_start3A = arith.constant 0 : i32
        %dma_start3A_62 = tpu.memref_slice %arg6[%add3A_19, %dma_start3A] : memref<40x128xi32, #tpu.memory_space<vmem>> -> memref<1x128xi32, #tpu.memory_space<vmem>>
        %dma_start3A_63 = tpu.memref_squeeze %dma_start3A_62 : memref<1x128xi32, #tpu.memory_space<vmem>> -> memref<128xi32, #tpu.memory_space<vmem>>
        %dma_start3A_64 = arith.constant 0 : i32
        %dma_start3A_65 = arith.constant 0 : i32
        %dma_start3A_66 = tpu.memref_slice %arg4[%dma_start3A_64, %dma_start3A_65] : memref<10240x128xf32, #tpu.memory_space<hbm>> -> memref<10240x128xf32, #tpu.memory_space<hbm>>
        tpu.enqueue_indirect_dma source(%dma_start3A_66 : memref<10240x128xf32, #tpu.memory_space<hbm>>) target(%arg8 : memref<128x128xf32, #tpu.memory_space<vmem>>) offsets(%dma_start3A_63 : memref<128xi32, #tpu.memory_space<vmem>>) semaphore(%arg10 : memref<!tpu.dma_semaphore, #tpu.memory_space<semaphore_mem>>)
      } else {
      }
      %sub3A = arith.constant 1 : i32
      %sub3A_28 = arith.subi %add3A_19, %sub3A : i32
      %ge3A_29 = arith.constant 0 : i32
      %ge3A_30 = arith.cmpi sge, %sub3A_28, %ge3A_29 : i32
      %lt3A_31 = arith.constant 40 : i32
      %lt3A_32 = arith.cmpi slt, %sub3A_28, %lt3A_31 : i32
      %and3A_33 = arith.andi %ge3A_30, %lt3A_32 : i1
      %convert_element_type3A_34 = arith.extui %and3A_33 : i1 to i32
      %cond3A_35 = arith.constant 0 : i32
      %cond3A_36 = arith.cmpi ne, %convert_element_type3A_34, %cond3A_35 : i32
      scf.if %cond3A_36 {
        %dma_wait3A = arith.constant 0 : i32
        %dma_wait3A_62 = arith.constant 0 : i32
        %dma_wait3A_63 = tpu.memref_slice %arg4[%dma_wait3A, %dma_wait3A_62] : memref<10240x128xf32, #tpu.memory_space<hbm>> -> memref<128x128xf32, #tpu.memory_space<hbm>>
        %dma_wait3A_64 = arith.constant 0 : i32
        %dma_wait3A_65 = arith.constant 0 : i32
        %dma_wait3A_66 = tpu.memref_slice %arg4[%dma_wait3A_64, %dma_wait3A_65] : memref<10240x128xf32, #tpu.memory_space<hbm>> -> memref<128x128xf32, #tpu.memory_space<hbm>>
        tpu.wait_dma2 semaphore(%arg11 : memref<!tpu.dma_semaphore, #tpu.memory_space<semaphore_mem>>) src(%dma_wait3A_66 : memref<128x128xf32, #tpu.memory_space<hbm>>) dst(%arg9 : memref<128x128xf32, #tpu.memory_space<vmem>>)
        %dma_start3A = arith.constant 0 : i32
        %dma_start3A_67 = tpu.memref_slice %arg7[%sub3A_28, %dma_start3A] : memref<40x128xi32, #tpu.memory_space<vmem>> -> memref<1x128xi32, #tpu.memory_space<vmem>>
        %dma_start3A_68 = tpu.memref_squeeze %dma_start3A_67 : memref<1x128xi32, #tpu.memory_space<vmem>> -> memref<128xi32, #tpu.memory_space<vmem>>
        %dma_start3A_69 = arith.constant 0 : i32
        %dma_start3A_70 = arith.constant 0 : i32
        %dma_start3A_71 = tpu.memref_slice %arg14[%dma_start3A_69, %dma_start3A_70] : memref<10240x128xf32, #tpu.memory_space<vmem_shared>> -> memref<10240x128xf32, #tpu.memory_space<vmem_shared>>
        tpu.enqueue_indirect_dma source(%arg9 : memref<128x128xf32, #tpu.memory_space<vmem>>) target(%dma_start3A_71 : memref<10240x128xf32, #tpu.memory_space<vmem_shared>>) offsets(%dma_start3A_68 : memref<128xi32, #tpu.memory_space<vmem>>) semaphore(%arg13 : memref<!tpu.dma_semaphore, #tpu.memory_space<semaphore_mem>>) {add = true}
      } else {
      }
      %add3A_37 = arith.constant 1 : i32
      %add3A_38 = arith.addi %mul3A_17, %add3A_37 : i32
      %ge3A_39 = arith.constant 2 : i32
      %ge3A_40 = arith.cmpi sge, %add3A_38, %ge3A_39 : i32
      %lt3A_41 = arith.constant 42 : i32
      %lt3A_42 = arith.cmpi slt, %add3A_38, %lt3A_41 : i32
      %and3A_43 = arith.andi %ge3A_40, %lt3A_42 : i1
      %convert_element_type3A_44 = arith.extui %and3A_43 : i1 to i32
      %cond3A_45 = arith.constant 0 : i32
      %cond3A_46 = arith.cmpi ne, %convert_element_type3A_44, %cond3A_45 : i32
      scf.if %cond3A_46 {
        %dma_wait3A = arith.constant 0 : i32
        %dma_wait3A_62 = arith.constant 0 : i32
        %dma_wait3A_63 = tpu.memref_slice %arg14[%dma_wait3A, %dma_wait3A_62] : memref<10240x128xf32, #tpu.memory_space<vmem_shared>> -> memref<128x128xf32, #tpu.memory_space<vmem_shared>>
        %dma_wait3A_64 = arith.constant 0 : i32
        %dma_wait3A_65 = arith.constant 0 : i32
        %dma_wait3A_66 = tpu.memref_slice %arg14[%dma_wait3A_64, %dma_wait3A_65] : memref<10240x128xf32, #tpu.memory_space<vmem_shared>> -> memref<128x128xf32, #tpu.memory_space<vmem_shared>>
        tpu.wait_dma2 semaphore(%arg13 : memref<!tpu.dma_semaphore, #tpu.memory_space<semaphore_mem>>) src(%arg9 : memref<128x128xf32, #tpu.memory_space<vmem>>) dst(%dma_wait3A_66 : memref<128x128xf32, #tpu.memory_space<vmem_shared>>)
      } else {
      }
      %lt3A_47 = arith.constant 40 : i32
      %lt3A_48 = arith.cmpi slt, %add3A_38, %lt3A_47 : i32
      %convert_element_type3A_49 = arith.extui %lt3A_48 : i1 to i32
      %cond3A_50 = arith.constant 0 : i32
      %cond3A_51 = arith.cmpi ne, %convert_element_type3A_49, %cond3A_50 : i32
      scf.if %cond3A_51 {
        %dma_start3A = arith.constant 0 : i32
        %dma_start3A_62 = tpu.memref_slice %arg6[%add3A_38, %dma_start3A] : memref<40x128xi32, #tpu.memory_space<vmem>> -> memref<1x128xi32, #tpu.memory_space<vmem>>
        %dma_start3A_63 = tpu.memref_squeeze %dma_start3A_62 : memref<1x128xi32, #tpu.memory_space<vmem>> -> memref<128xi32, #tpu.memory_space<vmem>>
        %dma_start3A_64 = arith.constant 0 : i32
        %dma_start3A_65 = arith.constant 0 : i32
        %dma_start3A_66 = tpu.memref_slice %arg4[%dma_start3A_64, %dma_start3A_65] : memref<10240x128xf32, #tpu.memory_space<hbm>> -> memref<10240x128xf32, #tpu.memory_space<hbm>>
        tpu.enqueue_indirect_dma source(%dma_start3A_66 : memref<10240x128xf32, #tpu.memory_space<hbm>>) target(%arg9 : memref<128x128xf32, #tpu.memory_space<vmem>>) offsets(%dma_start3A_63 : memref<128xi32, #tpu.memory_space<vmem>>) semaphore(%arg11 : memref<!tpu.dma_semaphore, #tpu.memory_space<semaphore_mem>>)
      } else {
      }
      %sub3A_52 = arith.constant 1 : i32
      %sub3A_53 = arith.subi %add3A_38, %sub3A_52 : i32
      %ge3A_54 = arith.constant 0 : i32
      %ge3A_55 = arith.cmpi sge, %sub3A_53, %ge3A_54 : i32
      %lt3A_56 = arith.constant 40 : i32
      %lt3A_57 = arith.cmpi slt, %sub3A_53, %lt3A_56 : i32
      %and3A_58 = arith.andi %ge3A_55, %lt3A_57 : i1
      %convert_element_type3A_59 = arith.extui %and3A_58 : i1 to i32
      %cond3A_60 = arith.constant 0 : i32
      %cond3A_61 = arith.cmpi ne, %convert_element_type3A_59, %cond3A_60 : i32
      scf.if %cond3A_61 {
        %dma_wait3A = arith.constant 0 : i32
        %dma_wait3A_62 = arith.constant 0 : i32
        %dma_wait3A_63 = tpu.memref_slice %arg4[%dma_wait3A, %dma_wait3A_62] : memref<10240x128xf32, #tpu.memory_space<hbm>> -> memref<128x128xf32, #tpu.memory_space<hbm>>
        %dma_wait3A_64 = arith.constant 0 : i32
        %dma_wait3A_65 = arith.constant 0 : i32
        %dma_wait3A_66 = tpu.memref_slice %arg4[%dma_wait3A_64, %dma_wait3A_65] : memref<10240x128xf32, #tpu.memory_space<hbm>> -> memref<128x128xf32, #tpu.memory_space<hbm>>
        tpu.wait_dma2 semaphore(%arg10 : memref<!tpu.dma_semaphore, #tpu.memory_space<semaphore_mem>>) src(%dma_wait3A_66 : memref<128x128xf32, #tpu.memory_space<hbm>>) dst(%arg8 : memref<128x128xf32, #tpu.memory_space<vmem>>)
        %dma_start3A = arith.constant 0 : i32
        %dma_start3A_67 = tpu.memref_slice %arg7[%sub3A_53, %dma_start3A] : memref<40x128xi32, #tpu.memory_space<vmem>> -> memref<1x128xi32, #tpu.memory_space<vmem>>
        %dma_start3A_68 = tpu.memref_squeeze %dma_start3A_67 : memref<1x128xi32, #tpu.memory_space<vmem>> -> memref<128xi32, #tpu.memory_space<vmem>>
        %dma_start3A_69 = arith.constant 0 : i32
        %dma_start3A_70 = arith.constant 0 : i32
        %dma_start3A_71 = tpu.memref_slice %arg14[%dma_start3A_69, %dma_start3A_70] : memref<10240x128xf32, #tpu.memory_space<vmem_shared>> -> memref<10240x128xf32, #tpu.memory_space<vmem_shared>>
        tpu.enqueue_indirect_dma source(%arg8 : memref<128x128xf32, #tpu.memory_space<vmem>>) target(%dma_start3A_71 : memref<10240x128xf32, #tpu.memory_space<vmem_shared>>) offsets(%dma_start3A_68 : memref<128xi32, #tpu.memory_space<vmem>>) semaphore(%arg12 : memref<!tpu.dma_semaphore, #tpu.memory_space<semaphore_mem>>) {add = true}
      } else {
      }
    }
    %scan3A_13 = arith.constant 21 : i32
    %barrier3A_14 = arith.constant 0 : index
    tpu.barrier barrier_id(%barrier3A_14)
    "tpu.region"() ({
      %run_scoped3A = tpu.sem_alloc : memref<!tpu.dma_semaphore, #tpu.memory_space<semaphore_mem>>
      %dma_start3A = arith.constant 0 : i32
      %dma_start3A_15 = tpu.memref_slice %arg5[%arg0, %mul3A_2, %dma_start3A] : memref<2x10240x128xf32, #tpu.memory_space<hbm>> -> memref<1x640x128xf32, #tpu.memory_space<hbm>>
      %dma_start3A_16 = tpu.memref_squeeze %dma_start3A_15 : memref<1x640x128xf32, #tpu.memory_space<hbm>> -> memref<640x128xf32, #tpu.memory_space<hbm>>
      %dma_start3A_17 = arith.constant 0 : i32
      %dma_start3A_18 = tpu.memref_slice %arg14[%mul3A_2, %dma_start3A_17] : memref<10240x128xf32, #tpu.memory_space<vmem_shared>> -> memref<640x128xf32, #tpu.memory_space<vmem_shared>>
      tpu.enqueue_dma source(%dma_start3A_18 : memref<640x128xf32, #tpu.memory_space<vmem_shared>>) target(%dma_start3A_16 : memref<640x128xf32, #tpu.memory_space<hbm>>) target_semaphore(%run_scoped3A : memref<!tpu.dma_semaphore, #tpu.memory_space<semaphore_mem>>)
      %dma_wait3A = arith.constant 0 : i32
      %dma_wait3A_19 = tpu.memref_slice %arg5[%arg0, %mul3A_2, %dma_wait3A] : memref<2x10240x128xf32, #tpu.memory_space<hbm>> -> memref<1x640x128xf32, #tpu.memory_space<hbm>>
      %dma_wait3A_20 = tpu.memref_squeeze %dma_wait3A_19 : memref<1x640x128xf32, #tpu.memory_space<hbm>> -> memref<640x128xf32, #tpu.memory_space<hbm>>
      %dma_wait3A_21 = arith.constant 0 : i32
      %dma_wait3A_22 = tpu.memref_slice %arg14[%mul3A_2, %dma_wait3A_21] : memref<10240x128xf32, #tpu.memory_space<vmem_shared>> -> memref<640x128xf32, #tpu.memory_space<vmem_shared>>
      tpu.wait_dma2 semaphore(%run_scoped3A : memref<!tpu.dma_semaphore, #tpu.memory_space<semaphore_mem>>) src(%dma_wait3A_22 : memref<640x128xf32, #tpu.memory_space<vmem_shared>>) dst(%dma_wait3A_20 : memref<640x128xf32, #tpu.memory_space<hbm>>)
      tpu.yield
    }) : () -> ()
    return
  }
}

#map = affine_map<(d0, d1) -> (0, 0, 0)>
#map1 = affine_map<(d0, d1) -> (0, 0)>
module attributes {stable_mosaic.version = 14 : i64} {
  func.func @_spmm_kernel(%arg0: i32, %arg1: i32, %arg2: memref<32x80x128xi32, #tpu.memory_space<hbm>>, %arg3: memref<32x80x128xi32, #tpu.memory_space<hbm>>, %arg4: memref<10240x128xf32, #tpu.memory_space<hbm>>, %arg5: memref<2x10240x128xf32, #tpu.memory_space<hbm>>, %arg6: memref<40x128xi32, #tpu.memory_space<vmem>>, %arg7: memref<40x128xi32, #tpu.memory_space<vmem>>, %arg8: memref<128x128xf32, #tpu.memory_space<vmem>>, %arg9: memref<128x128xf32, #tpu.memory_space<vmem>>, %arg10: memref<!tpu.dma_semaphore, #tpu.memory_space<semaphore_mem>>, %arg11: memref<!tpu.dma_semaphore, #tpu.memory_space<semaphore_mem>>, %arg12: memref<!tpu.dma_semaphore, #tpu.memory_space<semaphore_mem>>, %arg13: memref<!tpu.dma_semaphore, #tpu.memory_space<semaphore_mem>>, %arg14: memref<10240x128xf32, #tpu.memory_space<vmem_shared>>) attributes {dimension_semantics = [#tpu.dimension_semantics<core_parallel>, #tpu.dimension_semantics<subcore_parallel>], iteration_bounds = array<i64: 2, 16>, scalar_prefetch = 0 : i64, scratch_operands = 9 : i64, tpu.core_type = #tpu.core_type<sc_vector_subcore>, window_params = [{transform_indices = #map}, {transform_indices = #map}, {transform_indices = #map1}, {transform_indices = #map}]} {
    %mul3A = arith.constant 2 : i32
    %mul3A_0 = arith.muli %arg1, %mul3A : i32
    %add3A = arith.addi %mul3A_0, %arg0 : i32
    %mul3A_1 = arith.constant 640 : i32
    %mul3A_2 = arith.muli %arg1, %mul3A_1 : i32
    "tpu.region"() ({
      %run_scoped3A = tpu.sem_alloc : memref<!tpu.dma_semaphore, #tpu.memory_space<semaphore_mem>>
      %dma_start3A = arith.constant 0 : i32
      %dma_start3A_15 = tpu.memref_slice %arg14[%mul3A_2, %dma_start3A] : memref<10240x128xf32, #tpu.memory_space<vmem_shared>> -> memref<640x128xf32, #tpu.memory_space<vmem_shared>>
      %dma_start3A_16 = arith.constant 0 : i32
      %dma_start3A_17 = tpu.memref_slice %arg4[%mul3A_2, %dma_start3A_16] : memref<10240x128xf32, #tpu.memory_space<hbm>> -> memref<640x128xf32, #tpu.memory_space<hbm>>
      tpu.enqueue_dma source(%dma_start3A_17 : memref<640x128xf32, #tpu.memory_space<hbm>>) target(%dma_start3A_15 : memref<640x128xf32, #tpu.memory_space<vmem_shared>>) target_semaphore(%run_scoped3A : memref<!tpu.dma_semaphore, #tpu.memory_space<semaphore_mem>>)
      %dma_wait3A = arith.constant 0 : i32
      %dma_wait3A_18 = tpu.memref_slice %arg14[%mul3A_2, %dma_wait3A] : memref<10240x128xf32, #tpu.memory_space<vmem_shared>> -> memref<640x128xf32, #tpu.memory_space<vmem_shared>>
      %dma_wait3A_19 = arith.constant 0 : i32
      %dma_wait3A_20 = tpu.memref_slice %arg4[%mul3A_2, %dma_wait3A_19] : memref<10240x128xf32, #tpu.memory_space<hbm>> -> memref<640x128xf32, #tpu.memory_space<hbm>>
      tpu.wait_dma2 semaphore(%run_scoped3A : memref<!tpu.dma_semaphore, #tpu.memory_space<semaphore_mem>>) src(%dma_wait3A_20 : memref<640x128xf32, #tpu.memory_space<hbm>>) dst(%dma_wait3A_18 : memref<640x128xf32, #tpu.memory_space<vmem_shared>>)
      tpu.yield
    }) : () -> ()
    %barrier3A = arith.constant 0 : index
    tpu.barrier barrier_id(%barrier3A)
    "tpu.region"() ({
      %run_scoped3A = tpu.sem_alloc : memref<!tpu.dma_semaphore, #tpu.memory_space<semaphore_mem>>
      %dma_start3A = arith.constant 0 : i32
      %dma_start3A_15 = arith.constant 0 : i32
      %dma_start3A_16 = tpu.memref_slice %arg2[%add3A, %dma_start3A, %dma_start3A_15] : memref<32x80x128xi32, #tpu.memory_space<hbm>> -> memref<1x40x128xi32, #tpu.memory_space<hbm>>
      %dma_start3A_17 = tpu.memref_squeeze %dma_start3A_16 : memref<1x40x128xi32, #tpu.memory_space<hbm>> -> memref<40x128xi32, #tpu.memory_space<hbm>>
      %dma_start3A_18 = arith.constant 0 : i32
      %dma_start3A_19 = arith.constant 0 : i32
      %dma_start3A_20 = tpu.memref_slice %arg2[%add3A, %dma_start3A_18, %dma_start3A_19] : memref<32x80x128xi32, #tpu.memory_space<hbm>> -> memref<1x40x128xi32, #tpu.memory_space<hbm>>
      %dma_start3A_21 = tpu.memref_squeeze %dma_start3A_20 : memref<1x40x128xi32, #tpu.memory_space<hbm>> -> memref<40x128xi32, #tpu.memory_space<hbm>>
      tpu.enqueue_dma source(%dma_start3A_21 : memref<40x128xi32, #tpu.memory_space<hbm>>) target(%arg6 : memref<40x128xi32, #tpu.memory_space<vmem>>) target_semaphore(%run_scoped3A : memref<!tpu.dma_semaphore, #tpu.memory_space<semaphore_mem>>)
      %dma_wait3A = arith.constant 0 : i32
      %dma_wait3A_22 = arith.constant 0 : i32
      %dma_wait3A_23 = tpu.memref_slice %arg2[%add3A, %dma_wait3A, %dma_wait3A_22] : memref<32x80x128xi32, #tpu.memory_space<hbm>> -> memref<1x40x128xi32, #tpu.memory_space<hbm>>
      %dma_wait3A_24 = tpu.memref_squeeze %dma_wait3A_23 : memref<1x40x128xi32, #tpu.memory_space<hbm>> -> memref<40x128xi32, #tpu.memory_space<hbm>>
      %dma_wait3A_25 = arith.constant 0 : i32
      %dma_wait3A_26 = arith.constant 0 : i32
      %dma_wait3A_27 = tpu.memref_slice %arg2[%add3A, %dma_wait3A_25, %dma_wait3A_26] : memref<32x80x128xi32, #tpu.memory_space<hbm>> -> memref<1x40x128xi32, #tpu.memory_space<hbm>>
      %dma_wait3A_28 = tpu.memref_squeeze %dma_wait3A_27 : memref<1x40x128xi32, #tpu.memory_space<hbm>> -> memref<40x128xi32, #tpu.memory_space<hbm>>
      tpu.wait_dma2 semaphore(%run_scoped3A : memref<!tpu.dma_semaphore, #tpu.memory_space<semaphore_mem>>) src(%dma_wait3A_28 : memref<40x128xi32, #tpu.memory_space<hbm>>) dst(%arg6 : memref<40x128xi32, #tpu.memory_space<vmem>>)
      tpu.yield
    }) : () -> ()
    "tpu.region"() ({
      %run_scoped3A = tpu.sem_alloc : memref<!tpu.dma_semaphore, #tpu.memory_space<semaphore_mem>>
      %dma_start3A = arith.constant 0 : i32
      %dma_start3A_15 = arith.constant 0 : i32
      %dma_start3A_16 = tpu.memref_slice %arg3[%add3A, %dma_start3A, %dma_start3A_15] : memref<32x80x128xi32, #tpu.memory_space<hbm>> -> memref<1x40x128xi32, #tpu.memory_space<hbm>>
      %dma_start3A_17 = tpu.memref_squeeze %dma_start3A_16 : memref<1x40x128xi32, #tpu.memory_space<hbm>> -> memref<40x128xi32, #tpu.memory_space<hbm>>
      %dma_start3A_18 = arith.constant 0 : i32
      %dma_start3A_19 = arith.constant 0 : i32
      %dma_start3A_20 = tpu.memref_slice %arg3[%add3A, %dma_start3A_18, %dma_start3A_19] : memref<32x80x128xi32, #tpu.memory_space<hbm>> -> memref<1x40x128xi32, #tpu.memory_space<hbm>>
      %dma_start3A_21 = tpu.memref_squeeze %dma_start3A_20 : memref<1x40x128xi32, #tpu.memory_space<hbm>> -> memref<40x128xi32, #tpu.memory_space<hbm>>
      tpu.enqueue_dma source(%dma_start3A_21 : memref<40x128xi32, #tpu.memory_space<hbm>>) target(%arg7 : memref<40x128xi32, #tpu.memory_space<vmem>>) target_semaphore(%run_scoped3A : memref<!tpu.dma_semaphore, #tpu.memory_space<semaphore_mem>>)
      %dma_wait3A = arith.constant 0 : i32
      %dma_wait3A_22 = arith.constant 0 : i32
      %dma_wait3A_23 = tpu.memref_slice %arg3[%add3A, %dma_wait3A, %dma_wait3A_22] : memref<32x80x128xi32, #tpu.memory_space<hbm>> -> memref<1x40x128xi32, #tpu.memory_space<hbm>>
      %dma_wait3A_24 = tpu.memref_squeeze %dma_wait3A_23 : memref<1x40x128xi32, #tpu.memory_space<hbm>> -> memref<40x128xi32, #tpu.memory_space<hbm>>
      %dma_wait3A_25 = arith.constant 0 : i32
      %dma_wait3A_26 = arith.constant 0 : i32
      %dma_wait3A_27 = tpu.memref_slice %arg3[%add3A, %dma_wait3A_25, %dma_wait3A_26] : memref<32x80x128xi32, #tpu.memory_space<hbm>> -> memref<1x40x128xi32, #tpu.memory_space<hbm>>
      %dma_wait3A_28 = tpu.memref_squeeze %dma_wait3A_27 : memref<1x40x128xi32, #tpu.memory_space<hbm>> -> memref<40x128xi32, #tpu.memory_space<hbm>>
      tpu.wait_dma2 semaphore(%run_scoped3A : memref<!tpu.dma_semaphore, #tpu.memory_space<semaphore_mem>>) src(%dma_wait3A_28 : memref<40x128xi32, #tpu.memory_space<hbm>>) dst(%arg7 : memref<40x128xi32, #tpu.memory_space<vmem>>)
      tpu.yield
    }) : () -> ()
    %scan3A = arith.constant 0 : i32
    %scan3A_3 = arith.constant 0 : i32
    %scan3A_4 = arith.constant 21 : i32
    %scan3A_5 = arith.addi %scan3A_3, %scan3A_4 : i32
    %scan3A_6 = arith.constant 1 : i32
    scf.for %scan3A_15 = %scan3A_3 to %scan3A_5 step %scan3A_6  : i32 {
      %mul3A_16 = arith.constant 2 : i32
      %mul3A_17 = arith.muli %scan3A_15, %mul3A_16 : i32
      %add3A_18 = arith.constant 0 : i32
      %add3A_19 = arith.addi %mul3A_17, %add3A_18 : i32
      %ge3A = arith.constant 2 : i32
      %ge3A_20 = arith.cmpi sge, %add3A_19, %ge3A : i32
      %lt3A = arith.constant 42 : i32
      %lt3A_21 = arith.cmpi slt, %add3A_19, %lt3A : i32
      %and3A = arith.andi %ge3A_20, %lt3A_21 : i1
      %convert_element_type3A = arith.extui %and3A : i1 to i32
      %cond3A = arith.constant 0 : i32
      %cond3A_22 = arith.cmpi ne, %convert_element_type3A, %cond3A : i32
      scf.if %cond3A_22 {
        %dma_wait3A = arith.constant 0 : i32
        %dma_wait3A_62 = arith.constant 0 : i32
        %dma_wait3A_63 = tpu.memref_slice %arg14[%dma_wait3A, %dma_wait3A_62] : memref<10240x128xf32, #tpu.memory_space<vmem_shared>> -> memref<128x128xf32, #tpu.memory_space<vmem_shared>>
        %dma_wait3A_64 = arith.constant 0 : i32
        %dma_wait3A_65 = arith.constant 0 : i32
        %dma_wait3A_66 = tpu.memref_slice %arg14[%dma_wait3A_64, %dma_wait3A_65] : memref<10240x128xf32, #tpu.memory_space<vmem_shared>> -> memref<128x128xf32, #tpu.memory_space<vmem_shared>>
        tpu.wait_dma2 semaphore(%arg12 : memref<!tpu.dma_semaphore, #tpu.memory_space<semaphore_mem>>) src(%arg8 : memref<128x128xf32, #tpu.memory_space<vmem>>) dst(%dma_wait3A_66 : memref<128x128xf32, #tpu.memory_space<vmem_shared>>)
      } else {
      }
      %lt3A_23 = arith.constant 40 : i32
      %lt3A_24 = arith.cmpi slt, %add3A_19, %lt3A_23 : i32
      %convert_element_type3A_25 = arith.extui %lt3A_24 : i1 to i32
      %cond3A_26 = arith.constant 0 : i32
      %cond3A_27 = arith.cmpi ne, %convert_element_type3A_25, %cond3A_26 : i32
      scf.if %cond3A_27 {
        %dma_start3A = arith.constant 0 : i32
        %dma_start3A_62 = tpu.memref_slice %arg6[%add3A_19, %dma_start3A] : memref<40x128xi32, #tpu.memory_space<vmem>> -> memref<1x128xi32, #tpu.memory_space<vmem>>
        %dma_start3A_63 = tpu.memref_squeeze %dma_start3A_62 : memref<1x128xi32, #tpu.memory_space<vmem>> -> memref<128xi32, #tpu.memory_space<vmem>>
        %dma_start3A_64 = arith.constant 0 : i32
        %dma_start3A_65 = arith.constant 0 : i32
        %dma_start3A_66 = tpu.memref_slice %arg4[%dma_start3A_64, %dma_start3A_65] : memref<10240x128xf32, #tpu.memory_space<hbm>> -> memref<10240x128xf32, #tpu.memory_space<hbm>>
        tpu.enqueue_indirect_dma source(%dma_start3A_66 : memref<10240x128xf32, #tpu.memory_space<hbm>>) target(%arg8 : memref<128x128xf32, #tpu.memory_space<vmem>>) offsets(%dma_start3A_63 : memref<128xi32, #tpu.memory_space<vmem>>) semaphore(%arg10 : memref<!tpu.dma_semaphore, #tpu.memory_space<semaphore_mem>>)
      } else {
      }
      %sub3A = arith.constant 1 : i32
      %sub3A_28 = arith.subi %add3A_19, %sub3A : i32
      %ge3A_29 = arith.constant 0 : i32
      %ge3A_30 = arith.cmpi sge, %sub3A_28, %ge3A_29 : i32
      %lt3A_31 = arith.constant 40 : i32
      %lt3A_32 = arith.cmpi slt, %sub3A_28, %lt3A_31 : i32
      %and3A_33 = arith.andi %ge3A_30, %lt3A_32 : i1
      %convert_element_type3A_34 = arith.extui %and3A_33 : i1 to i32
      %cond3A_35 = arith.constant 0 : i32
      %cond3A_36 = arith.cmpi ne, %convert_element_type3A_34, %cond3A_35 : i32
      scf.if %cond3A_36 {
        %dma_wait3A = arith.constant 0 : i32
        %dma_wait3A_62 = arith.constant 0 : i32
        %dma_wait3A_63 = tpu.memref_slice %arg4[%dma_wait3A, %dma_wait3A_62] : memref<10240x128xf32, #tpu.memory_space<hbm>> -> memref<128x128xf32, #tpu.memory_space<hbm>>
        %dma_wait3A_64 = arith.constant 0 : i32
        %dma_wait3A_65 = arith.constant 0 : i32
        %dma_wait3A_66 = tpu.memref_slice %arg4[%dma_wait3A_64, %dma_wait3A_65] : memref<10240x128xf32, #tpu.memory_space<hbm>> -> memref<128x128xf32, #tpu.memory_space<hbm>>
        tpu.wait_dma2 semaphore(%arg11 : memref<!tpu.dma_semaphore, #tpu.memory_space<semaphore_mem>>) src(%dma_wait3A_66 : memref<128x128xf32, #tpu.memory_space<hbm>>) dst(%arg9 : memref<128x128xf32, #tpu.memory_space<vmem>>)
        %dma_start3A = arith.constant 0 : i32
        %dma_start3A_67 = tpu.memref_slice %arg7[%sub3A_28, %dma_start3A] : memref<40x128xi32, #tpu.memory_space<vmem>> -> memref<1x128xi32, #tpu.memory_space<vmem>>
        %dma_start3A_68 = tpu.memref_squeeze %dma_start3A_67 : memref<1x128xi32, #tpu.memory_space<vmem>> -> memref<128xi32, #tpu.memory_space<vmem>>
        %dma_start3A_69 = arith.constant 0 : i32
        %dma_start3A_70 = arith.constant 0 : i32
        %dma_start3A_71 = tpu.memref_slice %arg14[%dma_start3A_69, %dma_start3A_70] : memref<10240x128xf32, #tpu.memory_space<vmem_shared>> -> memref<10240x128xf32, #tpu.memory_space<vmem_shared>>
        tpu.enqueue_indirect_dma source(%arg9 : memref<128x128xf32, #tpu.memory_space<vmem>>) target(%dma_start3A_71 : memref<10240x128xf32, #tpu.memory_space<vmem_shared>>) offsets(%dma_start3A_68 : memref<128xi32, #tpu.memory_space<vmem>>) semaphore(%arg13 : memref<!tpu.dma_semaphore, #tpu.memory_space<semaphore_mem>>) {add = true}
      } else {
      }
      %add3A_37 = arith.constant 1 : i32
      %add3A_38 = arith.addi %mul3A_17, %add3A_37 : i32
      %ge3A_39 = arith.constant 2 : i32
      %ge3A_40 = arith.cmpi sge, %add3A_38, %ge3A_39 : i32
      %lt3A_41 = arith.constant 42 : i32
      %lt3A_42 = arith.cmpi slt, %add3A_38, %lt3A_41 : i32
      %and3A_43 = arith.andi %ge3A_40, %lt3A_42 : i1
      %convert_element_type3A_44 = arith.extui %and3A_43 : i1 to i32
      %cond3A_45 = arith.constant 0 : i32
      %cond3A_46 = arith.cmpi ne, %convert_element_type3A_44, %cond3A_45 : i32
      scf.if %cond3A_46 {
        %dma_wait3A = arith.constant 0 : i32
        %dma_wait3A_62 = arith.constant 0 : i32
        %dma_wait3A_63 = tpu.memref_slice %arg14[%dma_wait3A, %dma_wait3A_62] : memref<10240x128xf32, #tpu.memory_space<vmem_shared>> -> memref<128x128xf32, #tpu.memory_space<vmem_shared>>
        %dma_wait3A_64 = arith.constant 0 : i32
        %dma_wait3A_65 = arith.constant 0 : i32
        %dma_wait3A_66 = tpu.memref_slice %arg14[%dma_wait3A_64, %dma_wait3A_65] : memref<10240x128xf32, #tpu.memory_space<vmem_shared>> -> memref<128x128xf32, #tpu.memory_space<vmem_shared>>
        tpu.wait_dma2 semaphore(%arg13 : memref<!tpu.dma_semaphore, #tpu.memory_space<semaphore_mem>>) src(%arg9 : memref<128x128xf32, #tpu.memory_space<vmem>>) dst(%dma_wait3A_66 : memref<128x128xf32, #tpu.memory_space<vmem_shared>>)
      } else {
      }
      %lt3A_47 = arith.constant 40 : i32
      %lt3A_48 = arith.cmpi slt, %add3A_38, %lt3A_47 : i32
      %convert_element_type3A_49 = arith.extui %lt3A_48 : i1 to i32
      %cond3A_50 = arith.constant 0 : i32
      %cond3A_51 = arith.cmpi ne, %convert_element_type3A_49, %cond3A_50 : i32
      scf.if %cond3A_51 {
        %dma_start3A = arith.constant 0 : i32
        %dma_start3A_62 = tpu.memref_slice %arg6[%add3A_38, %dma_start3A] : memref<40x128xi32, #tpu.memory_space<vmem>> -> memref<1x128xi32, #tpu.memory_space<vmem>>
        %dma_start3A_63 = tpu.memref_squeeze %dma_start3A_62 : memref<1x128xi32, #tpu.memory_space<vmem>> -> memref<128xi32, #tpu.memory_space<vmem>>
        %dma_start3A_64 = arith.constant 0 : i32
        %dma_start3A_65 = arith.constant 0 : i32
        %dma_start3A_66 = tpu.memref_slice %arg4[%dma_start3A_64, %dma_start3A_65] : memref<10240x128xf32, #tpu.memory_space<hbm>> -> memref<10240x128xf32, #tpu.memory_space<hbm>>
        tpu.enqueue_indirect_dma source(%dma_start3A_66 : memref<10240x128xf32, #tpu.memory_space<hbm>>) target(%arg9 : memref<128x128xf32, #tpu.memory_space<vmem>>) offsets(%dma_start3A_63 : memref<128xi32, #tpu.memory_space<vmem>>) semaphore(%arg11 : memref<!tpu.dma_semaphore, #tpu.memory_space<semaphore_mem>>)
      } else {
      }
      %sub3A_52 = arith.constant 1 : i32
      %sub3A_53 = arith.subi %add3A_38, %sub3A_52 : i32
      %ge3A_54 = arith.constant 0 : i32
      %ge3A_55 = arith.cmpi sge, %sub3A_53, %ge3A_54 : i32
      %lt3A_56 = arith.constant 40 : i32
      %lt3A_57 = arith.cmpi slt, %sub3A_53, %lt3A_56 : i32
      %and3A_58 = arith.andi %ge3A_55, %lt3A_57 : i1
      %convert_element_type3A_59 = arith.extui %and3A_58 : i1 to i32
      %cond3A_60 = arith.constant 0 : i32
      %cond3A_61 = arith.cmpi ne, %convert_element_type3A_59, %cond3A_60 : i32
      scf.if %cond3A_61 {
        %dma_wait3A = arith.constant 0 : i32
        %dma_wait3A_62 = arith.constant 0 : i32
        %dma_wait3A_63 = tpu.memref_slice %arg4[%dma_wait3A, %dma_wait3A_62] : memref<10240x128xf32, #tpu.memory_space<hbm>> -> memref<128x128xf32, #tpu.memory_space<hbm>>
        %dma_wait3A_64 = arith.constant 0 : i32
        %dma_wait3A_65 = arith.constant 0 : i32
        %dma_wait3A_66 = tpu.memref_slice %arg4[%dma_wait3A_64, %dma_wait3A_65] : memref<10240x128xf32, #tpu.memory_space<hbm>> -> memref<128x128xf32, #tpu.memory_space<hbm>>
        tpu.wait_dma2 semaphore(%arg10 : memref<!tpu.dma_semaphore, #tpu.memory_space<semaphore_mem>>) src(%dma_wait3A_66 : memref<128x128xf32, #tpu.memory_space<hbm>>) dst(%arg8 : memref<128x128xf32, #tpu.memory_space<vmem>>)
        %dma_start3A = arith.constant 0 : i32
        %dma_start3A_67 = tpu.memref_slice %arg7[%sub3A_53, %dma_start3A] : memref<40x128xi32, #tpu.memory_space<vmem>> -> memref<1x128xi32, #tpu.memory_space<vmem>>
        %dma_start3A_68 = tpu.memref_squeeze %dma_start3A_67 : memref<1x128xi32, #tpu.memory_space<vmem>> -> memref<128xi32, #tpu.memory_space<vmem>>
        %dma_start3A_69 = arith.constant 0 : i32
        %dma_start3A_70 = arith.constant 0 : i32
        %dma_start3A_71 = tpu.memref_slice %arg14[%dma_start3A_69, %dma_start3A_70] : memref<10240x128xf32, #tpu.memory_space<vmem_shared>> -> memref<10240x128xf32, #tpu.memory_space<vmem_shared>>
        tpu.enqueue_indirect_dma source(%arg8 : memref<128x128xf32, #tpu.memory_space<vmem>>) target(%dma_start3A_71 : memref<10240x128xf32, #tpu.memory_space<vmem_shared>>) offsets(%dma_start3A_68 : memref<128xi32, #tpu.memory_space<vmem>>) semaphore(%arg12 : memref<!tpu.dma_semaphore, #tpu.memory_space<semaphore_mem>>) {add = true}
      } else {
      }
    }
    %scan3A_7 = arith.constant 21 : i32
    "tpu.region"() ({
      %run_scoped3A = tpu.sem_alloc : memref<!tpu.dma_semaphore, #tpu.memory_space<semaphore_mem>>
      %dma_start3A = arith.constant 40 : i32
      %dma_start3A_15 = arith.constant 0 : i32
      %dma_start3A_16 = tpu.memref_slice %arg2[%add3A, %dma_start3A, %dma_start3A_15] : memref<32x80x128xi32, #tpu.memory_space<hbm>> -> memref<1x40x128xi32, #tpu.memory_space<hbm>>
      %dma_start3A_17 = tpu.memref_squeeze %dma_start3A_16 : memref<1x40x128xi32, #tpu.memory_space<hbm>> -> memref<40x128xi32, #tpu.memory_space<hbm>>
      %dma_start3A_18 = arith.constant 40 : i32
      %dma_start3A_19 = arith.constant 0 : i32
      %dma_start3A_20 = tpu.memref_slice %arg2[%add3A, %dma_start3A_18, %dma_start3A_19] : memref<32x80x128xi32, #tpu.memory_space<hbm>> -> memref<1x40x128xi32, #tpu.memory_space<hbm>>
      %dma_start3A_21 = tpu.memref_squeeze %dma_start3A_20 : memref<1x40x128xi32, #tpu.memory_space<hbm>> -> memref<40x128xi32, #tpu.memory_space<hbm>>
      tpu.enqueue_dma source(%dma_start3A_21 : memref<40x128xi32, #tpu.memory_space<hbm>>) target(%arg6 : memref<40x128xi32, #tpu.memory_space<vmem>>) target_semaphore(%run_scoped3A : memref<!tpu.dma_semaphore, #tpu.memory_space<semaphore_mem>>)
      %dma_wait3A = arith.constant 40 : i32
      %dma_wait3A_22 = arith.constant 0 : i32
      %dma_wait3A_23 = tpu.memref_slice %arg2[%add3A, %dma_wait3A, %dma_wait3A_22] : memref<32x80x128xi32, #tpu.memory_space<hbm>> -> memref<1x40x128xi32, #tpu.memory_space<hbm>>
      %dma_wait3A_24 = tpu.memref_squeeze %dma_wait3A_23 : memref<1x40x128xi32, #tpu.memory_space<hbm>> -> memref<40x128xi32, #tpu.memory_space<hbm>>
      %dma_wait3A_25 = arith.constant 40 : i32
      %dma_wait3A_26 = arith.constant 0 : i32
      %dma_wait3A_27 = tpu.memref_slice %arg2[%add3A, %dma_wait3A_25, %dma_wait3A_26] : memref<32x80x128xi32, #tpu.memory_space<hbm>> -> memref<1x40x128xi32, #tpu.memory_space<hbm>>
      %dma_wait3A_28 = tpu.memref_squeeze %dma_wait3A_27 : memref<1x40x128xi32, #tpu.memory_space<hbm>> -> memref<40x128xi32, #tpu.memory_space<hbm>>
      tpu.wait_dma2 semaphore(%run_scoped3A : memref<!tpu.dma_semaphore, #tpu.memory_space<semaphore_mem>>) src(%dma_wait3A_28 : memref<40x128xi32, #tpu.memory_space<hbm>>) dst(%arg6 : memref<40x128xi32, #tpu.memory_space<vmem>>)
      tpu.yield
    }) : () -> ()
    "tpu.region"() ({
      %run_scoped3A = tpu.sem_alloc : memref<!tpu.dma_semaphore, #tpu.memory_space<semaphore_mem>>
      %dma_start3A = arith.constant 40 : i32
      %dma_start3A_15 = arith.constant 0 : i32
      %dma_start3A_16 = tpu.memref_slice %arg3[%add3A, %dma_start3A, %dma_start3A_15] : memref<32x80x128xi32, #tpu.memory_space<hbm>> -> memref<1x40x128xi32, #tpu.memory_space<hbm>>
      %dma_start3A_17 = tpu.memref_squeeze %dma_start3A_16 : memref<1x40x128xi32, #tpu.memory_space<hbm>> -> memref<40x128xi32, #tpu.memory_space<hbm>>
      %dma_start3A_18 = arith.constant 40 : i32
      %dma_start3A_19 = arith.constant 0 : i32
      %dma_start3A_20 = tpu.memref_slice %arg3[%add3A, %dma_start3A_18, %dma_start3A_19] : memref<32x80x128xi32, #tpu.memory_space<hbm>> -> memref<1x40x128xi32, #tpu.memory_space<hbm>>
      %dma_start3A_21 = tpu.memref_squeeze %dma_start3A_20 : memref<1x40x128xi32, #tpu.memory_space<hbm>> -> memref<40x128xi32, #tpu.memory_space<hbm>>
      tpu.enqueue_dma source(%dma_start3A_21 : memref<40x128xi32, #tpu.memory_space<hbm>>) target(%arg7 : memref<40x128xi32, #tpu.memory_space<vmem>>) target_semaphore(%run_scoped3A : memref<!tpu.dma_semaphore, #tpu.memory_space<semaphore_mem>>)
      %dma_wait3A = arith.constant 40 : i32
      %dma_wait3A_22 = arith.constant 0 : i32
      %dma_wait3A_23 = tpu.memref_slice %arg3[%add3A, %dma_wait3A, %dma_wait3A_22] : memref<32x80x128xi32, #tpu.memory_space<hbm>> -> memref<1x40x128xi32, #tpu.memory_space<hbm>>
      %dma_wait3A_24 = tpu.memref_squeeze %dma_wait3A_23 : memref<1x40x128xi32, #tpu.memory_space<hbm>> -> memref<40x128xi32, #tpu.memory_space<hbm>>
      %dma_wait3A_25 = arith.constant 40 : i32
      %dma_wait3A_26 = arith.constant 0 : i32
      %dma_wait3A_27 = tpu.memref_slice %arg3[%add3A, %dma_wait3A_25, %dma_wait3A_26] : memref<32x80x128xi32, #tpu.memory_space<hbm>> -> memref<1x40x128xi32, #tpu.memory_space<hbm>>
      %dma_wait3A_28 = tpu.memref_squeeze %dma_wait3A_27 : memref<1x40x128xi32, #tpu.memory_space<hbm>> -> memref<40x128xi32, #tpu.memory_space<hbm>>
      tpu.wait_dma2 semaphore(%run_scoped3A : memref<!tpu.dma_semaphore, #tpu.memory_space<semaphore_mem>>) src(%dma_wait3A_28 : memref<40x128xi32, #tpu.memory_space<hbm>>) dst(%arg7 : memref<40x128xi32, #tpu.memory_space<vmem>>)
      tpu.yield
    }) : () -> ()
    %scan3A_8 = arith.constant 0 : i32
    %scan3A_9 = arith.constant 0 : i32
    %scan3A_10 = arith.constant 21 : i32
    %scan3A_11 = arith.addi %scan3A_9, %scan3A_10 : i32
    %scan3A_12 = arith.constant 1 : i32
    scf.for %scan3A_15 = %scan3A_9 to %scan3A_11 step %scan3A_12  : i32 {
      %mul3A_16 = arith.constant 2 : i32
      %mul3A_17 = arith.muli %scan3A_15, %mul3A_16 : i32
      %add3A_18 = arith.constant 0 : i32
      %add3A_19 = arith.addi %mul3A_17, %add3A_18 : i32
      %ge3A = arith.constant 2 : i32
      %ge3A_20 = arith.cmpi sge, %add3A_19, %ge3A : i32
      %lt3A = arith.constant 42 : i32
      %lt3A_21 = arith.cmpi slt, %add3A_19, %lt3A : i32
      %and3A = arith.andi %ge3A_20, %lt3A_21 : i1
      %convert_element_type3A = arith.extui %and3A : i1 to i32
      %cond3A = arith.constant 0 : i32
      %cond3A_22 = arith.cmpi ne, %convert_element_type3A, %cond3A : i32
      scf.if %cond3A_22 {
        %dma_wait3A = arith.constant 0 : i32
        %dma_wait3A_62 = arith.constant 0 : i32
        %dma_wait3A_63 = tpu.memref_slice %arg14[%dma_wait3A, %dma_wait3A_62] : memref<10240x128xf32, #tpu.memory_space<vmem_shared>> -> memref<128x128xf32, #tpu.memory_space<vmem_shared>>
        %dma_wait3A_64 = arith.constant 0 : i32
        %dma_wait3A_65 = arith.constant 0 : i32
        %dma_wait3A_66 = tpu.memref_slice %arg14[%dma_wait3A_64, %dma_wait3A_65] : memref<10240x128xf32, #tpu.memory_space<vmem_shared>> -> memref<128x128xf32, #tpu.memory_space<vmem_shared>>
        tpu.wait_dma2 semaphore(%arg12 : memref<!tpu.dma_semaphore, #tpu.memory_space<semaphore_mem>>) src(%arg8 : memref<128x128xf32, #tpu.memory_space<vmem>>) dst(%dma_wait3A_66 : memref<128x128xf32, #tpu.memory_space<vmem_shared>>)
      } else {
      }
      %lt3A_23 = arith.constant 40 : i32
      %lt3A_24 = arith.cmpi slt, %add3A_19, %lt3A_23 : i32
      %convert_element_type3A_25 = arith.extui %lt3A_24 : i1 to i32
      %cond3A_26 = arith.constant 0 : i32
      %cond3A_27 = arith.cmpi ne, %convert_element_type3A_25, %cond3A_26 : i32
      scf.if %cond3A_27 {
        %dma_start3A = arith.constant 0 : i32
        %dma_start3A_62 = tpu.memref_slice %arg6[%add3A_19, %dma_start3A] : memref<40x128xi32, #tpu.memory_space<vmem>> -> memref<1x128xi32, #tpu.memory_space<vmem>>
        %dma_start3A_63 = tpu.memref_squeeze %dma_start3A_62 : memref<1x128xi32, #tpu.memory_space<vmem>> -> memref<128xi32, #tpu.memory_space<vmem>>
        %dma_start3A_64 = arith.constant 0 : i32
        %dma_start3A_65 = arith.constant 0 : i32
        %dma_start3A_66 = tpu.memref_slice %arg4[%dma_start3A_64, %dma_start3A_65] : memref<10240x128xf32, #tpu.memory_space<hbm>> -> memref<10240x128xf32, #tpu.memory_space<hbm>>
        tpu.enqueue_indirect_dma source(%dma_start3A_66 : memref<10240x128xf32, #tpu.memory_space<hbm>>) target(%arg8 : memref<128x128xf32, #tpu.memory_space<vmem>>) offsets(%dma_start3A_63 : memref<128xi32, #tpu.memory_space<vmem>>) semaphore(%arg10 : memref<!tpu.dma_semaphore, #tpu.memory_space<semaphore_mem>>)
      } else {
      }
      %sub3A = arith.constant 1 : i32
      %sub3A_28 = arith.subi %add3A_19, %sub3A : i32
      %ge3A_29 = arith.constant 0 : i32
      %ge3A_30 = arith.cmpi sge, %sub3A_28, %ge3A_29 : i32
      %lt3A_31 = arith.constant 40 : i32
      %lt3A_32 = arith.cmpi slt, %sub3A_28, %lt3A_31 : i32
      %and3A_33 = arith.andi %ge3A_30, %lt3A_32 : i1
      %convert_element_type3A_34 = arith.extui %and3A_33 : i1 to i32
      %cond3A_35 = arith.constant 0 : i32
      %cond3A_36 = arith.cmpi ne, %convert_element_type3A_34, %cond3A_35 : i32
      scf.if %cond3A_36 {
        %dma_wait3A = arith.constant 0 : i32
        %dma_wait3A_62 = arith.constant 0 : i32
        %dma_wait3A_63 = tpu.memref_slice %arg4[%dma_wait3A, %dma_wait3A_62] : memref<10240x128xf32, #tpu.memory_space<hbm>> -> memref<128x128xf32, #tpu.memory_space<hbm>>
        %dma_wait3A_64 = arith.constant 0 : i32
        %dma_wait3A_65 = arith.constant 0 : i32
        %dma_wait3A_66 = tpu.memref_slice %arg4[%dma_wait3A_64, %dma_wait3A_65] : memref<10240x128xf32, #tpu.memory_space<hbm>> -> memref<128x128xf32, #tpu.memory_space<hbm>>
        tpu.wait_dma2 semaphore(%arg11 : memref<!tpu.dma_semaphore, #tpu.memory_space<semaphore_mem>>) src(%dma_wait3A_66 : memref<128x128xf32, #tpu.memory_space<hbm>>) dst(%arg9 : memref<128x128xf32, #tpu.memory_space<vmem>>)
        %dma_start3A = arith.constant 0 : i32
        %dma_start3A_67 = tpu.memref_slice %arg7[%sub3A_28, %dma_start3A] : memref<40x128xi32, #tpu.memory_space<vmem>> -> memref<1x128xi32, #tpu.memory_space<vmem>>
        %dma_start3A_68 = tpu.memref_squeeze %dma_start3A_67 : memref<1x128xi32, #tpu.memory_space<vmem>> -> memref<128xi32, #tpu.memory_space<vmem>>
        %dma_start3A_69 = arith.constant 0 : i32
        %dma_start3A_70 = arith.constant 0 : i32
        %dma_start3A_71 = tpu.memref_slice %arg14[%dma_start3A_69, %dma_start3A_70] : memref<10240x128xf32, #tpu.memory_space<vmem_shared>> -> memref<10240x128xf32, #tpu.memory_space<vmem_shared>>
        tpu.enqueue_indirect_dma source(%arg9 : memref<128x128xf32, #tpu.memory_space<vmem>>) target(%dma_start3A_71 : memref<10240x128xf32, #tpu.memory_space<vmem_shared>>) offsets(%dma_start3A_68 : memref<128xi32, #tpu.memory_space<vmem>>) semaphore(%arg13 : memref<!tpu.dma_semaphore, #tpu.memory_space<semaphore_mem>>) {add = true}
      } else {
      }
      %add3A_37 = arith.constant 1 : i32
      %add3A_38 = arith.addi %mul3A_17, %add3A_37 : i32
      %ge3A_39 = arith.constant 2 : i32
      %ge3A_40 = arith.cmpi sge, %add3A_38, %ge3A_39 : i32
      %lt3A_41 = arith.constant 42 : i32
      %lt3A_42 = arith.cmpi slt, %add3A_38, %lt3A_41 : i32
      %and3A_43 = arith.andi %ge3A_40, %lt3A_42 : i1
      %convert_element_type3A_44 = arith.extui %and3A_43 : i1 to i32
      %cond3A_45 = arith.constant 0 : i32
      %cond3A_46 = arith.cmpi ne, %convert_element_type3A_44, %cond3A_45 : i32
      scf.if %cond3A_46 {
        %dma_wait3A = arith.constant 0 : i32
        %dma_wait3A_62 = arith.constant 0 : i32
        %dma_wait3A_63 = tpu.memref_slice %arg14[%dma_wait3A, %dma_wait3A_62] : memref<10240x128xf32, #tpu.memory_space<vmem_shared>> -> memref<128x128xf32, #tpu.memory_space<vmem_shared>>
        %dma_wait3A_64 = arith.constant 0 : i32
        %dma_wait3A_65 = arith.constant 0 : i32
        %dma_wait3A_66 = tpu.memref_slice %arg14[%dma_wait3A_64, %dma_wait3A_65] : memref<10240x128xf32, #tpu.memory_space<vmem_shared>> -> memref<128x128xf32, #tpu.memory_space<vmem_shared>>
        tpu.wait_dma2 semaphore(%arg13 : memref<!tpu.dma_semaphore, #tpu.memory_space<semaphore_mem>>) src(%arg9 : memref<128x128xf32, #tpu.memory_space<vmem>>) dst(%dma_wait3A_66 : memref<128x128xf32, #tpu.memory_space<vmem_shared>>)
      } else {
      }
      %lt3A_47 = arith.constant 40 : i32
      %lt3A_48 = arith.cmpi slt, %add3A_38, %lt3A_47 : i32
      %convert_element_type3A_49 = arith.extui %lt3A_48 : i1 to i32
      %cond3A_50 = arith.constant 0 : i32
      %cond3A_51 = arith.cmpi ne, %convert_element_type3A_49, %cond3A_50 : i32
      scf.if %cond3A_51 {
        %dma_start3A = arith.constant 0 : i32
        %dma_start3A_62 = tpu.memref_slice %arg6[%add3A_38, %dma_start3A] : memref<40x128xi32, #tpu.memory_space<vmem>> -> memref<1x128xi32, #tpu.memory_space<vmem>>
        %dma_start3A_63 = tpu.memref_squeeze %dma_start3A_62 : memref<1x128xi32, #tpu.memory_space<vmem>> -> memref<128xi32, #tpu.memory_space<vmem>>
        %dma_start3A_64 = arith.constant 0 : i32
        %dma_start3A_65 = arith.constant 0 : i32
        %dma_start3A_66 = tpu.memref_slice %arg4[%dma_start3A_64, %dma_start3A_65] : memref<10240x128xf32, #tpu.memory_space<hbm>> -> memref<10240x128xf32, #tpu.memory_space<hbm>>
        tpu.enqueue_indirect_dma source(%dma_start3A_66 : memref<10240x128xf32, #tpu.memory_space<hbm>>) target(%arg9 : memref<128x128xf32, #tpu.memory_space<vmem>>) offsets(%dma_start3A_63 : memref<128xi32, #tpu.memory_space<vmem>>) semaphore(%arg11 : memref<!tpu.dma_semaphore, #tpu.memory_space<semaphore_mem>>)
      } else {
      }
      %sub3A_52 = arith.constant 1 : i32
      %sub3A_53 = arith.subi %add3A_38, %sub3A_52 : i32
      %ge3A_54 = arith.constant 0 : i32
      %ge3A_55 = arith.cmpi sge, %sub3A_53, %ge3A_54 : i32
      %lt3A_56 = arith.constant 40 : i32
      %lt3A_57 = arith.cmpi slt, %sub3A_53, %lt3A_56 : i32
      %and3A_58 = arith.andi %ge3A_55, %lt3A_57 : i1
      %convert_element_type3A_59 = arith.extui %and3A_58 : i1 to i32
      %cond3A_60 = arith.constant 0 : i32
      %cond3A_61 = arith.cmpi ne, %convert_element_type3A_59, %cond3A_60 : i32
      scf.if %cond3A_61 {
        %dma_wait3A = arith.constant 0 : i32
        %dma_wait3A_62 = arith.constant 0 : i32
        %dma_wait3A_63 = tpu.memref_slice %arg4[%dma_wait3A, %dma_wait3A_62] : memref<10240x128xf32, #tpu.memory_space<hbm>> -> memref<128x128xf32, #tpu.memory_space<hbm>>
        %dma_wait3A_64 = arith.constant 0 : i32
        %dma_wait3A_65 = arith.constant 0 : i32
        %dma_wait3A_66 = tpu.memref_slice %arg4[%dma_wait3A_64, %dma_wait3A_65] : memref<10240x128xf32, #tpu.memory_space<hbm>> -> memref<128x128xf32, #tpu.memory_space<hbm>>
        tpu.wait_dma2 semaphore(%arg10 : memref<!tpu.dma_semaphore, #tpu.memory_space<semaphore_mem>>) src(%dma_wait3A_66 : memref<128x128xf32, #tpu.memory_space<hbm>>) dst(%arg8 : memref<128x128xf32, #tpu.memory_space<vmem>>)
        %dma_start3A = arith.constant 0 : i32
        %dma_start3A_67 = tpu.memref_slice %arg7[%sub3A_53, %dma_start3A] : memref<40x128xi32, #tpu.memory_space<vmem>> -> memref<1x128xi32, #tpu.memory_space<vmem>>
        %dma_start3A_68 = tpu.memref_squeeze %dma_start3A_67 : memref<1x128xi32, #tpu.memory_space<vmem>> -> memref<128xi32, #tpu.memory_space<vmem>>
        %dma_start3A_69 = arith.constant 0 : i32
        %dma_start3A_70 = arith.constant 0 : i32
        %dma_start3A_71 = tpu.memref_slice %arg14[%dma_start3A_69, %dma_start3A_70] : memref<10240x128xf32, #tpu.memory_space<vmem_shared>> -> memref<10240x128xf32, #tpu.memory_space<vmem_shared>>
        tpu.enqueue_indirect_dma source(%arg8 : memref<128x128xf32, #tpu.memory_space<vmem>>) target(%dma_start3A_71 : memref<10240x128xf32, #tpu.memory_space<vmem_shared>>) offsets(%dma_start3A_68 : memref<128xi32, #tpu.memory_space<vmem>>) semaphore(%arg12 : memref<!tpu.dma_semaphore, #tpu.memory_space<semaphore_mem>>) {add = true}
      } else {
      }
    }
    %scan3A_13 = arith.constant 21 : i32
    %barrier3A_14 = arith.constant 0 : index
    tpu.barrier barrier_id(%barrier3A_14)
    "tpu.region"() ({
      %run_scoped3A = tpu.sem_alloc : memref<!tpu.dma_semaphore, #tpu.memory_space<semaphore_mem>>
      %dma_start3A = arith.constant 0 : i32
      %dma_start3A_15 = tpu.memref_slice %arg5[%arg0, %mul3A_2, %dma_start3A] : memref<2x10240x128xf32, #tpu.memory_space<hbm>> -> memref<1x640x128xf32, #tpu.memory_space<hbm>>
      %dma_start3A_16 = tpu.memref_squeeze %dma_start3A_15 : memref<1x640x128xf32, #tpu.memory_space<hbm>> -> memref<640x128xf32, #tpu.memory_space<hbm>>
      %dma_start3A_17 = arith.constant 0 : i32
      %dma_start3A_18 = tpu.memref_slice %arg14[%mul3A_2, %dma_start3A_17] : memref<10240x128xf32, #tpu.memory_space<vmem_shared>> -> memref<640x128xf32, #tpu.memory_space<vmem_shared>>
      tpu.enqueue_dma source(%dma_start3A_18 : memref<640x128xf32, #tpu.memory_space<vmem_shared>>) target(%dma_start3A_16 : memref<640x128xf32, #tpu.memory_space<hbm>>) target_semaphore(%run_scoped3A : memref<!tpu.dma_semaphore, #tpu.memory_space<semaphore_mem>>)
      %dma_wait3A = arith.constant 0 : i32
      %dma_wait3A_19 = tpu.memref_slice %arg5[%arg0, %mul3A_2, %dma_wait3A] : memref<2x10240x128xf32, #tpu.memory_space<hbm>> -> memref<1x640x128xf32, #tpu.memory_space<hbm>>
      %dma_wait3A_20 = tpu.memref_squeeze %dma_wait3A_19 : memref<1x640x128xf32, #tpu.memory_space<hbm>> -> memref<640x128xf32, #tpu.memory_space<hbm>>
      %dma_wait3A_21 = arith.constant 0 : i32
      %dma_wait3A_22 = tpu.memref_slice %arg14[%mul3A_2, %dma_wait3A_21] : memref<10240x128xf32, #tpu.memory_space<vmem_shared>> -> memref<640x128xf32, #tpu.memory_space<vmem_shared>>
      tpu.wait_dma2 semaphore(%run_scoped3A : memref<!tpu.dma_semaphore, #tpu.memory_space<semaphore_mem>>) src(%dma_wait3A_22 : memref<640x128xf32, #tpu.memory_space<vmem_shared>>) dst(%dma_wait3A_20 : memref<640x128xf32, #tpu.memory_space<hbm>>)
      tpu.yield
    }) : () -> ()
    return
  }
}

module attributes {stable_mosaic.version = 14 : i64} {
  func.func @_tc_pre_body(%arg0: i32, %arg1: memref<2x2048x128xf32, #tpu.memory_space<vmem>>, %arg2: memref<2048x128xf32, #tpu.memory_space<vmem>>, %arg3: memref<128x128xf32, #tpu.memory_space<vmem>>, %arg4: memref<2048x128xf32, #tpu.memory_space<vmem>>, %arg5: memref<2048x128xf32, #tpu.memory_space<vmem>>) attributes {dimension_semantics = [#tpu.dimension_semantics<arbitrary>], iteration_bounds = array<i64: 5>, scalar_prefetch = 0 : i64, scratch_operands = 0 : i64, tpu.core_type = #tpu.core_type<tc>, window_params = [{transform_indices = @transform_0, window_bounds = array<i64: 2, 2048, 128>}, {transform_indices = @transform_1, window_bounds = array<i64: 2048, 128>}, {pipeline_mode = #tpu.pipeline_mode<synchronous>, transform_indices = @transform_2, window_bounds = array<i64: 128, 128>}, {transform_indices = @transform_3, window_bounds = array<i64: 2048, 128>}, {transform_indices = @transform_4, window_bounds = array<i64: 2048, 128>}]} {
    %get3A = arith.constant 0 : index
    %get3A_0 = arith.constant 0 : index
    %get3A_1 = arith.constant 0 : index
    %get3A_2 = vector.load %arg1[%get3A, %get3A_0, %get3A_1] : memref<2x2048x128xf32, #tpu.memory_space<vmem>>, vector<1x2048x1xf32>
    %get3A_3 = vector.shape_cast %get3A_2 : vector<1x2048x1xf32> to vector<2048x1xf32>
    %get3A_4 = arith.constant 1 : index
    %get3A_5 = arith.constant 0 : index
    %get3A_6 = arith.constant 0 : index
    %get3A_7 = vector.load %arg1[%get3A_4, %get3A_5, %get3A_6] : memref<2x2048x128xf32, #tpu.memory_space<vmem>>, vector<1x2048x1xf32>
    %get3A_8 = vector.shape_cast %get3A_7 : vector<1x2048x1xf32> to vector<2048x1xf32>
    %add3A = arith.addf %get3A_3, %get3A_8 : vector<2048x1xf32>
    %sub3A = arith.constant 1.000000e+00 : f32
    %sub3A_9 = vector.broadcast %sub3A : f32 to vector<2048x1xf32>
    %sub3A_10 = arith.subf %add3A, %sub3A_9 : vector<2048x1xf32>
    %rsqrt3A = math.rsqrt %sub3A_10 : vector<2048x1xf32>
    %broadcast_in_dim3A = vector.shape_cast %rsqrt3A : vector<2048x1xf32> to vector<2048x1xf32>
    %broadcast_in_dim3A_11 = vector.broadcast %broadcast_in_dim3A : vector<2048x1xf32> to vector<2048x128xf32>
    %swap3A = arith.constant 0 : index
    %swap3A_12 = arith.constant 0 : index
    %swap3A_13 = vector.load %arg4[%swap3A, %swap3A_12] : memref<2048x128xf32, #tpu.memory_space<vmem>>, vector<2048x128xf32>
    tpu.vector_store %arg4[%swap3A, %swap3A_12], %broadcast_in_dim3A_11 {strides = array<i32>} : memref<2048x128xf32, #tpu.memory_space<vmem>>, vector<2048x128xf32>,
    %get3A_14 = arith.constant 0 : index
    %get3A_15 = arith.constant 0 : index
    %get3A_16 = vector.load %arg2[%get3A_14, %get3A_15] : memref<2048x128xf32, #tpu.memory_space<vmem>>, vector<2048x128xf32>
    %get3A_17 = arith.constant 0 : index
    %get3A_18 = arith.constant 0 : index
    %get3A_19 = vector.load %arg3[%get3A_17, %get3A_18] : memref<128x128xf32, #tpu.memory_space<vmem>>, vector<128x128xf32>
    %dot_general3A = arith.constant dense<0.000000e+00> : vector<2048x128xf32>
    %dot_general3A_20 = tpu.matmul %get3A_16, %get3A_19, %dot_general3A {dimension_numbers = #tpu.dot_dimension_numbers<[1], [0], [0], [1], [0, 0, 1, 1], [], []>, transpose_lhs_hint = false} : vector<2048x128xf32>, vector<128x128xf32>, vector<2048x128xf32> -> vector<2048x128xf32>
    %mul3A = vector.broadcast %rsqrt3A : vector<2048x1xf32> to vector<2048x128xf32>
    %mul3A_21 = arith.mulf %dot_general3A_20, %mul3A : vector<2048x128xf32>
    %swap3A_22 = arith.constant 0 : index
    %swap3A_23 = arith.constant 0 : index
    %swap3A_24 = vector.load %arg5[%swap3A_22, %swap3A_23] : memref<2048x128xf32, #tpu.memory_space<vmem>>, vector<2048x128xf32>
    tpu.vector_store %arg5[%swap3A_22, %swap3A_23], %mul3A_21 {strides = array<i32>} : memref<2048x128xf32, #tpu.memory_space<vmem>>, vector<2048x128xf32>,
    return
  }
  func.func @transform_0(%arg0: i32) -> (i32, i32, i32) {
    %c0_i32 = arith.constant 0 : i32
    %c0_i32_0 = arith.constant 0 : i32
    %c0_i32_1 = arith.constant 0 : i32
    return %c0_i32, %arg0, %c0_i32_0 : i32, i32, i32
  }
  func.func @transform_1(%arg0: i32) -> (i32, i32) {
    %c0_i32 = arith.constant 0 : i32
    %c0_i32_0 = arith.constant 0 : i32
    return %arg0, %c0_i32 : i32, i32
  }
  func.func @transform_2(%arg0: i32) -> (i32, i32) {
    %c0_i32 = arith.constant 0 : i32
    %c0_i32_0 = arith.constant 0 : i32
    %c0_i32_1 = arith.constant 0 : i32
    return %c0_i32, %c0_i32_0 : i32, i32
  }
  func.func @transform_3(%arg0: i32) -> (i32, i32) {
    %c0_i32 = arith.constant 0 : i32
    %c0_i32_0 = arith.constant 0 : i32
    return %arg0, %c0_i32 : i32, i32
  }
  func.func @transform_4(%arg0: i32) -> (i32, i32) {
    %c0_i32 = arith.constant 0 : i32
    %c0_i32_0 = arith.constant 0 : i32
    return %arg0, %c0_i32 : i32, i32
  }
}

module attributes {stable_mosaic.version = 14 : i64} {
  func.func @body(%arg0: i32, %arg1: memref<2x2048x128xf32, #tpu.memory_space<vmem>>, %arg2: memref<2048x128xf32, #tpu.memory_space<vmem>>, %arg3: memref<2048x128xf32, #tpu.memory_space<vmem>>, %arg4: memref<1x128xf32, #tpu.memory_space<vmem>>, %arg5: memref<128x128xf32, #tpu.memory_space<vmem>>, %arg6: memref<2048x128xf32, #tpu.memory_space<vmem>>, %arg7: memref<2048x128xf32, #tpu.memory_space<vmem>>) attributes {dimension_semantics = [#tpu.dimension_semantics<arbitrary>], iteration_bounds = array<i64: 5>, scalar_prefetch = 0 : i64, scratch_operands = 0 : i64, tpu.core_type = #tpu.core_type<tc>, window_params = [{transform_indices = @transform_0, window_bounds = array<i64: 2, 2048, 128>}, {transform_indices = @transform_1, window_bounds = array<i64: 2048, 128>}, {transform_indices = @transform_2, window_bounds = array<i64: 2048, 128>}, {pipeline_mode = #tpu.pipeline_mode<synchronous>, transform_indices = @transform_3, window_bounds = array<i64: 1, 128>}, {pipeline_mode = #tpu.pipeline_mode<synchronous>, transform_indices = @transform_4, window_bounds = array<i64: 128, 128>}, {transform_indices = @transform_5, window_bounds = array<i64: 2048, 128>}, {transform_indices = @transform_6, window_bounds = array<i64: 2048, 128>}]} {
    %get3A = arith.constant 0 : index
    %get3A_0 = arith.constant 0 : index
    %get3A_1 = vector.load %arg3[%get3A, %get3A_0] : memref<2048x128xf32, #tpu.memory_space<vmem>>, vector<2048x128xf32>
    %get3A_2 = arith.constant 0 : index
    %get3A_3 = arith.constant 0 : index
    %get3A_4 = arith.constant 0 : index
    %get3A_5 = vector.load %arg1[%get3A_2, %get3A_3, %get3A_4] : memref<2x2048x128xf32, #tpu.memory_space<vmem>>, vector<1x2048x128xf32>
    %get3A_6 = vector.shape_cast %get3A_5 : vector<1x2048x128xf32> to vector<2048x128xf32>
    %get3A_7 = arith.constant 1 : index
    %get3A_8 = arith.constant 0 : index
    %get3A_9 = arith.constant 0 : index
    %get3A_10 = vector.load %arg1[%get3A_7, %get3A_8, %get3A_9] : memref<2x2048x128xf32, #tpu.memory_space<vmem>>, vector<1x2048x128xf32>
    %get3A_11 = vector.shape_cast %get3A_10 : vector<1x2048x128xf32> to vector<2048x128xf32>
    %add3A = arith.addf %get3A_6, %get3A_11 : vector<2048x128xf32>
    %get3A_12 = arith.constant 0 : index
    %get3A_13 = arith.constant 0 : index
    %get3A_14 = vector.load %arg2[%get3A_12, %get3A_13] : memref<2048x128xf32, #tpu.memory_space<vmem>>, vector<2048x128xf32>
    %sub3A = arith.subf %add3A, %get3A_14 : vector<2048x128xf32>
    %mul3A = arith.mulf %sub3A, %get3A_1 : vector<2048x128xf32>
    %get3A_15 = arith.constant 0 : index
    %get3A_16 = arith.constant 0 : index
    %get3A_17 = vector.load %arg4[%get3A_15, %get3A_16] : memref<1x128xf32, #tpu.memory_space<vmem>>, vector<1x128xf32>
    %add3A_18 = vector.broadcast %get3A_17 : vector<1x128xf32> to vector<2048x128xf32>
    %add3A_19 = arith.addf %mul3A, %add3A_18 : vector<2048x128xf32>
    %max3A = arith.constant 0.000000e+00 : f32
    %max3A_20 = vector.broadcast %max3A : f32 to vector<2048x128xf32>
    %max3A_21 = arith.maximumf %add3A_19, %max3A_20 : vector<2048x128xf32>
    %swap3A = arith.constant 0 : index
    %swap3A_22 = arith.constant 0 : index
    %swap3A_23 = vector.load %arg6[%swap3A, %swap3A_22] : memref<2048x128xf32, #tpu.memory_space<vmem>>, vector<2048x128xf32>
    tpu.vector_store %arg6[%swap3A, %swap3A_22], %max3A_21 {strides = array<i32>} : memref<2048x128xf32, #tpu.memory_space<vmem>>, vector<2048x128xf32>,
    %get3A_24 = arith.constant 0 : index
    %get3A_25 = arith.constant 0 : index
    %get3A_26 = vector.load %arg5[%get3A_24, %get3A_25] : memref<128x128xf32, #tpu.memory_space<vmem>>, vector<128x128xf32>
    %dot_general3A = arith.constant dense<0.000000e+00> : vector<2048x128xf32>
    %dot_general3A_27 = tpu.matmul %max3A_21, %get3A_26, %dot_general3A {dimension_numbers = #tpu.dot_dimension_numbers<[1], [0], [0], [1], [0, 0, 1, 1], [], []>, transpose_lhs_hint = false} : vector<2048x128xf32>, vector<128x128xf32>, vector<2048x128xf32> -> vector<2048x128xf32>
    %mul3A_28 = arith.mulf %dot_general3A_27, %get3A_1 : vector<2048x128xf32>
    %swap3A_29 = arith.constant 0 : index
    %swap3A_30 = arith.constant 0 : index
    %swap3A_31 = vector.load %arg7[%swap3A_29, %swap3A_30] : memref<2048x128xf32, #tpu.memory_space<vmem>>, vector<2048x128xf32>
    tpu.vector_store %arg7[%swap3A_29, %swap3A_30], %mul3A_28 {strides = array<i32>} : memref<2048x128xf32, #tpu.memory_space<vmem>>, vector<2048x128xf32>,
    return
  }
  func.func @transform_0(%arg0: i32) -> (i32, i32, i32) {
    %c0_i32 = arith.constant 0 : i32
    %c0_i32_0 = arith.constant 0 : i32
    %c0_i32_1 = arith.constant 0 : i32
    return %c0_i32, %arg0, %c0_i32_0 : i32, i32, i32
  }
  func.func @transform_1(%arg0: i32) -> (i32, i32) {
    %c0_i32 = arith.constant 0 : i32
    %c0_i32_0 = arith.constant 0 : i32
    return %arg0, %c0_i32 : i32, i32
  }
  func.func @transform_2(%arg0: i32) -> (i32, i32) {
    %c0_i32 = arith.constant 0 : i32
    %c0_i32_0 = arith.constant 0 : i32
    return %arg0, %c0_i32 : i32, i32
  }
  func.func @transform_3(%arg0: i32) -> (i32, i32) {
    %c0_i32 = arith.constant 0 : i32
    %c0_i32_0 = arith.constant 0 : i32
    %c0_i32_1 = arith.constant 0 : i32
    return %c0_i32, %c0_i32_0 : i32, i32
  }
  func.func @transform_4(%arg0: i32) -> (i32, i32) {
    %c0_i32 = arith.constant 0 : i32
    %c0_i32_0 = arith.constant 0 : i32
    %c0_i32_1 = arith.constant 0 : i32
    return %c0_i32, %c0_i32_0 : i32, i32
  }
  func.func @transform_5(%arg0: i32) -> (i32, i32) {
    %c0_i32 = arith.constant 0 : i32
    %c0_i32_0 = arith.constant 0 : i32
    return %arg0, %c0_i32 : i32, i32
  }
  func.func @transform_6(%arg0: i32) -> (i32, i32) {
    %c0_i32 = arith.constant 0 : i32
    %c0_i32_0 = arith.constant 0 : i32
    return %arg0, %c0_i32 : i32, i32
  }
}

module attributes {stable_mosaic.version = 14 : i64} {
  func.func @body(%arg0: i32, %arg1: memref<2x2048x128xf32, #tpu.memory_space<vmem>>, %arg2: memref<2048x128xf32, #tpu.memory_space<vmem>>, %arg3: memref<2048x128xf32, #tpu.memory_space<vmem>>, %arg4: memref<1x128xf32, #tpu.memory_space<vmem>>, %arg5: memref<2048x128xf32, #tpu.memory_space<vmem>>, %arg6: memref<128x128xf32, #tpu.memory_space<vmem>>, %arg7: memref<2048x128xf32, #tpu.memory_space<vmem>>, %arg8: memref<2048x128xf32, #tpu.memory_space<vmem>>) attributes {dimension_semantics = [#tpu.dimension_semantics<arbitrary>], iteration_bounds = array<i64: 5>, scalar_prefetch = 0 : i64, scratch_operands = 0 : i64, tpu.core_type = #tpu.core_type<tc>, window_params = [{transform_indices = @transform_0, window_bounds = array<i64: 2, 2048, 128>}, {transform_indices = @transform_1, window_bounds = array<i64: 2048, 128>}, {transform_indices = @transform_2, window_bounds = array<i64: 2048, 128>}, {pipeline_mode = #tpu.pipeline_mode<synchronous>, transform_indices = @transform_3, window_bounds = array<i64: 1, 128>}, {transform_indices = @transform_4, window_bounds = array<i64: 2048, 128>}, {pipeline_mode = #tpu.pipeline_mode<synchronous>, transform_indices = @transform_5, window_bounds = array<i64: 128, 128>}, {transform_indices = @transform_6, window_bounds = array<i64: 2048, 128>}, {transform_indices = @transform_7, window_bounds = array<i64: 2048, 128>}]} {
    %get3A = arith.constant 0 : index
    %get3A_0 = arith.constant 0 : index
    %get3A_1 = vector.load %arg3[%get3A, %get3A_0] : memref<2048x128xf32, #tpu.memory_space<vmem>>, vector<2048x128xf32>
    %get3A_2 = arith.constant 0 : index
    %get3A_3 = arith.constant 0 : index
    %get3A_4 = arith.constant 0 : index
    %get3A_5 = vector.load %arg1[%get3A_2, %get3A_3, %get3A_4] : memref<2x2048x128xf32, #tpu.memory_space<vmem>>, vector<1x2048x128xf32>
    %get3A_6 = vector.shape_cast %get3A_5 : vector<1x2048x128xf32> to vector<2048x128xf32>
    %get3A_7 = arith.constant 1 : index
    %get3A_8 = arith.constant 0 : index
    %get3A_9 = arith.constant 0 : index
    %get3A_10 = vector.load %arg1[%get3A_7, %get3A_8, %get3A_9] : memref<2x2048x128xf32, #tpu.memory_space<vmem>>, vector<1x2048x128xf32>
    %get3A_11 = vector.shape_cast %get3A_10 : vector<1x2048x128xf32> to vector<2048x128xf32>
    %add3A = arith.addf %get3A_6, %get3A_11 : vector<2048x128xf32>
    %get3A_12 = arith.constant 0 : index
    %get3A_13 = arith.constant 0 : index
    %get3A_14 = vector.load %arg2[%get3A_12, %get3A_13] : memref<2048x128xf32, #tpu.memory_space<vmem>>, vector<2048x128xf32>
    %sub3A = arith.subf %add3A, %get3A_14 : vector<2048x128xf32>
    %mul3A = arith.mulf %sub3A, %get3A_1 : vector<2048x128xf32>
    %get3A_15 = arith.constant 0 : index
    %get3A_16 = arith.constant 0 : index
    %get3A_17 = vector.load %arg4[%get3A_15, %get3A_16] : memref<1x128xf32, #tpu.memory_space<vmem>>, vector<1x128xf32>
    %add3A_18 = vector.broadcast %get3A_17 : vector<1x128xf32> to vector<2048x128xf32>
    %add3A_19 = arith.addf %mul3A, %add3A_18 : vector<2048x128xf32>
    %max3A = arith.constant 0.000000e+00 : f32
    %max3A_20 = vector.broadcast %max3A : f32 to vector<2048x128xf32>
    %max3A_21 = arith.maximumf %add3A_19, %max3A_20 : vector<2048x128xf32>
    %get3A_22 = arith.constant 0 : index
    %get3A_23 = arith.constant 0 : index
    %get3A_24 = vector.load %arg5[%get3A_22, %get3A_23] : memref<2048x128xf32, #tpu.memory_space<vmem>>, vector<2048x128xf32>
    %mul3A_25 = arith.constant 5.000000e-01 : f32
    %mul3A_26 = vector.broadcast %mul3A_25 : f32 to vector<2048x128xf32>
    %mul3A_27 = arith.mulf %mul3A_26, %get3A_24 : vector<2048x128xf32>
    %mul3A_28 = arith.constant 5.000000e-01 : f32
    %mul3A_29 = vector.broadcast %mul3A_28 : f32 to vector<2048x128xf32>
    %mul3A_30 = arith.mulf %mul3A_29, %max3A_21 : vector<2048x128xf32>
    %add3A_31 = arith.addf %mul3A_27, %mul3A_30 : vector<2048x128xf32>
    %swap3A = arith.constant 0 : index
    %swap3A_32 = arith.constant 0 : index
    %swap3A_33 = vector.load %arg7[%swap3A, %swap3A_32] : memref<2048x128xf32, #tpu.memory_space<vmem>>, vector<2048x128xf32>
    tpu.vector_store %arg7[%swap3A, %swap3A_32], %add3A_31 {strides = array<i32>} : memref<2048x128xf32, #tpu.memory_space<vmem>>, vector<2048x128xf32>,
    %get3A_34 = arith.constant 0 : index
    %get3A_35 = arith.constant 0 : index
    %get3A_36 = vector.load %arg6[%get3A_34, %get3A_35] : memref<128x128xf32, #tpu.memory_space<vmem>>, vector<128x128xf32>
    %dot_general3A = arith.constant dense<0.000000e+00> : vector<2048x128xf32>
    %dot_general3A_37 = tpu.matmul %add3A_31, %get3A_36, %dot_general3A {dimension_numbers = #tpu.dot_dimension_numbers<[1], [0], [0], [1], [0, 0, 1, 1], [], []>, transpose_lhs_hint = false} : vector<2048x128xf32>, vector<128x128xf32>, vector<2048x128xf32> -> vector<2048x128xf32>
    %mul3A_38 = arith.mulf %dot_general3A_37, %get3A_1 : vector<2048x128xf32>
    %swap3A_39 = arith.constant 0 : index
    %swap3A_40 = arith.constant 0 : index
    %swap3A_41 = vector.load %arg8[%swap3A_39, %swap3A_40] : memref<2048x128xf32, #tpu.memory_space<vmem>>, vector<2048x128xf32>
    tpu.vector_store %arg8[%swap3A_39, %swap3A_40], %mul3A_38 {strides = array<i32>} : memref<2048x128xf32, #tpu.memory_space<vmem>>, vector<2048x128xf32>,
    return
  }
  func.func @transform_0(%arg0: i32) -> (i32, i32, i32) {
    %c0_i32 = arith.constant 0 : i32
    %c0_i32_0 = arith.constant 0 : i32
    %c0_i32_1 = arith.constant 0 : i32
    return %c0_i32, %arg0, %c0_i32_0 : i32, i32, i32
  }
  func.func @transform_1(%arg0: i32) -> (i32, i32) {
    %c0_i32 = arith.constant 0 : i32
    %c0_i32_0 = arith.constant 0 : i32
    return %arg0, %c0_i32 : i32, i32
  }
  func.func @transform_2(%arg0: i32) -> (i32, i32) {
    %c0_i32 = arith.constant 0 : i32
    %c0_i32_0 = arith.constant 0 : i32
    return %arg0, %c0_i32 : i32, i32
  }
  func.func @transform_3(%arg0: i32) -> (i32, i32) {
    %c0_i32 = arith.constant 0 : i32
    %c0_i32_0 = arith.constant 0 : i32
    %c0_i32_1 = arith.constant 0 : i32
    return %c0_i32, %c0_i32_0 : i32, i32
  }
  func.func @transform_4(%arg0: i32) -> (i32, i32) {
    %c0_i32 = arith.constant 0 : i32
    %c0_i32_0 = arith.constant 0 : i32
    return %arg0, %c0_i32 : i32, i32
  }
  func.func @transform_5(%arg0: i32) -> (i32, i32) {
    %c0_i32 = arith.constant 0 : i32
    %c0_i32_0 = arith.constant 0 : i32
    %c0_i32_1 = arith.constant 0 : i32
    return %c0_i32, %c0_i32_0 : i32, i32
  }
  func.func @transform_6(%arg0: i32) -> (i32, i32) {
    %c0_i32 = arith.constant 0 : i32
    %c0_i32_0 = arith.constant 0 : i32
    return %arg0, %c0_i32 : i32, i32
  }
  func.func @transform_7(%arg0: i32) -> (i32, i32) {
    %c0_i32 = arith.constant 0 : i32
    %c0_i32_0 = arith.constant 0 : i32
    return %arg0, %c0_i32 : i32, i32
  }
}

module attributes {stable_mosaic.version = 14 : i64} {
  func.func @body(%arg0: i32, %arg1: memref<2x2048x128xf32, #tpu.memory_space<vmem>>, %arg2: memref<2048x128xf32, #tpu.memory_space<vmem>>, %arg3: memref<2048x128xf32, #tpu.memory_space<vmem>>, %arg4: memref<1x128xf32, #tpu.memory_space<vmem>>, %arg5: memref<2048x128xf32, #tpu.memory_space<vmem>>, %arg6: memref<128x128xf32, #tpu.memory_space<vmem>>, %arg7: memref<2048x128xf32, #tpu.memory_space<vmem>>, %arg8: memref<2048x128xf32, #tpu.memory_space<vmem>>) attributes {dimension_semantics = [#tpu.dimension_semantics<arbitrary>], iteration_bounds = array<i64: 5>, scalar_prefetch = 0 : i64, scratch_operands = 0 : i64, tpu.core_type = #tpu.core_type<tc>, window_params = [{transform_indices = @transform_0, window_bounds = array<i64: 2, 2048, 128>}, {transform_indices = @transform_1, window_bounds = array<i64: 2048, 128>}, {transform_indices = @transform_2, window_bounds = array<i64: 2048, 128>}, {pipeline_mode = #tpu.pipeline_mode<synchronous>, transform_indices = @transform_3, window_bounds = array<i64: 1, 128>}, {transform_indices = @transform_4, window_bounds = array<i64: 2048, 128>}, {pipeline_mode = #tpu.pipeline_mode<synchronous>, transform_indices = @transform_5, window_bounds = array<i64: 128, 128>}, {transform_indices = @transform_6, window_bounds = array<i64: 2048, 128>}, {transform_indices = @transform_7, window_bounds = array<i64: 2048, 128>}]} {
    %get3A = arith.constant 0 : index
    %get3A_0 = arith.constant 0 : index
    %get3A_1 = vector.load %arg3[%get3A, %get3A_0] : memref<2048x128xf32, #tpu.memory_space<vmem>>, vector<2048x128xf32>
    %get3A_2 = arith.constant 0 : index
    %get3A_3 = arith.constant 0 : index
    %get3A_4 = arith.constant 0 : index
    %get3A_5 = vector.load %arg1[%get3A_2, %get3A_3, %get3A_4] : memref<2x2048x128xf32, #tpu.memory_space<vmem>>, vector<1x2048x128xf32>
    %get3A_6 = vector.shape_cast %get3A_5 : vector<1x2048x128xf32> to vector<2048x128xf32>
    %get3A_7 = arith.constant 1 : index
    %get3A_8 = arith.constant 0 : index
    %get3A_9 = arith.constant 0 : index
    %get3A_10 = vector.load %arg1[%get3A_7, %get3A_8, %get3A_9] : memref<2x2048x128xf32, #tpu.memory_space<vmem>>, vector<1x2048x128xf32>
    %get3A_11 = vector.shape_cast %get3A_10 : vector<1x2048x128xf32> to vector<2048x128xf32>
    %add3A = arith.addf %get3A_6, %get3A_11 : vector<2048x128xf32>
    %get3A_12 = arith.constant 0 : index
    %get3A_13 = arith.constant 0 : index
    %get3A_14 = vector.load %arg2[%get3A_12, %get3A_13] : memref<2048x128xf32, #tpu.memory_space<vmem>>, vector<2048x128xf32>
    %sub3A = arith.subf %add3A, %get3A_14 : vector<2048x128xf32>
    %mul3A = arith.mulf %sub3A, %get3A_1 : vector<2048x128xf32>
    %get3A_15 = arith.constant 0 : index
    %get3A_16 = arith.constant 0 : index
    %get3A_17 = vector.load %arg4[%get3A_15, %get3A_16] : memref<1x128xf32, #tpu.memory_space<vmem>>, vector<1x128xf32>
    %add3A_18 = vector.broadcast %get3A_17 : vector<1x128xf32> to vector<2048x128xf32>
    %add3A_19 = arith.addf %mul3A, %add3A_18 : vector<2048x128xf32>
    %max3A = arith.constant 0.000000e+00 : f32
    %max3A_20 = vector.broadcast %max3A : f32 to vector<2048x128xf32>
    %max3A_21 = arith.maximumf %add3A_19, %max3A_20 : vector<2048x128xf32>
    %get3A_22 = arith.constant 0 : index
    %get3A_23 = arith.constant 0 : index
    %get3A_24 = vector.load %arg5[%get3A_22, %get3A_23] : memref<2048x128xf32, #tpu.memory_space<vmem>>, vector<2048x128xf32>
    %mul3A_25 = arith.constant 5.000000e-01 : f32
    %mul3A_26 = vector.broadcast %mul3A_25 : f32 to vector<2048x128xf32>
    %mul3A_27 = arith.mulf %mul3A_26, %get3A_24 : vector<2048x128xf32>
    %mul3A_28 = arith.constant 5.000000e-01 : f32
    %mul3A_29 = vector.broadcast %mul3A_28 : f32 to vector<2048x128xf32>
    %mul3A_30 = arith.mulf %mul3A_29, %max3A_21 : vector<2048x128xf32>
    %add3A_31 = arith.addf %mul3A_27, %mul3A_30 : vector<2048x128xf32>
    %swap3A = arith.constant 0 : index
    %swap3A_32 = arith.constant 0 : index
    %swap3A_33 = vector.load %arg7[%swap3A, %swap3A_32] : memref<2048x128xf32, #tpu.memory_space<vmem>>, vector<2048x128xf32>
    tpu.vector_store %arg7[%swap3A, %swap3A_32], %add3A_31 {strides = array<i32>} : memref<2048x128xf32, #tpu.memory_space<vmem>>, vector<2048x128xf32>,
    %get3A_34 = arith.constant 0 : index
    %get3A_35 = arith.constant 0 : index
    %get3A_36 = vector.load %arg6[%get3A_34, %get3A_35] : memref<128x128xf32, #tpu.memory_space<vmem>>, vector<128x128xf32>
    %dot_general3A = arith.constant dense<0.000000e+00> : vector<2048x128xf32>
    %dot_general3A_37 = tpu.matmul %add3A_31, %get3A_36, %dot_general3A {dimension_numbers = #tpu.dot_dimension_numbers<[1], [0], [0], [1], [0, 0, 1, 1], [], []>, transpose_lhs_hint = false} : vector<2048x128xf32>, vector<128x128xf32>, vector<2048x128xf32> -> vector<2048x128xf32>
    %mul3A_38 = arith.mulf %dot_general3A_37, %get3A_1 : vector<2048x128xf32>
    %swap3A_39 = arith.constant 0 : index
    %swap3A_40 = arith.constant 0 : index
    %swap3A_41 = vector.load %arg8[%swap3A_39, %swap3A_40] : memref<2048x128xf32, #tpu.memory_space<vmem>>, vector<2048x128xf32>
    tpu.vector_store %arg8[%swap3A_39, %swap3A_40], %mul3A_38 {strides = array<i32>} : memref<2048x128xf32, #tpu.memory_space<vmem>>, vector<2048x128xf32>,
    return
  }
  func.func @transform_0(%arg0: i32) -> (i32, i32, i32) {
    %c0_i32 = arith.constant 0 : i32
    %c0_i32_0 = arith.constant 0 : i32
    %c0_i32_1 = arith.constant 0 : i32
    return %c0_i32, %arg0, %c0_i32_0 : i32, i32, i32
  }
  func.func @transform_1(%arg0: i32) -> (i32, i32) {
    %c0_i32 = arith.constant 0 : i32
    %c0_i32_0 = arith.constant 0 : i32
    return %arg0, %c0_i32 : i32, i32
  }
  func.func @transform_2(%arg0: i32) -> (i32, i32) {
    %c0_i32 = arith.constant 0 : i32
    %c0_i32_0 = arith.constant 0 : i32
    return %arg0, %c0_i32 : i32, i32
  }
  func.func @transform_3(%arg0: i32) -> (i32, i32) {
    %c0_i32 = arith.constant 0 : i32
    %c0_i32_0 = arith.constant 0 : i32
    %c0_i32_1 = arith.constant 0 : i32
    return %c0_i32, %c0_i32_0 : i32, i32
  }
  func.func @transform_4(%arg0: i32) -> (i32, i32) {
    %c0_i32 = arith.constant 0 : i32
    %c0_i32_0 = arith.constant 0 : i32
    return %arg0, %c0_i32 : i32, i32
  }
  func.func @transform_5(%arg0: i32) -> (i32, i32) {
    %c0_i32 = arith.constant 0 : i32
    %c0_i32_0 = arith.constant 0 : i32
    %c0_i32_1 = arith.constant 0 : i32
    return %c0_i32, %c0_i32_0 : i32, i32
  }
  func.func @transform_6(%arg0: i32) -> (i32, i32) {
    %c0_i32 = arith.constant 0 : i32
    %c0_i32_0 = arith.constant 0 : i32
    return %arg0, %c0_i32 : i32, i32
  }
  func.func @transform_7(%arg0: i32) -> (i32, i32) {
    %c0_i32 = arith.constant 0 : i32
    %c0_i32_0 = arith.constant 0 : i32
    return %arg0, %c0_i32 : i32, i32
  }
}

module attributes {stable_mosaic.version = 14 : i64} {
  func.func @body(%arg0: i32, %arg1: memref<2x2048x128xf32, #tpu.memory_space<vmem>>, %arg2: memref<2048x128xf32, #tpu.memory_space<vmem>>, %arg3: memref<2048x128xf32, #tpu.memory_space<vmem>>, %arg4: memref<1x128xf32, #tpu.memory_space<vmem>>, %arg5: memref<2048x128xf32, #tpu.memory_space<vmem>>) attributes {dimension_semantics = [#tpu.dimension_semantics<arbitrary>], iteration_bounds = array<i64: 5>, scalar_prefetch = 0 : i64, scratch_operands = 0 : i64, tpu.core_type = #tpu.core_type<tc>, window_params = [{transform_indices = @transform_0, window_bounds = array<i64: 2, 2048, 128>}, {transform_indices = @transform_1, window_bounds = array<i64: 2048, 128>}, {transform_indices = @transform_2, window_bounds = array<i64: 2048, 128>}, {pipeline_mode = #tpu.pipeline_mode<synchronous>, transform_indices = @transform_3, window_bounds = array<i64: 1, 128>}, {transform_indices = @transform_4, window_bounds = array<i64: 2048, 128>}]} {
    %get3A = arith.constant 0 : index
    %get3A_0 = arith.constant 0 : index
    %get3A_1 = vector.load %arg3[%get3A, %get3A_0] : memref<2048x128xf32, #tpu.memory_space<vmem>>, vector<2048x128xf32>
    %get3A_2 = arith.constant 0 : index
    %get3A_3 = arith.constant 0 : index
    %get3A_4 = arith.constant 0 : index
    %get3A_5 = vector.load %arg1[%get3A_2, %get3A_3, %get3A_4] : memref<2x2048x128xf32, #tpu.memory_space<vmem>>, vector<1x2048x128xf32>
    %get3A_6 = vector.shape_cast %get3A_5 : vector<1x2048x128xf32> to vector<2048x128xf32>
    %get3A_7 = arith.constant 1 : index
    %get3A_8 = arith.constant 0 : index
    %get3A_9 = arith.constant 0 : index
    %get3A_10 = vector.load %arg1[%get3A_7, %get3A_8, %get3A_9] : memref<2x2048x128xf32, #tpu.memory_space<vmem>>, vector<1x2048x128xf32>
    %get3A_11 = vector.shape_cast %get3A_10 : vector<1x2048x128xf32> to vector<2048x128xf32>
    %add3A = arith.addf %get3A_6, %get3A_11 : vector<2048x128xf32>
    %get3A_12 = arith.constant 0 : index
    %get3A_13 = arith.constant 0 : index
    %get3A_14 = vector.load %arg2[%get3A_12, %get3A_13] : memref<2048x128xf32, #tpu.memory_space<vmem>>, vector<2048x128xf32>
    %sub3A = arith.subf %add3A, %get3A_14 : vector<2048x128xf32>
    %mul3A = arith.mulf %sub3A, %get3A_1 : vector<2048x128xf32>
    %get3A_15 = arith.constant 0 : index
    %get3A_16 = arith.constant 0 : index
    %get3A_17 = vector.load %arg4[%get3A_15, %get3A_16] : memref<1x128xf32, #tpu.memory_space<vmem>>, vector<1x128xf32>
    %add3A_18 = vector.broadcast %get3A_17 : vector<1x128xf32> to vector<2048x128xf32>
    %add3A_19 = arith.addf %mul3A, %add3A_18 : vector<2048x128xf32>
    %swap3A = arith.constant 0 : index
    %swap3A_20 = arith.constant 0 : index
    %swap3A_21 = vector.load %arg5[%swap3A, %swap3A_20] : memref<2048x128xf32, #tpu.memory_space<vmem>>, vector<2048x128xf32>
    tpu.vector_store %arg5[%swap3A, %swap3A_20], %add3A_19 {strides = array<i32>} : memref<2048x128xf32, #tpu.memory_space<vmem>>, vector<2048x128xf32>,
    return
  }
  func.func @transform_0(%arg0: i32) -> (i32, i32, i32) {
    %c0_i32 = arith.constant 0 : i32
    %c0_i32_0 = arith.constant 0 : i32
    %c0_i32_1 = arith.constant 0 : i32
    return %c0_i32, %arg0, %c0_i32_0 : i32, i32, i32
  }
  func.func @transform_1(%arg0: i32) -> (i32, i32) {
    %c0_i32 = arith.constant 0 : i32
    %c0_i32_0 = arith.constant 0 : i32
    return %arg0, %c0_i32 : i32, i32
  }
  func.func @transform_2(%arg0: i32) -> (i32, i32) {
    %c0_i32 = arith.constant 0 : i32
    %c0_i32_0 = arith.constant 0 : i32
    return %arg0, %c0_i32 : i32, i32
  }
  func.func @transform_3(%arg0: i32) -> (i32, i32) {
    %c0_i32 = arith.constant 0 : i32
    %c0_i32_0 = arith.constant 0 : i32
    %c0_i32_1 = arith.constant 0 : i32
    return %c0_i32, %c0_i32_0 : i32, i32
  }
  func.func @transform_4(%arg0: i32) -> (i32, i32) {
    %c0_i32 = arith.constant 0 : i32
    %c0_i32_0 = arith.constant 0 : i32
    return %arg0, %c0_i32 : i32, i32
  }
}

</mosaic_0001>

<sc_bundles>
// kernel: kernel.16.cloned.1.call-start
scs
__scs_entry_jumppad:
0x0: {  	(pc) =	sbr.rel $0x88, $3  }
0x1: {  	(tag) =	ssettag $0x0;
	lr =	simm.s32 $0x1  }
0x2: {  	[smem:$0x3F99] =	sst lr;
	_ =	strace $0xD0000000  }
0x3: {  	_ = 	snop  }
0x4: {  	_ = 	snop  }
0x5: {  	_ = 	snop  }
0x6: {  	_ = 	snop  }
0x7: {  	_ = 	snop  }
__scs_overlays_trampoline_lowered:
0x8: {  	[smem:$0x3FA8] =	sst s0  }
0x9: {  	[smem:$0x3FA9] =	sst s1  }
0xa: {  	[smem:$0x3FAA] =	sst s2  }
0xb: {  	[smem:$0x3FAB] =	sst s3  }
0xc: {  	[smem:$0x3FAC] =	sst s4  }
0xd: {  	[smem:$0x3FAD] =	sst s5  }
0xe: {  	[smem:$0x3FAE] =	sst s6  }
0xf: {  	[smem:$0x3FAF] =	sst s7  }
0x10: {  	[smem:$0x3FB0] =	sst s8  }
0x11: {  	[smem:$0x3FB1] =	sst s9;
	s0 =	simm.s32 @!p0 $0x0  }
0x12: {  	s1 =	sld [smem:$0x3F97];
	s0 =	simm.s32 @p0 $0x1  }
0x13: {  	[smem:$0x3FB2] =	sst s0;
	s0 =	simm.s32 @!p1 $0x0  }
0x14: {  	s2 =	sld [smem:$0x3F96];
	s0 =	simm.s32 @p1 $0x1  }
0x15: {  	[smem:$0x3FB3] =	sst s0;
	s0 =	simm.s32 @!p2 $0x0  }
0x16: {  	s3 =	sld [smem:$0x3FDB];
	s0 =	simm.s32 @p2 $0x1  }
0x17: {  	s4 =	simm.s32 $0x1BF5;
	[smem:$0x3FB5] =	sst s0  }
0x18: {  	s0 =	sld [smem:$0x3F98];
	_ =	swait.ge [sflag:s4], $0x0  }
0x19: {  	s7 =	sld [smem:$0x3F99]  }
0x1a: {  	s8 =	sadd.s32 $0xFFFFE003, lr  }
0x1b: {  	s9 =	sadd.s32 $0xFFFFFEF7, lr;
	s5 =	simm.s32 $0xFFFFFFFF;
	p2 =	slt.u32 s8, $0xFFFFF086  }
0x1c: {  	p1 =	slt.u32 s9, $0xF7A;
	s5 =	simm.s32 @!p2 $0x0  }
0x1d: {  	s5 =	simm.s32 @p1 $0x1;
	p0 =	seq.s32 s7, s2  }
0x1e: {  	s7 =	smul.u32 @!p0 $0xF7A, s2;
	p2 =	seq.s32 @!p0 s5, $0x0  }
0x1f: {  	s9 =	smul.u32 $0xF7A, s1;
	s8 =	simm.s32 @!p0 $0x1BF5;
	p2 =	por !p2, p0  }
0x20: {  	[sflag:s8] =	ssyncset.s32 @!p0 $0xFFFFF086;
	s6 =	sadd.s32 @!p0 s3, s7;
	s7 =	simm.s32 @!p0 $0x108  }
0x21: {  	s3 =	sadd.s32 s3, s9;
	s6 =	sadd.s32 @!p0 $0x88, s6;
	s7 =	simm.s32 @p2 $0x1082  }
0x22: {  	[simem:s7], [sflag:s8] =	dma.local @!p0 [hbm:s6], $0xF7A  }
0x23: {  	s9 =	sor.u32 $0xD0000000, s2;
	s6 =	simm.s32 $0x108;
	_ =	swait.ge @!p0 [sflag:s8], $0x0  }
0x24: {  	s3 =	sadd.s32 $0x88, s3;
	s6 =	simm.s32 @!p1 $0x1082;
	[sflag:s4] =	ssyncset.s32 $0xFFFFF086  }
0x25: {  	[simem:s6], [sflag:s4] =	dma.local [hbm:s3], $0xF7A  }
0x26: {  	[smem:$0x3F99] =	sst s1;
	(tag) =	ssettag s2;
	_ =	strace s9  }
0x27: {  	s1 =	sld [smem:$0x3FA9]  }
0x28: {  	s2 =	sld [smem:$0x3FAA]  }
0x29: {  	s4 =	sld [smem:$0x3FAC]  }
0x2a: {  	p0 =	seq.s32 s5, $0x0;
	s5 =	sld [smem:$0x3FAD]  }
0x2b: {  	s6 =	sld [smem:$0x3FAE]  }
0x2c: {  	s7 =	sld [smem:$0x3FAF]  }
0x2d: {  	s3 =	simm.s32 $0x108;
	s8 =	sld [smem:$0x3FB0]  }
0x2e: {  	s3 =	simm.s32 @!p0 $0x1082;
	s9 =	sld [smem:$0x3FB1]  }
0x2f: {  	lr =	sadd.s32 s0, s3;
	s0 =	sld [smem:$0x3FA8]  }
0x30: {  	s3 =	sld [smem:$0x3FAB]  }
0x31: {  	[smem:$0x3FB4] =	sst s10  }
0x32: {  	s10 =	sld [smem:$0x3FB2];
	_ =	sdelay $0x3  }
0x33: {  	p0 =	seq.s32 s10, $0x1;
	s10 =	sld [smem:$0x3FB4];
	_ =	sdelay $0x3  }
0x34: {  	[smem:$0x3FB4] =	sst s10  }
0x35: {  	s10 =	sld [smem:$0x3FB3];
	_ =	sdelay $0x3  }
0x36: {  	p1 =	seq.s32 s10, $0x1;
	s10 =	sld [smem:$0x3FB4];
	_ =	sdelay $0x3  }
0x37: {  	[smem:$0x3FB4] =	sst s10  }
0x38: {  	s10 =	sld [smem:$0x3FB5]  }
0x39: {  	_ = 	snop;
	(pc) =	sbr.ind lr, $3  }
0x3a: {  	_ = 	snop  }
0x3b: {  	_ = 	snop  }
0x3c: {  	p2 =	seq.s32 s10, $0x1;
	s10 =	sld [smem:$0x3FB4]  }
0x3d: {  	_ =	shalt  }
0x3e: {  	_ =	shalt  }
0x3f: {  	_ =	shalt  }
0x40: {  	_ =	shalt  }
0x41: {  	_ =	shalt  }
0x42: {  	_ =	shalt  }
0x43: {  	_ =	shalt  }
0x44: {  	_ =	shalt  }
0x45: {  	_ =	shalt  }
0x46: {  	_ =	shalt  }
0x47: {  	_ =	shalt  }
0x48: {  	_ =	shalt  }
0x49: {  	_ =	shalt  }
0x4a: {  	_ =	shalt  }
0x4b: {  	_ =	shalt  }
0x4c: {  	_ =	shalt  }
0x4d: {  	_ =	shalt  }
0x4e: {  	_ =	shalt  }
0x4f: {  	_ =	shalt  }
0x50: {  	_ =	shalt  }
0x51: {  	_ =	shalt  }
0x52: {  	_ =	shalt  }
0x53: {  	_ =	shalt  }
0x54: {  	_ =	shalt  }
0x55: {  	_ =	shalt  }
0x56: {  	_ =	shalt  }
0x57: {  	_ =	shalt  }
0x58: {  	_ =	shalt  }
0x59: {  	_ =	shalt  }
0x5a: {  	_ =	shalt  }
0x5b: {  	_ =	shalt  }
0x5c: {  	_ =	shalt  }
0x5d: {  	_ =	shalt  }
0x5e: {  	_ =	shalt  }
0x5f: {  	_ =	shalt  }
0x60: {  	_ =	shalt  }
0x61: {  	_ =	shalt  }
0x62: {  	_ =	shalt  }
0x63: {  	_ =	shalt  }
0x64: {  	_ =	shalt  }
0x65: {  	_ =	shalt  }
0x66: {  	_ =	shalt  }
0x67: {  	_ =	shalt  }
0x68: {  	_ =	shalt  }
0x69: {  	_ =	shalt  }
0x6a: {  	_ =	shalt  }
0x6b: {  	_ =	shalt  }
0x6c: {  	_ =	shalt  }
0x6d: {  	_ =	shalt  }
0x6e: {  	_ =	shalt  }
0x6f: {  	_ =	shalt  }
0x70: {  	_ =	shalt  }
0x71: {  	_ =	shalt  }
0x72: {  	_ =	shalt  }
0x73: {  	_ =	shalt  }
0x74: {  	_ =	shalt  }
0x75: {  	_ =	shalt  }
0x76: {  	_ =	shalt  }
0x77: {  	_ =	shalt  }
0x78: {  	_ =	shalt  }
0x79: {  	_ =	shalt  }
0x7a: {  	_ =	shalt  }
0x7b: {  	_ =	shalt  }
0x7c: {  	_ =	shalt  }
0x7d: {  	_ =	shalt  }
0x7e: {  	_ =	shalt  }
0x7f: {  	_ =	shalt  }
0x80: {  	_ =	shalt  }
0x81: {  	_ =	shalt  }
0x82: {  	_ =	shalt  }
0x83: {  	_ =	shalt  }
0x84: {  	_ =	shalt  }
0x85: {  	_ =	shalt  }
0x86: {  	_ =	shalt  }
0x87: {  	_ =	shalt  }
.Lfunc_end0:
.L_simem_size_0:
called_computation_lowered:
.L_overlay_start_0:
0x88: {  	s2 =	sld [smem:$0x3FD9]  }
0x89: {  	s3 =	sld [smem:$0x3FFE];
	_ =	sdelay $0x1  }
0x8a: {  	s1 =	srdreg.scid  }
0x8b: {  	s0 =	sand.u32 $0x1, s1  }
0x8c: {  	s17 =	sshll.u32 s0, $0xA;
	s2 =	sadd.s32 s3, s2  }
0x8d: {  	s2 =	sadd.s32 s2, s17  }
0x8e: {  	[smem:$0x3FC0] =	sst s2  }
0x8f: {  	_ = 	snop  }
0x90: {  	s2 =	sld [smem:$0x3FD0];
	(tm) =	ssettm $0x1  }
0x91: {  	s18 =	sld [smem:$0x3FFB];
	_ =	sdelay $0x3  }
0x92: {  	_ =	strace s18  }
0x93: {  	s3 =	sld [smem:$0x3FFC];
	_ =	sdelay $0x3  }
0x94: {  	_ =	strace s3  }
0x95: {  	s3 =	sld [smem:$0x3FFD];
	_ =	sdelay $0x3  }
0x96: {  	_ =	strace s3  }
0x97: {  	_ =	strace $0x8FFFFFFF  }
0x98: {  	s19 =	sld [smem:$0x3FDB];
	_ =	sdelay $0x1  }
0x99: {  	s4 =	simm.s32 $_scs_section_size  }
0x9a: {  	s5 =	simm.s32 $_size__tile_overlayer_lowered;
	s6 =	simm.s32 $_tile_overlayer_lowered  }
0x9b: {  	s22 =	simm.s32 $0x1BFF;
	s21 =	sshll.u32 s6, $0x1;
	s3 =	sadd.s32 s4, s19  }
0x9c: {  	s7 =	simm.s32 $0x0;
	s20 =	sshll.u32 s5, $0x1;
	s5 =	sadd.s32 s21, s3  }
0x9d: {  	[timem:s7], [sflag:s22] =	dma.local [hbm:s5], s20  }
0x9e: {  	_ =	swait.ge [sflag:s22], s20  }
0x9f: {  	s4 =	ssub.s32 $0x0, s20;
	[sflag:s22] =	ssyncset.done $0x0  }
0xa0: {  	[sflag:s22] =	ssyncadd.s32 s4;
	_ =	sdelay $0x1  }
0xa1: {  	s23 =	simm.s32 $0x1B8B  }
0xa2: {  	_ =	swait.ge [sflag:s23], $0x1  }
0xa3: {  	[sflag:s23] =	ssyncset.done $0x0  }
0xa4: {  	s25 =	simm.s32 $0x1B8E;
	s24 =	sld [smem:$0x3FFE];
	[sflag:s23] =	ssyncadd.s32 $0xFFFFFFFF  }
0xa5: {  	s26 =	simm.s32 $execute0_lowered;
	[smem:$0x3FD2] =	sst s25  }
0xa6: {  	s5 =	sshll.u32 s26, $0x1;
	_ =	strace $0x80000046;
	[dreg:$0x1] =	wrdreg $0xFFFFFFFF  }
0xa7: {  	s28 =	simm.s32 $_size_execute0_lowered;
	s3 =	sadd.s32 s3, s5;
	[dreg:$0x0] =	wrdreg $0x0  }
0xa8: {  	s5 =	sshll.u32 s28, $0x1;
	[dreg:$0x2] =	wrdreg s3  }
0xa9: {  	[dreg:$0x3] =	wrdreg s5  }
0xaa: {  	[dreg:$0x4] =	wrdreg $0xC0  }
0xab: {  	_ =	task [dreg:s7], $0x5FFFF  }
0xac: {  	[dreg:$0x1] =	wrdreg $0xFFFFFFFF  }
0xad: {  	[dreg:$0x0] =	wrdreg $0x60  }
0xae: {  	[dreg:$0x2] =	wrdreg s2  }
0xaf: {  	[dreg:$0x3] =	wrdreg s24  }
0xb0: {  	[dreg:$0x4] =	wrdreg $0x94000  }
0xb1: {  	[dreg:$0x5] =	wrdreg $0x9  }
0xb2: {  	_ =	task.clear_ibuf [dreg:s7], $0x6FFFF;
	_ =	strace $0x90000046  }
0xb3: {  	s29 =	simm.s32 $0x9;
	_ =	strace $0x80000048  }
0xb4: {  	_ =	swait.ge [sflag:s29], $0x1  }
0xb5: {  	[sflag:s29] =	ssyncadd.s32 $0xFFFFFFFF  }
0xb6: {  	_ =	strace $0x90000048  }
0xb7: {  	_ =	sfence  }
0xb8: {  	s30 =	sld [smem:$0x0];
	_ =	sdelay $0x2  }
0xb9: {  	s31 =	sshll.u32 s1, $0xD;
	s1 =	sshrl.u32 s1, $0x2  }
0xba: {  	s3 =	sand.u32 $0x4000, s31;
	s1 =	sadd.s32 s1, s30  }
0xbb: {  	s0 =	sor.u32 s3, s0;
	s1 =	sshll.u32 s1, $0x11  }
0xbc: {  	s0 =	sor.u32 s1, s0  }
0xbd: {  	s0 =	sadd.s32 $0x8F2B, s0  }
0xbe: {  	[sflag:s0] =	ssyncadd.remote.s32 $0x1  }
0xbf: {  	_ =	sfence.sel $0xFFFF  }
0xc0: {  	[dreg:$0x0] =	wrdreg $0xFFFFFFFF;
	(pc) =	sbr.abs _section_cstart, $3  }
0xc1: {  	[dreg:$0x1] =	wrdreg $0xFFFFFFFF  }
0xc2: {  	_ =	task.clear_ibuf [dreg:s7], $0x2FFFF;
	_ =	strace $0x9FFFFFFF  }
0xc3: {  	(tm) =	ssettm $0x7FFFFFFF  }
tec
execute0_lowered:
.L_overlay_start_1:
0x0: {  	(tag) =	ssettag $0x1  }
0x1: {  	s5 =	rddreg [dreg:$0x0]  }
0x2: {  	s6 =	rddreg [dreg:$0x1]  }
0x3: {  	s2 =	rddreg [dreg:$0x2]  }
0x4: {  	s0 =	rddreg [dreg:$0x3]  }
0x5: {  	s4 =	srdreg.scid;
	s1 =	stileid.u32  }
0x6: {  	s3 =	simm.s32 $0x0;
	s15 =	simm.s32 $0x80;
	s16 =	simm.s32 $0x1  }
0x7: {  	s17 =	simm.s32 $0x2;
	s18 =	simm.s32 $0x0;
	s7 =	sand.u32 $0x1, s4  }
0x8: {  	s8 =	smul.u32 $0x14000, s1;
	[smem:$0x7FF] =	sst s3;
	s10 =	sshll.u32 s1, $0x1  }
0x9: {  	s4 =	sadd.s32 $0xF600, s6;
	s12 =	smul.u32 $0x50000, s1;
	s13 =	sshll.u32 s1, $0x6  }
0xa: {  	s9 =	smul.u32 $0x140000, s7;
	_ =	strace $0x80000047;
	s10 =	sor.u32 s7, s10  }
0xb: {  	s7 =	ssub.s32 $0x2, s7;
	s13 =	sor.u32 $0x1C03, s13;
	s10 =	smul.u32 $0x2800, s10  }
0xc: {  	s11 =	sshrl.u32 s7, $0x1;
	s31 =	sshrl.u32 s12, $0x2;
	s12 =	simm.s32 $0x5400  }
0xd: {  	s9 =	sadd.s32 s8, s9;
	s11 =	ssub.s32 s7, s11;
	s8 =	sshrl.u32 s8, $0x3  }
0xe: {  	s14 =	sadd.s32 s31, s2;
	s9 =	sshrl.u32 s9, $0x3;
	s30 =	sshrl.u32 s10, $0x3  }
0xf: {  	s10 =	simm.s32 $0x1400;
	s14 =	sshrl.u32 s14, $0x3;
	s5 =	sadd.s32 s5, s30  }
0x10: {  	s9 =	sadd.s32 s9, s6;
	s6 =	sadd.s32 s4, s8;
	s7 =	sadd.s32 $0x280, s5  }
0x11: {  	s8 =	sadd.s32 $0x37600, s9;
	s9 =	smax.u32 s11, $0x1;
	s11 =	simm.s32 $0x3  }
.LBB2_1:
0x12: {  	[tilespmem:s10], [sflag:$0x3] =	stream.linear.gather [hbm4b:s4+s3], $0x4000, $0x38;
	[tilespmem:$0x1D400] =	vst v63  }
0x13: {  	_ =	swait.ge [sflag:s11], $0x4000  }
0x14: {  	[sflag:s11] =	ssyncset.done $0x0  }
0x15: {  	[sflag:s11] =	ssyncadd.s32 $0xFFFFC000  }
0x16: {  	[tilespmem:s12], [sflag:$0x3] =	stream.linear.gather [hbm4b:s4+s3], $0x4000, $0x38;
	[tilespmem:$0x1D400] =	vst v63  }
0x17: {  	_ =	swait.ge [sflag:s11], $0x4000  }
0x18: {  	[sflag:s11] =	ssyncset.done $0x0  }
0x19: {  	[sflag:s11] =	ssyncadd.s32 $0xFFFFC000  }
0x1a: {  	[spmem:s14], [sflag:s13] =	dma.local [hbm:s6], $0x2800  }
0x1b: {  	_ =	swait.ge [sflag:s11], $0x2800  }
0x1c: {  	[sflag:s11] =	ssyncset.done $0x0  }
0x1d: {  	[sflag:s11] =	ssyncadd.s32 $0xFFFFD800  }
0x1e: {  	[bflag:$0x0] =	sbarrier.arrive $0xFFFF  }
0x1f: {  	[tilespmem:s3], [sflag:$0x3] =	stream.linear.gather [hbm4b:s5+s3], $0x1400, $0x38;
	[tilespmem:$0x1D400] =	vst v63  }
0x20: {  	_ =	swait.ge [sflag:s11], $0x1400  }
0x21: {  	[sflag:s11] =	ssyncset.done $0x0  }
0x22: {  	[sflag:s11] =	ssyncadd.s32 $0xFFFFEC00  }
0x23: {  	[spmem:s2] =	stream.indirect.scatter.add.f32 [tilespmem:s10], [sflag:$0x1], $0x80, s3, s15, $0xb8;
	[tilespmem:$0x1D400] =	vst v63  }
0x24: {  	_ = 	snop  }
0x25: {  	[spmem:s2] =	stream.indirect.scatter.add.f32 [tilespmem:s12], [sflag:$0x2], $0x80, s15, s15, $0xb8;
	[tilespmem:$0x1D400] =	vst v63  }
0x26: {  	_ =	swait.ge [sflag:s16], $0x4000  }
0x27: {  	[sflag:s16] =	ssyncset.done $0x0  }
0x28: {  	s19 =	simm.s32 $0x100;
	[sflag:s16] =	ssyncadd.s32 $0xFFFFC000  }
0x29: {  	[spmem:s2] =	stream.indirect.scatter.add.f32 [tilespmem:s10], [sflag:$0x1], $0x80, s19, s15, $0xb8;
	[tilespmem:$0x1D400] =	vst v63  }
0x2a: {  	_ =	swait.ge [sflag:s17], $0x4000  }
0x2b: {  	[sflag:s17] =	ssyncset.done $0x0  }
0x2c: {  	s31 =	simm.s32 $0x180;
	[sflag:s17] =	ssyncadd.s32 $0xFFFFC000  }
0x2d: {  	[spmem:s2] =	stream.indirect.scatter.add.f32 [tilespmem:s12], [sflag:$0x2], $0x80, s31, s15, $0xb8;
	[tilespmem:$0x1D400] =	vst v63  }
0x2e: {  	_ =	swait.ge [sflag:s16], $0x4000  }
0x2f: {  	s20 =	simm.s32 $0xFFFFBC00;
	s19 =	simm.s32 $0xFFFFEE00;
	[sflag:s16] =	ssyncset.done $0x0  }
.LBB2_2:
0x30: {  	s21 =	sadd.s32 $0x1400, s19  }
0x31: {  	[sflag:s16] =	ssyncadd.s32 $0xFFFFC000;
	s22 =	smov.u32 s20;
	s23 =	sadd.s32 $0x400, s20  }
0x32: {  	[spmem:s2] =	stream.indirect.scatter.add.f32 [tilespmem:s10], [sflag:$0x1], $0x80, s21, s15, $0xb8;
	[tilespmem:$0x1D400] =	vst v63  }
0x33: {  	p0 =	sne.s32 s20, $0xFFFFFC00;
	_ =	swait.ge [sflag:s17], $0x4000  }
.Ltmp0:
0x34: {  	[sflag:s17] =	ssyncset.done $0x0;
	(pc) =	sbr.rel @p0 .LBB2_2-.Ltmp0, $4  }
0x35: {  	s19 =	sadd.s32 $0x1480, s19;
	[sflag:s17] =	ssyncadd.s32 $0xFFFFC000  }
0x36: {  	[spmem:s2] =	stream.indirect.scatter.add.f32 [tilespmem:s12], [sflag:$0x2], $0x80, s19, s15, $0xb8;
	[tilespmem:$0x1D400] =	vst v63  }
0x37: {  	_ =	swait.ge [sflag:s16], $0x4000  }
0x38: {  	s20 =	smov.u32 s23;
	s19 =	sshra.s32 s22, $0x2;
	[sflag:s16] =	ssyncset.done $0x0  }
0x39: {  	s20 =	sadd.s32 $0x1400, s19;
	[sflag:s16] =	ssyncadd.s32 $0xFFFFC000  }
0x3a: {  	[spmem:s2] =	stream.indirect.scatter.add.f32 [tilespmem:s10], [sflag:$0x1], $0x80, s20, s15, $0xb8;
	[tilespmem:$0x1D400] =	vst v63  }
0x3b: {  	_ =	swait.ge [sflag:s17], $0x4000  }
0x3c: {  	[sflag:s17] =	ssyncset.done $0x0  }
0x3d: {  	s29 =	sadd.s32 $0x1480, s19;
	[sflag:s17] =	ssyncadd.s32 $0xFFFFC000  }
0x3e: {  	[spmem:s2] =	stream.indirect.scatter.add.f32 [tilespmem:s12], [sflag:$0x2], $0x80, s29, s15, $0xb8;
	[tilespmem:$0x1D400] =	vst v63  }
0x3f: {  	_ =	swait.ge [sflag:s16], $0x4000  }
0x40: {  	[sflag:s16] =	ssyncset.done $0x0  }
0x41: {  	[sflag:s16] =	ssyncadd.s32 $0xFFFFC000  }
0x42: {  	_ =	swait.ge [sflag:s17], $0x4000  }
0x43: {  	[sflag:s17] =	ssyncset.done $0x0  }
0x44: {  	[sflag:s17] =	ssyncadd.s32 $0xFFFFC000  }
0x45: {  	[tilespmem:s3], [sflag:$0x3] =	stream.linear.gather [hbm4b:s7+s3], $0x1400, $0x38;
	[tilespmem:$0x1D400] =	vst v63  }
0x46: {  	_ =	swait.ge [sflag:s11], $0x1400  }
0x47: {  	[sflag:s11] =	ssyncset.done $0x0  }
0x48: {  	[sflag:s11] =	ssyncadd.s32 $0xFFFFEC00  }
0x49: {  	[spmem:s2] =	stream.indirect.scatter.add.f32 [tilespmem:s10], [sflag:$0x1], $0x80, s3, s15, $0xb8;
	[tilespmem:$0x1D400] =	vst v63  }
0x4a: {  	_ = 	snop  }
0x4b: {  	[spmem:s2] =	stream.indirect.scatter.add.f32 [tilespmem:s12], [sflag:$0x2], $0x80, s15, s15, $0xb8;
	[tilespmem:$0x1D400] =	vst v63  }
0x4c: {  	_ =	swait.ge [sflag:s16], $0x4000  }
0x4d: {  	[sflag:s16] =	ssyncset.done $0x0  }
0x4e: {  	s30 =	simm.s32 $0x100;
	[sflag:s16] =	ssyncadd.s32 $0xFFFFC000  }
0x4f: {  	[spmem:s2] =	stream.indirect.scatter.add.f32 [tilespmem:s10], [sflag:$0x1], $0x80, s30, s15, $0xb8;
	[tilespmem:$0x1D400] =	vst v63  }
0x50: {  	_ =	swait.ge [sflag:s17], $0x4000  }
0x51: {  	[sflag:s17] =	ssyncset.done $0x0  }
0x52: {  	s31 =	simm.s32 $0x180;
	[sflag:s17] =	ssyncadd.s32 $0xFFFFC000  }
0x53: {  	[spmem:s2] =	stream.indirect.scatter.add.f32 [tilespmem:s12], [sflag:$0x2], $0x80, s31, s15, $0xb8;
	[tilespmem:$0x1D400] =	vst v63  }
0x54: {  	_ =	swait.ge [sflag:s16], $0x4000  }
0x55: {  	s19 =	simm.s32 $0xFFFFEE00;
	s20 =	simm.s32 $0xFFFFBC00;
	[sflag:s16] =	ssyncset.done $0x0  }
.LBB2_4:
0x56: {  	s21 =	sadd.s32 $0x1400, s19  }
0x57: {  	[sflag:s16] =	ssyncadd.s32 $0xFFFFC000;
	s22 =	smov.u32 s20;
	s23 =	sadd.s32 $0x400, s20  }
0x58: {  	[spmem:s2] =	stream.indirect.scatter.add.f32 [tilespmem:s10], [sflag:$0x1], $0x80, s21, s15, $0xb8;
	[tilespmem:$0x1D400] =	vst v63  }
0x59: {  	p0 =	sne.s32 s20, $0xFFFFFC00;
	_ =	swait.ge [sflag:s17], $0x4000  }
.Ltmp1:
0x5a: {  	[sflag:s17] =	ssyncset.done $0x0;
	(pc) =	sbr.rel @p0 .LBB2_4-.Ltmp1, $4  }
0x5b: {  	s19 =	sadd.s32 $0x1480, s19;
	[sflag:s17] =	ssyncadd.s32 $0xFFFFC000  }
0x5c: {  	[spmem:s2] =	stream.indirect.scatter.add.f32 [tilespmem:s12], [sflag:$0x2], $0x80, s19, s15, $0xb8;
	[tilespmem:$0x1D400] =	vst v63  }
0x5d: {  	_ =	swait.ge [sflag:s16], $0x4000  }
0x5e: {  	s20 =	smov.u32 s23;
	s19 =	sshra.s32 s22, $0x2;
	[sflag:s16] =	ssyncset.done $0x0  }
0x5f: {  	s20 =	sadd.s32 $0x1400, s19;
	[sflag:s16] =	ssyncadd.s32 $0xFFFFC000  }
0x60: {  	[spmem:s2] =	stream.indirect.scatter.add.f32 [tilespmem:s10], [sflag:$0x1], $0x80, s20, s15, $0xb8;
	[tilespmem:$0x1D400] =	vst v63  }
0x61: {  	_ =	swait.ge [sflag:s17], $0x4000  }
0x62: {  	[sflag:s17] =	ssyncset.done $0x0  }
0x63: {  	s31 =	sadd.s32 $0x1480, s19;
	[sflag:s17] =	ssyncadd.s32 $0xFFFFC000  }
0x64: {  	[spmem:s2] =	stream.indirect.scatter.add.f32 [tilespmem:s12], [sflag:$0x2], $0x80, s31, s15, $0xb8;
	[tilespmem:$0x1D400] =	vst v63  }
0x65: {  	_ =	swait.ge [sflag:s16], $0x4000  }
0x66: {  	[sflag:s16] =	ssyncset.done $0x0  }
0x67: {  	[sflag:s16] =	ssyncadd.s32 $0xFFFFC000  }
0x68: {  	_ =	swait.ge [sflag:s17], $0x4000  }
0x69: {  	s18 =	sadd.s32 $0x1, s18;
	[sflag:s17] =	ssyncset.done $0x0  }
0x6a: {  	p0 =	sne.s32 s18, s9;
	[sflag:s17] =	ssyncadd.s32 $0xFFFFC000  }
.Ltmp2:
0x6b: {  	[bflag:$0x0] =	sbarrier.arrive $0xFFFF;
	(pc) =	sbr.rel @p0 .LBB2_1-.Ltmp2, $4  }
0x6c: {  	[hbm:s8], [sflag:s13] =	dma.local [spmem:s14], $0x2800  }
0x6d: {  	_ =	swait.ge [sflag:s11], $0x2800  }
0x6e: {  	[sflag:s11] =	ssyncset.done $0x0  }
0x6f: {  	[sflag:s11] =	ssyncadd.s32 $0xFFFFD800  }
0x70: {  	_ =	sfence.sel $0x180000  }
0x71: {  	[bflag:$0x0] =	sbarrier.arrive $0xFFFF  }
0x72: {  	p0 =	sne.s32 s1, $0x0;
	_ =	strace $0x90000047  }
0x73: {  	s0 =	sadd.s32 @!p0 $0x100000, s0;
	[bflag:$0x2] =	sbarrier.arrive $0xFFFF  }
0x74: {  	[sflag:s0] =	ssyncadd.tile.s32 @!p0 $0x1;
	_ =	shalt  }
.Lfunc_end2:
_tile_overlayer_lowered:
.L_overlay_start_2:
0x75: {  	(tag) =	ssettag $0x2  }
0x76: {  	s0 =	rddreg [dreg:$0x0];
	s2 =	stileid.u32  }
0x77: {  	s1 =	rddreg [dreg:$0x1];
	p0 =	sne.s32 s2, $0x0  }
0x78: {  	s3 =	rddreg [dreg:$0x2];
	[bflag:$0x3] =	sbarrier.arrive $0xFFFF;
	s2 =	simm.s32 @!p0 $0x1C03  }
0x79: {  	[timem:s3], [sflag:s2] =	dma.local @!p0 [hbm:s0], s1  }
0x7a: {  	s0 =	simm.s32 @!p0 $0x3  }
0x7b: {  	_ =	swait.ge @!p0 [sflag:s0], s1  }
0x7c: {  	s1 =	ssub.s32 @!p0 $0x0, s1;
	[sflag:s0] =	ssyncset.done @!p0 $0x0  }
0x7d: {  	[sflag:s0] =	ssyncadd.s32 @!p0 s1  }
0x7e: {  	[bflag:$0x3] =	sbarrier.arrive $0xFFFF  }
0x7f: {  	_ =	shalt  }

// kernel: kernel.19.cloned.1.call-start
scs
__scs_entry_jumppad:
0x0: {  	(pc) =	sbr.rel $0x88, $3  }
0x1: {  	(tag) =	ssettag $0x0;
	lr =	simm.s32 $0x1  }
0x2: {  	[smem:$0x3F99] =	sst lr;
	_ =	strace $0xD0000000  }
0x3: {  	_ = 	snop  }
0x4: {  	_ = 	snop  }
0x5: {  	_ = 	snop  }
0x6: {  	_ = 	snop  }
0x7: {  	_ = 	snop  }
__scs_overlays_trampoline_lowered:
0x8: {  	[smem:$0x3FA8] =	sst s0  }
0x9: {  	[smem:$0x3FA9] =	sst s1  }
0xa: {  	[smem:$0x3FAA] =	sst s2  }
0xb: {  	[smem:$0x3FAB] =	sst s3  }
0xc: {  	[smem:$0x3FAC] =	sst s4  }
0xd: {  	[smem:$0x3FAD] =	sst s5  }
0xe: {  	[smem:$0x3FAE] =	sst s6  }
0xf: {  	[smem:$0x3FAF] =	sst s7  }
0x10: {  	[smem:$0x3FB0] =	sst s8  }
0x11: {  	[smem:$0x3FB1] =	sst s9;
	s0 =	simm.s32 @!p0 $0x0  }
0x12: {  	s1 =	sld [smem:$0x3F97];
	s0 =	simm.s32 @p0 $0x1  }
0x13: {  	[smem:$0x3FB2] =	sst s0;
	s0 =	simm.s32 @!p1 $0x0  }
0x14: {  	s2 =	sld [smem:$0x3F96];
	s0 =	simm.s32 @p1 $0x1  }
0x15: {  	[smem:$0x3FB3] =	sst s0;
	s0 =	simm.s32 @!p2 $0x0  }
0x16: {  	s3 =	sld [smem:$0x3FDB];
	s0 =	simm.s32 @p2 $0x1  }
0x17: {  	s4 =	simm.s32 $0x1BF5;
	[smem:$0x3FB5] =	sst s0  }
0x18: {  	s0 =	sld [smem:$0x3F98];
	_ =	swait.ge [sflag:s4], $0x0  }
0x19: {  	s7 =	sld [smem:$0x3F99]  }
0x1a: {  	s8 =	sadd.s32 $0xFFFFE003, lr  }
0x1b: {  	s9 =	sadd.s32 $0xFFFFFEF7, lr;
	s5 =	simm.s32 $0xFFFFFFFF;
	p2 =	slt.u32 s8, $0xFFFFF086  }
0x1c: {  	p1 =	slt.u32 s9, $0xF7A;
	s5 =	simm.s32 @!p2 $0x0  }
0x1d: {  	s5 =	simm.s32 @p1 $0x1;
	p0 =	seq.s32 s7, s2  }
0x1e: {  	s7 =	smul.u32 @!p0 $0xF7A, s2;
	p2 =	seq.s32 @!p0 s5, $0x0  }
0x1f: {  	s9 =	smul.u32 $0xF7A, s1;
	s8 =	simm.s32 @!p0 $0x1BF5;
	p2 =	por !p2, p0  }
0x20: {  	[sflag:s8] =	ssyncset.s32 @!p0 $0xFFFFF086;
	s6 =	sadd.s32 @!p0 s3, s7;
	s7 =	simm.s32 @!p0 $0x108  }
0x21: {  	s3 =	sadd.s32 s3, s9;
	s6 =	sadd.s32 @!p0 $0x88, s6;
	s7 =	simm.s32 @p2 $0x1082  }
0x22: {  	[simem:s7], [sflag:s8] =	dma.local @!p0 [hbm:s6], $0xF7A  }
0x23: {  	s9 =	sor.u32 $0xD0000000, s2;
	s6 =	simm.s32 $0x108;
	_ =	swait.ge @!p0 [sflag:s8], $0x0  }
0x24: {  	s3 =	sadd.s32 $0x88, s3;
	s6 =	simm.s32 @!p1 $0x1082;
	[sflag:s4] =	ssyncset.s32 $0xFFFFF086  }
0x25: {  	[simem:s6], [sflag:s4] =	dma.local [hbm:s3], $0xF7A  }
0x26: {  	[smem:$0x3F99] =	sst s1;
	(tag) =	ssettag s2;
	_ =	strace s9  }
0x27: {  	s1 =	sld [smem:$0x3FA9]  }
0x28: {  	s2 =	sld [smem:$0x3FAA]  }
0x29: {  	s4 =	sld [smem:$0x3FAC]  }
0x2a: {  	p0 =	seq.s32 s5, $0x0;
	s5 =	sld [smem:$0x3FAD]  }
0x2b: {  	s6 =	sld [smem:$0x3FAE]  }
0x2c: {  	s7 =	sld [smem:$0x3FAF]  }
0x2d: {  	s3 =	simm.s32 $0x108;
	s8 =	sld [smem:$0x3FB0]  }
0x2e: {  	s3 =	simm.s32 @!p0 $0x1082;
	s9 =	sld [smem:$0x3FB1]  }
0x2f: {  	lr =	sadd.s32 s0, s3;
	s0 =	sld [smem:$0x3FA8]  }
0x30: {  	s3 =	sld [smem:$0x3FAB]  }
0x31: {  	[smem:$0x3FB4] =	sst s10  }
0x32: {  	s10 =	sld [smem:$0x3FB2];
	_ =	sdelay $0x3  }
0x33: {  	p0 =	seq.s32 s10, $0x1;
	s10 =	sld [smem:$0x3FB4];
	_ =	sdelay $0x3  }
0x34: {  	[smem:$0x3FB4] =	sst s10  }
0x35: {  	s10 =	sld [smem:$0x3FB3];
	_ =	sdelay $0x3  }
0x36: {  	p1 =	seq.s32 s10, $0x1;
	s10 =	sld [smem:$0x3FB4];
	_ =	sdelay $0x3  }
0x37: {  	[smem:$0x3FB4] =	sst s10  }
0x38: {  	s10 =	sld [smem:$0x3FB5]  }
0x39: {  	_ = 	snop;
	(pc) =	sbr.ind lr, $3  }
0x3a: {  	_ = 	snop  }
0x3b: {  	_ = 	snop  }
0x3c: {  	p2 =	seq.s32 s10, $0x1;
	s10 =	sld [smem:$0x3FB4]  }
0x3d: {  	_ =	shalt  }
0x3e: {  	_ =	shalt  }
0x3f: {  	_ =	shalt  }
0x40: {  	_ =	shalt  }
0x41: {  	_ =	shalt  }
0x42: {  	_ =	shalt  }
0x43: {  	_ =	shalt  }
0x44: {  	_ =	shalt  }
0x45: {  	_ =	shalt  }
0x46: {  	_ =	shalt  }
0x47: {  	_ =	shalt  }
0x48: {  	_ =	shalt  }
0x49: {  	_ =	shalt  }
0x4a: {  	_ =	shalt  }
0x4b: {  	_ =	shalt  }
0x4c: {  	_ =	shalt  }
0x4d: {  	_ =	shalt  }
0x4e: {  	_ =	shalt  }
0x4f: {  	_ =	shalt  }
0x50: {  	_ =	shalt  }
0x51: {  	_ =	shalt  }
0x52: {  	_ =	shalt  }
0x53: {  	_ =	shalt  }
0x54: {  	_ =	shalt  }
0x55: {  	_ =	shalt  }
0x56: {  	_ =	shalt  }
0x57: {  	_ =	shalt  }
0x58: {  	_ =	shalt  }
0x59: {  	_ =	shalt  }
0x5a: {  	_ =	shalt  }
0x5b: {  	_ =	shalt  }
0x5c: {  	_ =	shalt  }
0x5d: {  	_ =	shalt  }
0x5e: {  	_ =	shalt  }
0x5f: {  	_ =	shalt  }
0x60: {  	_ =	shalt  }
0x61: {  	_ =	shalt  }
0x62: {  	_ =	shalt  }
0x63: {  	_ =	shalt  }
0x64: {  	_ =	shalt  }
0x65: {  	_ =	shalt  }
0x66: {  	_ =	shalt  }
0x67: {  	_ =	shalt  }
0x68: {  	_ =	shalt  }
0x69: {  	_ =	shalt  }
0x6a: {  	_ =	shalt  }
0x6b: {  	_ =	shalt  }
0x6c: {  	_ =	shalt  }
0x6d: {  	_ =	shalt  }
0x6e: {  	_ =	shalt  }
0x6f: {  	_ =	shalt  }
0x70: {  	_ =	shalt  }
0x71: {  	_ =	shalt  }
0x72: {  	_ =	shalt  }
0x73: {  	_ =	shalt  }
0x74: {  	_ =	shalt  }
0x75: {  	_ =	shalt  }
0x76: {  	_ =	shalt  }
0x77: {  	_ =	shalt  }
0x78: {  	_ =	shalt  }
0x79: {  	_ =	shalt  }
0x7a: {  	_ =	shalt  }
0x7b: {  	_ =	shalt  }
0x7c: {  	_ =	shalt  }
0x7d: {  	_ =	shalt  }
0x7e: {  	_ =	shalt  }
0x7f: {  	_ =	shalt  }
0x80: {  	_ =	shalt  }
0x81: {  	_ =	shalt  }
0x82: {  	_ =	shalt  }
0x83: {  	_ =	shalt  }
0x84: {  	_ =	shalt  }
0x85: {  	_ =	shalt  }
0x86: {  	_ =	shalt  }
0x87: {  	_ =	shalt  }
.Lfunc_end0:
.L_simem_size_0:
called_computation.1_lowered:
.L_overlay_start_0:
0x88: {  	s2 =	sld [smem:$0x3FD9]  }
0x89: {  	s3 =	sld [smem:$0x3FFE];
	_ =	sdelay $0x1  }
0x8a: {  	s1 =	srdreg.scid  }
0x8b: {  	s0 =	sand.u32 $0x1, s1  }
0x8c: {  	s17 =	sshll.u32 s0, $0xA;
	s2 =	sadd.s32 s3, s2  }
0x8d: {  	s2 =	sadd.s32 s2, s17  }
0x8e: {  	[smem:$0x3FC0] =	sst s2  }
0x8f: {  	_ = 	snop  }
0x90: {  	s2 =	sld [smem:$0x3FD0];
	(tm) =	ssettm $0x1  }
0x91: {  	s18 =	sld [smem:$0x3FFB];
	_ =	sdelay $0x3  }
0x92: {  	_ =	strace s18  }
0x93: {  	s3 =	sld [smem:$0x3FFC];
	_ =	sdelay $0x3  }
0x94: {  	_ =	strace s3  }
0x95: {  	s3 =	sld [smem:$0x3FFD];
	_ =	sdelay $0x3  }
0x96: {  	_ =	strace s3  }
0x97: {  	_ =	strace $0x8FFFFFFF  }
0x98: {  	s19 =	sld [smem:$0x3FDB];
	_ =	sdelay $0x1  }
0x99: {  	s4 =	simm.s32 $_scs_section_size  }
0x9a: {  	s5 =	simm.s32 $_size__tile_overlayer_lowered;
	s6 =	simm.s32 $_tile_overlayer_lowered  }
0x9b: {  	s22 =	simm.s32 $0x1BFF;
	s21 =	sshll.u32 s6, $0x1;
	s3 =	sadd.s32 s4, s19  }
0x9c: {  	s7 =	simm.s32 $0x0;
	s20 =	sshll.u32 s5, $0x1;
	s5 =	sadd.s32 s21, s3  }
0x9d: {  	[timem:s7], [sflag:s22] =	dma.local [hbm:s5], s20  }
0x9e: {  	_ =	swait.ge [sflag:s22], s20  }
0x9f: {  	s4 =	ssub.s32 $0x0, s20;
	[sflag:s22] =	ssyncset.done $0x0  }
0xa0: {  	[sflag:s22] =	ssyncadd.s32 s4;
	_ =	sdelay $0x1  }
0xa1: {  	s23 =	simm.s32 $0x1B8B  }
0xa2: {  	_ =	swait.ge [sflag:s23], $0x1  }
0xa3: {  	[sflag:s23] =	ssyncset.done $0x0  }
0xa4: {  	s25 =	simm.s32 $0x1B8E;
	s24 =	sld [smem:$0x3FFE];
	[sflag:s23] =	ssyncadd.s32 $0xFFFFFFFF  }
0xa5: {  	s26 =	simm.s32 $execute0_lowered;
	[smem:$0x3FD2] =	sst s25  }
0xa6: {  	s5 =	sshll.u32 s26, $0x1;
	_ =	strace $0x80000049;
	[dreg:$0x1] =	wrdreg $0xFFFFFFFF  }
0xa7: {  	s28 =	simm.s32 $_size_execute0_lowered;
	s3 =	sadd.s32 s3, s5;
	[dreg:$0x0] =	wrdreg $0x0  }
0xa8: {  	s5 =	sshll.u32 s28, $0x1;
	[dreg:$0x2] =	wrdreg s3  }
0xa9: {  	[dreg:$0x3] =	wrdreg s5  }
0xaa: {  	[dreg:$0x4] =	wrdreg $0xC0  }
0xab: {  	_ =	task [dreg:s7], $0x5FFFF  }
0xac: {  	[dreg:$0x1] =	wrdreg $0xFFFFFFFF  }
0xad: {  	[dreg:$0x0] =	wrdreg $0x60  }
0xae: {  	[dreg:$0x2] =	wrdreg s24  }
0xaf: {  	[dreg:$0x3] =	wrdreg s2  }
0xb0: {  	[dreg:$0x4] =	wrdreg $0xA8000  }
0xb1: {  	[dreg:$0x5] =	wrdreg $0x9  }
0xb2: {  	_ =	task.clear_ibuf [dreg:s7], $0x6FFFF;
	_ =	strace $0x90000049  }
0xb3: {  	s29 =	simm.s32 $0x9;
	_ =	strace $0x8000004B  }
0xb4: {  	_ =	swait.ge [sflag:s29], $0x1  }
0xb5: {  	[sflag:s29] =	ssyncadd.s32 $0xFFFFFFFF  }
0xb6: {  	_ =	strace $0x9000004B  }
0xb7: {  	_ =	sfence  }
0xb8: {  	s30 =	sld [smem:$0x0];
	_ =	sdelay $0x2  }
0xb9: {  	s31 =	sshll.u32 s1, $0xD;
	s1 =	sshrl.u32 s1, $0x2  }
0xba: {  	s3 =	sand.u32 $0x4000, s31;
	s1 =	sadd.s32 s1, s30  }
0xbb: {  	s0 =	sor.u32 s3, s0;
	s1 =	sshll.u32 s1, $0x11  }
0xbc: {  	s0 =	sor.u32 s1, s0  }
0xbd: {  	s0 =	sadd.s32 $0x8F2B, s0  }
0xbe: {  	[sflag:s0] =	ssyncadd.remote.s32 $0x1  }
0xbf: {  	_ =	sfence.sel $0xFFFF  }
0xc0: {  	[dreg:$0x0] =	wrdreg $0xFFFFFFFF;
	(pc) =	sbr.abs _section_cstart, $3  }
0xc1: {  	[dreg:$0x1] =	wrdreg $0xFFFFFFFF  }
0xc2: {  	_ =	task.clear_ibuf [dreg:s7], $0x2FFFF;
	_ =	strace $0x9FFFFFFF  }
0xc3: {  	(tm) =	ssettm $0x7FFFFFFF  }
tec
execute0_lowered:
.L_overlay_start_1:
0x0: {  	(tag) =	ssettag $0x1  }
0x1: {  	s5 =	rddreg [dreg:$0x0]  }
0x2: {  	s10 =	rddreg [dreg:$0x1]  }
0x3: {  	s2 =	rddreg [dreg:$0x2]  }
0x4: {  	s0 =	rddreg [dreg:$0x3];
	s4 =	srdreg.scid  }
0x5: {  	s1 =	stileid.u32;
	s3 =	simm.s32 $0x0;
	s15 =	simm.s32 $0x1400  }
0x6: {  	s16 =	simm.s32 $0x80;
	s17 =	simm.s32 $0x2800;
	s18 =	simm.s32 $0x6800  }
0x7: {  	s19 =	simm.s32 $0x1;
	s20 =	simm.s32 $0x3;
	s21 =	simm.s32 $0x2  }
0x8: {  	s22 =	simm.s32 $0x4;
	s23 =	simm.s32 $0x2780;
	s24 =	simm.s32 $0x0  }
0x9: {  	s6 =	sand.u32 $0x1, s4;
	s7 =	smul.u32 $0x14000, s1;
	[smem:$0x7FF] =	sst s3  }
0xa: {  	s9 =	sadd.s32 $0x5600, s5;
	s4 =	sadd.s32 $0xF600, s5;
	s11 =	smul.u32 $0x50000, s1  }
0xb: {  	s12 =	sshll.u32 s1, $0x1;
	s29 =	sshll.u32 s1, $0x6;
	s8 =	smul.u32 $0x140000, s6  }
0xc: {  	_ =	strace $0x8000004A;
	s13 =	ssub.s32 $0x2, s6;
	s6 =	sor.u32 s6, s12  }
0xd: {  	s25 =	sshrl.u32 s13, $0x1;
	s11 =	sshrl.u32 s11, $0x2;
	s6 =	smul.u32 $0x2800, s6  }
0xe: {  	s28 =	sshrl.u32 s7, $0x3;
	s8 =	sadd.s32 s7, s8;
	s12 =	ssub.s32 s13, s25  }
0xf: {  	s26 =	sadd.s32 s11, s2;
	s8 =	sshrl.u32 s8, $0x3;
	s30 =	sshrl.u32 s6, $0x3  }
0x10: {  	s6 =	sor.u32 $0x1C05, s29;
	s12 =	smax.u32 s12, $0x1;
	s13 =	sshrl.u32 s26, $0x3  }
0x11: {  	s14 =	sadd.s32 s8, s5;
	s5 =	sadd.s32 s4, s28;
	s31 =	sadd.s32 $0x280, s30  }
0x12: {  	s7 =	sadd.s32 s9, s30;
	s8 =	sadd.s32 s10, s30;
	s9 =	sadd.s32 s9, s31  }
0x13: {  	s10 =	sadd.s32 s10, s31;
	s11 =	sadd.s32 $0x37600, s14;
	s14 =	simm.s32 $0x5  }
.LBB2_1:
0x14: {  	[spmem:s13], [sflag:s6] =	dma.local [hbm:s5], $0x2800  }
0x15: {  	_ =	swait.ge [sflag:s14], $0x2800  }
0x16: {  	[sflag:s14] =	ssyncset.done $0x0  }
0x17: {  	[sflag:s14] =	ssyncadd.s32 $0xFFFFD800  }
0x18: {  	[bflag:$0x0] =	sbarrier.arrive $0xFFFF  }
0x19: {  	[tilespmem:s3], [sflag:$0x5] =	stream.linear.gather [hbm4b:s7+s3], $0x1400, $0x38;
	[tilespmem:$0x1E800] =	vst v63  }
0x1a: {  	_ =	swait.ge [sflag:s14], $0x1400  }
0x1b: {  	[sflag:s14] =	ssyncset.done $0x0  }
0x1c: {  	[sflag:s14] =	ssyncadd.s32 $0xFFFFEC00  }
0x1d: {  	[tilespmem:s15], [sflag:$0x5] =	stream.linear.gather [hbm4b:s8+s3], $0x1400, $0x38;
	[tilespmem:$0x1E800] =	vst v63  }
0x1e: {  	_ =	swait.ge [sflag:s14], $0x1400  }
0x1f: {  	[sflag:s14] =	ssyncset.done $0x0  }
0x20: {  	[sflag:s14] =	ssyncadd.s32 $0xFFFFEC00  }
0x21: {  	[tilespmem:s17], [sflag:$0x1] =	stream.indirect.gather [hbm4b:s4+s16], $0x80, s3, s16, $0xb8;
	[tilespmem:$0x1E800] =	vst v63  }
0x22: {  	_ = 	snop  }
0x23: {  	[tilespmem:s18], [sflag:$0x2] =	stream.indirect.gather [hbm4b:s4+s16], $0x80, s16, s16, $0xb8;
	[tilespmem:$0x1E800] =	vst v63  }
0x24: {  	_ =	swait.ge [sflag:s19], $0x4000  }
0x25: {  	[sflag:s19] =	ssyncset.done $0x0  }
0x26: {  	[sflag:s19] =	ssyncadd.s32 $0xFFFFC000  }
0x27: {  	[spmem:s2] =	stream.indirect.scatter.add.f32 [tilespmem:s17], [sflag:$0x3], $0x80, s15, s16, $0xb8;
	[tilespmem:$0x1E800] =	vst v63  }
0x28: {  	_ =	swait.ge [sflag:s20], $0x4000  }
0x29: {  	[sflag:s20] =	ssyncset.done $0x0  }
0x2a: {  	s25 =	simm.s32 $0x100;
	[sflag:s20] =	ssyncadd.s32 $0xFFFFC000  }
0x2b: {  	[tilespmem:s17], [sflag:$0x1] =	stream.indirect.gather [hbm4b:s4+s16], $0x80, s25, s16, $0xb8;
	[tilespmem:$0x1E800] =	vst v63  }
0x2c: {  	_ =	swait.ge [sflag:s21], $0x4000  }
0x2d: {  	[sflag:s21] =	ssyncset.done $0x0  }
0x2e: {  	s29 =	simm.s32 $0x1480;
	[sflag:s21] =	ssyncadd.s32 $0xFFFFC000  }
0x2f: {  	[spmem:s2] =	stream.indirect.scatter.add.f32 [tilespmem:s18], [sflag:$0x4], $0x80, s29, s16, $0xb8;
	[tilespmem:$0x1E800] =	vst v63  }
0x30: {  	_ =	swait.ge [sflag:s22], $0x4000  }
0x31: {  	[sflag:s22] =	ssyncset.done $0x0  }
0x32: {  	s30 =	simm.s32 $0x180;
	[sflag:s22] =	ssyncadd.s32 $0xFFFFC000  }
0x33: {  	[tilespmem:s18], [sflag:$0x2] =	stream.indirect.gather [hbm4b:s4+s16], $0x80, s30, s16, $0xb8;
	[tilespmem:$0x1E800] =	vst v63  }
0x34: {  	_ =	swait.ge [sflag:s19], $0x4000  }
0x35: {  	[sflag:s19] =	ssyncset.done $0x0  }
0x36: {  	s31 =	simm.s32 $0x1500;
	[sflag:s19] =	ssyncadd.s32 $0xFFFFC000  }
0x37: {  	[spmem:s2] =	stream.indirect.scatter.add.f32 [tilespmem:s17], [sflag:$0x3], $0x80, s31, s16, $0xb8;
	[tilespmem:$0x1E800] =	vst v63  }
0x38: {  	_ =	swait.ge [sflag:s20], $0x4000  }
0x39: {  	s26 =	simm.s32 $0xFFFFBC00;
	s25 =	simm.s32 $0xFFFFEE00;
	[sflag:s20] =	ssyncset.done $0x0  }
.LBB2_2:
0x3a: {  	s28 =	sadd.s32 $0x1400, s25  }
0x3b: {  	[sflag:s20] =	ssyncadd.s32 $0xFFFFC000;
	s29 =	smov.u32 s26;
	s30 =	sadd.s32 $0x400, s26  }
0x3c: {  	[tilespmem:s17], [sflag:$0x1] =	stream.indirect.gather [hbm4b:s4+s16], $0x80, s28, s16, $0xb8;
	[tilespmem:$0x1E800] =	vst v63  }
0x3d: {  	p0 =	sne.s32 s26, $0xFFFFFC00;
	_ =	swait.ge [sflag:s21], $0x4000  }
0x3e: {  	[sflag:s21] =	ssyncset.done $0x0  }
0x3f: {  	s26 =	sadd.s32 $0x2780, s25;
	[sflag:s21] =	ssyncadd.s32 $0xFFFFC000  }
0x40: {  	[spmem:s2] =	stream.indirect.scatter.add.f32 [tilespmem:s18], [sflag:$0x4], $0x80, s26, s16, $0xb8;
	[tilespmem:$0x1E800] =	vst v63  }
0x41: {  	_ =	swait.ge [sflag:s22], $0x4000  }
0x42: {  	[sflag:s22] =	ssyncset.done $0x0  }
0x43: {  	s26 =	sadd.s32 $0x1480, s25;
	[sflag:s22] =	ssyncadd.s32 $0xFFFFC000  }
0x44: {  	[tilespmem:s18], [sflag:$0x2] =	stream.indirect.gather [hbm4b:s4+s16], $0x80, s26, s16, $0xb8;
	[tilespmem:$0x1E800] =	vst v63  }
0x45: {  	_ =	swait.ge [sflag:s19], $0x4000  }
.Ltmp0:
0x46: {  	[sflag:s19] =	ssyncset.done $0x0;
	(pc) =	sbr.rel @p0 .LBB2_2-.Ltmp0, $4  }
0x47: {  	s25 =	sadd.s32 $0x2800, s25;
	[sflag:s19] =	ssyncadd.s32 $0xFFFFC000  }
0x48: {  	[spmem:s2] =	stream.indirect.scatter.add.f32 [tilespmem:s17], [sflag:$0x3], $0x80, s25, s16, $0xb8;
	[tilespmem:$0x1E800] =	vst v63  }
0x49: {  	_ =	swait.ge [sflag:s20], $0x4000  }
0x4a: {  	s26 =	smov.u32 s30;
	s25 =	sshra.s32 s29, $0x2;
	[sflag:s20] =	ssyncset.done $0x0  }
0x4b: {  	s26 =	sadd.s32 $0x1400, s25;
	[sflag:s20] =	ssyncadd.s32 $0xFFFFC000  }
0x4c: {  	[tilespmem:s17], [sflag:$0x1] =	stream.indirect.gather [hbm4b:s4+s16], $0x80, s26, s16, $0xb8;
	[tilespmem:$0x1E800] =	vst v63  }
0x4d: {  	_ =	swait.ge [sflag:s21], $0x4000  }
0x4e: {  	[sflag:s21] =	ssyncset.done $0x0  }
0x4f: {  	s30 =	sadd.s32 $0x2780, s25;
	[sflag:s21] =	ssyncadd.s32 $0xFFFFC000  }
0x50: {  	[spmem:s2] =	stream.indirect.scatter.add.f32 [tilespmem:s18], [sflag:$0x4], $0x80, s30, s16, $0xb8;
	[tilespmem:$0x1E800] =	vst v63  }
0x51: {  	_ =	swait.ge [sflag:s22], $0x4000  }
0x52: {  	[sflag:s22] =	ssyncset.done $0x0  }
0x53: {  	s31 =	sadd.s32 $0x1480, s25;
	[sflag:s22] =	ssyncadd.s32 $0xFFFFC000  }
0x54: {  	[tilespmem:s18], [sflag:$0x2] =	stream.indirect.gather [hbm4b:s4+s16], $0x80, s31, s16, $0xb8;
	[tilespmem:$0x1E800] =	vst v63  }
0x55: {  	_ =	swait.ge [sflag:s19], $0x4000  }
0x56: {  	[sflag:s19] =	ssyncset.done $0x0  }
0x57: {  	s26 =	sadd.s32 $0x2800, s25;
	[sflag:s19] =	ssyncadd.s32 $0xFFFFC000  }
0x58: {  	[spmem:s2] =	stream.indirect.scatter.add.f32 [tilespmem:s17], [sflag:$0x3], $0x80, s26, s16, $0xb8;
	[tilespmem:$0x1E800] =	vst v63  }
0x59: {  	_ =	swait.ge [sflag:s20], $0x4000  }
0x5a: {  	[sflag:s20] =	ssyncset.done $0x0  }
0x5b: {  	[sflag:s20] =	ssyncadd.s32 $0xFFFFC000  }
0x5c: {  	_ =	swait.ge [sflag:s21], $0x4000  }
0x5d: {  	[sflag:s21] =	ssyncset.done $0x0  }
0x5e: {  	[sflag:s21] =	ssyncadd.s32 $0xFFFFC000  }
0x5f: {  	[spmem:s2] =	stream.indirect.scatter.add.f32 [tilespmem:s18], [sflag:$0x4], $0x80, s23, s16, $0xb8;
	[tilespmem:$0x1E800] =	vst v63  }
0x60: {  	_ =	swait.ge [sflag:s22], $0x4000  }
0x61: {  	[sflag:s22] =	ssyncset.done $0x0  }
0x62: {  	[sflag:s22] =	ssyncadd.s32 $0xFFFFC000  }
0x63: {  	[tilespmem:s3], [sflag:$0x5] =	stream.linear.gather [hbm4b:s9+s3], $0x1400, $0x38;
	[tilespmem:$0x1E800] =	vst v63  }
0x64: {  	_ =	swait.ge [sflag:s14], $0x1400  }
0x65: {  	[sflag:s14] =	ssyncset.done $0x0  }
0x66: {  	[sflag:s14] =	ssyncadd.s32 $0xFFFFEC00  }
0x67: {  	[tilespmem:s15], [sflag:$0x5] =	stream.linear.gather [hbm4b:s10+s3], $0x1400, $0x38;
	[tilespmem:$0x1E800] =	vst v63  }
0x68: {  	_ =	swait.ge [sflag:s14], $0x1400  }
0x69: {  	[sflag:s14] =	ssyncset.done $0x0  }
0x6a: {  	[sflag:s14] =	ssyncadd.s32 $0xFFFFEC00  }
0x6b: {  	[tilespmem:s17], [sflag:$0x1] =	stream.indirect.gather [hbm4b:s4+s16], $0x80, s3, s16, $0xb8;
	[tilespmem:$0x1E800] =	vst v63  }
0x6c: {  	_ = 	snop  }
0x6d: {  	[tilespmem:s18], [sflag:$0x2] =	stream.indirect.gather [hbm4b:s4+s16], $0x80, s16, s16, $0xb8;
	[tilespmem:$0x1E800] =	vst v63  }
0x6e: {  	_ =	swait.ge [sflag:s19], $0x4000  }
0x6f: {  	[sflag:s19] =	ssyncset.done $0x0  }
0x70: {  	[sflag:s19] =	ssyncadd.s32 $0xFFFFC000  }
0x71: {  	[spmem:s2] =	stream.indirect.scatter.add.f32 [tilespmem:s17], [sflag:$0x3], $0x80, s15, s16, $0xb8;
	[tilespmem:$0x1E800] =	vst v63  }
0x72: {  	_ =	swait.ge [sflag:s20], $0x4000  }
0x73: {  	[sflag:s20] =	ssyncset.done $0x0  }
0x74: {  	s28 =	simm.s32 $0x100;
	[sflag:s20] =	ssyncadd.s32 $0xFFFFC000  }
0x75: {  	[tilespmem:s17], [sflag:$0x1] =	stream.indirect.gather [hbm4b:s4+s16], $0x80, s28, s16, $0xb8;
	[tilespmem:$0x1E800] =	vst v63  }
0x76: {  	_ =	swait.ge [sflag:s21], $0x4000  }
0x77: {  	[sflag:s21] =	ssyncset.done $0x0  }
0x78: {  	s29 =	simm.s32 $0x1480;
	[sflag:s21] =	ssyncadd.s32 $0xFFFFC000  }
0x79: {  	[spmem:s2] =	stream.indirect.scatter.add.f32 [tilespmem:s18], [sflag:$0x4], $0x80, s29, s16, $0xb8;
	[tilespmem:$0x1E800] =	vst v63  }
0x7a: {  	_ =	swait.ge [sflag:s22], $0x4000  }
0x7b: {  	[sflag:s22] =	ssyncset.done $0x0  }
0x7c: {  	s30 =	simm.s32 $0x180;
	[sflag:s22] =	ssyncadd.s32 $0xFFFFC000  }
0x7d: {  	[tilespmem:s18], [sflag:$0x2] =	stream.indirect.gather [hbm4b:s4+s16], $0x80, s30, s16, $0xb8;
	[tilespmem:$0x1E800] =	vst v63  }
0x7e: {  	_ =	swait.ge [sflag:s19], $0x4000  }
0x7f: {  	[sflag:s19] =	ssyncset.done $0x0  }
0x80: {  	s31 =	simm.s32 $0x1500;
	[sflag:s19] =	ssyncadd.s32 $0xFFFFC000  }
0x81: {  	[spmem:s2] =	stream.indirect.scatter.add.f32 [tilespmem:s17], [sflag:$0x3], $0x80, s31, s16, $0xb8;
	[tilespmem:$0x1E800] =	vst v63  }
0x82: {  	_ =	swait.ge [sflag:s20], $0x4000  }
0x83: {  	s25 =	simm.s32 $0xFFFFEE00;
	s26 =	simm.s32 $0xFFFFBC00;
	[sflag:s20] =	ssyncset.done $0x0  }
.LBB2_4:
0x84: {  	s28 =	sadd.s32 $0x1400, s25  }
0x85: {  	[sflag:s20] =	ssyncadd.s32 $0xFFFFC000;
	s29 =	smov.u32 s26;
	s30 =	sadd.s32 $0x400, s26  }
0x86: {  	[tilespmem:s17], [sflag:$0x1] =	stream.indirect.gather [hbm4b:s4+s16], $0x80, s28, s16, $0xb8;
	[tilespmem:$0x1E800] =	vst v63  }
0x87: {  	p0 =	sne.s32 s26, $0xFFFFFC00;
	_ =	swait.ge [sflag:s21], $0x4000  }
0x88: {  	[sflag:s21] =	ssyncset.done $0x0  }
0x89: {  	s26 =	sadd.s32 $0x2780, s25;
	[sflag:s21] =	ssyncadd.s32 $0xFFFFC000  }
0x8a: {  	[spmem:s2] =	stream.indirect.scatter.add.f32 [tilespmem:s18], [sflag:$0x4], $0x80, s26, s16, $0xb8;
	[tilespmem:$0x1E800] =	vst v63  }
0x8b: {  	_ =	swait.ge [sflag:s22], $0x4000  }
0x8c: {  	[sflag:s22] =	ssyncset.done $0x0  }
0x8d: {  	s26 =	sadd.s32 $0x1480, s25;
	[sflag:s22] =	ssyncadd.s32 $0xFFFFC000  }
0x8e: {  	[tilespmem:s18], [sflag:$0x2] =	stream.indirect.gather [hbm4b:s4+s16], $0x80, s26, s16, $0xb8;
	[tilespmem:$0x1E800] =	vst v63  }
0x8f: {  	_ =	swait.ge [sflag:s19], $0x4000  }
.Ltmp1:
0x90: {  	[sflag:s19] =	ssyncset.done $0x0;
	(pc) =	sbr.rel @p0 .LBB2_4-.Ltmp1, $4  }
0x91: {  	s25 =	sadd.s32 $0x2800, s25;
	[sflag:s19] =	ssyncadd.s32 $0xFFFFC000  }
0x92: {  	[spmem:s2] =	stream.indirect.scatter.add.f32 [tilespmem:s17], [sflag:$0x3], $0x80, s25, s16, $0xb8;
	[tilespmem:$0x1E800] =	vst v63  }
0x93: {  	_ =	swait.ge [sflag:s20], $0x4000  }
0x94: {  	s26 =	smov.u32 s30;
	s25 =	sshra.s32 s29, $0x2;
	[sflag:s20] =	ssyncset.done $0x0  }
0x95: {  	s26 =	sadd.s32 $0x1400, s25;
	[sflag:s20] =	ssyncadd.s32 $0xFFFFC000  }
0x96: {  	[tilespmem:s17], [sflag:$0x1] =	stream.indirect.gather [hbm4b:s4+s16], $0x80, s26, s16, $0xb8;
	[tilespmem:$0x1E800] =	vst v63  }
0x97: {  	_ =	swait.ge [sflag:s21], $0x4000  }
0x98: {  	[sflag:s21] =	ssyncset.done $0x0  }
0x99: {  	s29 =	sadd.s32 $0x2780, s25;
	[sflag:s21] =	ssyncadd.s32 $0xFFFFC000  }
0x9a: {  	[spmem:s2] =	stream.indirect.scatter.add.f32 [tilespmem:s18], [sflag:$0x4], $0x80, s29, s16, $0xb8;
	[tilespmem:$0x1E800] =	vst v63  }
0x9b: {  	_ =	swait.ge [sflag:s22], $0x4000  }
0x9c: {  	[sflag:s22] =	ssyncset.done $0x0  }
0x9d: {  	s30 =	sadd.s32 $0x1480, s25;
	[sflag:s22] =	ssyncadd.s32 $0xFFFFC000  }
0x9e: {  	[tilespmem:s18], [sflag:$0x2] =	stream.indirect.gather [hbm4b:s4+s16], $0x80, s30, s16, $0xb8;
	[tilespmem:$0x1E800] =	vst v63  }
0x9f: {  	_ =	swait.ge [sflag:s19], $0x4000  }
0xa0: {  	[sflag:s19] =	ssyncset.done $0x0  }
0xa1: {  	s31 =	sadd.s32 $0x2800, s25;
	[sflag:s19] =	ssyncadd.s32 $0xFFFFC000  }
0xa2: {  	[spmem:s2] =	stream.indirect.scatter.add.f32 [tilespmem:s17], [sflag:$0x3], $0x80, s31, s16, $0xb8;
	[tilespmem:$0x1E800] =	vst v63  }
0xa3: {  	_ =	swait.ge [sflag:s20], $0x4000  }
0xa4: {  	[sflag:s20] =	ssyncset.done $0x0  }
0xa5: {  	[sflag:s20] =	ssyncadd.s32 $0xFFFFC000  }
0xa6: {  	_ =	swait.ge [sflag:s21], $0x4000  }
0xa7: {  	[sflag:s21] =	ssyncset.done $0x0  }
0xa8: {  	[sflag:s21] =	ssyncadd.s32 $0xFFFFC000  }
0xa9: {  	[spmem:s2] =	stream.indirect.scatter.add.f32 [tilespmem:s18], [sflag:$0x4], $0x80, s23, s16, $0xb8;
	[tilespmem:$0x1E800] =	vst v63  }
0xaa: {  	_ =	swait.ge [sflag:s22], $0x4000  }
0xab: {  	s24 =	sadd.s32 $0x1, s24;
	[sflag:s22] =	ssyncset.done $0x0  }
0xac: {  	p0 =	sne.s32 s24, s12;
	[sflag:s22] =	ssyncadd.s32 $0xFFFFC000  }
.Ltmp2:
0xad: {  	[bflag:$0x0] =	sbarrier.arrive $0xFFFF;
	(pc) =	sbr.rel @p0 .LBB2_1-.Ltmp2, $4  }
0xae: {  	[hbm:s11], [sflag:s6] =	dma.local [spmem:s13], $0x2800  }
0xaf: {  	_ =	swait.ge [sflag:s14], $0x2800  }
0xb0: {  	[sflag:s14] =	ssyncset.done $0x0  }
0xb1: {  	[sflag:s14] =	ssyncadd.s32 $0xFFFFD800  }
0xb2: {  	_ =	sfence.sel $0x180000  }
0xb3: {  	[bflag:$0x0] =	sbarrier.arrive $0xFFFF  }
0xb4: {  	p0 =	sne.s32 s1, $0x0;
	_ =	strace $0x9000004A  }
0xb5: {  	s0 =	sadd.s32 @!p0 $0x100000, s0;
	[bflag:$0x2] =	sbarrier.arrive $0xFFFF  }
0xb6: {  	[sflag:s0] =	ssyncadd.tile.s32 @!p0 $0x1;
	_ =	shalt  }
.Lfunc_end2:
_tile_overlayer_lowered:
.L_overlay_start_2:
0xb7: {  	(tag) =	ssettag $0x2  }
0xb8: {  	s0 =	rddreg [dreg:$0x0];
	s2 =	stileid.u32  }
0xb9: {  	s1 =	rddreg [dreg:$0x1];
	p0 =	sne.s32 s2, $0x0  }
0xba: {  	s3 =	rddreg [dreg:$0x2];
	[bflag:$0x3] =	sbarrier.arrive $0xFFFF;
	s2 =	simm.s32 @!p0 $0x1C05  }
0xbb: {  	[timem:s3], [sflag:s2] =	dma.local @!p0 [hbm:s0], s1  }
0xbc: {  	s0 =	simm.s32 @!p0 $0x5  }
0xbd: {  	_ =	swait.ge @!p0 [sflag:s0], s1  }
0xbe: {  	s1 =	ssub.s32 @!p0 $0x0, s1;
	[sflag:s0] =	ssyncset.done @!p0 $0x0  }
0xbf: {  	[sflag:s0] =	ssyncadd.s32 @!p0 s1  }
0xc0: {  	[bflag:$0x3] =	sbarrier.arrive $0xFFFF  }
0xc1: {  	_ =	shalt  }

// kernel: kernel.22.cloned.1.call-start
scs
__scs_entry_jumppad:
0x0: {  	(pc) =	sbr.rel $0x88, $3  }
0x1: {  	(tag) =	ssettag $0x0;
	lr =	simm.s32 $0x1  }
0x2: {  	[smem:$0x3F99] =	sst lr;
	_ =	strace $0xD0000000  }
0x3: {  	_ = 	snop  }
0x4: {  	_ = 	snop  }
0x5: {  	_ = 	snop  }
0x6: {  	_ = 	snop  }
0x7: {  	_ = 	snop  }
__scs_overlays_trampoline_lowered:
0x8: {  	[smem:$0x3FA8] =	sst s0  }
0x9: {  	[smem:$0x3FA9] =	sst s1  }
0xa: {  	[smem:$0x3FAA] =	sst s2  }
0xb: {  	[smem:$0x3FAB] =	sst s3  }
0xc: {  	[smem:$0x3FAC] =	sst s4  }
0xd: {  	[smem:$0x3FAD] =	sst s5  }
0xe: {  	[smem:$0x3FAE] =	sst s6  }
0xf: {  	[smem:$0x3FAF] =	sst s7  }
0x10: {  	[smem:$0x3FB0] =	sst s8  }
0x11: {  	[smem:$0x3FB1] =	sst s9;
	s0 =	simm.s32 @!p0 $0x0  }
0x12: {  	s1 =	sld [smem:$0x3F97];
	s0 =	simm.s32 @p0 $0x1  }
0x13: {  	[smem:$0x3FB2] =	sst s0;
	s0 =	simm.s32 @!p1 $0x0  }
0x14: {  	s2 =	sld [smem:$0x3F96];
	s0 =	simm.s32 @p1 $0x1  }
0x15: {  	[smem:$0x3FB3] =	sst s0;
	s0 =	simm.s32 @!p2 $0x0  }
0x16: {  	s3 =	sld [smem:$0x3FDB];
	s0 =	simm.s32 @p2 $0x1  }
0x17: {  	s4 =	simm.s32 $0x1BF5;
	[smem:$0x3FB5] =	sst s0  }
0x18: {  	s0 =	sld [smem:$0x3F98];
	_ =	swait.ge [sflag:s4], $0x0  }
0x19: {  	s7 =	sld [smem:$0x3F99]  }
0x1a: {  	s8 =	sadd.s32 $0xFFFFE003, lr  }
0x1b: {  	s9 =	sadd.s32 $0xFFFFFEF7, lr;
	s5 =	simm.s32 $0xFFFFFFFF;
	p2 =	slt.u32 s8, $0xFFFFF086  }
0x1c: {  	p1 =	slt.u32 s9, $0xF7A;
	s5 =	simm.s32 @!p2 $0x0  }
0x1d: {  	s5 =	simm.s32 @p1 $0x1;
	p0 =	seq.s32 s7, s2  }
0x1e: {  	s7 =	smul.u32 @!p0 $0xF7A, s2;
	p2 =	seq.s32 @!p0 s5, $0x0  }
0x1f: {  	s9 =	smul.u32 $0xF7A, s1;
	s8 =	simm.s32 @!p0 $0x1BF5;
	p2 =	por !p2, p0  }
0x20: {  	[sflag:s8] =	ssyncset.s32 @!p0 $0xFFFFF086;
	s6 =	sadd.s32 @!p0 s3, s7;
	s7 =	simm.s32 @!p0 $0x108  }
0x21: {  	s3 =	sadd.s32 s3, s9;
	s6 =	sadd.s32 @!p0 $0x88, s6;
	s7 =	simm.s32 @p2 $0x1082  }
0x22: {  	[simem:s7], [sflag:s8] =	dma.local @!p0 [hbm:s6], $0xF7A  }
0x23: {  	s9 =	sor.u32 $0xD0000000, s2;
	s6 =	simm.s32 $0x108;
	_ =	swait.ge @!p0 [sflag:s8], $0x0  }
0x24: {  	s3 =	sadd.s32 $0x88, s3;
	s6 =	simm.s32 @!p1 $0x1082;
	[sflag:s4] =	ssyncset.s32 $0xFFFFF086  }
0x25: {  	[simem:s6], [sflag:s4] =	dma.local [hbm:s3], $0xF7A  }
0x26: {  	[smem:$0x3F99] =	sst s1;
	(tag) =	ssettag s2;
	_ =	strace s9  }
0x27: {  	s1 =	sld [smem:$0x3FA9]  }
0x28: {  	s2 =	sld [smem:$0x3FAA]  }
0x29: {  	s4 =	sld [smem:$0x3FAC]  }
0x2a: {  	p0 =	seq.s32 s5, $0x0;
	s5 =	sld [smem:$0x3FAD]  }
0x2b: {  	s6 =	sld [smem:$0x3FAE]  }
0x2c: {  	s7 =	sld [smem:$0x3FAF]  }
0x2d: {  	s3 =	simm.s32 $0x108;
	s8 =	sld [smem:$0x3FB0]  }
0x2e: {  	s3 =	simm.s32 @!p0 $0x1082;
	s9 =	sld [smem:$0x3FB1]  }
0x2f: {  	lr =	sadd.s32 s0, s3;
	s0 =	sld [smem:$0x3FA8]  }
0x30: {  	s3 =	sld [smem:$0x3FAB]  }
0x31: {  	[smem:$0x3FB4] =	sst s10  }
0x32: {  	s10 =	sld [smem:$0x3FB2];
	_ =	sdelay $0x3  }
0x33: {  	p0 =	seq.s32 s10, $0x1;
	s10 =	sld [smem:$0x3FB4];
	_ =	sdelay $0x3  }
0x34: {  	[smem:$0x3FB4] =	sst s10  }
0x35: {  	s10 =	sld [smem:$0x3FB3];
	_ =	sdelay $0x3  }
0x36: {  	p1 =	seq.s32 s10, $0x1;
	s10 =	sld [smem:$0x3FB4];
	_ =	sdelay $0x3  }
0x37: {  	[smem:$0x3FB4] =	sst s10  }
0x38: {  	s10 =	sld [smem:$0x3FB5]  }
0x39: {  	_ = 	snop;
	(pc) =	sbr.ind lr, $3  }
0x3a: {  	_ = 	snop  }
0x3b: {  	_ = 	snop  }
0x3c: {  	p2 =	seq.s32 s10, $0x1;
	s10 =	sld [smem:$0x3FB4]  }
0x3d: {  	_ =	shalt  }
0x3e: {  	_ =	shalt  }
0x3f: {  	_ =	shalt  }
0x40: {  	_ =	shalt  }
0x41: {  	_ =	shalt  }
0x42: {  	_ =	shalt  }
0x43: {  	_ =	shalt  }
0x44: {  	_ =	shalt  }
0x45: {  	_ =	shalt  }
0x46: {  	_ =	shalt  }
0x47: {  	_ =	shalt  }
0x48: {  	_ =	shalt  }
0x49: {  	_ =	shalt  }
0x4a: {  	_ =	shalt  }
0x4b: {  	_ =	shalt  }
0x4c: {  	_ =	shalt  }
0x4d: {  	_ =	shalt  }
0x4e: {  	_ =	shalt  }
0x4f: {  	_ =	shalt  }
0x50: {  	_ =	shalt  }
0x51: {  	_ =	shalt  }
0x52: {  	_ =	shalt  }
0x53: {  	_ =	shalt  }
0x54: {  	_ =	shalt  }
0x55: {  	_ =	shalt  }
0x56: {  	_ =	shalt  }
0x57: {  	_ =	shalt  }
0x58: {  	_ =	shalt  }
0x59: {  	_ =	shalt  }
0x5a: {  	_ =	shalt  }
0x5b: {  	_ =	shalt  }
0x5c: {  	_ =	shalt  }
0x5d: {  	_ =	shalt  }
0x5e: {  	_ =	shalt  }
0x5f: {  	_ =	shalt  }
0x60: {  	_ =	shalt  }
0x61: {  	_ =	shalt  }
0x62: {  	_ =	shalt  }
0x63: {  	_ =	shalt  }
0x64: {  	_ =	shalt  }
0x65: {  	_ =	shalt  }
0x66: {  	_ =	shalt  }
0x67: {  	_ =	shalt  }
0x68: {  	_ =	shalt  }
0x69: {  	_ =	shalt  }
0x6a: {  	_ =	shalt  }
0x6b: {  	_ =	shalt  }
0x6c: {  	_ =	shalt  }
0x6d: {  	_ =	shalt  }
0x6e: {  	_ =	shalt  }
0x6f: {  	_ =	shalt  }
0x70: {  	_ =	shalt  }
0x71: {  	_ =	shalt  }
0x72: {  	_ =	shalt  }
0x73: {  	_ =	shalt  }
0x74: {  	_ =	shalt  }
0x75: {  	_ =	shalt  }
0x76: {  	_ =	shalt  }
0x77: {  	_ =	shalt  }
0x78: {  	_ =	shalt  }
0x79: {  	_ =	shalt  }
0x7a: {  	_ =	shalt  }
0x7b: {  	_ =	shalt  }
0x7c: {  	_ =	shalt  }
0x7d: {  	_ =	shalt  }
0x7e: {  	_ =	shalt  }
0x7f: {  	_ =	shalt  }
0x80: {  	_ =	shalt  }
0x81: {  	_ =	shalt  }
0x82: {  	_ =	shalt  }
0x83: {  	_ =	shalt  }
0x84: {  	_ =	shalt  }
0x85: {  	_ =	shalt  }
0x86: {  	_ =	shalt  }
0x87: {  	_ =	shalt  }
.Lfunc_end0:
.L_simem_size_0:
called_computation.2_lowered:
.L_overlay_start_0:
0x88: {  	s2 =	sld [smem:$0x3FD9]  }
0x89: {  	s3 =	sld [smem:$0x3FFE];
	_ =	sdelay $0x1  }
0x8a: {  	s1 =	srdreg.scid  }
0x8b: {  	s0 =	sand.u32 $0x1, s1  }
0x8c: {  	s17 =	sshll.u32 s0, $0xA;
	s2 =	sadd.s32 s3, s2  }
0x8d: {  	s2 =	sadd.s32 s2, s17  }
0x8e: {  	[smem:$0x3FC0] =	sst s2  }
0x8f: {  	_ = 	snop  }
0x90: {  	s2 =	sld [smem:$0x3FD0];
	(tm) =	ssettm $0x1  }
0x91: {  	s18 =	sld [smem:$0x3FFB];
	_ =	sdelay $0x3  }
0x92: {  	_ =	strace s18  }
0x93: {  	s3 =	sld [smem:$0x3FFC];
	_ =	sdelay $0x3  }
0x94: {  	_ =	strace s3  }
0x95: {  	s3 =	sld [smem:$0x3FFD];
	_ =	sdelay $0x3  }
0x96: {  	_ =	strace s3  }
0x97: {  	_ =	strace $0x8FFFFFFF  }
0x98: {  	s19 =	sld [smem:$0x3FDB];
	_ =	sdelay $0x1  }
0x99: {  	s4 =	simm.s32 $_scs_section_size  }
0x9a: {  	s5 =	simm.s32 $_size__tile_overlayer_lowered;
	s6 =	simm.s32 $_tile_overlayer_lowered  }
0x9b: {  	s22 =	simm.s32 $0x1BFF;
	s21 =	sshll.u32 s6, $0x1;
	s3 =	sadd.s32 s4, s19  }
0x9c: {  	s7 =	simm.s32 $0x0;
	s20 =	sshll.u32 s5, $0x1;
	s5 =	sadd.s32 s21, s3  }
0x9d: {  	[timem:s7], [sflag:s22] =	dma.local [hbm:s5], s20  }
0x9e: {  	_ =	swait.ge [sflag:s22], s20  }
0x9f: {  	s4 =	ssub.s32 $0x0, s20;
	[sflag:s22] =	ssyncset.done $0x0  }
0xa0: {  	[sflag:s22] =	ssyncadd.s32 s4;
	_ =	sdelay $0x1  }
0xa1: {  	s23 =	simm.s32 $0x1B8B  }
0xa2: {  	_ =	swait.ge [sflag:s23], $0x1  }
0xa3: {  	[sflag:s23] =	ssyncset.done $0x0  }
0xa4: {  	s25 =	simm.s32 $0x1B8E;
	s24 =	sld [smem:$0x3FFE];
	[sflag:s23] =	ssyncadd.s32 $0xFFFFFFFF  }
0xa5: {  	s26 =	simm.s32 $execute0_lowered;
	[smem:$0x3FD2] =	sst s25  }
0xa6: {  	s5 =	sshll.u32 s26, $0x1;
	_ =	strace $0x8000004C;
	[dreg:$0x1] =	wrdreg $0xFFFFFFFF  }
0xa7: {  	s28 =	simm.s32 $_size_execute0_lowered;
	s3 =	sadd.s32 s3, s5;
	[dreg:$0x0] =	wrdreg $0x0  }
0xa8: {  	s5 =	sshll.u32 s28, $0x1;
	[dreg:$0x2] =	wrdreg s3  }
0xa9: {  	[dreg:$0x3] =	wrdreg s5  }
0xaa: {  	[dreg:$0x4] =	wrdreg $0xC0  }
0xab: {  	_ =	task [dreg:s7], $0x5FFFF  }
0xac: {  	[dreg:$0x1] =	wrdreg $0xFFFFFFFF  }
0xad: {  	[dreg:$0x0] =	wrdreg $0x60  }
0xae: {  	[dreg:$0x2] =	wrdreg s24  }
0xaf: {  	[dreg:$0x3] =	wrdreg s2  }
0xb0: {  	[dreg:$0x4] =	wrdreg $0xA8000  }
0xb1: {  	[dreg:$0x5] =	wrdreg $0x9  }
0xb2: {  	_ =	task.clear_ibuf [dreg:s7], $0x6FFFF;
	_ =	strace $0x9000004C  }
0xb3: {  	s29 =	simm.s32 $0x9;
	_ =	strace $0x8000004E  }
0xb4: {  	_ =	swait.ge [sflag:s29], $0x1  }
0xb5: {  	[sflag:s29] =	ssyncadd.s32 $0xFFFFFFFF  }
0xb6: {  	_ =	strace $0x9000004E  }
0xb7: {  	_ =	sfence  }
0xb8: {  	s30 =	sld [smem:$0x0];
	_ =	sdelay $0x2  }
0xb9: {  	s31 =	sshll.u32 s1, $0xD;
	s1 =	sshrl.u32 s1, $0x2  }
0xba: {  	s3 =	sand.u32 $0x4000, s31;
	s1 =	sadd.s32 s1, s30  }
0xbb: {  	s0 =	sor.u32 s3, s0;
	s1 =	sshll.u32 s1, $0x11  }
0xbc: {  	s0 =	sor.u32 s1, s0  }
0xbd: {  	s0 =	sadd.s32 $0x8F2B, s0  }
0xbe: {  	[sflag:s0] =	ssyncadd.remote.s32 $0x1  }
0xbf: {  	_ =	sfence.sel $0xFFFF  }
0xc0: {  	[dreg:$0x0] =	wrdreg $0xFFFFFFFF;
	(pc) =	sbr.abs _section_cstart, $3  }
0xc1: {  	[dreg:$0x1] =	wrdreg $0xFFFFFFFF  }
0xc2: {  	_ =	task.clear_ibuf [dreg:s7], $0x2FFFF;
	_ =	strace $0x9FFFFFFF  }
0xc3: {  	(tm) =	ssettm $0x7FFFFFFF  }
tec
execute0_lowered:
.L_overlay_start_1:
0x0: {  	(tag) =	ssettag $0x1  }
0x1: {  	s5 =	rddreg [dreg:$0x0]  }
0x2: {  	s10 =	rddreg [dreg:$0x1]  }
0x3: {  	s2 =	rddreg [dreg:$0x2]  }
0x4: {  	s0 =	rddreg [dreg:$0x3];
	s4 =	srdreg.scid  }
0x5: {  	s1 =	stileid.u32;
	s3 =	simm.s32 $0x0;
	s15 =	simm.s32 $0x1400  }
0x6: {  	s16 =	simm.s32 $0x80;
	s17 =	simm.s32 $0x2800;
	s18 =	simm.s32 $0x6800  }
0x7: {  	s19 =	simm.s32 $0x1;
	s20 =	simm.s32 $0x3;
	s21 =	simm.s32 $0x2  }
0x8: {  	s22 =	simm.s32 $0x4;
	s23 =	simm.s32 $0x2780;
	s24 =	simm.s32 $0x0  }
0x9: {  	s6 =	sand.u32 $0x1, s4;
	s7 =	smul.u32 $0x14000, s1;
	[smem:$0x7FF] =	sst s3  }
0xa: {  	s9 =	sadd.s32 $0x5600, s5;
	s4 =	sadd.s32 $0xF600, s5;
	s11 =	smul.u32 $0x50000, s1  }
0xb: {  	s12 =	sshll.u32 s1, $0x1;
	s29 =	sshll.u32 s1, $0x6;
	s8 =	smul.u32 $0x140000, s6  }
0xc: {  	_ =	strace $0x8000004D;
	s13 =	ssub.s32 $0x2, s6;
	s6 =	sor.u32 s6, s12  }
0xd: {  	s25 =	sshrl.u32 s13, $0x1;
	s11 =	sshrl.u32 s11, $0x2;
	s6 =	smul.u32 $0x2800, s6  }
0xe: {  	s28 =	sshrl.u32 s7, $0x3;
	s8 =	sadd.s32 s7, s8;
	s12 =	ssub.s32 s13, s25  }
0xf: {  	s26 =	sadd.s32 s11, s2;
	s8 =	sshrl.u32 s8, $0x3;
	s30 =	sshrl.u32 s6, $0x3  }
0x10: {  	s6 =	sor.u32 $0x1C05, s29;
	s12 =	smax.u32 s12, $0x1;
	s13 =	sshrl.u32 s26, $0x3  }
0x11: {  	s14 =	sadd.s32 s8, s5;
	s5 =	sadd.s32 s4, s28;
	s31 =	sadd.s32 $0x280, s30  }
0x12: {  	s7 =	sadd.s32 s9, s30;
	s8 =	sadd.s32 s10, s30;
	s9 =	sadd.s32 s9, s31  }
0x13: {  	s10 =	sadd.s32 s10, s31;
	s11 =	sadd.s32 $0x5F600, s14;
	s14 =	simm.s32 $0x5  }
.LBB2_1:
0x14: {  	[spmem:s13], [sflag:s6] =	dma.local [hbm:s5], $0x2800  }
0x15: {  	_ =	swait.ge [sflag:s14], $0x2800  }
0x16: {  	[sflag:s14] =	ssyncset.done $0x0  }
0x17: {  	[sflag:s14] =	ssyncadd.s32 $0xFFFFD800  }
0x18: {  	[bflag:$0x0] =	sbarrier.arrive $0xFFFF  }
0x19: {  	[tilespmem:s3], [sflag:$0x5] =	stream.linear.gather [hbm4b:s7+s3], $0x1400, $0x38;
	[tilespmem:$0x1E800] =	vst v63  }
0x1a: {  	_ =	swait.ge [sflag:s14], $0x1400  }
0x1b: {  	[sflag:s14] =	ssyncset.done $0x0  }
0x1c: {  	[sflag:s14] =	ssyncadd.s32 $0xFFFFEC00  }
0x1d: {  	[tilespmem:s15], [sflag:$0x5] =	stream.linear.gather [hbm4b:s8+s3], $0x1400, $0x38;
	[tilespmem:$0x1E800] =	vst v63  }
0x1e: {  	_ =	swait.ge [sflag:s14], $0x1400  }
0x1f: {  	[sflag:s14] =	ssyncset.done $0x0  }
0x20: {  	[sflag:s14] =	ssyncadd.s32 $0xFFFFEC00  }
0x21: {  	[tilespmem:s17], [sflag:$0x1] =	stream.indirect.gather [hbm4b:s4+s16], $0x80, s3, s16, $0xb8;
	[tilespmem:$0x1E800] =	vst v63  }
0x22: {  	_ = 	snop  }
0x23: {  	[tilespmem:s18], [sflag:$0x2] =	stream.indirect.gather [hbm4b:s4+s16], $0x80, s16, s16, $0xb8;
	[tilespmem:$0x1E800] =	vst v63  }
0x24: {  	_ =	swait.ge [sflag:s19], $0x4000  }
0x25: {  	[sflag:s19] =	ssyncset.done $0x0  }
0x26: {  	[sflag:s19] =	ssyncadd.s32 $0xFFFFC000  }
0x27: {  	[spmem:s2] =	stream.indirect.scatter.add.f32 [tilespmem:s17], [sflag:$0x3], $0x80, s15, s16, $0xb8;
	[tilespmem:$0x1E800] =	vst v63  }
0x28: {  	_ =	swait.ge [sflag:s20], $0x4000  }
0x29: {  	[sflag:s20] =	ssyncset.done $0x0  }
0x2a: {  	s25 =	simm.s32 $0x100;
	[sflag:s20] =	ssyncadd.s32 $0xFFFFC000  }
0x2b: {  	[tilespmem:s17], [sflag:$0x1] =	stream.indirect.gather [hbm4b:s4+s16], $0x80, s25, s16, $0xb8;
	[tilespmem:$0x1E800] =	vst v63  }
0x2c: {  	_ =	swait.ge [sflag:s21], $0x4000  }
0x2d: {  	[sflag:s21] =	ssyncset.done $0x0  }
0x2e: {  	s29 =	simm.s32 $0x1480;
	[sflag:s21] =	ssyncadd.s32 $0xFFFFC000  }
0x2f: {  	[spmem:s2] =	stream.indirect.scatter.add.f32 [tilespmem:s18], [sflag:$0x4], $0x80, s29, s16, $0xb8;
	[tilespmem:$0x1E800] =	vst v63  }
0x30: {  	_ =	swait.ge [sflag:s22], $0x4000  }
0x31: {  	[sflag:s22] =	ssyncset.done $0x0  }
0x32: {  	s30 =	simm.s32 $0x180;
	[sflag:s22] =	ssyncadd.s32 $0xFFFFC000  }
0x33: {  	[tilespmem:s18], [sflag:$0x2] =	stream.indirect.gather [hbm4b:s4+s16], $0x80, s30, s16, $0xb8;
	[tilespmem:$0x1E800] =	vst v63  }
0x34: {  	_ =	swait.ge [sflag:s19], $0x4000  }
0x35: {  	[sflag:s19] =	ssyncset.done $0x0  }
0x36: {  	s31 =	simm.s32 $0x1500;
	[sflag:s19] =	ssyncadd.s32 $0xFFFFC000  }
0x37: {  	[spmem:s2] =	stream.indirect.scatter.add.f32 [tilespmem:s17], [sflag:$0x3], $0x80, s31, s16, $0xb8;
	[tilespmem:$0x1E800] =	vst v63  }
0x38: {  	_ =	swait.ge [sflag:s20], $0x4000  }
0x39: {  	s26 =	simm.s32 $0xFFFFBC00;
	s25 =	simm.s32 $0xFFFFEE00;
	[sflag:s20] =	ssyncset.done $0x0  }
.LBB2_2:
0x3a: {  	s28 =	sadd.s32 $0x1400, s25  }
0x3b: {  	[sflag:s20] =	ssyncadd.s32 $0xFFFFC000;
	s29 =	smov.u32 s26;
	s30 =	sadd.s32 $0x400, s26  }
0x3c: {  	[tilespmem:s17], [sflag:$0x1] =	stream.indirect.gather [hbm4b:s4+s16], $0x80, s28, s16, $0xb8;
	[tilespmem:$0x1E800] =	vst v63  }
0x3d: {  	p0 =	sne.s32 s26, $0xFFFFFC00;
	_ =	swait.ge [sflag:s21], $0x4000  }
0x3e: {  	[sflag:s21] =	ssyncset.done $0x0  }
0x3f: {  	s26 =	sadd.s32 $0x2780, s25;
	[sflag:s21] =	ssyncadd.s32 $0xFFFFC000  }
0x40: {  	[spmem:s2] =	stream.indirect.scatter.add.f32 [tilespmem:s18], [sflag:$0x4], $0x80, s26, s16, $0xb8;
	[tilespmem:$0x1E800] =	vst v63  }
0x41: {  	_ =	swait.ge [sflag:s22], $0x4000  }
0x42: {  	[sflag:s22] =	ssyncset.done $0x0  }
0x43: {  	s26 =	sadd.s32 $0x1480, s25;
	[sflag:s22] =	ssyncadd.s32 $0xFFFFC000  }
0x44: {  	[tilespmem:s18], [sflag:$0x2] =	stream.indirect.gather [hbm4b:s4+s16], $0x80, s26, s16, $0xb8;
	[tilespmem:$0x1E800] =	vst v63  }
0x45: {  	_ =	swait.ge [sflag:s19], $0x4000  }
.Ltmp0:
0x46: {  	[sflag:s19] =	ssyncset.done $0x0;
	(pc) =	sbr.rel @p0 .LBB2_2-.Ltmp0, $4  }
0x47: {  	s25 =	sadd.s32 $0x2800, s25;
	[sflag:s19] =	ssyncadd.s32 $0xFFFFC000  }
0x48: {  	[spmem:s2] =	stream.indirect.scatter.add.f32 [tilespmem:s17], [sflag:$0x3], $0x80, s25, s16, $0xb8;
	[tilespmem:$0x1E800] =	vst v63  }
0x49: {  	_ =	swait.ge [sflag:s20], $0x4000  }
0x4a: {  	s26 =	smov.u32 s30;
	s25 =	sshra.s32 s29, $0x2;
	[sflag:s20] =	ssyncset.done $0x0  }
0x4b: {  	s26 =	sadd.s32 $0x1400, s25;
	[sflag:s20] =	ssyncadd.s32 $0xFFFFC000  }
0x4c: {  	[tilespmem:s17], [sflag:$0x1] =	stream.indirect.gather [hbm4b:s4+s16], $0x80, s26, s16, $0xb8;
	[tilespmem:$0x1E800] =	vst v63  }
0x4d: {  	_ =	swait.ge [sflag:s21], $0x4000  }
0x4e: {  	[sflag:s21] =	ssyncset.done $0x0  }
0x4f: {  	s30 =	sadd.s32 $0x2780, s25;
	[sflag:s21] =	ssyncadd.s32 $0xFFFFC000  }
0x50: {  	[spmem:s2] =	stream.indirect.scatter.add.f32 [tilespmem:s18], [sflag:$0x4], $0x80, s30, s16, $0xb8;
	[tilespmem:$0x1E800] =	vst v63  }
0x51: {  	_ =	swait.ge [sflag:s22], $0x4000  }
0x52: {  	[sflag:s22] =	ssyncset.done $0x0  }
0x53: {  	s31 =	sadd.s32 $0x1480, s25;
	[sflag:s22] =	ssyncadd.s32 $0xFFFFC000  }
0x54: {  	[tilespmem:s18], [sflag:$0x2] =	stream.indirect.gather [hbm4b:s4+s16], $0x80, s31, s16, $0xb8;
	[tilespmem:$0x1E800] =	vst v63  }
0x55: {  	_ =	swait.ge [sflag:s19], $0x4000  }
0x56: {  	[sflag:s19] =	ssyncset.done $0x0  }
0x57: {  	s26 =	sadd.s32 $0x2800, s25;
	[sflag:s19] =	ssyncadd.s32 $0xFFFFC000  }
0x58: {  	[spmem:s2] =	stream.indirect.scatter.add.f32 [tilespmem:s17], [sflag:$0x3], $0x80, s26, s16, $0xb8;
	[tilespmem:$0x1E800] =	vst v63  }
0x59: {  	_ =	swait.ge [sflag:s20], $0x4000  }
0x5a: {  	[sflag:s20] =	ssyncset.done $0x0  }
0x5b: {  	[sflag:s20] =	ssyncadd.s32 $0xFFFFC000  }
0x5c: {  	_ =	swait.ge [sflag:s21], $0x4000  }
0x5d: {  	[sflag:s21] =	ssyncset.done $0x0  }
0x5e: {  	[sflag:s21] =	ssyncadd.s32 $0xFFFFC000  }
0x5f: {  	[spmem:s2] =	stream.indirect.scatter.add.f32 [tilespmem:s18], [sflag:$0x4], $0x80, s23, s16, $0xb8;
	[tilespmem:$0x1E800] =	vst v63  }
0x60: {  	_ =	swait.ge [sflag:s22], $0x4000  }
0x61: {  	[sflag:s22] =	ssyncset.done $0x0  }
0x62: {  	[sflag:s22] =	ssyncadd.s32 $0xFFFFC000  }
0x63: {  	[tilespmem:s3], [sflag:$0x5] =	stream.linear.gather [hbm4b:s9+s3], $0x1400, $0x38;
	[tilespmem:$0x1E800] =	vst v63  }
0x64: {  	_ =	swait.ge [sflag:s14], $0x1400  }
0x65: {  	[sflag:s14] =	ssyncset.done $0x0  }
0x66: {  	[sflag:s14] =	ssyncadd.s32 $0xFFFFEC00  }
0x67: {  	[tilespmem:s15], [sflag:$0x5] =	stream.linear.gather [hbm4b:s10+s3], $0x1400, $0x38;
	[tilespmem:$0x1E800] =	vst v63  }
0x68: {  	_ =	swait.ge [sflag:s14], $0x1400  }
0x69: {  	[sflag:s14] =	ssyncset.done $0x0  }
0x6a: {  	[sflag:s14] =	ssyncadd.s32 $0xFFFFEC00  }
0x6b: {  	[tilespmem:s17], [sflag:$0x1] =	stream.indirect.gather [hbm4b:s4+s16], $0x80, s3, s16, $0xb8;
	[tilespmem:$0x1E800] =	vst v63  }
0x6c: {  	_ = 	snop  }
0x6d: {  	[tilespmem:s18], [sflag:$0x2] =	stream.indirect.gather [hbm4b:s4+s16], $0x80, s16, s16, $0xb8;
	[tilespmem:$0x1E800] =	vst v63  }
0x6e: {  	_ =	swait.ge [sflag:s19], $0x4000  }
0x6f: {  	[sflag:s19] =	ssyncset.done $0x0  }
0x70: {  	[sflag:s19] =	ssyncadd.s32 $0xFFFFC000  }
0x71: {  	[spmem:s2] =	stream.indirect.scatter.add.f32 [tilespmem:s17], [sflag:$0x3], $0x80, s15, s16, $0xb8;
	[tilespmem:$0x1E800] =	vst v63  }
0x72: {  	_ =	swait.ge [sflag:s20], $0x4000  }
0x73: {  	[sflag:s20] =	ssyncset.done $0x0  }
0x74: {  	s28 =	simm.s32 $0x100;
	[sflag:s20] =	ssyncadd.s32 $0xFFFFC000  }
0x75: {  	[tilespmem:s17], [sflag:$0x1] =	stream.indirect.gather [hbm4b:s4+s16], $0x80, s28, s16, $0xb8;
	[tilespmem:$0x1E800] =	vst v63  }
0x76: {  	_ =	swait.ge [sflag:s21], $0x4000  }
0x77: {  	[sflag:s21] =	ssyncset.done $0x0  }
0x78: {  	s29 =	simm.s32 $0x1480;
	[sflag:s21] =	ssyncadd.s32 $0xFFFFC000  }
0x79: {  	[spmem:s2] =	stream.indirect.scatter.add.f32 [tilespmem:s18], [sflag:$0x4], $0x80, s29, s16, $0xb8;
	[tilespmem:$0x1E800] =	vst v63  }
0x7a: {  	_ =	swait.ge [sflag:s22], $0x4000  }
0x7b: {  	[sflag:s22] =	ssyncset.done $0x0  }
0x7c: {  	s30 =	simm.s32 $0x180;
	[sflag:s22] =	ssyncadd.s32 $0xFFFFC000  }
0x7d: {  	[tilespmem:s18], [sflag:$0x2] =	stream.indirect.gather [hbm4b:s4+s16], $0x80, s30, s16, $0xb8;
	[tilespmem:$0x1E800] =	vst v63  }
0x7e: {  	_ =	swait.ge [sflag:s19], $0x4000  }
0x7f: {  	[sflag:s19] =	ssyncset.done $0x0  }
0x80: {  	s31 =	simm.s32 $0x1500;
	[sflag:s19] =	ssyncadd.s32 $0xFFFFC000  }
0x81: {  	[spmem:s2] =	stream.indirect.scatter.add.f32 [tilespmem:s17], [sflag:$0x3], $0x80, s31, s16, $0xb8;
	[tilespmem:$0x1E800] =	vst v63  }
0x82: {  	_ =	swait.ge [sflag:s20], $0x4000  }
0x83: {  	s25 =	simm.s32 $0xFFFFEE00;
	s26 =	simm.s32 $0xFFFFBC00;
	[sflag:s20] =	ssyncset.done $0x0  }
.LBB2_4:
0x84: {  	s28 =	sadd.s32 $0x1400, s25  }
0x85: {  	[sflag:s20] =	ssyncadd.s32 $0xFFFFC000;
	s29 =	smov.u32 s26;
	s30 =	sadd.s32 $0x400, s26  }
0x86: {  	[tilespmem:s17], [sflag:$0x1] =	stream.indirect.gather [hbm4b:s4+s16], $0x80, s28, s16, $0xb8;
	[tilespmem:$0x1E800] =	vst v63  }
0x87: {  	p0 =	sne.s32 s26, $0xFFFFFC00;
	_ =	swait.ge [sflag:s21], $0x4000  }
0x88: {  	[sflag:s21] =	ssyncset.done $0x0  }
0x89: {  	s26 =	sadd.s32 $0x2780, s25;
	[sflag:s21] =	ssyncadd.s32 $0xFFFFC000  }
0x8a: {  	[spmem:s2] =	stream.indirect.scatter.add.f32 [tilespmem:s18], [sflag:$0x4], $0x80, s26, s16, $0xb8;
	[tilespmem:$0x1E800] =	vst v63  }
0x8b: {  	_ =	swait.ge [sflag:s22], $0x4000  }
0x8c: {  	[sflag:s22] =	ssyncset.done $0x0  }
0x8d: {  	s26 =	sadd.s32 $0x1480, s25;
	[sflag:s22] =	ssyncadd.s32 $0xFFFFC000  }
0x8e: {  	[tilespmem:s18], [sflag:$0x2] =	stream.indirect.gather [hbm4b:s4+s16], $0x80, s26, s16, $0xb8;
	[tilespmem:$0x1E800] =	vst v63  }
0x8f: {  	_ =	swait.ge [sflag:s19], $0x4000  }
.Ltmp1:
0x90: {  	[sflag:s19] =	ssyncset.done $0x0;
	(pc) =	sbr.rel @p0 .LBB2_4-.Ltmp1, $4  }
0x91: {  	s25 =	sadd.s32 $0x2800, s25;
	[sflag:s19] =	ssyncadd.s32 $0xFFFFC000  }
0x92: {  	[spmem:s2] =	stream.indirect.scatter.add.f32 [tilespmem:s17], [sflag:$0x3], $0x80, s25, s16, $0xb8;
	[tilespmem:$0x1E800] =	vst v63  }
0x93: {  	_ =	swait.ge [sflag:s20], $0x4000  }
0x94: {  	s26 =	smov.u32 s30;
	s25 =	sshra.s32 s29, $0x2;
	[sflag:s20] =	ssyncset.done $0x0  }
0x95: {  	s26 =	sadd.s32 $0x1400, s25;
	[sflag:s20] =	ssyncadd.s32 $0xFFFFC000  }
0x96: {  	[tilespmem:s17], [sflag:$0x1] =	stream.indirect.gather [hbm4b:s4+s16], $0x80, s26, s16, $0xb8;
	[tilespmem:$0x1E800] =	vst v63  }
0x97: {  	_ =	swait.ge [sflag:s21], $0x4000  }
0x98: {  	[sflag:s21] =	ssyncset.done $0x0  }
0x99: {  	s29 =	sadd.s32 $0x2780, s25;
	[sflag:s21] =	ssyncadd.s32 $0xFFFFC000  }
0x9a: {  	[spmem:s2] =	stream.indirect.scatter.add.f32 [tilespmem:s18], [sflag:$0x4], $0x80, s29, s16, $0xb8;
	[tilespmem:$0x1E800] =	vst v63  }
0x9b: {  	_ =	swait.ge [sflag:s22], $0x4000  }
0x9c: {  	[sflag:s22] =	ssyncset.done $0x0  }
0x9d: {  	s30 =	sadd.s32 $0x1480, s25;
	[sflag:s22] =	ssyncadd.s32 $0xFFFFC000  }
0x9e: {  	[tilespmem:s18], [sflag:$0x2] =	stream.indirect.gather [hbm4b:s4+s16], $0x80, s30, s16, $0xb8;
	[tilespmem:$0x1E800] =	vst v63  }
0x9f: {  	_ =	swait.ge [sflag:s19], $0x4000  }
0xa0: {  	[sflag:s19] =	ssyncset.done $0x0  }
0xa1: {  	s31 =	sadd.s32 $0x2800, s25;
	[sflag:s19] =	ssyncadd.s32 $0xFFFFC000  }
0xa2: {  	[spmem:s2] =	stream.indirect.scatter.add.f32 [tilespmem:s17], [sflag:$0x3], $0x80, s31, s16, $0xb8;
	[tilespmem:$0x1E800] =	vst v63  }
0xa3: {  	_ =	swait.ge [sflag:s20], $0x4000  }
0xa4: {  	[sflag:s20] =	ssyncset.done $0x0  }
0xa5: {  	[sflag:s20] =	ssyncadd.s32 $0xFFFFC000  }
0xa6: {  	_ =	swait.ge [sflag:s21], $0x4000  }
0xa7: {  	[sflag:s21] =	ssyncset.done $0x0  }
0xa8: {  	[sflag:s21] =	ssyncadd.s32 $0xFFFFC000  }
0xa9: {  	[spmem:s2] =	stream.indirect.scatter.add.f32 [tilespmem:s18], [sflag:$0x4], $0x80, s23, s16, $0xb8;
	[tilespmem:$0x1E800] =	vst v63  }
0xaa: {  	_ =	swait.ge [sflag:s22], $0x4000  }
0xab: {  	s24 =	sadd.s32 $0x1, s24;
	[sflag:s22] =	ssyncset.done $0x0  }
0xac: {  	p0 =	sne.s32 s24, s12;
	[sflag:s22] =	ssyncadd.s32 $0xFFFFC000  }
.Ltmp2:
0xad: {  	[bflag:$0x0] =	sbarrier.arrive $0xFFFF;
	(pc) =	sbr.rel @p0 .LBB2_1-.Ltmp2, $4  }
0xae: {  	[hbm:s11], [sflag:s6] =	dma.local [spmem:s13], $0x2800  }
0xaf: {  	_ =	swait.ge [sflag:s14], $0x2800  }
0xb0: {  	[sflag:s14] =	ssyncset.done $0x0  }
0xb1: {  	[sflag:s14] =	ssyncadd.s32 $0xFFFFD800  }
0xb2: {  	_ =	sfence.sel $0x180000  }
0xb3: {  	[bflag:$0x0] =	sbarrier.arrive $0xFFFF  }
0xb4: {  	p0 =	sne.s32 s1, $0x0;
	_ =	strace $0x9000004D  }
0xb5: {  	s0 =	sadd.s32 @!p0 $0x100000, s0;
	[bflag:$0x2] =	sbarrier.arrive $0xFFFF  }
0xb6: {  	[sflag:s0] =	ssyncadd.tile.s32 @!p0 $0x1;
	_ =	shalt  }
.Lfunc_end2:
_tile_overlayer_lowered:
.L_overlay_start_2:
0xb7: {  	(tag) =	ssettag $0x2  }
0xb8: {  	s0 =	rddreg [dreg:$0x0];
	s2 =	stileid.u32  }
0xb9: {  	s1 =	rddreg [dreg:$0x1];
	p0 =	sne.s32 s2, $0x0  }
0xba: {  	s3 =	rddreg [dreg:$0x2];
	[bflag:$0x3] =	sbarrier.arrive $0xFFFF;
	s2 =	simm.s32 @!p0 $0x1C05  }
0xbb: {  	[timem:s3], [sflag:s2] =	dma.local @!p0 [hbm:s0], s1  }
0xbc: {  	s0 =	simm.s32 @!p0 $0x5  }
0xbd: {  	_ =	swait.ge @!p0 [sflag:s0], s1  }
0xbe: {  	s1 =	ssub.s32 @!p0 $0x0, s1;
	[sflag:s0] =	ssyncset.done @!p0 $0x0  }
0xbf: {  	[sflag:s0] =	ssyncadd.s32 @!p0 s1  }
0xc0: {  	[bflag:$0x3] =	sbarrier.arrive $0xFFFF  }
0xc1: {  	_ =	shalt  }

// kernel: kernel.25.cloned.1.call-start
scs
__scs_entry_jumppad:
0x0: {  	(pc) =	sbr.rel $0x88, $3  }
0x1: {  	(tag) =	ssettag $0x0;
	lr =	simm.s32 $0x1  }
0x2: {  	[smem:$0x3F99] =	sst lr;
	_ =	strace $0xD0000000  }
0x3: {  	_ = 	snop  }
0x4: {  	_ = 	snop  }
0x5: {  	_ = 	snop  }
0x6: {  	_ = 	snop  }
0x7: {  	_ = 	snop  }
__scs_overlays_trampoline_lowered:
0x8: {  	[smem:$0x3FA8] =	sst s0  }
0x9: {  	[smem:$0x3FA9] =	sst s1  }
0xa: {  	[smem:$0x3FAA] =	sst s2  }
0xb: {  	[smem:$0x3FAB] =	sst s3  }
0xc: {  	[smem:$0x3FAC] =	sst s4  }
0xd: {  	[smem:$0x3FAD] =	sst s5  }
0xe: {  	[smem:$0x3FAE] =	sst s6  }
0xf: {  	[smem:$0x3FAF] =	sst s7  }
0x10: {  	[smem:$0x3FB0] =	sst s8  }
0x11: {  	[smem:$0x3FB1] =	sst s9;
	s0 =	simm.s32 @!p0 $0x0  }
0x12: {  	s1 =	sld [smem:$0x3F97];
	s0 =	simm.s32 @p0 $0x1  }
0x13: {  	[smem:$0x3FB2] =	sst s0;
	s0 =	simm.s32 @!p1 $0x0  }
0x14: {  	s2 =	sld [smem:$0x3F96];
	s0 =	simm.s32 @p1 $0x1  }
0x15: {  	[smem:$0x3FB3] =	sst s0;
	s0 =	simm.s32 @!p2 $0x0  }
0x16: {  	s3 =	sld [smem:$0x3FDB];
	s0 =	simm.s32 @p2 $0x1  }
0x17: {  	s4 =	simm.s32 $0x1BF5;
	[smem:$0x3FB5] =	sst s0  }
0x18: {  	s0 =	sld [smem:$0x3F98];
	_ =	swait.ge [sflag:s4], $0x0  }
0x19: {  	s7 =	sld [smem:$0x3F99]  }
0x1a: {  	s8 =	sadd.s32 $0xFFFFE003, lr  }
0x1b: {  	s9 =	sadd.s32 $0xFFFFFEF7, lr;
	s5 =	simm.s32 $0xFFFFFFFF;
	p2 =	slt.u32 s8, $0xFFFFF086  }
0x1c: {  	p1 =	slt.u32 s9, $0xF7A;
	s5 =	simm.s32 @!p2 $0x0  }
0x1d: {  	s5 =	simm.s32 @p1 $0x1;
	p0 =	seq.s32 s7, s2  }
0x1e: {  	s7 =	smul.u32 @!p0 $0xF7A, s2;
	p2 =	seq.s32 @!p0 s5, $0x0  }
0x1f: {  	s9 =	smul.u32 $0xF7A, s1;
	s8 =	simm.s32 @!p0 $0x1BF5;
	p2 =	por !p2, p0  }
0x20: {  	[sflag:s8] =	ssyncset.s32 @!p0 $0xFFFFF086;
	s6 =	sadd.s32 @!p0 s3, s7;
	s7 =	simm.s32 @!p0 $0x108  }
0x21: {  	s3 =	sadd.s32 s3, s9;
	s6 =	sadd.s32 @!p0 $0x88, s6;
	s7 =	simm.s32 @p2 $0x1082  }
0x22: {  	[simem:s7], [sflag:s8] =	dma.local @!p0 [hbm:s6], $0xF7A  }
0x23: {  	s9 =	sor.u32 $0xD0000000, s2;
	s6 =	simm.s32 $0x108;
	_ =	swait.ge @!p0 [sflag:s8], $0x0  }
0x24: {  	s3 =	sadd.s32 $0x88, s3;
	s6 =	simm.s32 @!p1 $0x1082;
	[sflag:s4] =	ssyncset.s32 $0xFFFFF086  }
0x25: {  	[simem:s6], [sflag:s4] =	dma.local [hbm:s3], $0xF7A  }
0x26: {  	[smem:$0x3F99] =	sst s1;
	(tag) =	ssettag s2;
	_ =	strace s9  }
0x27: {  	s1 =	sld [smem:$0x3FA9]  }
0x28: {  	s2 =	sld [smem:$0x3FAA]  }
0x29: {  	s4 =	sld [smem:$0x3FAC]  }
0x2a: {  	p0 =	seq.s32 s5, $0x0;
	s5 =	sld [smem:$0x3FAD]  }
0x2b: {  	s6 =	sld [smem:$0x3FAE]  }
0x2c: {  	s7 =	sld [smem:$0x3FAF]  }
0x2d: {  	s3 =	simm.s32 $0x108;
	s8 =	sld [smem:$0x3FB0]  }
0x2e: {  	s3 =	simm.s32 @!p0 $0x1082;
	s9 =	sld [smem:$0x3FB1]  }
0x2f: {  	lr =	sadd.s32 s0, s3;
	s0 =	sld [smem:$0x3FA8]  }
0x30: {  	s3 =	sld [smem:$0x3FAB]  }
0x31: {  	[smem:$0x3FB4] =	sst s10  }
0x32: {  	s10 =	sld [smem:$0x3FB2];
	_ =	sdelay $0x3  }
0x33: {  	p0 =	seq.s32 s10, $0x1;
	s10 =	sld [smem:$0x3FB4];
	_ =	sdelay $0x3  }
0x34: {  	[smem:$0x3FB4] =	sst s10  }
0x35: {  	s10 =	sld [smem:$0x3FB3];
	_ =	sdelay $0x3  }
0x36: {  	p1 =	seq.s32 s10, $0x1;
	s10 =	sld [smem:$0x3FB4];
	_ =	sdelay $0x3  }
0x37: {  	[smem:$0x3FB4] =	sst s10  }
0x38: {  	s10 =	sld [smem:$0x3FB5]  }
0x39: {  	_ = 	snop;
	(pc) =	sbr.ind lr, $3  }
0x3a: {  	_ = 	snop  }
0x3b: {  	_ = 	snop  }
0x3c: {  	p2 =	seq.s32 s10, $0x1;
	s10 =	sld [smem:$0x3FB4]  }
0x3d: {  	_ =	shalt  }
0x3e: {  	_ =	shalt  }
0x3f: {  	_ =	shalt  }
0x40: {  	_ =	shalt  }
0x41: {  	_ =	shalt  }
0x42: {  	_ =	shalt  }
0x43: {  	_ =	shalt  }
0x44: {  	_ =	shalt  }
0x45: {  	_ =	shalt  }
0x46: {  	_ =	shalt  }
0x47: {  	_ =	shalt  }
0x48: {  	_ =	shalt  }
0x49: {  	_ =	shalt  }
0x4a: {  	_ =	shalt  }
0x4b: {  	_ =	shalt  }
0x4c: {  	_ =	shalt  }
0x4d: {  	_ =	shalt  }
0x4e: {  	_ =	shalt  }
0x4f: {  	_ =	shalt  }
0x50: {  	_ =	shalt  }
0x51: {  	_ =	shalt  }
0x52: {  	_ =	shalt  }
0x53: {  	_ =	shalt  }
0x54: {  	_ =	shalt  }
0x55: {  	_ =	shalt  }
0x56: {  	_ =	shalt  }
0x57: {  	_ =	shalt  }
0x58: {  	_ =	shalt  }
0x59: {  	_ =	shalt  }
0x5a: {  	_ =	shalt  }
0x5b: {  	_ =	shalt  }
0x5c: {  	_ =	shalt  }
0x5d: {  	_ =	shalt  }
0x5e: {  	_ =	shalt  }
0x5f: {  	_ =	shalt  }
0x60: {  	_ =	shalt  }
0x61: {  	_ =	shalt  }
0x62: {  	_ =	shalt  }
0x63: {  	_ =	shalt  }
0x64: {  	_ =	shalt  }
0x65: {  	_ =	shalt  }
0x66: {  	_ =	shalt  }
0x67: {  	_ =	shalt  }
0x68: {  	_ =	shalt  }
0x69: {  	_ =	shalt  }
0x6a: {  	_ =	shalt  }
0x6b: {  	_ =	shalt  }
0x6c: {  	_ =	shalt  }
0x6d: {  	_ =	shalt  }
0x6e: {  	_ =	shalt  }
0x6f: {  	_ =	shalt  }
0x70: {  	_ =	shalt  }
0x71: {  	_ =	shalt  }
0x72: {  	_ =	shalt  }
0x73: {  	_ =	shalt  }
0x74: {  	_ =	shalt  }
0x75: {  	_ =	shalt  }
0x76: {  	_ =	shalt  }
0x77: {  	_ =	shalt  }
0x78: {  	_ =	shalt  }
0x79: {  	_ =	shalt  }
0x7a: {  	_ =	shalt  }
0x7b: {  	_ =	shalt  }
0x7c: {  	_ =	shalt  }
0x7d: {  	_ =	shalt  }
0x7e: {  	_ =	shalt  }
0x7f: {  	_ =	shalt  }
0x80: {  	_ =	shalt  }
0x81: {  	_ =	shalt  }
0x82: {  	_ =	shalt  }
0x83: {  	_ =	shalt  }
0x84: {  	_ =	shalt  }
0x85: {  	_ =	shalt  }
0x86: {  	_ =	shalt  }
0x87: {  	_ =	shalt  }
.Lfunc_end0:
.L_simem_size_0:
called_computation.3_lowered:
.L_overlay_start_0:
0x88: {  	s2 =	sld [smem:$0x3FD9]  }
0x89: {  	s3 =	sld [smem:$0x3FFE];
	_ =	sdelay $0x1  }
0x8a: {  	s1 =	srdreg.scid  }
0x8b: {  	s0 =	sand.u32 $0x1, s1  }
0x8c: {  	s17 =	sshll.u32 s0, $0xA;
	s2 =	sadd.s32 s3, s2  }
0x8d: {  	s2 =	sadd.s32 s2, s17  }
0x8e: {  	[smem:$0x3FC0] =	sst s2  }
0x8f: {  	_ = 	snop  }
0x90: {  	s2 =	sld [smem:$0x3FD0];
	(tm) =	ssettm $0x1  }
0x91: {  	s18 =	sld [smem:$0x3FFB];
	_ =	sdelay $0x3  }
0x92: {  	_ =	strace s18  }
0x93: {  	s3 =	sld [smem:$0x3FFC];
	_ =	sdelay $0x3  }
0x94: {  	_ =	strace s3  }
0x95: {  	s3 =	sld [smem:$0x3FFD];
	_ =	sdelay $0x3  }
0x96: {  	_ =	strace s3  }
0x97: {  	_ =	strace $0x8FFFFFFF  }
0x98: {  	s19 =	sld [smem:$0x3FDB];
	_ =	sdelay $0x1  }
0x99: {  	s4 =	simm.s32 $_scs_section_size  }
0x9a: {  	s5 =	simm.s32 $_size__tile_overlayer_lowered;
	s6 =	simm.s32 $_tile_overlayer_lowered  }
0x9b: {  	s22 =	simm.s32 $0x1BFF;
	s21 =	sshll.u32 s6, $0x1;
	s3 =	sadd.s32 s4, s19  }
0x9c: {  	s7 =	simm.s32 $0x0;
	s20 =	sshll.u32 s5, $0x1;
	s5 =	sadd.s32 s21, s3  }
0x9d: {  	[timem:s7], [sflag:s22] =	dma.local [hbm:s5], s20  }
0x9e: {  	_ =	swait.ge [sflag:s22], s20  }
0x9f: {  	s4 =	ssub.s32 $0x0, s20;
	[sflag:s22] =	ssyncset.done $0x0  }
0xa0: {  	[sflag:s22] =	ssyncadd.s32 s4;
	_ =	sdelay $0x1  }
0xa1: {  	s23 =	simm.s32 $0x1B8B  }
0xa2: {  	_ =	swait.ge [sflag:s23], $0x1  }
0xa3: {  	[sflag:s23] =	ssyncset.done $0x0  }
0xa4: {  	s25 =	simm.s32 $0x1B8E;
	s24 =	sld [smem:$0x3FFE];
	[sflag:s23] =	ssyncadd.s32 $0xFFFFFFFF  }
0xa5: {  	s26 =	simm.s32 $execute0_lowered;
	[smem:$0x3FD2] =	sst s25  }
0xa6: {  	s5 =	sshll.u32 s26, $0x1;
	_ =	strace $0x8000004F;
	[dreg:$0x1] =	wrdreg $0xFFFFFFFF  }
0xa7: {  	s28 =	simm.s32 $_size_execute0_lowered;
	s3 =	sadd.s32 s3, s5;
	[dreg:$0x0] =	wrdreg $0x0  }
0xa8: {  	s5 =	sshll.u32 s28, $0x1;
	[dreg:$0x2] =	wrdreg s3  }
0xa9: {  	[dreg:$0x3] =	wrdreg s5  }
0xaa: {  	[dreg:$0x4] =	wrdreg $0xC0  }
0xab: {  	_ =	task [dreg:s7], $0x5FFFF  }
0xac: {  	[dreg:$0x1] =	wrdreg $0xFFFFFFFF  }
0xad: {  	[dreg:$0x0] =	wrdreg $0x60  }
0xae: {  	[dreg:$0x2] =	wrdreg s24  }
0xaf: {  	[dreg:$0x3] =	wrdreg s2  }
0xb0: {  	[dreg:$0x4] =	wrdreg $0xA8000  }
0xb1: {  	[dreg:$0x5] =	wrdreg $0x9  }
0xb2: {  	_ =	task.clear_ibuf [dreg:s7], $0x6FFFF;
	_ =	strace $0x9000004F  }
0xb3: {  	s29 =	simm.s32 $0x9;
	_ =	strace $0x80000051  }
0xb4: {  	_ =	swait.ge [sflag:s29], $0x1  }
0xb5: {  	[sflag:s29] =	ssyncadd.s32 $0xFFFFFFFF  }
0xb6: {  	_ =	strace $0x90000051  }
0xb7: {  	_ =	sfence  }
0xb8: {  	s30 =	sld [smem:$0x0];
	_ =	sdelay $0x2  }
0xb9: {  	s31 =	sshll.u32 s1, $0xD;
	s1 =	sshrl.u32 s1, $0x2  }
0xba: {  	s3 =	sand.u32 $0x4000, s31;
	s1 =	sadd.s32 s1, s30  }
0xbb: {  	s0 =	sor.u32 s3, s0;
	s1 =	sshll.u32 s1, $0x11  }
0xbc: {  	s0 =	sor.u32 s1, s0  }
0xbd: {  	s0 =	sadd.s32 $0x8F2B, s0  }
0xbe: {  	[sflag:s0] =	ssyncadd.remote.s32 $0x1  }
0xbf: {  	_ =	sfence.sel $0xFFFF  }
0xc0: {  	[dreg:$0x0] =	wrdreg $0xFFFFFFFF;
	(pc) =	sbr.abs _section_cstart, $3  }
0xc1: {  	[dreg:$0x1] =	wrdreg $0xFFFFFFFF  }
0xc2: {  	_ =	task.clear_ibuf [dreg:s7], $0x2FFFF;
	_ =	strace $0x9FFFFFFF  }
0xc3: {  	(tm) =	ssettm $0x7FFFFFFF  }
tec
execute0_lowered:
.L_overlay_start_1:
0x0: {  	(tag) =	ssettag $0x1  }
0x1: {  	s5 =	rddreg [dreg:$0x0]  }
0x2: {  	s10 =	rddreg [dreg:$0x1]  }
0x3: {  	s2 =	rddreg [dreg:$0x2]  }
0x4: {  	s0 =	rddreg [dreg:$0x3];
	s4 =	srdreg.scid  }
0x5: {  	s1 =	stileid.u32;
	s3 =	simm.s32 $0x0;
	s15 =	simm.s32 $0x1400  }
0x6: {  	s16 =	simm.s32 $0x80;
	s17 =	simm.s32 $0x2800;
	s18 =	simm.s32 $0x6800  }
0x7: {  	s19 =	simm.s32 $0x1;
	s20 =	simm.s32 $0x3;
	s21 =	simm.s32 $0x2  }
0x8: {  	s22 =	simm.s32 $0x4;
	s23 =	simm.s32 $0x2780;
	s24 =	simm.s32 $0x0  }
0x9: {  	s6 =	sand.u32 $0x1, s4;
	s7 =	smul.u32 $0x14000, s1;
	[smem:$0x7FF] =	sst s3  }
0xa: {  	s9 =	sadd.s32 $0x5600, s5;
	s4 =	sadd.s32 $0xF600, s5;
	s11 =	smul.u32 $0x50000, s1  }
0xb: {  	s12 =	sshll.u32 s1, $0x1;
	s29 =	sshll.u32 s1, $0x6;
	s8 =	smul.u32 $0x140000, s6  }
0xc: {  	_ =	strace $0x80000050;
	s13 =	ssub.s32 $0x2, s6;
	s6 =	sor.u32 s6, s12  }
0xd: {  	s25 =	sshrl.u32 s13, $0x1;
	s11 =	sshrl.u32 s11, $0x2;
	s6 =	smul.u32 $0x2800, s6  }
0xe: {  	s28 =	sshrl.u32 s7, $0x3;
	s8 =	sadd.s32 s7, s8;
	s12 =	ssub.s32 s13, s25  }
0xf: {  	s26 =	sadd.s32 s11, s2;
	s8 =	sshrl.u32 s8, $0x3;
	s30 =	sshrl.u32 s6, $0x3  }
0x10: {  	s6 =	sor.u32 $0x1C05, s29;
	s12 =	smax.u32 s12, $0x1;
	s13 =	sshrl.u32 s26, $0x3  }
0x11: {  	s14 =	sadd.s32 s8, s5;
	s5 =	sadd.s32 s4, s28;
	s31 =	sadd.s32 $0x280, s30  }
0x12: {  	s7 =	sadd.s32 s9, s30;
	s8 =	sadd.s32 s10, s30;
	s9 =	sadd.s32 s9, s31  }
0x13: {  	s10 =	sadd.s32 s10, s31;
	s11 =	sadd.s32 $0x5F600, s14;
	s14 =	simm.s32 $0x5  }
.LBB2_1:
0x14: {  	[spmem:s13], [sflag:s6] =	dma.local [hbm:s5], $0x2800  }
0x15: {  	_ =	swait.ge [sflag:s14], $0x2800  }
0x16: {  	[sflag:s14] =	ssyncset.done $0x0  }
0x17: {  	[sflag:s14] =	ssyncadd.s32 $0xFFFFD800  }
0x18: {  	[bflag:$0x0] =	sbarrier.arrive $0xFFFF  }
0x19: {  	[tilespmem:s3], [sflag:$0x5] =	stream.linear.gather [hbm4b:s7+s3], $0x1400, $0x38;
	[tilespmem:$0x1E800] =	vst v63  }
0x1a: {  	_ =	swait.ge [sflag:s14], $0x1400  }
0x1b: {  	[sflag:s14] =	ssyncset.done $0x0  }
0x1c: {  	[sflag:s14] =	ssyncadd.s32 $0xFFFFEC00  }
0x1d: {  	[tilespmem:s15], [sflag:$0x5] =	stream.linear.gather [hbm4b:s8+s3], $0x1400, $0x38;
	[tilespmem:$0x1E800] =	vst v63  }
0x1e: {  	_ =	swait.ge [sflag:s14], $0x1400  }
0x1f: {  	[sflag:s14] =	ssyncset.done $0x0  }
0x20: {  	[sflag:s14] =	ssyncadd.s32 $0xFFFFEC00  }
0x21: {  	[tilespmem:s17], [sflag:$0x1] =	stream.indirect.gather [hbm4b:s4+s16], $0x80, s3, s16, $0xb8;
	[tilespmem:$0x1E800] =	vst v63  }
0x22: {  	_ = 	snop  }
0x23: {  	[tilespmem:s18], [sflag:$0x2] =	stream.indirect.gather [hbm4b:s4+s16], $0x80, s16, s16, $0xb8;
	[tilespmem:$0x1E800] =	vst v63  }
0x24: {  	_ =	swait.ge [sflag:s19], $0x4000  }
0x25: {  	[sflag:s19] =	ssyncset.done $0x0  }
0x26: {  	[sflag:s19] =	ssyncadd.s32 $0xFFFFC000  }
0x27: {  	[spmem:s2] =	stream.indirect.scatter.add.f32 [tilespmem:s17], [sflag:$0x3], $0x80, s15, s16, $0xb8;
	[tilespmem:$0x1E800] =	vst v63  }
0x28: {  	_ =	swait.ge [sflag:s20], $0x4000  }
0x29: {  	[sflag:s20] =	ssyncset.done $0x0  }
0x2a: {  	s25 =	simm.s32 $0x100;
	[sflag:s20] =	ssyncadd.s32 $0xFFFFC000  }
0x2b: {  	[tilespmem:s17], [sflag:$0x1] =	stream.indirect.gather [hbm4b:s4+s16], $0x80, s25, s16, $0xb8;
	[tilespmem:$0x1E800] =	vst v63  }
0x2c: {  	_ =	swait.ge [sflag:s21], $0x4000  }
0x2d: {  	[sflag:s21] =	ssyncset.done $0x0  }
0x2e: {  	s29 =	simm.s32 $0x1480;
	[sflag:s21] =	ssyncadd.s32 $0xFFFFC000  }
0x2f: {  	[spmem:s2] =	stream.indirect.scatter.add.f32 [tilespmem:s18], [sflag:$0x4], $0x80, s29, s16, $0xb8;
	[tilespmem:$0x1E800] =	vst v63  }
0x30: {  	_ =	swait.ge [sflag:s22], $0x4000  }
0x31: {  	[sflag:s22] =	ssyncset.done $0x0  }
0x32: {  	s30 =	simm.s32 $0x180;
	[sflag:s22] =	ssyncadd.s32 $0xFFFFC000  }
0x33: {  	[tilespmem:s18], [sflag:$0x2] =	stream.indirect.gather [hbm4b:s4+s16], $0x80, s30, s16, $0xb8;
	[tilespmem:$0x1E800] =	vst v63  }
0x34: {  	_ =	swait.ge [sflag:s19], $0x4000  }
0x35: {  	[sflag:s19] =	ssyncset.done $0x0  }
0x36: {  	s31 =	simm.s32 $0x1500;
	[sflag:s19] =	ssyncadd.s32 $0xFFFFC000  }
0x37: {  	[spmem:s2] =	stream.indirect.scatter.add.f32 [tilespmem:s17], [sflag:$0x3], $0x80, s31, s16, $0xb8;
	[tilespmem:$0x1E800] =	vst v63  }
0x38: {  	_ =	swait.ge [sflag:s20], $0x4000  }
0x39: {  	s26 =	simm.s32 $0xFFFFBC00;
	s25 =	simm.s32 $0xFFFFEE00;
	[sflag:s20] =	ssyncset.done $0x0  }
.LBB2_2:
0x3a: {  	s28 =	sadd.s32 $0x1400, s25  }
0x3b: {  	[sflag:s20] =	ssyncadd.s32 $0xFFFFC000;
	s29 =	smov.u32 s26;
	s30 =	sadd.s32 $0x400, s26  }
0x3c: {  	[tilespmem:s17], [sflag:$0x1] =	stream.indirect.gather [hbm4b:s4+s16], $0x80, s28, s16, $0xb8;
	[tilespmem:$0x1E800] =	vst v63  }
0x3d: {  	p0 =	sne.s32 s26, $0xFFFFFC00;
	_ =	swait.ge [sflag:s21], $0x4000  }
0x3e: {  	[sflag:s21] =	ssyncset.done $0x0  }
0x3f: {  	s26 =	sadd.s32 $0x2780, s25;
	[sflag:s21] =	ssyncadd.s32 $0xFFFFC000  }
0x40: {  	[spmem:s2] =	stream.indirect.scatter.add.f32 [tilespmem:s18], [sflag:$0x4], $0x80, s26, s16, $0xb8;
	[tilespmem:$0x1E800] =	vst v63  }
0x41: {  	_ =	swait.ge [sflag:s22], $0x4000  }
0x42: {  	[sflag:s22] =	ssyncset.done $0x0  }
0x43: {  	s26 =	sadd.s32 $0x1480, s25;
	[sflag:s22] =	ssyncadd.s32 $0xFFFFC000  }
0x44: {  	[tilespmem:s18], [sflag:$0x2] =	stream.indirect.gather [hbm4b:s4+s16], $0x80, s26, s16, $0xb8;
	[tilespmem:$0x1E800] =	vst v63  }
0x45: {  	_ =	swait.ge [sflag:s19], $0x4000  }
.Ltmp0:
0x46: {  	[sflag:s19] =	ssyncset.done $0x0;
	(pc) =	sbr.rel @p0 .LBB2_2-.Ltmp0, $4  }
0x47: {  	s25 =	sadd.s32 $0x2800, s25;
	[sflag:s19] =	ssyncadd.s32 $0xFFFFC000  }
0x48: {  	[spmem:s2] =	stream.indirect.scatter.add.f32 [tilespmem:s17], [sflag:$0x3], $0x80, s25, s16, $0xb8;
	[tilespmem:$0x1E800] =	vst v63  }
0x49: {  	_ =	swait.ge [sflag:s20], $0x4000  }
0x4a: {  	s26 =	smov.u32 s30;
	s25 =	sshra.s32 s29, $0x2;
	[sflag:s20] =	ssyncset.done $0x0  }
0x4b: {  	s26 =	sadd.s32 $0x1400, s25;
	[sflag:s20] =	ssyncadd.s32 $0xFFFFC000  }
0x4c: {  	[tilespmem:s17], [sflag:$0x1] =	stream.indirect.gather [hbm4b:s4+s16], $0x80, s26, s16, $0xb8;
	[tilespmem:$0x1E800] =	vst v63  }
0x4d: {  	_ =	swait.ge [sflag:s21], $0x4000  }
0x4e: {  	[sflag:s21] =	ssyncset.done $0x0  }
0x4f: {  	s30 =	sadd.s32 $0x2780, s25;
	[sflag:s21] =	ssyncadd.s32 $0xFFFFC000  }
0x50: {  	[spmem:s2] =	stream.indirect.scatter.add.f32 [tilespmem:s18], [sflag:$0x4], $0x80, s30, s16, $0xb8;
	[tilespmem:$0x1E800] =	vst v63  }
0x51: {  	_ =	swait.ge [sflag:s22], $0x4000  }
0x52: {  	[sflag:s22] =	ssyncset.done $0x0  }
0x53: {  	s31 =	sadd.s32 $0x1480, s25;
	[sflag:s22] =	ssyncadd.s32 $0xFFFFC000  }
0x54: {  	[tilespmem:s18], [sflag:$0x2] =	stream.indirect.gather [hbm4b:s4+s16], $0x80, s31, s16, $0xb8;
	[tilespmem:$0x1E800] =	vst v63  }
0x55: {  	_ =	swait.ge [sflag:s19], $0x4000  }
0x56: {  	[sflag:s19] =	ssyncset.done $0x0  }
0x57: {  	s26 =	sadd.s32 $0x2800, s25;
	[sflag:s19] =	ssyncadd.s32 $0xFFFFC000  }
0x58: {  	[spmem:s2] =	stream.indirect.scatter.add.f32 [tilespmem:s17], [sflag:$0x3], $0x80, s26, s16, $0xb8;
	[tilespmem:$0x1E800] =	vst v63  }
0x59: {  	_ =	swait.ge [sflag:s20], $0x4000  }
0x5a: {  	[sflag:s20] =	ssyncset.done $0x0  }
0x5b: {  	[sflag:s20] =	ssyncadd.s32 $0xFFFFC000  }
0x5c: {  	_ =	swait.ge [sflag:s21], $0x4000  }
0x5d: {  	[sflag:s21] =	ssyncset.done $0x0  }
0x5e: {  	[sflag:s21] =	ssyncadd.s32 $0xFFFFC000  }
0x5f: {  	[spmem:s2] =	stream.indirect.scatter.add.f32 [tilespmem:s18], [sflag:$0x4], $0x80, s23, s16, $0xb8;
	[tilespmem:$0x1E800] =	vst v63  }
0x60: {  	_ =	swait.ge [sflag:s22], $0x4000  }
0x61: {  	[sflag:s22] =	ssyncset.done $0x0  }
0x62: {  	[sflag:s22] =	ssyncadd.s32 $0xFFFFC000  }
0x63: {  	[tilespmem:s3], [sflag:$0x5] =	stream.linear.gather [hbm4b:s9+s3], $0x1400, $0x38;
	[tilespmem:$0x1E800] =	vst v63  }
0x64: {  	_ =	swait.ge [sflag:s14], $0x1400  }
0x65: {  	[sflag:s14] =	ssyncset.done $0x0  }
0x66: {  	[sflag:s14] =	ssyncadd.s32 $0xFFFFEC00  }
0x67: {  	[tilespmem:s15], [sflag:$0x5] =	stream.linear.gather [hbm4b:s10+s3], $0x1400, $0x38;
	[tilespmem:$0x1E800] =	vst v63  }
0x68: {  	_ =	swait.ge [sflag:s14], $0x1400  }
0x69: {  	[sflag:s14] =	ssyncset.done $0x0  }
0x6a: {  	[sflag:s14] =	ssyncadd.s32 $0xFFFFEC00  }
0x6b: {  	[tilespmem:s17], [sflag:$0x1] =	stream.indirect.gather [hbm4b:s4+s16], $0x80, s3, s16, $0xb8;
	[tilespmem:$0x1E800] =	vst v63  }
0x6c: {  	_ = 	snop  }
0x6d: {  	[tilespmem:s18], [sflag:$0x2] =	stream.indirect.gather [hbm4b:s4+s16], $0x80, s16, s16, $0xb8;
	[tilespmem:$0x1E800] =	vst v63  }
0x6e: {  	_ =	swait.ge [sflag:s19], $0x4000  }
0x6f: {  	[sflag:s19] =	ssyncset.done $0x0  }
0x70: {  	[sflag:s19] =	ssyncadd.s32 $0xFFFFC000  }
0x71: {  	[spmem:s2] =	stream.indirect.scatter.add.f32 [tilespmem:s17], [sflag:$0x3], $0x80, s15, s16, $0xb8;
	[tilespmem:$0x1E800] =	vst v63  }
0x72: {  	_ =	swait.ge [sflag:s20], $0x4000  }
0x73: {  	[sflag:s20] =	ssyncset.done $0x0  }
0x74: {  	s28 =	simm.s32 $0x100;
	[sflag:s20] =	ssyncadd.s32 $0xFFFFC000  }
0x75: {  	[tilespmem:s17], [sflag:$0x1] =	stream.indirect.gather [hbm4b:s4+s16], $0x80, s28, s16, $0xb8;
	[tilespmem:$0x1E800] =	vst v63  }
0x76: {  	_ =	swait.ge [sflag:s21], $0x4000  }
0x77: {  	[sflag:s21] =	ssyncset.done $0x0  }
0x78: {  	s29 =	simm.s32 $0x1480;
	[sflag:s21] =	ssyncadd.s32 $0xFFFFC000  }
0x79: {  	[spmem:s2] =	stream.indirect.scatter.add.f32 [tilespmem:s18], [sflag:$0x4], $0x80, s29, s16, $0xb8;
	[tilespmem:$0x1E800] =	vst v63  }
0x7a: {  	_ =	swait.ge [sflag:s22], $0x4000  }
0x7b: {  	[sflag:s22] =	ssyncset.done $0x0  }
0x7c: {  	s30 =	simm.s32 $0x180;
	[sflag:s22] =	ssyncadd.s32 $0xFFFFC000  }
0x7d: {  	[tilespmem:s18], [sflag:$0x2] =	stream.indirect.gather [hbm4b:s4+s16], $0x80, s30, s16, $0xb8;
	[tilespmem:$0x1E800] =	vst v63  }
0x7e: {  	_ =	swait.ge [sflag:s19], $0x4000  }
0x7f: {  	[sflag:s19] =	ssyncset.done $0x0  }
0x80: {  	s31 =	simm.s32 $0x1500;
	[sflag:s19] =	ssyncadd.s32 $0xFFFFC000  }
0x81: {  	[spmem:s2] =	stream.indirect.scatter.add.f32 [tilespmem:s17], [sflag:$0x3], $0x80, s31, s16, $0xb8;
	[tilespmem:$0x1E800] =	vst v63  }
0x82: {  	_ =	swait.ge [sflag:s20], $0x4000  }
0x83: {  	s25 =	simm.s32 $0xFFFFEE00;
	s26 =	simm.s32 $0xFFFFBC00;
	[sflag:s20] =	ssyncset.done $0x0  }
.LBB2_4:
0x84: {  	s28 =	sadd.s32 $0x1400, s25  }
0x85: {  	[sflag:s20] =	ssyncadd.s32 $0xFFFFC000;
	s29 =	smov.u32 s26;
	s30 =	sadd.s32 $0x400, s26  }
0x86: {  	[tilespmem:s17], [sflag:$0x1] =	stream.indirect.gather [hbm4b:s4+s16], $0x80, s28, s16, $0xb8;
	[tilespmem:$0x1E800] =	vst v63  }
0x87: {  	p0 =	sne.s32 s26, $0xFFFFFC00;
	_ =	swait.ge [sflag:s21], $0x4000  }
0x88: {  	[sflag:s21] =	ssyncset.done $0x0  }
0x89: {  	s26 =	sadd.s32 $0x2780, s25;
	[sflag:s21] =	ssyncadd.s32 $0xFFFFC000  }
0x8a: {  	[spmem:s2] =	stream.indirect.scatter.add.f32 [tilespmem:s18], [sflag:$0x4], $0x80, s26, s16, $0xb8;
	[tilespmem:$0x1E800] =	vst v63  }
0x8b: {  	_ =	swait.ge [sflag:s22], $0x4000  }
0x8c: {  	[sflag:s22] =	ssyncset.done $0x0  }
0x8d: {  	s26 =	sadd.s32 $0x1480, s25;
	[sflag:s22] =	ssyncadd.s32 $0xFFFFC000  }
0x8e: {  	[tilespmem:s18], [sflag:$0x2] =	stream.indirect.gather [hbm4b:s4+s16], $0x80, s26, s16, $0xb8;
	[tilespmem:$0x1E800] =	vst v63  }
0x8f: {  	_ =	swait.ge [sflag:s19], $0x4000  }
.Ltmp1:
0x90: {  	[sflag:s19] =	ssyncset.done $0x0;
	(pc) =	sbr.rel @p0 .LBB2_4-.Ltmp1, $4  }
0x91: {  	s25 =	sadd.s32 $0x2800, s25;
	[sflag:s19] =	ssyncadd.s32 $0xFFFFC000  }
0x92: {  	[spmem:s2] =	stream.indirect.scatter.add.f32 [tilespmem:s17], [sflag:$0x3], $0x80, s25, s16, $0xb8;
	[tilespmem:$0x1E800] =	vst v63  }
0x93: {  	_ =	swait.ge [sflag:s20], $0x4000  }
0x94: {  	s26 =	smov.u32 s30;
	s25 =	sshra.s32 s29, $0x2;
	[sflag:s20] =	ssyncset.done $0x0  }
0x95: {  	s26 =	sadd.s32 $0x1400, s25;
	[sflag:s20] =	ssyncadd.s32 $0xFFFFC000  }
0x96: {  	[tilespmem:s17], [sflag:$0x1] =	stream.indirect.gather [hbm4b:s4+s16], $0x80, s26, s16, $0xb8;
	[tilespmem:$0x1E800] =	vst v63  }
0x97: {  	_ =	swait.ge [sflag:s21], $0x4000  }
0x98: {  	[sflag:s21] =	ssyncset.done $0x0  }
0x99: {  	s29 =	sadd.s32 $0x2780, s25;
	[sflag:s21] =	ssyncadd.s32 $0xFFFFC000  }
0x9a: {  	[spmem:s2] =	stream.indirect.scatter.add.f32 [tilespmem:s18], [sflag:$0x4], $0x80, s29, s16, $0xb8;
	[tilespmem:$0x1E800] =	vst v63  }
0x9b: {  	_ =	swait.ge [sflag:s22], $0x4000  }
0x9c: {  	[sflag:s22] =	ssyncset.done $0x0  }
0x9d: {  	s30 =	sadd.s32 $0x1480, s25;
	[sflag:s22] =	ssyncadd.s32 $0xFFFFC000  }
0x9e: {  	[tilespmem:s18], [sflag:$0x2] =	stream.indirect.gather [hbm4b:s4+s16], $0x80, s30, s16, $0xb8;
	[tilespmem:$0x1E800] =	vst v63  }
0x9f: {  	_ =	swait.ge [sflag:s19], $0x4000  }
0xa0: {  	[sflag:s19] =	ssyncset.done $0x0  }
0xa1: {  	s31 =	sadd.s32 $0x2800, s25;
	[sflag:s19] =	ssyncadd.s32 $0xFFFFC000  }
0xa2: {  	[spmem:s2] =	stream.indirect.scatter.add.f32 [tilespmem:s17], [sflag:$0x3], $0x80, s31, s16, $0xb8;
	[tilespmem:$0x1E800] =	vst v63  }
0xa3: {  	_ =	swait.ge [sflag:s20], $0x4000  }
0xa4: {  	[sflag:s20] =	ssyncset.done $0x0  }
0xa5: {  	[sflag:s20] =	ssyncadd.s32 $0xFFFFC000  }
0xa6: {  	_ =	swait.ge [sflag:s21], $0x4000  }
0xa7: {  	[sflag:s21] =	ssyncset.done $0x0  }
0xa8: {  	[sflag:s21] =	ssyncadd.s32 $0xFFFFC000  }
0xa9: {  	[spmem:s2] =	stream.indirect.scatter.add.f32 [tilespmem:s18], [sflag:$0x4], $0x80, s23, s16, $0xb8;
	[tilespmem:$0x1E800] =	vst v63  }
0xaa: {  	_ =	swait.ge [sflag:s22], $0x4000  }
0xab: {  	s24 =	sadd.s32 $0x1, s24;
	[sflag:s22] =	ssyncset.done $0x0  }
0xac: {  	p0 =	sne.s32 s24, s12;
	[sflag:s22] =	ssyncadd.s32 $0xFFFFC000  }
.Ltmp2:
0xad: {  	[bflag:$0x0] =	sbarrier.arrive $0xFFFF;
	(pc) =	sbr.rel @p0 .LBB2_1-.Ltmp2, $4  }
0xae: {  	[hbm:s11], [sflag:s6] =	dma.local [spmem:s13], $0x2800  }
0xaf: {  	_ =	swait.ge [sflag:s14], $0x2800  }
0xb0: {  	[sflag:s14] =	ssyncset.done $0x0  }
0xb1: {  	[sflag:s14] =	ssyncadd.s32 $0xFFFFD800  }
0xb2: {  	_ =	sfence.sel $0x180000  }
0xb3: {  	[bflag:$0x0] =	sbarrier.arrive $0xFFFF  }
0xb4: {  	p0 =	sne.s32 s1, $0x0;
	_ =	strace $0x90000050  }
0xb5: {  	s0 =	sadd.s32 @!p0 $0x100000, s0;
	[bflag:$0x2] =	sbarrier.arrive $0xFFFF  }
0xb6: {  	[sflag:s0] =	ssyncadd.tile.s32 @!p0 $0x1;
	_ =	shalt  }
.Lfunc_end2:
_tile_overlayer_lowered:
.L_overlay_start_2:
0xb7: {  	(tag) =	ssettag $0x2  }
0xb8: {  	s0 =	rddreg [dreg:$0x0];
	s2 =	stileid.u32  }
0xb9: {  	s1 =	rddreg [dreg:$0x1];
	p0 =	sne.s32 s2, $0x0  }
0xba: {  	s3 =	rddreg [dreg:$0x2];
	[bflag:$0x3] =	sbarrier.arrive $0xFFFF;
	s2 =	simm.s32 @!p0 $0x1C05  }
0xbb: {  	[timem:s3], [sflag:s2] =	dma.local @!p0 [hbm:s0], s1  }
0xbc: {  	s0 =	simm.s32 @!p0 $0x5  }
0xbd: {  	_ =	swait.ge @!p0 [sflag:s0], s1  }
0xbe: {  	s1 =	ssub.s32 @!p0 $0x0, s1;
	[sflag:s0] =	ssyncset.done @!p0 $0x0  }
0xbf: {  	[sflag:s0] =	ssyncadd.s32 @!p0 s1  }
0xc0: {  	[bflag:$0x3] =	sbarrier.arrive $0xFFFF  }
0xc1: {  	_ =	shalt  }

// kernel: kernel.28.cloned.1.call-start
scs
__scs_entry_jumppad:
0x0: {  	(pc) =	sbr.rel $0x88, $3  }
0x1: {  	(tag) =	ssettag $0x0;
	lr =	simm.s32 $0x1  }
0x2: {  	[smem:$0x3F99] =	sst lr;
	_ =	strace $0xD0000000  }
0x3: {  	_ = 	snop  }
0x4: {  	_ = 	snop  }
0x5: {  	_ = 	snop  }
0x6: {  	_ = 	snop  }
0x7: {  	_ = 	snop  }
__scs_overlays_trampoline_lowered:
0x8: {  	[smem:$0x3FA8] =	sst s0  }
0x9: {  	[smem:$0x3FA9] =	sst s1  }
0xa: {  	[smem:$0x3FAA] =	sst s2  }
0xb: {  	[smem:$0x3FAB] =	sst s3  }
0xc: {  	[smem:$0x3FAC] =	sst s4  }
0xd: {  	[smem:$0x3FAD] =	sst s5  }
0xe: {  	[smem:$0x3FAE] =	sst s6  }
0xf: {  	[smem:$0x3FAF] =	sst s7  }
0x10: {  	[smem:$0x3FB0] =	sst s8  }
0x11: {  	[smem:$0x3FB1] =	sst s9;
	s0 =	simm.s32 @!p0 $0x0  }
0x12: {  	s1 =	sld [smem:$0x3F97];
	s0 =	simm.s32 @p0 $0x1  }
0x13: {  	[smem:$0x3FB2] =	sst s0;
	s0 =	simm.s32 @!p1 $0x0  }
0x14: {  	s2 =	sld [smem:$0x3F96];
	s0 =	simm.s32 @p1 $0x1  }
0x15: {  	[smem:$0x3FB3] =	sst s0;
	s0 =	simm.s32 @!p2 $0x0  }
0x16: {  	s3 =	sld [smem:$0x3FDB];
	s0 =	simm.s32 @p2 $0x1  }
0x17: {  	s4 =	simm.s32 $0x1BF5;
	[smem:$0x3FB5] =	sst s0  }
0x18: {  	s0 =	sld [smem:$0x3F98];
	_ =	swait.ge [sflag:s4], $0x0  }
0x19: {  	s7 =	sld [smem:$0x3F99]  }
0x1a: {  	s8 =	sadd.s32 $0xFFFFE003, lr  }
0x1b: {  	s9 =	sadd.s32 $0xFFFFFEF7, lr;
	s5 =	simm.s32 $0xFFFFFFFF;
	p2 =	slt.u32 s8, $0xFFFFF086  }
0x1c: {  	p1 =	slt.u32 s9, $0xF7A;
	s5 =	simm.s32 @!p2 $0x0  }
0x1d: {  	s5 =	simm.s32 @p1 $0x1;
	p0 =	seq.s32 s7, s2  }
0x1e: {  	s7 =	smul.u32 @!p0 $0xF7A, s2;
	p2 =	seq.s32 @!p0 s5, $0x0  }
0x1f: {  	s9 =	smul.u32 $0xF7A, s1;
	s8 =	simm.s32 @!p0 $0x1BF5;
	p2 =	por !p2, p0  }
0x20: {  	[sflag:s8] =	ssyncset.s32 @!p0 $0xFFFFF086;
	s6 =	sadd.s32 @!p0 s3, s7;
	s7 =	simm.s32 @!p0 $0x108  }
0x21: {  	s3 =	sadd.s32 s3, s9;
	s6 =	sadd.s32 @!p0 $0x88, s6;
	s7 =	simm.s32 @p2 $0x1082  }
0x22: {  	[simem:s7], [sflag:s8] =	dma.local @!p0 [hbm:s6], $0xF7A  }
0x23: {  	s9 =	sor.u32 $0xD0000000, s2;
	s6 =	simm.s32 $0x108;
	_ =	swait.ge @!p0 [sflag:s8], $0x0  }
0x24: {  	s3 =	sadd.s32 $0x88, s3;
	s6 =	simm.s32 @!p1 $0x1082;
	[sflag:s4] =	ssyncset.s32 $0xFFFFF086  }
0x25: {  	[simem:s6], [sflag:s4] =	dma.local [hbm:s3], $0xF7A  }
0x26: {  	[smem:$0x3F99] =	sst s1;
	(tag) =	ssettag s2;
	_ =	strace s9  }
0x27: {  	s1 =	sld [smem:$0x3FA9]  }
0x28: {  	s2 =	sld [smem:$0x3FAA]  }
0x29: {  	s4 =	sld [smem:$0x3FAC]  }
0x2a: {  	p0 =	seq.s32 s5, $0x0;
	s5 =	sld [smem:$0x3FAD]  }
0x2b: {  	s6 =	sld [smem:$0x3FAE]  }
0x2c: {  	s7 =	sld [smem:$0x3FAF]  }
0x2d: {  	s3 =	simm.s32 $0x108;
	s8 =	sld [smem:$0x3FB0]  }
0x2e: {  	s3 =	simm.s32 @!p0 $0x1082;
	s9 =	sld [smem:$0x3FB1]  }
0x2f: {  	lr =	sadd.s32 s0, s3;
	s0 =	sld [smem:$0x3FA8]  }
0x30: {  	s3 =	sld [smem:$0x3FAB]  }
0x31: {  	[smem:$0x3FB4] =	sst s10  }
0x32: {  	s10 =	sld [smem:$0x3FB2];
	_ =	sdelay $0x3  }
0x33: {  	p0 =	seq.s32 s10, $0x1;
	s10 =	sld [smem:$0x3FB4];
	_ =	sdelay $0x3  }
0x34: {  	[smem:$0x3FB4] =	sst s10  }
0x35: {  	s10 =	sld [smem:$0x3FB3];
	_ =	sdelay $0x3  }
0x36: {  	p1 =	seq.s32 s10, $0x1;
	s10 =	sld [smem:$0x3FB4];
	_ =	sdelay $0x3  }
0x37: {  	[smem:$0x3FB4] =	sst s10  }
0x38: {  	s10 =	sld [smem:$0x3FB5]  }
0x39: {  	_ = 	snop;
	(pc) =	sbr.ind lr, $3  }
0x3a: {  	_ = 	snop  }
0x3b: {  	_ = 	snop  }
0x3c: {  	p2 =	seq.s32 s10, $0x1;
	s10 =	sld [smem:$0x3FB4]  }
0x3d: {  	_ =	shalt  }
0x3e: {  	_ =	shalt  }
0x3f: {  	_ =	shalt  }
0x40: {  	_ =	shalt  }
0x41: {  	_ =	shalt  }
0x42: {  	_ =	shalt  }
0x43: {  	_ =	shalt  }
0x44: {  	_ =	shalt  }
0x45: {  	_ =	shalt  }
0x46: {  	_ =	shalt  }
0x47: {  	_ =	shalt  }
0x48: {  	_ =	shalt  }
0x49: {  	_ =	shalt  }
0x4a: {  	_ =	shalt  }
0x4b: {  	_ =	shalt  }
0x4c: {  	_ =	shalt  }
0x4d: {  	_ =	shalt  }
0x4e: {  	_ =	shalt  }
0x4f: {  	_ =	shalt  }
0x50: {  	_ =	shalt  }
0x51: {  	_ =	shalt  }
0x52: {  	_ =	shalt  }
0x53: {  	_ =	shalt  }
0x54: {  	_ =	shalt  }
0x55: {  	_ =	shalt  }
0x56: {  	_ =	shalt  }
0x57: {  	_ =	shalt  }
0x58: {  	_ =	shalt  }
0x59: {  	_ =	shalt  }
0x5a: {  	_ =	shalt  }
0x5b: {  	_ =	shalt  }
0x5c: {  	_ =	shalt  }
0x5d: {  	_ =	shalt  }
0x5e: {  	_ =	shalt  }
0x5f: {  	_ =	shalt  }
0x60: {  	_ =	shalt  }
0x61: {  	_ =	shalt  }
0x62: {  	_ =	shalt  }
0x63: {  	_ =	shalt  }
0x64: {  	_ =	shalt  }
0x65: {  	_ =	shalt  }
0x66: {  	_ =	shalt  }
0x67: {  	_ =	shalt  }
0x68: {  	_ =	shalt  }
0x69: {  	_ =	shalt  }
0x6a: {  	_ =	shalt  }
0x6b: {  	_ =	shalt  }
0x6c: {  	_ =	shalt  }
0x6d: {  	_ =	shalt  }
0x6e: {  	_ =	shalt  }
0x6f: {  	_ =	shalt  }
0x70: {  	_ =	shalt  }
0x71: {  	_ =	shalt  }
0x72: {  	_ =	shalt  }
0x73: {  	_ =	shalt  }
0x74: {  	_ =	shalt  }
0x75: {  	_ =	shalt  }
0x76: {  	_ =	shalt  }
0x77: {  	_ =	shalt  }
0x78: {  	_ =	shalt  }
0x79: {  	_ =	shalt  }
0x7a: {  	_ =	shalt  }
0x7b: {  	_ =	shalt  }
0x7c: {  	_ =	shalt  }
0x7d: {  	_ =	shalt  }
0x7e: {  	_ =	shalt  }
0x7f: {  	_ =	shalt  }
0x80: {  	_ =	shalt  }
0x81: {  	_ =	shalt  }
0x82: {  	_ =	shalt  }
0x83: {  	_ =	shalt  }
0x84: {  	_ =	shalt  }
0x85: {  	_ =	shalt  }
0x86: {  	_ =	shalt  }
0x87: {  	_ =	shalt  }
.Lfunc_end0:
.L_simem_size_0:
called_computation.4_lowered:
.L_overlay_start_0:
0x88: {  	s2 =	sld [smem:$0x3FD9]  }
0x89: {  	s3 =	sld [smem:$0x3FFE];
	_ =	sdelay $0x1  }
0x8a: {  	s1 =	srdreg.scid  }
0x8b: {  	s0 =	sand.u32 $0x1, s1  }
0x8c: {  	s17 =	sshll.u32 s0, $0xA;
	s2 =	sadd.s32 s3, s2  }
0x8d: {  	s2 =	sadd.s32 s2, s17  }
0x8e: {  	[smem:$0x3FC0] =	sst s2  }
0x8f: {  	_ = 	snop  }
0x90: {  	s2 =	sld [smem:$0x3FD0];
	(tm) =	ssettm $0x1  }
0x91: {  	s18 =	sld [smem:$0x3FFB];
	_ =	sdelay $0x3  }
0x92: {  	_ =	strace s18  }
0x93: {  	s3 =	sld [smem:$0x3FFC];
	_ =	sdelay $0x3  }
0x94: {  	_ =	strace s3  }
0x95: {  	s3 =	sld [smem:$0x3FFD];
	_ =	sdelay $0x3  }
0x96: {  	_ =	strace s3  }
0x97: {  	_ =	strace $0x8FFFFFFF  }
0x98: {  	s19 =	sld [smem:$0x3FDB];
	_ =	sdelay $0x1  }
0x99: {  	s4 =	simm.s32 $_scs_section_size  }
0x9a: {  	s5 =	simm.s32 $_size__tile_overlayer_lowered;
	s6 =	simm.s32 $_tile_overlayer_lowered  }
0x9b: {  	s22 =	simm.s32 $0x1BFF;
	s21 =	sshll.u32 s6, $0x1;
	s3 =	sadd.s32 s4, s19  }
0x9c: {  	s7 =	simm.s32 $0x0;
	s20 =	sshll.u32 s5, $0x1;
	s5 =	sadd.s32 s21, s3  }
0x9d: {  	[timem:s7], [sflag:s22] =	dma.local [hbm:s5], s20  }
0x9e: {  	_ =	swait.ge [sflag:s22], s20  }
0x9f: {  	s4 =	ssub.s32 $0x0, s20;
	[sflag:s22] =	ssyncset.done $0x0  }
0xa0: {  	[sflag:s22] =	ssyncadd.s32 s4;
	_ =	sdelay $0x1  }
0xa1: {  	s23 =	simm.s32 $0x1B8B  }
0xa2: {  	_ =	swait.ge [sflag:s23], $0x1  }
0xa3: {  	[sflag:s23] =	ssyncset.done $0x0  }
0xa4: {  	s25 =	simm.s32 $0x1B8E;
	s24 =	sld [smem:$0x3FFE];
	[sflag:s23] =	ssyncadd.s32 $0xFFFFFFFF  }
0xa5: {  	s26 =	simm.s32 $execute0_lowered;
	[smem:$0x3FD2] =	sst s25  }
0xa6: {  	s5 =	sshll.u32 s26, $0x1;
	_ =	strace $0x80000052;
	[dreg:$0x1] =	wrdreg $0xFFFFFFFF  }
0xa7: {  	s28 =	simm.s32 $_size_execute0_lowered;
	s3 =	sadd.s32 s3, s5;
	[dreg:$0x0] =	wrdreg $0x0  }
0xa8: {  	s5 =	sshll.u32 s28, $0x1;
	[dreg:$0x2] =	wrdreg s3  }
0xa9: {  	[dreg:$0x3] =	wrdreg s5  }
0xaa: {  	[dreg:$0x4] =	wrdreg $0xC0  }
0xab: {  	_ =	task [dreg:s7], $0x5FFFF  }
0xac: {  	[dreg:$0x1] =	wrdreg $0xFFFFFFFF  }
0xad: {  	[dreg:$0x0] =	wrdreg $0x60  }
0xae: {  	[dreg:$0x2] =	wrdreg s24  }
0xaf: {  	[dreg:$0x3] =	wrdreg s2  }
0xb0: {  	[dreg:$0x4] =	wrdreg $0xA8000  }
0xb1: {  	[dreg:$0x5] =	wrdreg $0x9  }
0xb2: {  	_ =	task.clear_ibuf [dreg:s7], $0x6FFFF;
	_ =	strace $0x90000052  }
0xb3: {  	s29 =	simm.s32 $0x9;
	_ =	strace $0x80000054  }
0xb4: {  	_ =	swait.ge [sflag:s29], $0x1  }
0xb5: {  	[sflag:s29] =	ssyncadd.s32 $0xFFFFFFFF  }
0xb6: {  	_ =	strace $0x90000054  }
0xb7: {  	_ =	sfence  }
0xb8: {  	s30 =	sld [smem:$0x0];
	_ =	sdelay $0x2  }
0xb9: {  	s31 =	sshll.u32 s1, $0xD;
	s1 =	sshrl.u32 s1, $0x2  }
0xba: {  	s3 =	sand.u32 $0x4000, s31;
	s1 =	sadd.s32 s1, s30  }
0xbb: {  	s0 =	sor.u32 s3, s0;
	s1 =	sshll.u32 s1, $0x11  }
0xbc: {  	s0 =	sor.u32 s1, s0  }
0xbd: {  	s0 =	sadd.s32 $0x8F2B, s0  }
0xbe: {  	[sflag:s0] =	ssyncadd.remote.s32 $0x1  }
0xbf: {  	_ =	sfence.sel $0xFFFF  }
0xc0: {  	[dreg:$0x0] =	wrdreg $0xFFFFFFFF;
	(pc) =	sbr.abs _section_cstart, $3  }
0xc1: {  	[dreg:$0x1] =	wrdreg $0xFFFFFFFF  }
0xc2: {  	_ =	task.clear_ibuf [dreg:s7], $0x2FFFF;
	_ =	strace $0x9FFFFFFF  }
0xc3: {  	(tm) =	ssettm $0x7FFFFFFF  }
tec
execute0_lowered:
.L_overlay_start_1:
0x0: {  	(tag) =	ssettag $0x1  }
0x1: {  	s5 =	rddreg [dreg:$0x0]  }
0x2: {  	s10 =	rddreg [dreg:$0x1]  }
0x3: {  	s2 =	rddreg [dreg:$0x2]  }
0x4: {  	s0 =	rddreg [dreg:$0x3];
	s4 =	srdreg.scid  }
0x5: {  	s1 =	stileid.u32;
	s3 =	simm.s32 $0x0;
	s15 =	simm.s32 $0x1400  }
0x6: {  	s16 =	simm.s32 $0x80;
	s17 =	simm.s32 $0x2800;
	s18 =	simm.s32 $0x6800  }
0x7: {  	s19 =	simm.s32 $0x1;
	s20 =	simm.s32 $0x3;
	s21 =	simm.s32 $0x2  }
0x8: {  	s22 =	simm.s32 $0x4;
	s23 =	simm.s32 $0x2780;
	s24 =	simm.s32 $0x0  }
0x9: {  	s6 =	sand.u32 $0x1, s4;
	s7 =	smul.u32 $0x14000, s1;
	[smem:$0x7FF] =	sst s3  }
0xa: {  	s9 =	sadd.s32 $0x5600, s5;
	s4 =	sadd.s32 $0xF600, s5;
	s11 =	smul.u32 $0x50000, s1  }
0xb: {  	s12 =	sshll.u32 s1, $0x1;
	s29 =	sshll.u32 s1, $0x6;
	s8 =	smul.u32 $0x140000, s6  }
0xc: {  	_ =	strace $0x80000053;
	s13 =	ssub.s32 $0x2, s6;
	s6 =	sor.u32 s6, s12  }
0xd: {  	s25 =	sshrl.u32 s13, $0x1;
	s11 =	sshrl.u32 s11, $0x2;
	s6 =	smul.u32 $0x2800, s6  }
0xe: {  	s28 =	sshrl.u32 s7, $0x3;
	s8 =	sadd.s32 s7, s8;
	s12 =	ssub.s32 s13, s25  }
0xf: {  	s26 =	sadd.s32 s11, s2;
	s8 =	sshrl.u32 s8, $0x3;
	s30 =	sshrl.u32 s6, $0x3  }
0x10: {  	s6 =	sor.u32 $0x1C05, s29;
	s12 =	smax.u32 s12, $0x1;
	s13 =	sshrl.u32 s26, $0x3  }
0x11: {  	s14 =	sadd.s32 s8, s5;
	s5 =	sadd.s32 s4, s28;
	s31 =	sadd.s32 $0x280, s30  }
0x12: {  	s7 =	sadd.s32 s9, s30;
	s8 =	sadd.s32 s10, s30;
	s9 =	sadd.s32 s9, s31  }
0x13: {  	s10 =	sadd.s32 s10, s31;
	s11 =	sadd.s32 $0x5F600, s14;
	s14 =	simm.s32 $0x5  }
.LBB2_1:
0x14: {  	[spmem:s13], [sflag:s6] =	dma.local [hbm:s5], $0x2800  }
0x15: {  	_ =	swait.ge [sflag:s14], $0x2800  }
0x16: {  	[sflag:s14] =	ssyncset.done $0x0  }
0x17: {  	[sflag:s14] =	ssyncadd.s32 $0xFFFFD800  }
0x18: {  	[bflag:$0x0] =	sbarrier.arrive $0xFFFF  }
0x19: {  	[tilespmem:s3], [sflag:$0x5] =	stream.linear.gather [hbm4b:s7+s3], $0x1400, $0x38;
	[tilespmem:$0x1E800] =	vst v63  }
0x1a: {  	_ =	swait.ge [sflag:s14], $0x1400  }
0x1b: {  	[sflag:s14] =	ssyncset.done $0x0  }
0x1c: {  	[sflag:s14] =	ssyncadd.s32 $0xFFFFEC00  }
0x1d: {  	[tilespmem:s15], [sflag:$0x5] =	stream.linear.gather [hbm4b:s8+s3], $0x1400, $0x38;
	[tilespmem:$0x1E800] =	vst v63  }
0x1e: {  	_ =	swait.ge [sflag:s14], $0x1400  }
0x1f: {  	[sflag:s14] =	ssyncset.done $0x0  }
0x20: {  	[sflag:s14] =	ssyncadd.s32 $0xFFFFEC00  }
0x21: {  	[tilespmem:s17], [sflag:$0x1] =	stream.indirect.gather [hbm4b:s4+s16], $0x80, s3, s16, $0xb8;
	[tilespmem:$0x1E800] =	vst v63  }
0x22: {  	_ = 	snop  }
0x23: {  	[tilespmem:s18], [sflag:$0x2] =	stream.indirect.gather [hbm4b:s4+s16], $0x80, s16, s16, $0xb8;
	[tilespmem:$0x1E800] =	vst v63  }
0x24: {  	_ =	swait.ge [sflag:s19], $0x4000  }
0x25: {  	[sflag:s19] =	ssyncset.done $0x0  }
0x26: {  	[sflag:s19] =	ssyncadd.s32 $0xFFFFC000  }
0x27: {  	[spmem:s2] =	stream.indirect.scatter.add.f32 [tilespmem:s17], [sflag:$0x3], $0x80, s15, s16, $0xb8;
	[tilespmem:$0x1E800] =	vst v63  }
0x28: {  	_ =	swait.ge [sflag:s20], $0x4000  }
0x29: {  	[sflag:s20] =	ssyncset.done $0x0  }
0x2a: {  	s25 =	simm.s32 $0x100;
	[sflag:s20] =	ssyncadd.s32 $0xFFFFC000  }
0x2b: {  	[tilespmem:s17], [sflag:$0x1] =	stream.indirect.gather [hbm4b:s4+s16], $0x80, s25, s16, $0xb8;
	[tilespmem:$0x1E800] =	vst v63  }
0x2c: {  	_ =	swait.ge [sflag:s21], $0x4000  }
0x2d: {  	[sflag:s21] =	ssyncset.done $0x0  }
0x2e: {  	s29 =	simm.s32 $0x1480;
	[sflag:s21] =	ssyncadd.s32 $0xFFFFC000  }
0x2f: {  	[spmem:s2] =	stream.indirect.scatter.add.f32 [tilespmem:s18], [sflag:$0x4], $0x80, s29, s16, $0xb8;
	[tilespmem:$0x1E800] =	vst v63  }
0x30: {  	_ =	swait.ge [sflag:s22], $0x4000  }
0x31: {  	[sflag:s22] =	ssyncset.done $0x0  }
0x32: {  	s30 =	simm.s32 $0x180;
	[sflag:s22] =	ssyncadd.s32 $0xFFFFC000  }
0x33: {  	[tilespmem:s18], [sflag:$0x2] =	stream.indirect.gather [hbm4b:s4+s16], $0x80, s30, s16, $0xb8;
	[tilespmem:$0x1E800] =	vst v63  }
0x34: {  	_ =	swait.ge [sflag:s19], $0x4000  }
0x35: {  	[sflag:s19] =	ssyncset.done $0x0  }
0x36: {  	s31 =	simm.s32 $0x1500;
	[sflag:s19] =	ssyncadd.s32 $0xFFFFC000  }
0x37: {  	[spmem:s2] =	stream.indirect.scatter.add.f32 [tilespmem:s17], [sflag:$0x3], $0x80, s31, s16, $0xb8;
	[tilespmem:$0x1E800] =	vst v63  }
0x38: {  	_ =	swait.ge [sflag:s20], $0x4000  }
0x39: {  	s26 =	simm.s32 $0xFFFFBC00;
	s25 =	simm.s32 $0xFFFFEE00;
	[sflag:s20] =	ssyncset.done $0x0  }
.LBB2_2:
0x3a: {  	s28 =	sadd.s32 $0x1400, s25  }
0x3b: {  	[sflag:s20] =	ssyncadd.s32 $0xFFFFC000;
	s29 =	smov.u32 s26;
	s30 =	sadd.s32 $0x400, s26  }
0x3c: {  	[tilespmem:s17], [sflag:$0x1] =	stream.indirect.gather [hbm4b:s4+s16], $0x80, s28, s16, $0xb8;
	[tilespmem:$0x1E800] =	vst v63  }
0x3d: {  	p0 =	sne.s32 s26, $0xFFFFFC00;
	_ =	swait.ge [sflag:s21], $0x4000  }
0x3e: {  	[sflag:s21] =	ssyncset.done $0x0  }
0x3f: {  	s26 =	sadd.s32 $0x2780, s25;
	[sflag:s21] =	ssyncadd.s32 $0xFFFFC000  }
0x40: {  	[spmem:s2] =	stream.indirect.scatter.add.f32 [tilespmem:s18], [sflag:$0x4], $0x80, s26, s16, $0xb8;
	[tilespmem:$0x1E800] =	vst v63  }
0x41: {  	_ =	swait.ge [sflag:s22], $0x4000  }
0x42: {  	[sflag:s22] =	ssyncset.done $0x0  }
0x43: {  	s26 =	sadd.s32 $0x1480, s25;
	[sflag:s22] =	ssyncadd.s32 $0xFFFFC000  }
0x44: {  	[tilespmem:s18], [sflag:$0x2] =	stream.indirect.gather [hbm4b:s4+s16], $0x80, s26, s16, $0xb8;
	[tilespmem:$0x1E800] =	vst v63  }
0x45: {  	_ =	swait.ge [sflag:s19], $0x4000  }
.Ltmp0:
0x46: {  	[sflag:s19] =	ssyncset.done $0x0;
	(pc) =	sbr.rel @p0 .LBB2_2-.Ltmp0, $4  }
0x47: {  	s25 =	sadd.s32 $0x2800, s25;
	[sflag:s19] =	ssyncadd.s32 $0xFFFFC000  }
0x48: {  	[spmem:s2] =	stream.indirect.scatter.add.f32 [tilespmem:s17], [sflag:$0x3], $0x80, s25, s16, $0xb8;
	[tilespmem:$0x1E800] =	vst v63  }
0x49: {  	_ =	swait.ge [sflag:s20], $0x4000  }
0x4a: {  	s26 =	smov.u32 s30;
	s25 =	sshra.s32 s29, $0x2;
	[sflag:s20] =	ssyncset.done $0x0  }
0x4b: {  	s26 =	sadd.s32 $0x1400, s25;
	[sflag:s20] =	ssyncadd.s32 $0xFFFFC000  }
0x4c: {  	[tilespmem:s17], [sflag:$0x1] =	stream.indirect.gather [hbm4b:s4+s16], $0x80, s26, s16, $0xb8;
	[tilespmem:$0x1E800] =	vst v63  }
0x4d: {  	_ =	swait.ge [sflag:s21], $0x4000  }
0x4e: {  	[sflag:s21] =	ssyncset.done $0x0  }
0x4f: {  	s30 =	sadd.s32 $0x2780, s25;
	[sflag:s21] =	ssyncadd.s32 $0xFFFFC000  }
0x50: {  	[spmem:s2] =	stream.indirect.scatter.add.f32 [tilespmem:s18], [sflag:$0x4], $0x80, s30, s16, $0xb8;
	[tilespmem:$0x1E800] =	vst v63  }
0x51: {  	_ =	swait.ge [sflag:s22], $0x4000  }
0x52: {  	[sflag:s22] =	ssyncset.done $0x0  }
0x53: {  	s31 =	sadd.s32 $0x1480, s25;
	[sflag:s22] =	ssyncadd.s32 $0xFFFFC000  }
0x54: {  	[tilespmem:s18], [sflag:$0x2] =	stream.indirect.gather [hbm4b:s4+s16], $0x80, s31, s16, $0xb8;
	[tilespmem:$0x1E800] =	vst v63  }
0x55: {  	_ =	swait.ge [sflag:s19], $0x4000  }
0x56: {  	[sflag:s19] =	ssyncset.done $0x0  }
0x57: {  	s26 =	sadd.s32 $0x2800, s25;
	[sflag:s19] =	ssyncadd.s32 $0xFFFFC000  }
0x58: {  	[spmem:s2] =	stream.indirect.scatter.add.f32 [tilespmem:s17], [sflag:$0x3], $0x80, s26, s16, $0xb8;
	[tilespmem:$0x1E800] =	vst v63  }
0x59: {  	_ =	swait.ge [sflag:s20], $0x4000  }
0x5a: {  	[sflag:s20] =	ssyncset.done $0x0  }
0x5b: {  	[sflag:s20] =	ssyncadd.s32 $0xFFFFC000  }
0x5c: {  	_ =	swait.ge [sflag:s21], $0x4000  }
0x5d: {  	[sflag:s21] =	ssyncset.done $0x0  }
0x5e: {  	[sflag:s21] =	ssyncadd.s32 $0xFFFFC000  }
0x5f: {  	[spmem:s2] =	stream.indirect.scatter.add.f32 [tilespmem:s18], [sflag:$0x4], $0x80, s23, s16, $0xb8;
	[tilespmem:$0x1E800] =	vst v63  }
0x60: {  	_ =	swait.ge [sflag:s22], $0x4000  }
0x61: {  	[sflag:s22] =	ssyncset.done $0x0  }
0x62: {  	[sflag:s22] =	ssyncadd.s32 $0xFFFFC000  }
0x63: {  	[tilespmem:s3], [sflag:$0x5] =	stream.linear.gather [hbm4b:s9+s3], $0x1400, $0x38;
	[tilespmem:$0x1E800] =	vst v63  }
0x64: {  	_ =	swait.ge [sflag:s14], $0x1400  }
0x65: {  	[sflag:s14] =	ssyncset.done $0x0  }
0x66: {  	[sflag:s14] =	ssyncadd.s32 $0xFFFFEC00  }
0x67: {  	[tilespmem:s15], [sflag:$0x5] =	stream.linear.gather [hbm4b:s10+s3], $0x1400, $0x38;
	[tilespmem:$0x1E800] =	vst v63  }
0x68: {  	_ =	swait.ge [sflag:s14], $0x1400  }
0x69: {  	[sflag:s14] =	ssyncset.done $0x0  }
0x6a: {  	[sflag:s14] =	ssyncadd.s32 $0xFFFFEC00  }
0x6b: {  	[tilespmem:s17], [sflag:$0x1] =	stream.indirect.gather [hbm4b:s4+s16], $0x80, s3, s16, $0xb8;
	[tilespmem:$0x1E800] =	vst v63  }
0x6c: {  	_ = 	snop  }
0x6d: {  	[tilespmem:s18], [sflag:$0x2] =	stream.indirect.gather [hbm4b:s4+s16], $0x80, s16, s16, $0xb8;
	[tilespmem:$0x1E800] =	vst v63  }
0x6e: {  	_ =	swait.ge [sflag:s19], $0x4000  }
0x6f: {  	[sflag:s19] =	ssyncset.done $0x0  }
0x70: {  	[sflag:s19] =	ssyncadd.s32 $0xFFFFC000  }
0x71: {  	[spmem:s2] =	stream.indirect.scatter.add.f32 [tilespmem:s17], [sflag:$0x3], $0x80, s15, s16, $0xb8;
	[tilespmem:$0x1E800] =	vst v63  }
0x72: {  	_ =	swait.ge [sflag:s20], $0x4000  }
0x73: {  	[sflag:s20] =	ssyncset.done $0x0  }
0x74: {  	s28 =	simm.s32 $0x100;
	[sflag:s20] =	ssyncadd.s32 $0xFFFFC000  }
0x75: {  	[tilespmem:s17], [sflag:$0x1] =	stream.indirect.gather [hbm4b:s4+s16], $0x80, s28, s16, $0xb8;
	[tilespmem:$0x1E800] =	vst v63  }
0x76: {  	_ =	swait.ge [sflag:s21], $0x4000  }
0x77: {  	[sflag:s21] =	ssyncset.done $0x0  }
0x78: {  	s29 =	simm.s32 $0x1480;
	[sflag:s21] =	ssyncadd.s32 $0xFFFFC000  }
0x79: {  	[spmem:s2] =	stream.indirect.scatter.add.f32 [tilespmem:s18], [sflag:$0x4], $0x80, s29, s16, $0xb8;
	[tilespmem:$0x1E800] =	vst v63  }
0x7a: {  	_ =	swait.ge [sflag:s22], $0x4000  }
0x7b: {  	[sflag:s22] =	ssyncset.done $0x0  }
0x7c: {  	s30 =	simm.s32 $0x180;
	[sflag:s22] =	ssyncadd.s32 $0xFFFFC000  }
0x7d: {  	[tilespmem:s18], [sflag:$0x2] =	stream.indirect.gather [hbm4b:s4+s16], $0x80, s30, s16, $0xb8;
	[tilespmem:$0x1E800] =	vst v63  }
0x7e: {  	_ =	swait.ge [sflag:s19], $0x4000  }
0x7f: {  	[sflag:s19] =	ssyncset.done $0x0  }
0x80: {  	s31 =	simm.s32 $0x1500;
	[sflag:s19] =	ssyncadd.s32 $0xFFFFC000  }
0x81: {  	[spmem:s2] =	stream.indirect.scatter.add.f32 [tilespmem:s17], [sflag:$0x3], $0x80, s31, s16, $0xb8;
	[tilespmem:$0x1E800] =	vst v63  }
0x82: {  	_ =	swait.ge [sflag:s20], $0x4000  }
0x83: {  	s25 =	simm.s32 $0xFFFFEE00;
	s26 =	simm.s32 $0xFFFFBC00;
	[sflag:s20] =	ssyncset.done $0x0  }
.LBB2_4:
0x84: {  	s28 =	sadd.s32 $0x1400, s25  }
0x85: {  	[sflag:s20] =	ssyncadd.s32 $0xFFFFC000;
	s29 =	smov.u32 s26;
	s30 =	sadd.s32 $0x400, s26  }
0x86: {  	[tilespmem:s17], [sflag:$0x1] =	stream.indirect.gather [hbm4b:s4+s16], $0x80, s28, s16, $0xb8;
	[tilespmem:$0x1E800] =	vst v63  }
0x87: {  	p0 =	sne.s32 s26, $0xFFFFFC00;
	_ =	swait.ge [sflag:s21], $0x4000  }
0x88: {  	[sflag:s21] =	ssyncset.done $0x0  }
0x89: {  	s26 =	sadd.s32 $0x2780, s25;
	[sflag:s21] =	ssyncadd.s32 $0xFFFFC000  }
0x8a: {  	[spmem:s2] =	stream.indirect.scatter.add.f32 [tilespmem:s18], [sflag:$0x4], $0x80, s26, s16, $0xb8;
	[tilespmem:$0x1E800] =	vst v63  }
0x8b: {  	_ =	swait.ge [sflag:s22], $0x4000  }
0x8c: {  	[sflag:s22] =	ssyncset.done $0x0  }
0x8d: {  	s26 =	sadd.s32 $0x1480, s25;
	[sflag:s22] =	ssyncadd.s32 $0xFFFFC000  }
0x8e: {  	[tilespmem:s18], [sflag:$0x2] =	stream.indirect.gather [hbm4b:s4+s16], $0x80, s26, s16, $0xb8;
	[tilespmem:$0x1E800] =	vst v63  }
0x8f: {  	_ =	swait.ge [sflag:s19], $0x4000  }
.Ltmp1:
0x90: {  	[sflag:s19] =	ssyncset.done $0x0;
	(pc) =	sbr.rel @p0 .LBB2_4-.Ltmp1, $4  }
0x91: {  	s25 =	sadd.s32 $0x2800, s25;
	[sflag:s19] =	ssyncadd.s32 $0xFFFFC000  }
0x92: {  	[spmem:s2] =	stream.indirect.scatter.add.f32 [tilespmem:s17], [sflag:$0x3], $0x80, s25, s16, $0xb8;
	[tilespmem:$0x1E800] =	vst v63  }
0x93: {  	_ =	swait.ge [sflag:s20], $0x4000  }
0x94: {  	s26 =	smov.u32 s30;
	s25 =	sshra.s32 s29, $0x2;
	[sflag:s20] =	ssyncset.done $0x0  }
0x95: {  	s26 =	sadd.s32 $0x1400, s25;
	[sflag:s20] =	ssyncadd.s32 $0xFFFFC000  }
0x96: {  	[tilespmem:s17], [sflag:$0x1] =	stream.indirect.gather [hbm4b:s4+s16], $0x80, s26, s16, $0xb8;
	[tilespmem:$0x1E800] =	vst v63  }
0x97: {  	_ =	swait.ge [sflag:s21], $0x4000  }
0x98: {  	[sflag:s21] =	ssyncset.done $0x0  }
0x99: {  	s29 =	sadd.s32 $0x2780, s25;
	[sflag:s21] =	ssyncadd.s32 $0xFFFFC000  }
0x9a: {  	[spmem:s2] =	stream.indirect.scatter.add.f32 [tilespmem:s18], [sflag:$0x4], $0x80, s29, s16, $0xb8;
	[tilespmem:$0x1E800] =	vst v63  }
0x9b: {  	_ =	swait.ge [sflag:s22], $0x4000  }
0x9c: {  	[sflag:s22] =	ssyncset.done $0x0  }
0x9d: {  	s30 =	sadd.s32 $0x1480, s25;
	[sflag:s22] =	ssyncadd.s32 $0xFFFFC000  }
0x9e: {  	[tilespmem:s18], [sflag:$0x2] =	stream.indirect.gather [hbm4b:s4+s16], $0x80, s30, s16, $0xb8;
	[tilespmem:$0x1E800] =	vst v63  }
0x9f: {  	_ =	swait.ge [sflag:s19], $0x4000  }
0xa0: {  	[sflag:s19] =	ssyncset.done $0x0  }
0xa1: {  	s31 =	sadd.s32 $0x2800, s25;
	[sflag:s19] =	ssyncadd.s32 $0xFFFFC000  }
0xa2: {  	[spmem:s2] =	stream.indirect.scatter.add.f32 [tilespmem:s17], [sflag:$0x3], $0x80, s31, s16, $0xb8;
	[tilespmem:$0x1E800] =	vst v63  }
0xa3: {  	_ =	swait.ge [sflag:s20], $0x4000  }
0xa4: {  	[sflag:s20] =	ssyncset.done $0x0  }
0xa5: {  	[sflag:s20] =	ssyncadd.s32 $0xFFFFC000  }
0xa6: {  	_ =	swait.ge [sflag:s21], $0x4000  }
0xa7: {  	[sflag:s21] =	ssyncset.done $0x0  }
0xa8: {  	[sflag:s21] =	ssyncadd.s32 $0xFFFFC000  }
0xa9: {  	[spmem:s2] =	stream.indirect.scatter.add.f32 [tilespmem:s18], [sflag:$0x4], $0x80, s23, s16, $0xb8;
	[tilespmem:$0x1E800] =	vst v63  }
0xaa: {  	_ =	swait.ge [sflag:s22], $0x4000  }
0xab: {  	s24 =	sadd.s32 $0x1, s24;
	[sflag:s22] =	ssyncset.done $0x0  }
0xac: {  	p0 =	sne.s32 s24, s12;
	[sflag:s22] =	ssyncadd.s32 $0xFFFFC000  }
.Ltmp2:
0xad: {  	[bflag:$0x0] =	sbarrier.arrive $0xFFFF;
	(pc) =	sbr.rel @p0 .LBB2_1-.Ltmp2, $4  }
0xae: {  	[hbm:s11], [sflag:s6] =	dma.local [spmem:s13], $0x2800  }
0xaf: {  	_ =	swait.ge [sflag:s14], $0x2800  }
0xb0: {  	[sflag:s14] =	ssyncset.done $0x0  }
0xb1: {  	[sflag:s14] =	ssyncadd.s32 $0xFFFFD800  }
0xb2: {  	_ =	sfence.sel $0x180000  }
0xb3: {  	[bflag:$0x0] =	sbarrier.arrive $0xFFFF  }
0xb4: {  	p0 =	sne.s32 s1, $0x0;
	_ =	strace $0x90000053  }
0xb5: {  	s0 =	sadd.s32 @!p0 $0x100000, s0;
	[bflag:$0x2] =	sbarrier.arrive $0xFFFF  }
0xb6: {  	[sflag:s0] =	ssyncadd.tile.s32 @!p0 $0x1;
	_ =	shalt  }
.Lfunc_end2:
_tile_overlayer_lowered:
.L_overlay_start_2:
0xb7: {  	(tag) =	ssettag $0x2  }
0xb8: {  	s0 =	rddreg [dreg:$0x0];
	s2 =	stileid.u32  }
0xb9: {  	s1 =	rddreg [dreg:$0x1];
	p0 =	sne.s32 s2, $0x0  }
0xba: {  	s3 =	rddreg [dreg:$0x2];
	[bflag:$0x3] =	sbarrier.arrive $0xFFFF;
	s2 =	simm.s32 @!p0 $0x1C05  }
0xbb: {  	[timem:s3], [sflag:s2] =	dma.local @!p0 [hbm:s0], s1  }
0xbc: {  	s0 =	simm.s32 @!p0 $0x5  }
0xbd: {  	_ =	swait.ge @!p0 [sflag:s0], s1  }
0xbe: {  	s1 =	ssub.s32 @!p0 $0x0, s1;
	[sflag:s0] =	ssyncset.done @!p0 $0x0  }
0xbf: {  	[sflag:s0] =	ssyncadd.s32 @!p0 s1  }
0xc0: {  	[bflag:$0x3] =	sbarrier.arrive $0xFFFF  }
0xc1: {  	_ =	shalt  }

// kernel: kernel.31.cloned.1.call-start
scs
__scs_entry_jumppad:
0x0: {  	(pc) =	sbr.rel $0x88, $3  }
0x1: {  	(tag) =	ssettag $0x0;
	lr =	simm.s32 $0x1  }
0x2: {  	[smem:$0x3F99] =	sst lr;
	_ =	strace $0xD0000000  }
0x3: {  	_ = 	snop  }
0x4: {  	_ = 	snop  }
0x5: {  	_ = 	snop  }
0x6: {  	_ = 	snop  }
0x7: {  	_ = 	snop  }
__scs_overlays_trampoline_lowered:
0x8: {  	[smem:$0x3FA8] =	sst s0  }
0x9: {  	[smem:$0x3FA9] =	sst s1  }
0xa: {  	[smem:$0x3FAA] =	sst s2  }
0xb: {  	[smem:$0x3FAB] =	sst s3  }
0xc: {  	[smem:$0x3FAC] =	sst s4  }
0xd: {  	[smem:$0x3FAD] =	sst s5  }
0xe: {  	[smem:$0x3FAE] =	sst s6  }
0xf: {  	[smem:$0x3FAF] =	sst s7  }
0x10: {  	[smem:$0x3FB0] =	sst s8  }
0x11: {  	[smem:$0x3FB1] =	sst s9;
	s0 =	simm.s32 @!p0 $0x0  }
0x12: {  	s1 =	sld [smem:$0x3F97];
	s0 =	simm.s32 @p0 $0x1  }
0x13: {  	[smem:$0x3FB2] =	sst s0;
	s0 =	simm.s32 @!p1 $0x0  }
0x14: {  	s2 =	sld [smem:$0x3F96];
	s0 =	simm.s32 @p1 $0x1  }
0x15: {  	[smem:$0x3FB3] =	sst s0;
	s0 =	simm.s32 @!p2 $0x0  }
0x16: {  	s3 =	sld [smem:$0x3FDB];
	s0 =	simm.s32 @p2 $0x1  }
0x17: {  	s4 =	simm.s32 $0x1BF5;
	[smem:$0x3FB5] =	sst s0  }
0x18: {  	s0 =	sld [smem:$0x3F98];
	_ =	swait.ge [sflag:s4], $0x0  }
0x19: {  	s7 =	sld [smem:$0x3F99]  }
0x1a: {  	s8 =	sadd.s32 $0xFFFFE003, lr  }
0x1b: {  	s9 =	sadd.s32 $0xFFFFFEF7, lr;
	s5 =	simm.s32 $0xFFFFFFFF;
	p2 =	slt.u32 s8, $0xFFFFF086  }
0x1c: {  	p1 =	slt.u32 s9, $0xF7A;
	s5 =	simm.s32 @!p2 $0x0  }
0x1d: {  	s5 =	simm.s32 @p1 $0x1;
	p0 =	seq.s32 s7, s2  }
0x1e: {  	s7 =	smul.u32 @!p0 $0xF7A, s2;
	p2 =	seq.s32 @!p0 s5, $0x0  }
0x1f: {  	s9 =	smul.u32 $0xF7A, s1;
	s8 =	simm.s32 @!p0 $0x1BF5;
	p2 =	por !p2, p0  }
0x20: {  	[sflag:s8] =	ssyncset.s32 @!p0 $0xFFFFF086;
	s6 =	sadd.s32 @!p0 s3, s7;
	s7 =	simm.s32 @!p0 $0x108  }
0x21: {  	s3 =	sadd.s32 s3, s9;
	s6 =	sadd.s32 @!p0 $0x88, s6;
	s7 =	simm.s32 @p2 $0x1082  }
0x22: {  	[simem:s7], [sflag:s8] =	dma.local @!p0 [hbm:s6], $0xF7A  }
0x23: {  	s9 =	sor.u32 $0xD0000000, s2;
	s6 =	simm.s32 $0x108;
	_ =	swait.ge @!p0 [sflag:s8], $0x0  }
0x24: {  	s3 =	sadd.s32 $0x88, s3;
	s6 =	simm.s32 @!p1 $0x1082;
	[sflag:s4] =	ssyncset.s32 $0xFFFFF086  }
0x25: {  	[simem:s6], [sflag:s4] =	dma.local [hbm:s3], $0xF7A  }
0x26: {  	[smem:$0x3F99] =	sst s1;
	(tag) =	ssettag s2;
	_ =	strace s9  }
0x27: {  	s1 =	sld [smem:$0x3FA9]  }
0x28: {  	s2 =	sld [smem:$0x3FAA]  }
0x29: {  	s4 =	sld [smem:$0x3FAC]  }
0x2a: {  	p0 =	seq.s32 s5, $0x0;
	s5 =	sld [smem:$0x3FAD]  }
0x2b: {  	s6 =	sld [smem:$0x3FAE]  }
0x2c: {  	s7 =	sld [smem:$0x3FAF]  }
0x2d: {  	s3 =	simm.s32 $0x108;
	s8 =	sld [smem:$0x3FB0]  }
0x2e: {  	s3 =	simm.s32 @!p0 $0x1082;
	s9 =	sld [smem:$0x3FB1]  }
0x2f: {  	lr =	sadd.s32 s0, s3;
	s0 =	sld [smem:$0x3FA8]  }
0x30: {  	s3 =	sld [smem:$0x3FAB]  }
0x31: {  	[smem:$0x3FB4] =	sst s10  }
0x32: {  	s10 =	sld [smem:$0x3FB2];
	_ =	sdelay $0x3  }
0x33: {  	p0 =	seq.s32 s10, $0x1;
	s10 =	sld [smem:$0x3FB4];
	_ =	sdelay $0x3  }
0x34: {  	[smem:$0x3FB4] =	sst s10  }
0x35: {  	s10 =	sld [smem:$0x3FB3];
	_ =	sdelay $0x3  }
0x36: {  	p1 =	seq.s32 s10, $0x1;
	s10 =	sld [smem:$0x3FB4];
	_ =	sdelay $0x3  }
0x37: {  	[smem:$0x3FB4] =	sst s10  }
0x38: {  	s10 =	sld [smem:$0x3FB5]  }
0x39: {  	_ = 	snop;
	(pc) =	sbr.ind lr, $3  }
0x3a: {  	_ = 	snop  }
0x3b: {  	_ = 	snop  }
0x3c: {  	p2 =	seq.s32 s10, $0x1;
	s10 =	sld [smem:$0x3FB4]  }
0x3d: {  	_ =	shalt  }
0x3e: {  	_ =	shalt  }
0x3f: {  	_ =	shalt  }
0x40: {  	_ =	shalt  }
0x41: {  	_ =	shalt  }
0x42: {  	_ =	shalt  }
0x43: {  	_ =	shalt  }
0x44: {  	_ =	shalt  }
0x45: {  	_ =	shalt  }
0x46: {  	_ =	shalt  }
0x47: {  	_ =	shalt  }
0x48: {  	_ =	shalt  }
0x49: {  	_ =	shalt  }
0x4a: {  	_ =	shalt  }
0x4b: {  	_ =	shalt  }
0x4c: {  	_ =	shalt  }
0x4d: {  	_ =	shalt  }
0x4e: {  	_ =	shalt  }
0x4f: {  	_ =	shalt  }
0x50: {  	_ =	shalt  }
0x51: {  	_ =	shalt  }
0x52: {  	_ =	shalt  }
0x53: {  	_ =	shalt  }
0x54: {  	_ =	shalt  }
0x55: {  	_ =	shalt  }
0x56: {  	_ =	shalt  }
0x57: {  	_ =	shalt  }
0x58: {  	_ =	shalt  }
0x59: {  	_ =	shalt  }
0x5a: {  	_ =	shalt  }
0x5b: {  	_ =	shalt  }
0x5c: {  	_ =	shalt  }
0x5d: {  	_ =	shalt  }
0x5e: {  	_ =	shalt  }
0x5f: {  	_ =	shalt  }
0x60: {  	_ =	shalt  }
0x61: {  	_ =	shalt  }
0x62: {  	_ =	shalt  }
0x63: {  	_ =	shalt  }
0x64: {  	_ =	shalt  }
0x65: {  	_ =	shalt  }
0x66: {  	_ =	shalt  }
0x67: {  	_ =	shalt  }
0x68: {  	_ =	shalt  }
0x69: {  	_ =	shalt  }
0x6a: {  	_ =	shalt  }
0x6b: {  	_ =	shalt  }
0x6c: {  	_ =	shalt  }
0x6d: {  	_ =	shalt  }
0x6e: {  	_ =	shalt  }
0x6f: {  	_ =	shalt  }
0x70: {  	_ =	shalt  }
0x71: {  	_ =	shalt  }
0x72: {  	_ =	shalt  }
0x73: {  	_ =	shalt  }
0x74: {  	_ =	shalt  }
0x75: {  	_ =	shalt  }
0x76: {  	_ =	shalt  }
0x77: {  	_ =	shalt  }
0x78: {  	_ =	shalt  }
0x79: {  	_ =	shalt  }
0x7a: {  	_ =	shalt  }
0x7b: {  	_ =	shalt  }
0x7c: {  	_ =	shalt  }
0x7d: {  	_ =	shalt  }
0x7e: {  	_ =	shalt  }
0x7f: {  	_ =	shalt  }
0x80: {  	_ =	shalt  }
0x81: {  	_ =	shalt  }
0x82: {  	_ =	shalt  }
0x83: {  	_ =	shalt  }
0x84: {  	_ =	shalt  }
0x85: {  	_ =	shalt  }
0x86: {  	_ =	shalt  }
0x87: {  	_ =	shalt  }
.Lfunc_end0:
.L_simem_size_0:
called_computation.5_lowered:
.L_overlay_start_0:
0x88: {  	s2 =	sld [smem:$0x3FD9]  }
0x89: {  	s3 =	sld [smem:$0x3FFE];
	_ =	sdelay $0x1  }
0x8a: {  	s1 =	srdreg.scid  }
0x8b: {  	s0 =	sand.u32 $0x1, s1  }
0x8c: {  	s17 =	sshll.u32 s0, $0xA;
	s2 =	sadd.s32 s3, s2  }
0x8d: {  	s2 =	sadd.s32 s2, s17  }
0x8e: {  	[smem:$0x3FC0] =	sst s2  }
0x8f: {  	_ = 	snop  }
0x90: {  	s2 =	sld [smem:$0x3FD0];
	(tm) =	ssettm $0x1  }
0x91: {  	s18 =	sld [smem:$0x3FFB];
	_ =	sdelay $0x3  }
0x92: {  	_ =	strace s18  }
0x93: {  	s3 =	sld [smem:$0x3FFC];
	_ =	sdelay $0x3  }
0x94: {  	_ =	strace s3  }
0x95: {  	s3 =	sld [smem:$0x3FFD];
	_ =	sdelay $0x3  }
0x96: {  	_ =	strace s3  }
0x97: {  	_ =	strace $0x8FFFFFFF  }
0x98: {  	s19 =	sld [smem:$0x3FDB];
	_ =	sdelay $0x1  }
0x99: {  	s4 =	simm.s32 $_scs_section_size  }
0x9a: {  	s5 =	simm.s32 $_size__tile_overlayer_lowered;
	s6 =	simm.s32 $_tile_overlayer_lowered  }
0x9b: {  	s22 =	simm.s32 $0x1BFF;
	s21 =	sshll.u32 s6, $0x1;
	s3 =	sadd.s32 s4, s19  }
0x9c: {  	s7 =	simm.s32 $0x0;
	s20 =	sshll.u32 s5, $0x1;
	s5 =	sadd.s32 s21, s3  }
0x9d: {  	[timem:s7], [sflag:s22] =	dma.local [hbm:s5], s20  }
0x9e: {  	_ =	swait.ge [sflag:s22], s20  }
0x9f: {  	s4 =	ssub.s32 $0x0, s20;
	[sflag:s22] =	ssyncset.done $0x0  }
0xa0: {  	[sflag:s22] =	ssyncadd.s32 s4;
	_ =	sdelay $0x1  }
0xa1: {  	s23 =	simm.s32 $0x1B8B  }
0xa2: {  	_ =	swait.ge [sflag:s23], $0x1  }
0xa3: {  	[sflag:s23] =	ssyncset.done $0x0  }
0xa4: {  	s25 =	simm.s32 $0x1B8E;
	s24 =	sld [smem:$0x3FFE];
	[sflag:s23] =	ssyncadd.s32 $0xFFFFFFFF  }
0xa5: {  	s26 =	simm.s32 $execute0_lowered;
	[smem:$0x3FD2] =	sst s25  }
0xa6: {  	s5 =	sshll.u32 s26, $0x1;
	_ =	strace $0x80000055;
	[dreg:$0x1] =	wrdreg $0xFFFFFFFF  }
0xa7: {  	s28 =	simm.s32 $_size_execute0_lowered;
	s3 =	sadd.s32 s3, s5;
	[dreg:$0x0] =	wrdreg $0x0  }
0xa8: {  	s5 =	sshll.u32 s28, $0x1;
	[dreg:$0x2] =	wrdreg s3  }
0xa9: {  	[dreg:$0x3] =	wrdreg s5  }
0xaa: {  	[dreg:$0x4] =	wrdreg $0xC0  }
0xab: {  	_ =	task [dreg:s7], $0x5FFFF  }
0xac: {  	[dreg:$0x1] =	wrdreg $0xFFFFFFFF  }
0xad: {  	[dreg:$0x0] =	wrdreg $0x60  }
0xae: {  	[dreg:$0x2] =	wrdreg s24  }
0xaf: {  	[dreg:$0x3] =	wrdreg s2  }
0xb0: {  	[dreg:$0x4] =	wrdreg $0xA8000  }
0xb1: {  	[dreg:$0x5] =	wrdreg $0x9  }
0xb2: {  	_ =	task.clear_ibuf [dreg:s7], $0x6FFFF;
	_ =	strace $0x90000055  }
0xb3: {  	s29 =	simm.s32 $0x9;
	_ =	strace $0x80000057  }
0xb4: {  	_ =	swait.ge [sflag:s29], $0x1  }
0xb5: {  	[sflag:s29] =	ssyncadd.s32 $0xFFFFFFFF  }
0xb6: {  	_ =	strace $0x90000057  }
0xb7: {  	_ =	sfence  }
0xb8: {  	s30 =	sld [smem:$0x0];
	_ =	sdelay $0x2  }
0xb9: {  	s31 =	sshll.u32 s1, $0xD;
	s1 =	sshrl.u32 s1, $0x2  }
0xba: {  	s3 =	sand.u32 $0x4000, s31;
	s1 =	sadd.s32 s1, s30  }
0xbb: {  	s0 =	sor.u32 s3, s0;
	s1 =	sshll.u32 s1, $0x11  }
0xbc: {  	s0 =	sor.u32 s1, s0  }
0xbd: {  	s0 =	sadd.s32 $0x8F2B, s0  }
0xbe: {  	[sflag:s0] =	ssyncadd.remote.s32 $0x1  }
0xbf: {  	_ =	sfence.sel $0xFFFF  }
0xc0: {  	[dreg:$0x0] =	wrdreg $0xFFFFFFFF;
	(pc) =	sbr.abs _section_cstart, $3  }
0xc1: {  	[dreg:$0x1] =	wrdreg $0xFFFFFFFF  }
0xc2: {  	_ =	task.clear_ibuf [dreg:s7], $0x2FFFF;
	_ =	strace $0x9FFFFFFF  }
0xc3: {  	(tm) =	ssettm $0x7FFFFFFF  }
tec
execute0_lowered:
.L_overlay_start_1:
0x0: {  	(tag) =	ssettag $0x1  }
0x1: {  	s5 =	rddreg [dreg:$0x0]  }
0x2: {  	s10 =	rddreg [dreg:$0x1]  }
0x3: {  	s2 =	rddreg [dreg:$0x2]  }
0x4: {  	s0 =	rddreg [dreg:$0x3];
	s4 =	srdreg.scid  }
0x5: {  	s1 =	stileid.u32;
	s3 =	simm.s32 $0x0;
	s15 =	simm.s32 $0x1400  }
0x6: {  	s16 =	simm.s32 $0x80;
	s17 =	simm.s32 $0x2800;
	s18 =	simm.s32 $0x6800  }
0x7: {  	s19 =	simm.s32 $0x1;
	s20 =	simm.s32 $0x3;
	s21 =	simm.s32 $0x2  }
0x8: {  	s22 =	simm.s32 $0x4;
	s23 =	simm.s32 $0x2780;
	s24 =	simm.s32 $0x0  }
0x9: {  	s6 =	sand.u32 $0x1, s4;
	s7 =	smul.u32 $0x14000, s1;
	[smem:$0x7FF] =	sst s3  }
0xa: {  	s9 =	sadd.s32 $0x5600, s5;
	s4 =	sadd.s32 $0xF600, s5;
	s11 =	smul.u32 $0x50000, s1  }
0xb: {  	s12 =	sshll.u32 s1, $0x1;
	s29 =	sshll.u32 s1, $0x6;
	s8 =	smul.u32 $0x140000, s6  }
0xc: {  	_ =	strace $0x80000056;
	s13 =	ssub.s32 $0x2, s6;
	s6 =	sor.u32 s6, s12  }
0xd: {  	s25 =	sshrl.u32 s13, $0x1;
	s11 =	sshrl.u32 s11, $0x2;
	s6 =	smul.u32 $0x2800, s6  }
0xe: {  	s28 =	sshrl.u32 s7, $0x3;
	s8 =	sadd.s32 s7, s8;
	s12 =	ssub.s32 s13, s25  }
0xf: {  	s26 =	sadd.s32 s11, s2;
	s8 =	sshrl.u32 s8, $0x3;
	s30 =	sshrl.u32 s6, $0x3  }
0x10: {  	s6 =	sor.u32 $0x1C05, s29;
	s12 =	smax.u32 s12, $0x1;
	s13 =	sshrl.u32 s26, $0x3  }
0x11: {  	s14 =	sadd.s32 s8, s5;
	s5 =	sadd.s32 s4, s28;
	s31 =	sadd.s32 $0x280, s30  }
0x12: {  	s7 =	sadd.s32 s9, s30;
	s8 =	sadd.s32 s10, s30;
	s9 =	sadd.s32 s9, s31  }
0x13: {  	s10 =	sadd.s32 s10, s31;
	s11 =	sadd.s32 $0x5F600, s14;
	s14 =	simm.s32 $0x5  }
.LBB2_1:
0x14: {  	[spmem:s13], [sflag:s6] =	dma.local [hbm:s5], $0x2800  }
0x15: {  	_ =	swait.ge [sflag:s14], $0x2800  }
0x16: {  	[sflag:s14] =	ssyncset.done $0x0  }
0x17: {  	[sflag:s14] =	ssyncadd.s32 $0xFFFFD800  }
0x18: {  	[bflag:$0x0] =	sbarrier.arrive $0xFFFF  }
0x19: {  	[tilespmem:s3], [sflag:$0x5] =	stream.linear.gather [hbm4b:s7+s3], $0x1400, $0x38;
	[tilespmem:$0x1E800] =	vst v63  }
0x1a: {  	_ =	swait.ge [sflag:s14], $0x1400  }
0x1b: {  	[sflag:s14] =	ssyncset.done $0x0  }
0x1c: {  	[sflag:s14] =	ssyncadd.s32 $0xFFFFEC00  }
0x1d: {  	[tilespmem:s15], [sflag:$0x5] =	stream.linear.gather [hbm4b:s8+s3], $0x1400, $0x38;
	[tilespmem:$0x1E800] =	vst v63  }
0x1e: {  	_ =	swait.ge [sflag:s14], $0x1400  }
0x1f: {  	[sflag:s14] =	ssyncset.done $0x0  }
0x20: {  	[sflag:s14] =	ssyncadd.s32 $0xFFFFEC00  }
0x21: {  	[tilespmem:s17], [sflag:$0x1] =	stream.indirect.gather [hbm4b:s4+s16], $0x80, s3, s16, $0xb8;
	[tilespmem:$0x1E800] =	vst v63  }
0x22: {  	_ = 	snop  }
0x23: {  	[tilespmem:s18], [sflag:$0x2] =	stream.indirect.gather [hbm4b:s4+s16], $0x80, s16, s16, $0xb8;
	[tilespmem:$0x1E800] =	vst v63  }
0x24: {  	_ =	swait.ge [sflag:s19], $0x4000  }
0x25: {  	[sflag:s19] =	ssyncset.done $0x0  }
0x26: {  	[sflag:s19] =	ssyncadd.s32 $0xFFFFC000  }
0x27: {  	[spmem:s2] =	stream.indirect.scatter.add.f32 [tilespmem:s17], [sflag:$0x3], $0x80, s15, s16, $0xb8;
	[tilespmem:$0x1E800] =	vst v63  }
0x28: {  	_ =	swait.ge [sflag:s20], $0x4000  }
0x29: {  	[sflag:s20] =	ssyncset.done $0x0  }
0x2a: {  	s25 =	simm.s32 $0x100;
	[sflag:s20] =	ssyncadd.s32 $0xFFFFC000  }
0x2b: {  	[tilespmem:s17], [sflag:$0x1] =	stream.indirect.gather [hbm4b:s4+s16], $0x80, s25, s16, $0xb8;
	[tilespmem:$0x1E800] =	vst v63  }
0x2c: {  	_ =	swait.ge [sflag:s21], $0x4000  }
0x2d: {  	[sflag:s21] =	ssyncset.done $0x0  }
0x2e: {  	s29 =	simm.s32 $0x1480;
	[sflag:s21] =	ssyncadd.s32 $0xFFFFC000  }
0x2f: {  	[spmem:s2] =	stream.indirect.scatter.add.f32 [tilespmem:s18], [sflag:$0x4], $0x80, s29, s16, $0xb8;
	[tilespmem:$0x1E800] =	vst v63  }
0x30: {  	_ =	swait.ge [sflag:s22], $0x4000  }
0x31: {  	[sflag:s22] =	ssyncset.done $0x0  }
0x32: {  	s30 =	simm.s32 $0x180;
	[sflag:s22] =	ssyncadd.s32 $0xFFFFC000  }
0x33: {  	[tilespmem:s18], [sflag:$0x2] =	stream.indirect.gather [hbm4b:s4+s16], $0x80, s30, s16, $0xb8;
	[tilespmem:$0x1E800] =	vst v63  }
0x34: {  	_ =	swait.ge [sflag:s19], $0x4000  }
0x35: {  	[sflag:s19] =	ssyncset.done $0x0  }
0x36: {  	s31 =	simm.s32 $0x1500;
	[sflag:s19] =	ssyncadd.s32 $0xFFFFC000  }
0x37: {  	[spmem:s2] =	stream.indirect.scatter.add.f32 [tilespmem:s17], [sflag:$0x3], $0x80, s31, s16, $0xb8;
	[tilespmem:$0x1E800] =	vst v63  }
0x38: {  	_ =	swait.ge [sflag:s20], $0x4000  }
0x39: {  	s26 =	simm.s32 $0xFFFFBC00;
	s25 =	simm.s32 $0xFFFFEE00;
	[sflag:s20] =	ssyncset.done $0x0  }
.LBB2_2:
0x3a: {  	s28 =	sadd.s32 $0x1400, s25  }
0x3b: {  	[sflag:s20] =	ssyncadd.s32 $0xFFFFC000;
	s29 =	smov.u32 s26;
	s30 =	sadd.s32 $0x400, s26  }
0x3c: {  	[tilespmem:s17], [sflag:$0x1] =	stream.indirect.gather [hbm4b:s4+s16], $0x80, s28, s16, $0xb8;
	[tilespmem:$0x1E800] =	vst v63  }
0x3d: {  	p0 =	sne.s32 s26, $0xFFFFFC00;
	_ =	swait.ge [sflag:s21], $0x4000  }
0x3e: {  	[sflag:s21] =	ssyncset.done $0x0  }
0x3f: {  	s26 =	sadd.s32 $0x2780, s25;
	[sflag:s21] =	ssyncadd.s32 $0xFFFFC000  }
0x40: {  	[spmem:s2] =	stream.indirect.scatter.add.f32 [tilespmem:s18], [sflag:$0x4], $0x80, s26, s16, $0xb8;
	[tilespmem:$0x1E800] =	vst v63  }
0x41: {  	_ =	swait.ge [sflag:s22], $0x4000  }
0x42: {  	[sflag:s22] =	ssyncset.done $0x0  }
0x43: {  	s26 =	sadd.s32 $0x1480, s25;
	[sflag:s22] =	ssyncadd.s32 $0xFFFFC000  }
0x44: {  	[tilespmem:s18], [sflag:$0x2] =	stream.indirect.gather [hbm4b:s4+s16], $0x80, s26, s16, $0xb8;
	[tilespmem:$0x1E800] =	vst v63  }
0x45: {  	_ =	swait.ge [sflag:s19], $0x4000  }
.Ltmp0:
0x46: {  	[sflag:s19] =	ssyncset.done $0x0;
	(pc) =	sbr.rel @p0 .LBB2_2-.Ltmp0, $4  }
0x47: {  	s25 =	sadd.s32 $0x2800, s25;
	[sflag:s19] =	ssyncadd.s32 $0xFFFFC000  }
0x48: {  	[spmem:s2] =	stream.indirect.scatter.add.f32 [tilespmem:s17], [sflag:$0x3], $0x80, s25, s16, $0xb8;
	[tilespmem:$0x1E800] =	vst v63  }
0x49: {  	_ =	swait.ge [sflag:s20], $0x4000  }
0x4a: {  	s26 =	smov.u32 s30;
	s25 =	sshra.s32 s29, $0x2;
	[sflag:s20] =	ssyncset.done $0x0  }
0x4b: {  	s26 =	sadd.s32 $0x1400, s25;
	[sflag:s20] =	ssyncadd.s32 $0xFFFFC000  }
0x4c: {  	[tilespmem:s17], [sflag:$0x1] =	stream.indirect.gather [hbm4b:s4+s16], $0x80, s26, s16, $0xb8;
	[tilespmem:$0x1E800] =	vst v63  }
0x4d: {  	_ =	swait.ge [sflag:s21], $0x4000  }
0x4e: {  	[sflag:s21] =	ssyncset.done $0x0  }
0x4f: {  	s30 =	sadd.s32 $0x2780, s25;
	[sflag:s21] =	ssyncadd.s32 $0xFFFFC000  }
0x50: {  	[spmem:s2] =	stream.indirect.scatter.add.f32 [tilespmem:s18], [sflag:$0x4], $0x80, s30, s16, $0xb8;
	[tilespmem:$0x1E800] =	vst v63  }
0x51: {  	_ =	swait.ge [sflag:s22], $0x4000  }
0x52: {  	[sflag:s22] =	ssyncset.done $0x0  }
0x53: {  	s31 =	sadd.s32 $0x1480, s25;
	[sflag:s22] =	ssyncadd.s32 $0xFFFFC000  }
0x54: {  	[tilespmem:s18], [sflag:$0x2] =	stream.indirect.gather [hbm4b:s4+s16], $0x80, s31, s16, $0xb8;
	[tilespmem:$0x1E800] =	vst v63  }
0x55: {  	_ =	swait.ge [sflag:s19], $0x4000  }
0x56: {  	[sflag:s19] =	ssyncset.done $0x0  }
0x57: {  	s26 =	sadd.s32 $0x2800, s25;
	[sflag:s19] =	ssyncadd.s32 $0xFFFFC000  }
0x58: {  	[spmem:s2] =	stream.indirect.scatter.add.f32 [tilespmem:s17], [sflag:$0x3], $0x80, s26, s16, $0xb8;
	[tilespmem:$0x1E800] =	vst v63  }
0x59: {  	_ =	swait.ge [sflag:s20], $0x4000  }
0x5a: {  	[sflag:s20] =	ssyncset.done $0x0  }
0x5b: {  	[sflag:s20] =	ssyncadd.s32 $0xFFFFC000  }
0x5c: {  	_ =	swait.ge [sflag:s21], $0x4000  }
0x5d: {  	[sflag:s21] =	ssyncset.done $0x0  }
0x5e: {  	[sflag:s21] =	ssyncadd.s32 $0xFFFFC000  }
0x5f: {  	[spmem:s2] =	stream.indirect.scatter.add.f32 [tilespmem:s18], [sflag:$0x4], $0x80, s23, s16, $0xb8;
	[tilespmem:$0x1E800] =	vst v63  }
0x60: {  	_ =	swait.ge [sflag:s22], $0x4000  }
0x61: {  	[sflag:s22] =	ssyncset.done $0x0  }
0x62: {  	[sflag:s22] =	ssyncadd.s32 $0xFFFFC000  }
0x63: {  	[tilespmem:s3], [sflag:$0x5] =	stream.linear.gather [hbm4b:s9+s3], $0x1400, $0x38;
	[tilespmem:$0x1E800] =	vst v63  }
0x64: {  	_ =	swait.ge [sflag:s14], $0x1400  }
0x65: {  	[sflag:s14] =	ssyncset.done $0x0  }
0x66: {  	[sflag:s14] =	ssyncadd.s32 $0xFFFFEC00  }
0x67: {  	[tilespmem:s15], [sflag:$0x5] =	stream.linear.gather [hbm4b:s10+s3], $0x1400, $0x38;
	[tilespmem:$0x1E800] =	vst v63  }
0x68: {  	_ =	swait.ge [sflag:s14], $0x1400  }
0x69: {  	[sflag:s14] =	ssyncset.done $0x0  }
0x6a: {  	[sflag:s14] =	ssyncadd.s32 $0xFFFFEC00  }
0x6b: {  	[tilespmem:s17], [sflag:$0x1] =	stream.indirect.gather [hbm4b:s4+s16], $0x80, s3, s16, $0xb8;
	[tilespmem:$0x1E800] =	vst v63  }
0x6c: {  	_ = 	snop  }
0x6d: {  	[tilespmem:s18], [sflag:$0x2] =	stream.indirect.gather [hbm4b:s4+s16], $0x80, s16, s16, $0xb8;
	[tilespmem:$0x1E800] =	vst v63  }
0x6e: {  	_ =	swait.ge [sflag:s19], $0x4000  }
0x6f: {  	[sflag:s19] =	ssyncset.done $0x0  }
0x70: {  	[sflag:s19] =	ssyncadd.s32 $0xFFFFC000  }
0x71: {  	[spmem:s2] =	stream.indirect.scatter.add.f32 [tilespmem:s17], [sflag:$0x3], $0x80, s15, s16, $0xb8;
	[tilespmem:$0x1E800] =	vst v63  }
0x72: {  	_ =	swait.ge [sflag:s20], $0x4000  }
0x73: {  	[sflag:s20] =	ssyncset.done $0x0  }
0x74: {  	s28 =	simm.s32 $0x100;
	[sflag:s20] =	ssyncadd.s32 $0xFFFFC000  }
0x75: {  	[tilespmem:s17], [sflag:$0x1] =	stream.indirect.gather [hbm4b:s4+s16], $0x80, s28, s16, $0xb8;
	[tilespmem:$0x1E800] =	vst v63  }
0x76: {  	_ =	swait.ge [sflag:s21], $0x4000  }
0x77: {  	[sflag:s21] =	ssyncset.done $0x0  }
0x78: {  	s29 =	simm.s32 $0x1480;
	[sflag:s21] =	ssyncadd.s32 $0xFFFFC000  }
0x79: {  	[spmem:s2] =	stream.indirect.scatter.add.f32 [tilespmem:s18], [sflag:$0x4], $0x80, s29, s16, $0xb8;
	[tilespmem:$0x1E800] =	vst v63  }
0x7a: {  	_ =	swait.ge [sflag:s22], $0x4000  }
0x7b: {  	[sflag:s22] =	ssyncset.done $0x0  }
0x7c: {  	s30 =	simm.s32 $0x180;
	[sflag:s22] =	ssyncadd.s32 $0xFFFFC000  }
0x7d: {  	[tilespmem:s18], [sflag:$0x2] =	stream.indirect.gather [hbm4b:s4+s16], $0x80, s30, s16, $0xb8;
	[tilespmem:$0x1E800] =	vst v63  }
0x7e: {  	_ =	swait.ge [sflag:s19], $0x4000  }
0x7f: {  	[sflag:s19] =	ssyncset.done $0x0  }
0x80: {  	s31 =	simm.s32 $0x1500;
	[sflag:s19] =	ssyncadd.s32 $0xFFFFC000  }
0x81: {  	[spmem:s2] =	stream.indirect.scatter.add.f32 [tilespmem:s17], [sflag:$0x3], $0x80, s31, s16, $0xb8;
	[tilespmem:$0x1E800] =	vst v63  }
0x82: {  	_ =	swait.ge [sflag:s20], $0x4000  }
0x83: {  	s25 =	simm.s32 $0xFFFFEE00;
	s26 =	simm.s32 $0xFFFFBC00;
	[sflag:s20] =	ssyncset.done $0x0  }
.LBB2_4:
0x84: {  	s28 =	sadd.s32 $0x1400, s25  }
0x85: {  	[sflag:s20] =	ssyncadd.s32 $0xFFFFC000;
	s29 =	smov.u32 s26;
	s30 =	sadd.s32 $0x400, s26  }
0x86: {  	[tilespmem:s17], [sflag:$0x1] =	stream.indirect.gather [hbm4b:s4+s16], $0x80, s28, s16, $0xb8;
	[tilespmem:$0x1E800] =	vst v63  }
0x87: {  	p0 =	sne.s32 s26, $0xFFFFFC00;
	_ =	swait.ge [sflag:s21], $0x4000  }
0x88: {  	[sflag:s21] =	ssyncset.done $0x0  }
0x89: {  	s26 =	sadd.s32 $0x2780, s25;
	[sflag:s21] =	ssyncadd.s32 $0xFFFFC000  }
0x8a: {  	[spmem:s2] =	stream.indirect.scatter.add.f32 [tilespmem:s18], [sflag:$0x4], $0x80, s26, s16, $0xb8;
	[tilespmem:$0x1E800] =	vst v63  }
0x8b: {  	_ =	swait.ge [sflag:s22], $0x4000  }
0x8c: {  	[sflag:s22] =	ssyncset.done $0x0  }
0x8d: {  	s26 =	sadd.s32 $0x1480, s25;
	[sflag:s22] =	ssyncadd.s32 $0xFFFFC000  }
0x8e: {  	[tilespmem:s18], [sflag:$0x2] =	stream.indirect.gather [hbm4b:s4+s16], $0x80, s26, s16, $0xb8;
	[tilespmem:$0x1E800] =	vst v63  }
0x8f: {  	_ =	swait.ge [sflag:s19], $0x4000  }
.Ltmp1:
0x90: {  	[sflag:s19] =	ssyncset.done $0x0;
	(pc) =	sbr.rel @p0 .LBB2_4-.Ltmp1, $4  }
0x91: {  	s25 =	sadd.s32 $0x2800, s25;
	[sflag:s19] =	ssyncadd.s32 $0xFFFFC000  }
0x92: {  	[spmem:s2] =	stream.indirect.scatter.add.f32 [tilespmem:s17], [sflag:$0x3], $0x80, s25, s16, $0xb8;
	[tilespmem:$0x1E800] =	vst v63  }
0x93: {  	_ =	swait.ge [sflag:s20], $0x4000  }
0x94: {  	s26 =	smov.u32 s30;
	s25 =	sshra.s32 s29, $0x2;
	[sflag:s20] =	ssyncset.done $0x0  }
0x95: {  	s26 =	sadd.s32 $0x1400, s25;
	[sflag:s20] =	ssyncadd.s32 $0xFFFFC000  }
0x96: {  	[tilespmem:s17], [sflag:$0x1] =	stream.indirect.gather [hbm4b:s4+s16], $0x80, s26, s16, $0xb8;
	[tilespmem:$0x1E800] =	vst v63  }
0x97: {  	_ =	swait.ge [sflag:s21], $0x4000  }
0x98: {  	[sflag:s21] =	ssyncset.done $0x0  }
0x99: {  	s29 =	sadd.s32 $0x2780, s25;
	[sflag:s21] =	ssyncadd.s32 $0xFFFFC000  }
0x9a: {  	[spmem:s2] =	stream.indirect.scatter.add.f32 [tilespmem:s18], [sflag:$0x4], $0x80, s29, s16, $0xb8;
	[tilespmem:$0x1E800] =	vst v63  }
0x9b: {  	_ =	swait.ge [sflag:s22], $0x4000  }
0x9c: {  	[sflag:s22] =	ssyncset.done $0x0  }
0x9d: {  	s30 =	sadd.s32 $0x1480, s25;
	[sflag:s22] =	ssyncadd.s32 $0xFFFFC000  }
0x9e: {  	[tilespmem:s18], [sflag:$0x2] =	stream.indirect.gather [hbm4b:s4+s16], $0x80, s30, s16, $0xb8;
	[tilespmem:$0x1E800] =	vst v63  }
0x9f: {  	_ =	swait.ge [sflag:s19], $0x4000  }
0xa0: {  	[sflag:s19] =	ssyncset.done $0x0  }
0xa1: {  	s31 =	sadd.s32 $0x2800, s25;
	[sflag:s19] =	ssyncadd.s32 $0xFFFFC000  }
0xa2: {  	[spmem:s2] =	stream.indirect.scatter.add.f32 [tilespmem:s17], [sflag:$0x3], $0x80, s31, s16, $0xb8;
	[tilespmem:$0x1E800] =	vst v63  }
0xa3: {  	_ =	swait.ge [sflag:s20], $0x4000  }
0xa4: {  	[sflag:s20] =	ssyncset.done $0x0  }
0xa5: {  	[sflag:s20] =	ssyncadd.s32 $0xFFFFC000  }
0xa6: {  	_ =	swait.ge [sflag:s21], $0x4000  }
0xa7: {  	[sflag:s21] =	ssyncset.done $0x0  }
0xa8: {  	[sflag:s21] =	ssyncadd.s32 $0xFFFFC000  }
0xa9: {  	[spmem:s2] =	stream.indirect.scatter.add.f32 [tilespmem:s18], [sflag:$0x4], $0x80, s23, s16, $0xb8;
	[tilespmem:$0x1E800] =	vst v63  }
0xaa: {  	_ =	swait.ge [sflag:s22], $0x4000  }
0xab: {  	s24 =	sadd.s32 $0x1, s24;
	[sflag:s22] =	ssyncset.done $0x0  }
0xac: {  	p0 =	sne.s32 s24, s12;
	[sflag:s22] =	ssyncadd.s32 $0xFFFFC000  }
.Ltmp2:
0xad: {  	[bflag:$0x0] =	sbarrier.arrive $0xFFFF;
	(pc) =	sbr.rel @p0 .LBB2_1-.Ltmp2, $4  }
0xae: {  	[hbm:s11], [sflag:s6] =	dma.local [spmem:s13], $0x2800  }
0xaf: {  	_ =	swait.ge [sflag:s14], $0x2800  }
0xb0: {  	[sflag:s14] =	ssyncset.done $0x0  }
0xb1: {  	[sflag:s14] =	ssyncadd.s32 $0xFFFFD800  }
0xb2: {  	_ =	sfence.sel $0x180000  }
0xb3: {  	[bflag:$0x0] =	sbarrier.arrive $0xFFFF  }
0xb4: {  	p0 =	sne.s32 s1, $0x0;
	_ =	strace $0x90000056  }
0xb5: {  	s0 =	sadd.s32 @!p0 $0x100000, s0;
	[bflag:$0x2] =	sbarrier.arrive $0xFFFF  }
0xb6: {  	[sflag:s0] =	ssyncadd.tile.s32 @!p0 $0x1;
	_ =	shalt  }
.Lfunc_end2:
_tile_overlayer_lowered:
.L_overlay_start_2:
0xb7: {  	(tag) =	ssettag $0x2  }
0xb8: {  	s0 =	rddreg [dreg:$0x0];
	s2 =	stileid.u32  }
0xb9: {  	s1 =	rddreg [dreg:$0x1];
	p0 =	sne.s32 s2, $0x0  }
0xba: {  	s3 =	rddreg [dreg:$0x2];
	[bflag:$0x3] =	sbarrier.arrive $0xFFFF;
	s2 =	simm.s32 @!p0 $0x1C05  }
0xbb: {  	[timem:s3], [sflag:s2] =	dma.local @!p0 [hbm:s0], s1  }
0xbc: {  	s0 =	simm.s32 @!p0 $0x5  }
0xbd: {  	_ =	swait.ge @!p0 [sflag:s0], s1  }
0xbe: {  	s1 =	ssub.s32 @!p0 $0x0, s1;
	[sflag:s0] =	ssyncset.done @!p0 $0x0  }
0xbf: {  	[sflag:s0] =	ssyncadd.s32 @!p0 s1  }
0xc0: {  	[bflag:$0x3] =	sbarrier.arrive $0xFFFF  }
0xc1: {  	_ =	shalt  }

// kernel: kernel.34.cloned.1.call-start
scs
__scs_entry_jumppad:
0x0: {  	(pc) =	sbr.rel $0x88, $3  }
0x1: {  	(tag) =	ssettag $0x0;
	lr =	simm.s32 $0x1  }
0x2: {  	[smem:$0x3F99] =	sst lr;
	_ =	strace $0xD0000000  }
0x3: {  	_ = 	snop  }
0x4: {  	_ = 	snop  }
0x5: {  	_ = 	snop  }
0x6: {  	_ = 	snop  }
0x7: {  	_ = 	snop  }
__scs_overlays_trampoline_lowered:
0x8: {  	[smem:$0x3FA8] =	sst s0  }
0x9: {  	[smem:$0x3FA9] =	sst s1  }
0xa: {  	[smem:$0x3FAA] =	sst s2  }
0xb: {  	[smem:$0x3FAB] =	sst s3  }
0xc: {  	[smem:$0x3FAC] =	sst s4  }
0xd: {  	[smem:$0x3FAD] =	sst s5  }
0xe: {  	[smem:$0x3FAE] =	sst s6  }
0xf: {  	[smem:$0x3FAF] =	sst s7  }
0x10: {  	[smem:$0x3FB0] =	sst s8  }
0x11: {  	[smem:$0x3FB1] =	sst s9;
	s0 =	simm.s32 @!p0 $0x0  }
0x12: {  	s1 =	sld [smem:$0x3F97];
	s0 =	simm.s32 @p0 $0x1  }
0x13: {  	[smem:$0x3FB2] =	sst s0;
	s0 =	simm.s32 @!p1 $0x0  }
0x14: {  	s2 =	sld [smem:$0x3F96];
	s0 =	simm.s32 @p1 $0x1  }
0x15: {  	[smem:$0x3FB3] =	sst s0;
	s0 =	simm.s32 @!p2 $0x0  }
0x16: {  	s3 =	sld [smem:$0x3FDB];
	s0 =	simm.s32 @p2 $0x1  }
0x17: {  	s4 =	simm.s32 $0x1BF5;
	[smem:$0x3FB5] =	sst s0  }
0x18: {  	s0 =	sld [smem:$0x3F98];
	_ =	swait.ge [sflag:s4], $0x0  }
0x19: {  	s7 =	sld [smem:$0x3F99]  }
0x1a: {  	s8 =	sadd.s32 $0xFFFFE003, lr  }
0x1b: {  	s9 =	sadd.s32 $0xFFFFFEF7, lr;
	s5 =	simm.s32 $0xFFFFFFFF;
	p2 =	slt.u32 s8, $0xFFFFF086  }
0x1c: {  	p1 =	slt.u32 s9, $0xF7A;
	s5 =	simm.s32 @!p2 $0x0  }
0x1d: {  	s5 =	simm.s32 @p1 $0x1;
	p0 =	seq.s32 s7, s2  }
0x1e: {  	s7 =	smul.u32 @!p0 $0xF7A, s2;
	p2 =	seq.s32 @!p0 s5, $0x0  }
0x1f: {  	s9 =	smul.u32 $0xF7A, s1;
	s8 =	simm.s32 @!p0 $0x1BF5;
	p2 =	por !p2, p0  }
0x20: {  	[sflag:s8] =	ssyncset.s32 @!p0 $0xFFFFF086;
	s6 =	sadd.s32 @!p0 s3, s7;
	s7 =	simm.s32 @!p0 $0x108  }
0x21: {  	s3 =	sadd.s32 s3, s9;
	s6 =	sadd.s32 @!p0 $0x88, s6;
	s7 =	simm.s32 @p2 $0x1082  }
0x22: {  	[simem:s7], [sflag:s8] =	dma.local @!p0 [hbm:s6], $0xF7A  }
0x23: {  	s9 =	sor.u32 $0xD0000000, s2;
	s6 =	simm.s32 $0x108;
	_ =	swait.ge @!p0 [sflag:s8], $0x0  }
0x24: {  	s3 =	sadd.s32 $0x88, s3;
	s6 =	simm.s32 @!p1 $0x1082;
	[sflag:s4] =	ssyncset.s32 $0xFFFFF086  }
0x25: {  	[simem:s6], [sflag:s4] =	dma.local [hbm:s3], $0xF7A  }
0x26: {  	[smem:$0x3F99] =	sst s1;
	(tag) =	ssettag s2;
	_ =	strace s9  }
0x27: {  	s1 =	sld [smem:$0x3FA9]  }
0x28: {  	s2 =	sld [smem:$0x3FAA]  }
0x29: {  	s4 =	sld [smem:$0x3FAC]  }
0x2a: {  	p0 =	seq.s32 s5, $0x0;
	s5 =	sld [smem:$0x3FAD]  }
0x2b: {  	s6 =	sld [smem:$0x3FAE]  }
0x2c: {  	s7 =	sld [smem:$0x3FAF]  }
0x2d: {  	s3 =	simm.s32 $0x108;
	s8 =	sld [smem:$0x3FB0]  }
0x2e: {  	s3 =	simm.s32 @!p0 $0x1082;
	s9 =	sld [smem:$0x3FB1]  }
0x2f: {  	lr =	sadd.s32 s0, s3;
	s0 =	sld [smem:$0x3FA8]  }
0x30: {  	s3 =	sld [smem:$0x3FAB]  }
0x31: {  	[smem:$0x3FB4] =	sst s10  }
0x32: {  	s10 =	sld [smem:$0x3FB2];
	_ =	sdelay $0x3  }
0x33: {  	p0 =	seq.s32 s10, $0x1;
	s10 =	sld [smem:$0x3FB4];
	_ =	sdelay $0x3  }
0x34: {  	[smem:$0x3FB4] =	sst s10  }
0x35: {  	s10 =	sld [smem:$0x3FB3];
	_ =	sdelay $0x3  }
0x36: {  	p1 =	seq.s32 s10, $0x1;
	s10 =	sld [smem:$0x3FB4];
	_ =	sdelay $0x3  }
0x37: {  	[smem:$0x3FB4] =	sst s10  }
0x38: {  	s10 =	sld [smem:$0x3FB5]  }
0x39: {  	_ = 	snop;
	(pc) =	sbr.ind lr, $3  }
0x3a: {  	_ = 	snop  }
0x3b: {  	_ = 	snop  }
0x3c: {  	p2 =	seq.s32 s10, $0x1;
	s10 =	sld [smem:$0x3FB4]  }
0x3d: {  	_ =	shalt  }
0x3e: {  	_ =	shalt  }
0x3f: {  	_ =	shalt  }
0x40: {  	_ =	shalt  }
0x41: {  	_ =	shalt  }
0x42: {  	_ =	shalt  }
0x43: {  	_ =	shalt  }
0x44: {  	_ =	shalt  }
0x45: {  	_ =	shalt  }
0x46: {  	_ =	shalt  }
0x47: {  	_ =	shalt  }
0x48: {  	_ =	shalt  }
0x49: {  	_ =	shalt  }
0x4a: {  	_ =	shalt  }
0x4b: {  	_ =	shalt  }
0x4c: {  	_ =	shalt  }
0x4d: {  	_ =	shalt  }
0x4e: {  	_ =	shalt  }
0x4f: {  	_ =	shalt  }
0x50: {  	_ =	shalt  }
0x51: {  	_ =	shalt  }
0x52: {  	_ =	shalt  }
0x53: {  	_ =	shalt  }
0x54: {  	_ =	shalt  }
0x55: {  	_ =	shalt  }
0x56: {  	_ =	shalt  }
0x57: {  	_ =	shalt  }
0x58: {  	_ =	shalt  }
0x59: {  	_ =	shalt  }
0x5a: {  	_ =	shalt  }
0x5b: {  	_ =	shalt  }
0x5c: {  	_ =	shalt  }
0x5d: {  	_ =	shalt  }
0x5e: {  	_ =	shalt  }
0x5f: {  	_ =	shalt  }
0x60: {  	_ =	shalt  }
0x61: {  	_ =	shalt  }
0x62: {  	_ =	shalt  }
0x63: {  	_ =	shalt  }
0x64: {  	_ =	shalt  }
0x65: {  	_ =	shalt  }
0x66: {  	_ =	shalt  }
0x67: {  	_ =	shalt  }
0x68: {  	_ =	shalt  }
0x69: {  	_ =	shalt  }
0x6a: {  	_ =	shalt  }
0x6b: {  	_ =	shalt  }
0x6c: {  	_ =	shalt  }
0x6d: {  	_ =	shalt  }
0x6e: {  	_ =	shalt  }
0x6f: {  	_ =	shalt  }
0x70: {  	_ =	shalt  }
0x71: {  	_ =	shalt  }
0x72: {  	_ =	shalt  }
0x73: {  	_ =	shalt  }
0x74: {  	_ =	shalt  }
0x75: {  	_ =	shalt  }
0x76: {  	_ =	shalt  }
0x77: {  	_ =	shalt  }
0x78: {  	_ =	shalt  }
0x79: {  	_ =	shalt  }
0x7a: {  	_ =	shalt  }
0x7b: {  	_ =	shalt  }
0x7c: {  	_ =	shalt  }
0x7d: {  	_ =	shalt  }
0x7e: {  	_ =	shalt  }
0x7f: {  	_ =	shalt  }
0x80: {  	_ =	shalt  }
0x81: {  	_ =	shalt  }
0x82: {  	_ =	shalt  }
0x83: {  	_ =	shalt  }
0x84: {  	_ =	shalt  }
0x85: {  	_ =	shalt  }
0x86: {  	_ =	shalt  }
0x87: {  	_ =	shalt  }
.Lfunc_end0:
.L_simem_size_0:
called_computation.6_lowered:
.L_overlay_start_0:
0x88: {  	s2 =	sld [smem:$0x3FD9]  }
0x89: {  	s3 =	sld [smem:$0x3FFE];
	_ =	sdelay $0x1  }
0x8a: {  	s1 =	srdreg.scid  }
0x8b: {  	s0 =	sand.u32 $0x1, s1  }
0x8c: {  	s17 =	sshll.u32 s0, $0xA;
	s2 =	sadd.s32 s3, s2  }
0x8d: {  	s2 =	sadd.s32 s2, s17  }
0x8e: {  	[smem:$0x3FC0] =	sst s2  }
0x8f: {  	_ = 	snop  }
0x90: {  	s2 =	sld [smem:$0x3FD0];
	(tm) =	ssettm $0x1  }
0x91: {  	s18 =	sld [smem:$0x3FFB];
	_ =	sdelay $0x3  }
0x92: {  	_ =	strace s18  }
0x93: {  	s3 =	sld [smem:$0x3FFC];
	_ =	sdelay $0x3  }
0x94: {  	_ =	strace s3  }
0x95: {  	s3 =	sld [smem:$0x3FFD];
	_ =	sdelay $0x3  }
0x96: {  	_ =	strace s3  }
0x97: {  	_ =	strace $0x8FFFFFFF  }
0x98: {  	s19 =	sld [smem:$0x3FDB];
	_ =	sdelay $0x1  }
0x99: {  	s4 =	simm.s32 $_scs_section_size  }
0x9a: {  	s5 =	simm.s32 $_size__tile_overlayer_lowered;
	s6 =	simm.s32 $_tile_overlayer_lowered  }
0x9b: {  	s22 =	simm.s32 $0x1BFF;
	s21 =	sshll.u32 s6, $0x1;
	s3 =	sadd.s32 s4, s19  }
0x9c: {  	s7 =	simm.s32 $0x0;
	s20 =	sshll.u32 s5, $0x1;
	s5 =	sadd.s32 s21, s3  }
0x9d: {  	[timem:s7], [sflag:s22] =	dma.local [hbm:s5], s20  }
0x9e: {  	_ =	swait.ge [sflag:s22], s20  }
0x9f: {  	s4 =	ssub.s32 $0x0, s20;
	[sflag:s22] =	ssyncset.done $0x0  }
0xa0: {  	[sflag:s22] =	ssyncadd.s32 s4;
	_ =	sdelay $0x1  }
0xa1: {  	s23 =	simm.s32 $0x1B8B  }
0xa2: {  	_ =	swait.ge [sflag:s23], $0x1  }
0xa3: {  	[sflag:s23] =	ssyncset.done $0x0  }
0xa4: {  	s25 =	simm.s32 $0x1B8E;
	s24 =	sld [smem:$0x3FFE];
	[sflag:s23] =	ssyncadd.s32 $0xFFFFFFFF  }
0xa5: {  	s26 =	simm.s32 $execute0_lowered;
	[smem:$0x3FD2] =	sst s25  }
0xa6: {  	s5 =	sshll.u32 s26, $0x1;
	_ =	strace $0x80000058;
	[dreg:$0x1] =	wrdreg $0xFFFFFFFF  }
0xa7: {  	s28 =	simm.s32 $_size_execute0_lowered;
	s3 =	sadd.s32 s3, s5;
	[dreg:$0x0] =	wrdreg $0x0  }
0xa8: {  	s5 =	sshll.u32 s28, $0x1;
	[dreg:$0x2] =	wrdreg s3  }
0xa9: {  	[dreg:$0x3] =	wrdreg s5  }
0xaa: {  	[dreg:$0x4] =	wrdreg $0xC0  }
0xab: {  	_ =	task [dreg:s7], $0x5FFFF  }
0xac: {  	[dreg:$0x1] =	wrdreg $0xFFFFFFFF  }
0xad: {  	[dreg:$0x0] =	wrdreg $0x60  }
0xae: {  	[dreg:$0x2] =	wrdreg s24  }
0xaf: {  	[dreg:$0x3] =	wrdreg s2  }
0xb0: {  	[dreg:$0x4] =	wrdreg $0xA8000  }
0xb1: {  	[dreg:$0x5] =	wrdreg $0x9  }
0xb2: {  	_ =	task.clear_ibuf [dreg:s7], $0x6FFFF;
	_ =	strace $0x90000058  }
0xb3: {  	s29 =	simm.s32 $0x9;
	_ =	strace $0x8000005A  }
0xb4: {  	_ =	swait.ge [sflag:s29], $0x1  }
0xb5: {  	[sflag:s29] =	ssyncadd.s32 $0xFFFFFFFF  }
0xb6: {  	_ =	strace $0x9000005A  }
0xb7: {  	_ =	sfence  }
0xb8: {  	s30 =	sld [smem:$0x0];
	_ =	sdelay $0x2  }
0xb9: {  	s31 =	sshll.u32 s1, $0xD;
	s1 =	sshrl.u32 s1, $0x2  }
0xba: {  	s3 =	sand.u32 $0x4000, s31;
	s1 =	sadd.s32 s1, s30  }
0xbb: {  	s0 =	sor.u32 s3, s0;
	s1 =	sshll.u32 s1, $0x11  }
0xbc: {  	s0 =	sor.u32 s1, s0  }
0xbd: {  	s0 =	sadd.s32 $0x8F2B, s0  }
0xbe: {  	[sflag:s0] =	ssyncadd.remote.s32 $0x1  }
0xbf: {  	_ =	sfence.sel $0xFFFF  }
0xc0: {  	[dreg:$0x0] =	wrdreg $0xFFFFFFFF;
	(pc) =	sbr.abs _section_cstart, $3  }
0xc1: {  	[dreg:$0x1] =	wrdreg $0xFFFFFFFF  }
0xc2: {  	_ =	task.clear_ibuf [dreg:s7], $0x2FFFF;
	_ =	strace $0x9FFFFFFF  }
0xc3: {  	(tm) =	ssettm $0x7FFFFFFF  }
tec
execute0_lowered:
.L_overlay_start_1:
0x0: {  	(tag) =	ssettag $0x1  }
0x1: {  	s5 =	rddreg [dreg:$0x0]  }
0x2: {  	s10 =	rddreg [dreg:$0x1]  }
0x3: {  	s2 =	rddreg [dreg:$0x2]  }
0x4: {  	s0 =	rddreg [dreg:$0x3];
	s4 =	srdreg.scid  }
0x5: {  	s1 =	stileid.u32;
	s3 =	simm.s32 $0x0;
	s15 =	simm.s32 $0x1400  }
0x6: {  	s16 =	simm.s32 $0x80;
	s17 =	simm.s32 $0x2800;
	s18 =	simm.s32 $0x6800  }
0x7: {  	s19 =	simm.s32 $0x1;
	s20 =	simm.s32 $0x3;
	s21 =	simm.s32 $0x2  }
0x8: {  	s22 =	simm.s32 $0x4;
	s23 =	simm.s32 $0x2780;
	s24 =	simm.s32 $0x0  }
0x9: {  	s6 =	sand.u32 $0x1, s4;
	s7 =	smul.u32 $0x14000, s1;
	[smem:$0x7FF] =	sst s3  }
0xa: {  	s9 =	sadd.s32 $0x5600, s5;
	s4 =	sadd.s32 $0xF600, s5;
	s11 =	smul.u32 $0x50000, s1  }
0xb: {  	s12 =	sshll.u32 s1, $0x1;
	s29 =	sshll.u32 s1, $0x6;
	s8 =	smul.u32 $0x140000, s6  }
0xc: {  	_ =	strace $0x80000059;
	s13 =	ssub.s32 $0x2, s6;
	s6 =	sor.u32 s6, s12  }
0xd: {  	s25 =	sshrl.u32 s13, $0x1;
	s11 =	sshrl.u32 s11, $0x2;
	s6 =	smul.u32 $0x2800, s6  }
0xe: {  	s28 =	sshrl.u32 s7, $0x3;
	s8 =	sadd.s32 s7, s8;
	s12 =	ssub.s32 s13, s25  }
0xf: {  	s26 =	sadd.s32 s11, s2;
	s8 =	sshrl.u32 s8, $0x3;
	s30 =	sshrl.u32 s6, $0x3  }
0x10: {  	s6 =	sor.u32 $0x1C05, s29;
	s12 =	smax.u32 s12, $0x1;
	s13 =	sshrl.u32 s26, $0x3  }
0x11: {  	s14 =	sadd.s32 s8, s5;
	s5 =	sadd.s32 s4, s28;
	s31 =	sadd.s32 $0x280, s30  }
0x12: {  	s7 =	sadd.s32 s9, s30;
	s8 =	sadd.s32 s10, s30;
	s9 =	sadd.s32 s9, s31  }
0x13: {  	s10 =	sadd.s32 s10, s31;
	s11 =	sadd.s32 $0x37600, s14;
	s14 =	simm.s32 $0x5  }
.LBB2_1:
0x14: {  	[spmem:s13], [sflag:s6] =	dma.local [hbm:s5], $0x2800  }
0x15: {  	_ =	swait.ge [sflag:s14], $0x2800  }
0x16: {  	[sflag:s14] =	ssyncset.done $0x0  }
0x17: {  	[sflag:s14] =	ssyncadd.s32 $0xFFFFD800  }
0x18: {  	[bflag:$0x0] =	sbarrier.arrive $0xFFFF  }
0x19: {  	[tilespmem:s3], [sflag:$0x5] =	stream.linear.gather [hbm4b:s7+s3], $0x1400, $0x38;
	[tilespmem:$0x1E800] =	vst v63  }
0x1a: {  	_ =	swait.ge [sflag:s14], $0x1400  }
0x1b: {  	[sflag:s14] =	ssyncset.done $0x0  }
0x1c: {  	[sflag:s14] =	ssyncadd.s32 $0xFFFFEC00  }
0x1d: {  	[tilespmem:s15], [sflag:$0x5] =	stream.linear.gather [hbm4b:s8+s3], $0x1400, $0x38;
	[tilespmem:$0x1E800] =	vst v63  }
0x1e: {  	_ =	swait.ge [sflag:s14], $0x1400  }
0x1f: {  	[sflag:s14] =	ssyncset.done $0x0  }
0x20: {  	[sflag:s14] =	ssyncadd.s32 $0xFFFFEC00  }
0x21: {  	[tilespmem:s17], [sflag:$0x1] =	stream.indirect.gather [hbm4b:s4+s16], $0x80, s3, s16, $0xb8;
	[tilespmem:$0x1E800] =	vst v63  }
0x22: {  	_ = 	snop  }
0x23: {  	[tilespmem:s18], [sflag:$0x2] =	stream.indirect.gather [hbm4b:s4+s16], $0x80, s16, s16, $0xb8;
	[tilespmem:$0x1E800] =	vst v63  }
0x24: {  	_ =	swait.ge [sflag:s19], $0x4000  }
0x25: {  	[sflag:s19] =	ssyncset.done $0x0  }
0x26: {  	[sflag:s19] =	ssyncadd.s32 $0xFFFFC000  }
0x27: {  	[spmem:s2] =	stream.indirect.scatter.add.f32 [tilespmem:s17], [sflag:$0x3], $0x80, s15, s16, $0xb8;
	[tilespmem:$0x1E800] =	vst v63  }
0x28: {  	_ =	swait.ge [sflag:s20], $0x4000  }
0x29: {  	[sflag:s20] =	ssyncset.done $0x0  }
0x2a: {  	s25 =	simm.s32 $0x100;
	[sflag:s20] =	ssyncadd.s32 $0xFFFFC000  }
0x2b: {  	[tilespmem:s17], [sflag:$0x1] =	stream.indirect.gather [hbm4b:s4+s16], $0x80, s25, s16, $0xb8;
	[tilespmem:$0x1E800] =	vst v63  }
0x2c: {  	_ =	swait.ge [sflag:s21], $0x4000  }
0x2d: {  	[sflag:s21] =	ssyncset.done $0x0  }
0x2e: {  	s29 =	simm.s32 $0x1480;
	[sflag:s21] =	ssyncadd.s32 $0xFFFFC000  }
0x2f: {  	[spmem:s2] =	stream.indirect.scatter.add.f32 [tilespmem:s18], [sflag:$0x4], $0x80, s29, s16, $0xb8;
	[tilespmem:$0x1E800] =	vst v63  }
0x30: {  	_ =	swait.ge [sflag:s22], $0x4000  }
0x31: {  	[sflag:s22] =	ssyncset.done $0x0  }
0x32: {  	s30 =	simm.s32 $0x180;
	[sflag:s22] =	ssyncadd.s32 $0xFFFFC000  }
0x33: {  	[tilespmem:s18], [sflag:$0x2] =	stream.indirect.gather [hbm4b:s4+s16], $0x80, s30, s16, $0xb8;
	[tilespmem:$0x1E800] =	vst v63  }
0x34: {  	_ =	swait.ge [sflag:s19], $0x4000  }
0x35: {  	[sflag:s19] =	ssyncset.done $0x0  }
0x36: {  	s31 =	simm.s32 $0x1500;
	[sflag:s19] =	ssyncadd.s32 $0xFFFFC000  }
0x37: {  	[spmem:s2] =	stream.indirect.scatter.add.f32 [tilespmem:s17], [sflag:$0x3], $0x80, s31, s16, $0xb8;
	[tilespmem:$0x1E800] =	vst v63  }
0x38: {  	_ =	swait.ge [sflag:s20], $0x4000  }
0x39: {  	s26 =	simm.s32 $0xFFFFBC00;
	s25 =	simm.s32 $0xFFFFEE00;
	[sflag:s20] =	ssyncset.done $0x0  }
.LBB2_2:
0x3a: {  	s28 =	sadd.s32 $0x1400, s25  }
0x3b: {  	[sflag:s20] =	ssyncadd.s32 $0xFFFFC000;
	s29 =	smov.u32 s26;
	s30 =	sadd.s32 $0x400, s26  }
0x3c: {  	[tilespmem:s17], [sflag:$0x1] =	stream.indirect.gather [hbm4b:s4+s16], $0x80, s28, s16, $0xb8;
	[tilespmem:$0x1E800] =	vst v63  }
0x3d: {  	p0 =	sne.s32 s26, $0xFFFFFC00;
	_ =	swait.ge [sflag:s21], $0x4000  }
0x3e: {  	[sflag:s21] =	ssyncset.done $0x0  }
0x3f: {  	s26 =	sadd.s32 $0x2780, s25;
	[sflag:s21] =	ssyncadd.s32 $0xFFFFC000  }
0x40: {  	[spmem:s2] =	stream.indirect.scatter.add.f32 [tilespmem:s18], [sflag:$0x4], $0x80, s26, s16, $0xb8;
	[tilespmem:$0x1E800] =	vst v63  }
0x41: {  	_ =	swait.ge [sflag:s22], $0x4000  }
0x42: {  	[sflag:s22] =	ssyncset.done $0x0  }
0x43: {  	s26 =	sadd.s32 $0x1480, s25;
	[sflag:s22] =	ssyncadd.s32 $0xFFFFC000  }
0x44: {  	[tilespmem:s18], [sflag:$0x2] =	stream.indirect.gather [hbm4b:s4+s16], $0x80, s26, s16, $0xb8;
	[tilespmem:$0x1E800] =	vst v63  }
0x45: {  	_ =	swait.ge [sflag:s19], $0x4000  }
.Ltmp0:
0x46: {  	[sflag:s19] =	ssyncset.done $0x0;
	(pc) =	sbr.rel @p0 .LBB2_2-.Ltmp0, $4  }
0x47: {  	s25 =	sadd.s32 $0x2800, s25;
	[sflag:s19] =	ssyncadd.s32 $0xFFFFC000  }
0x48: {  	[spmem:s2] =	stream.indirect.scatter.add.f32 [tilespmem:s17], [sflag:$0x3], $0x80, s25, s16, $0xb8;
	[tilespmem:$0x1E800] =	vst v63  }
0x49: {  	_ =	swait.ge [sflag:s20], $0x4000  }
0x4a: {  	s26 =	smov.u32 s30;
	s25 =	sshra.s32 s29, $0x2;
	[sflag:s20] =	ssyncset.done $0x0  }
0x4b: {  	s26 =	sadd.s32 $0x1400, s25;
	[sflag:s20] =	ssyncadd.s32 $0xFFFFC000  }
0x4c: {  	[tilespmem:s17], [sflag:$0x1] =	stream.indirect.gather [hbm4b:s4+s16], $0x80, s26, s16, $0xb8;
	[tilespmem:$0x1E800] =	vst v63  }
0x4d: {  	_ =	swait.ge [sflag:s21], $0x4000  }
0x4e: {  	[sflag:s21] =	ssyncset.done $0x0  }
0x4f: {  	s30 =	sadd.s32 $0x2780, s25;
	[sflag:s21] =	ssyncadd.s32 $0xFFFFC000  }
0x50: {  	[spmem:s2] =	stream.indirect.scatter.add.f32 [tilespmem:s18], [sflag:$0x4], $0x80, s30, s16, $0xb8;
	[tilespmem:$0x1E800] =	vst v63  }
0x51: {  	_ =	swait.ge [sflag:s22], $0x4000  }
0x52: {  	[sflag:s22] =	ssyncset.done $0x0  }
0x53: {  	s31 =	sadd.s32 $0x1480, s25;
	[sflag:s22] =	ssyncadd.s32 $0xFFFFC000  }
0x54: {  	[tilespmem:s18], [sflag:$0x2] =	stream.indirect.gather [hbm4b:s4+s16], $0x80, s31, s16, $0xb8;
	[tilespmem:$0x1E800] =	vst v63  }
0x55: {  	_ =	swait.ge [sflag:s19], $0x4000  }
0x56: {  	[sflag:s19] =	ssyncset.done $0x0  }
0x57: {  	s26 =	sadd.s32 $0x2800, s25;
	[sflag:s19] =	ssyncadd.s32 $0xFFFFC000  }
0x58: {  	[spmem:s2] =	stream.indirect.scatter.add.f32 [tilespmem:s17], [sflag:$0x3], $0x80, s26, s16, $0xb8;
	[tilespmem:$0x1E800] =	vst v63  }
0x59: {  	_ =	swait.ge [sflag:s20], $0x4000  }
0x5a: {  	[sflag:s20] =	ssyncset.done $0x0  }
0x5b: {  	[sflag:s20] =	ssyncadd.s32 $0xFFFFC000  }
0x5c: {  	_ =	swait.ge [sflag:s21], $0x4000  }
0x5d: {  	[sflag:s21] =	ssyncset.done $0x0  }
0x5e: {  	[sflag:s21] =	ssyncadd.s32 $0xFFFFC000  }
0x5f: {  	[spmem:s2] =	stream.indirect.scatter.add.f32 [tilespmem:s18], [sflag:$0x4], $0x80, s23, s16, $0xb8;
	[tilespmem:$0x1E800] =	vst v63  }
0x60: {  	_ =	swait.ge [sflag:s22], $0x4000  }
0x61: {  	[sflag:s22] =	ssyncset.done $0x0  }
0x62: {  	[sflag:s22] =	ssyncadd.s32 $0xFFFFC000  }
0x63: {  	[tilespmem:s3], [sflag:$0x5] =	stream.linear.gather [hbm4b:s9+s3], $0x1400, $0x38;
	[tilespmem:$0x1E800] =	vst v63  }
0x64: {  	_ =	swait.ge [sflag:s14], $0x1400  }
0x65: {  	[sflag:s14] =	ssyncset.done $0x0  }
0x66: {  	[sflag:s14] =	ssyncadd.s32 $0xFFFFEC00  }
0x67: {  	[tilespmem:s15], [sflag:$0x5] =	stream.linear.gather [hbm4b:s10+s3], $0x1400, $0x38;
	[tilespmem:$0x1E800] =	vst v63  }
0x68: {  	_ =	swait.ge [sflag:s14], $0x1400  }
0x69: {  	[sflag:s14] =	ssyncset.done $0x0  }
0x6a: {  	[sflag:s14] =	ssyncadd.s32 $0xFFFFEC00  }
0x6b: {  	[tilespmem:s17], [sflag:$0x1] =	stream.indirect.gather [hbm4b:s4+s16], $0x80, s3, s16, $0xb8;
	[tilespmem:$0x1E800] =	vst v63  }
0x6c: {  	_ = 	snop  }
0x6d: {  	[tilespmem:s18], [sflag:$0x2] =	stream.indirect.gather [hbm4b:s4+s16], $0x80, s16, s16, $0xb8;
	[tilespmem:$0x1E800] =	vst v63  }
0x6e: {  	_ =	swait.ge [sflag:s19], $0x4000  }
0x6f: {  	[sflag:s19] =	ssyncset.done $0x0  }
0x70: {  	[sflag:s19] =	ssyncadd.s32 $0xFFFFC000  }
0x71: {  	[spmem:s2] =	stream.indirect.scatter.add.f32 [tilespmem:s17], [sflag:$0x3], $0x80, s15, s16, $0xb8;
	[tilespmem:$0x1E800] =	vst v63  }
0x72: {  	_ =	swait.ge [sflag:s20], $0x4000  }
0x73: {  	[sflag:s20] =	ssyncset.done $0x0  }
0x74: {  	s28 =	simm.s32 $0x100;
	[sflag:s20] =	ssyncadd.s32 $0xFFFFC000  }
0x75: {  	[tilespmem:s17], [sflag:$0x1] =	stream.indirect.gather [hbm4b:s4+s16], $0x80, s28, s16, $0xb8;
	[tilespmem:$0x1E800] =	vst v63  }
0x76: {  	_ =	swait.ge [sflag:s21], $0x4000  }
0x77: {  	[sflag:s21] =	ssyncset.done $0x0  }
0x78: {  	s29 =	simm.s32 $0x1480;
	[sflag:s21] =	ssyncadd.s32 $0xFFFFC000  }
0x79: {  	[spmem:s2] =	stream.indirect.scatter.add.f32 [tilespmem:s18], [sflag:$0x4], $0x80, s29, s16, $0xb8;
	[tilespmem:$0x1E800] =	vst v63  }
0x7a: {  	_ =	swait.ge [sflag:s22], $0x4000  }
0x7b: {  	[sflag:s22] =	ssyncset.done $0x0  }
0x7c: {  	s30 =	simm.s32 $0x180;
	[sflag:s22] =	ssyncadd.s32 $0xFFFFC000  }
0x7d: {  	[tilespmem:s18], [sflag:$0x2] =	stream.indirect.gather [hbm4b:s4+s16], $0x80, s30, s16, $0xb8;
	[tilespmem:$0x1E800] =	vst v63  }
0x7e: {  	_ =	swait.ge [sflag:s19], $0x4000  }
0x7f: {  	[sflag:s19] =	ssyncset.done $0x0  }
0x80: {  	s31 =	simm.s32 $0x1500;
	[sflag:s19] =	ssyncadd.s32 $0xFFFFC000  }
0x81: {  	[spmem:s2] =	stream.indirect.scatter.add.f32 [tilespmem:s17], [sflag:$0x3], $0x80, s31, s16, $0xb8;
	[tilespmem:$0x1E800] =	vst v63  }
0x82: {  	_ =	swait.ge [sflag:s20], $0x4000  }
0x83: {  	s25 =	simm.s32 $0xFFFFEE00;
	s26 =	simm.s32 $0xFFFFBC00;
	[sflag:s20] =	ssyncset.done $0x0  }
.LBB2_4:
0x84: {  	s28 =	sadd.s32 $0x1400, s25  }
0x85: {  	[sflag:s20] =	ssyncadd.s32 $0xFFFFC000;
	s29 =	smov.u32 s26;
	s30 =	sadd.s32 $0x400, s26  }
0x86: {  	[tilespmem:s17], [sflag:$0x1] =	stream.indirect.gather [hbm4b:s4+s16], $0x80, s28, s16, $0xb8;
	[tilespmem:$0x1E800] =	vst v63  }
0x87: {  	p0 =	sne.s32 s26, $0xFFFFFC00;
	_ =	swait.ge [sflag:s21], $0x4000  }
0x88: {  	[sflag:s21] =	ssyncset.done $0x0  }
0x89: {  	s26 =	sadd.s32 $0x2780, s25;
	[sflag:s21] =	ssyncadd.s32 $0xFFFFC000  }
0x8a: {  	[spmem:s2] =	stream.indirect.scatter.add.f32 [tilespmem:s18], [sflag:$0x4], $0x80, s26, s16, $0xb8;
	[tilespmem:$0x1E800] =	vst v63  }
0x8b: {  	_ =	swait.ge [sflag:s22], $0x4000  }
0x8c: {  	[sflag:s22] =	ssyncset.done $0x0  }
0x8d: {  	s26 =	sadd.s32 $0x1480, s25;
	[sflag:s22] =	ssyncadd.s32 $0xFFFFC000  }
0x8e: {  	[tilespmem:s18], [sflag:$0x2] =	stream.indirect.gather [hbm4b:s4+s16], $0x80, s26, s16, $0xb8;
	[tilespmem:$0x1E800] =	vst v63  }
0x8f: {  	_ =	swait.ge [sflag:s19], $0x4000  }
.Ltmp1:
0x90: {  	[sflag:s19] =	ssyncset.done $0x0;
	(pc) =	sbr.rel @p0 .LBB2_4-.Ltmp1, $4  }
0x91: {  	s25 =	sadd.s32 $0x2800, s25;
	[sflag:s19] =	ssyncadd.s32 $0xFFFFC000  }
0x92: {  	[spmem:s2] =	stream.indirect.scatter.add.f32 [tilespmem:s17], [sflag:$0x3], $0x80, s25, s16, $0xb8;
	[tilespmem:$0x1E800] =	vst v63  }
0x93: {  	_ =	swait.ge [sflag:s20], $0x4000  }
0x94: {  	s26 =	smov.u32 s30;
	s25 =	sshra.s32 s29, $0x2;
	[sflag:s20] =	ssyncset.done $0x0  }
0x95: {  	s26 =	sadd.s32 $0x1400, s25;
	[sflag:s20] =	ssyncadd.s32 $0xFFFFC000  }
0x96: {  	[tilespmem:s17], [sflag:$0x1] =	stream.indirect.gather [hbm4b:s4+s16], $0x80, s26, s16, $0xb8;
	[tilespmem:$0x1E800] =	vst v63  }
0x97: {  	_ =	swait.ge [sflag:s21], $0x4000  }
0x98: {  	[sflag:s21] =	ssyncset.done $0x0  }
0x99: {  	s29 =	sadd.s32 $0x2780, s25;
	[sflag:s21] =	ssyncadd.s32 $0xFFFFC000  }
0x9a: {  	[spmem:s2] =	stream.indirect.scatter.add.f32 [tilespmem:s18], [sflag:$0x4], $0x80, s29, s16, $0xb8;
	[tilespmem:$0x1E800] =	vst v63  }
0x9b: {  	_ =	swait.ge [sflag:s22], $0x4000  }
0x9c: {  	[sflag:s22] =	ssyncset.done $0x0  }
0x9d: {  	s30 =	sadd.s32 $0x1480, s25;
	[sflag:s22] =	ssyncadd.s32 $0xFFFFC000  }
0x9e: {  	[tilespmem:s18], [sflag:$0x2] =	stream.indirect.gather [hbm4b:s4+s16], $0x80, s30, s16, $0xb8;
	[tilespmem:$0x1E800] =	vst v63  }
0x9f: {  	_ =	swait.ge [sflag:s19], $0x4000  }
0xa0: {  	[sflag:s19] =	ssyncset.done $0x0  }
0xa1: {  	s31 =	sadd.s32 $0x2800, s25;
	[sflag:s19] =	ssyncadd.s32 $0xFFFFC000  }
0xa2: {  	[spmem:s2] =	stream.indirect.scatter.add.f32 [tilespmem:s17], [sflag:$0x3], $0x80, s31, s16, $0xb8;
	[tilespmem:$0x1E800] =	vst v63  }
0xa3: {  	_ =	swait.ge [sflag:s20], $0x4000  }
0xa4: {  	[sflag:s20] =	ssyncset.done $0x0  }
0xa5: {  	[sflag:s20] =	ssyncadd.s32 $0xFFFFC000  }
0xa6: {  	_ =	swait.ge [sflag:s21], $0x4000  }
0xa7: {  	[sflag:s21] =	ssyncset.done $0x0  }
0xa8: {  	[sflag:s21] =	ssyncadd.s32 $0xFFFFC000  }
0xa9: {  	[spmem:s2] =	stream.indirect.scatter.add.f32 [tilespmem:s18], [sflag:$0x4], $0x80, s23, s16, $0xb8;
	[tilespmem:$0x1E800] =	vst v63  }
0xaa: {  	_ =	swait.ge [sflag:s22], $0x4000  }
0xab: {  	s24 =	sadd.s32 $0x1, s24;
	[sflag:s22] =	ssyncset.done $0x0  }
0xac: {  	p0 =	sne.s32 s24, s12;
	[sflag:s22] =	ssyncadd.s32 $0xFFFFC000  }
.Ltmp2:
0xad: {  	[bflag:$0x0] =	sbarrier.arrive $0xFFFF;
	(pc) =	sbr.rel @p0 .LBB2_1-.Ltmp2, $4  }
0xae: {  	[hbm:s11], [sflag:s6] =	dma.local [spmem:s13], $0x2800  }
0xaf: {  	_ =	swait.ge [sflag:s14], $0x2800  }
0xb0: {  	[sflag:s14] =	ssyncset.done $0x0  }
0xb1: {  	[sflag:s14] =	ssyncadd.s32 $0xFFFFD800  }
0xb2: {  	_ =	sfence.sel $0x180000  }
0xb3: {  	[bflag:$0x0] =	sbarrier.arrive $0xFFFF  }
0xb4: {  	p0 =	sne.s32 s1, $0x0;
	_ =	strace $0x90000059  }
0xb5: {  	s0 =	sadd.s32 @!p0 $0x100000, s0;
	[bflag:$0x2] =	sbarrier.arrive $0xFFFF  }
0xb6: {  	[sflag:s0] =	ssyncadd.tile.s32 @!p0 $0x1;
	_ =	shalt  }
.Lfunc_end2:
_tile_overlayer_lowered:
.L_overlay_start_2:
0xb7: {  	(tag) =	ssettag $0x2  }
0xb8: {  	s0 =	rddreg [dreg:$0x0];
	s2 =	stileid.u32  }
0xb9: {  	s1 =	rddreg [dreg:$0x1];
	p0 =	sne.s32 s2, $0x0  }
0xba: {  	s3 =	rddreg [dreg:$0x2];
	[bflag:$0x3] =	sbarrier.arrive $0xFFFF;
	s2 =	simm.s32 @!p0 $0x1C05  }
0xbb: {  	[timem:s3], [sflag:s2] =	dma.local @!p0 [hbm:s0], s1  }
0xbc: {  	s0 =	simm.s32 @!p0 $0x5  }
0xbd: {  	_ =	swait.ge @!p0 [sflag:s0], s1  }
0xbe: {  	s1 =	ssub.s32 @!p0 $0x0, s1;
	[sflag:s0] =	ssyncset.done @!p0 $0x0  }
0xbf: {  	[sflag:s0] =	ssyncadd.s32 @!p0 s1  }
0xc0: {  	[bflag:$0x3] =	sbarrier.arrive $0xFFFF  }
0xc1: {  	_ =	shalt  }

</sc_bundles>
